<compile_context>
chip_gen: v7x
topology: tpu7x:2x2x1
jax: 0.10.2.dev20260603
libtpu: 0.0.44.dev20260713+nightly
codegen_flags: <defaults>
</compile_context>

<pallas_src>
import functools

import jax
import jax.numpy as jnp
from jax import lax
from jax.experimental import pallas as pl
from jax.experimental.pallas import tpu as pltpu
from jax.experimental.pallas import tpu_sc as plsc

B, S = 4, 8192
MIN_SPECIAL = 50256
MASK_TOKEN = 50257

NC, NS, L = 1, 16, 16
NW = NC * NS
CHUNKS_PER_ROW = NW // B
CHUNK = S // CHUNKS_PER_ROW
HALF = CHUNK // 2
NVEC_H = HALF // L

_mesh = plsc.VectorSubcoreMesh(core_axis_name="c", subcore_axis_name="s", num_cores=NC)


@functools.partial(
    pl.kernel,
    mesh=_mesh,
    out_type=jax.ShapeDtypeStruct((B, S), jnp.int32),
    scratch_types=[
        pltpu.VMEM((CHUNK,), jnp.int32),
        pltpu.VMEM((CHUNK,), jnp.int32),
        pltpu.VMEM((CHUNK,), jnp.int32),
        pltpu.SemaphoreType.DMA,
        pltpu.SemaphoreType.DMA,
        pltpu.SemaphoreType.DMA,
    ],
)
def _mlm_sc(w_hbm, rt_hbm, out_hbm,
            w_v, rt_v, out_v, sem0, sem1, sem_out):
    wid = lax.axis_index("s") * NC + lax.axis_index("c")
    row = wid // CHUNKS_PER_ROW
    col = (wid % CHUNKS_PER_ROW) * CHUNK

    zero = jnp.zeros((L,), jnp.int32)
    low16 = jnp.full((L,), 0xFFFF, jnp.int32)
    mask_tok = jnp.full((L,), MASK_TOKEN, jnp.int32)

    copies = []
    for h, sem in ((0, sem0), (1, sem1)):
        sl_h = pl.ds(col + h * HALF, HALF)
        sl_v = pl.ds(h * HALF, HALF)
        copies.append((
            pltpu.async_copy(w_hbm.at[row, sl_h], w_v.at[sl_v], sem),
            pltpu.async_copy(rt_hbm.at[row, sl_h], rt_v.at[sl_v], sem),
        ))

    out_copies = []
    for h in (0, 1):
        for cp in copies[h]:
            cp.wait()
        base = h * HALF
        for j in range(NVEC_H):
            sl = pl.ds(base + j * L, L)
            w = w_v[sl]
            x = w & low16
            masked = (w < zero) & (x < MIN_SPECIAL)
            y = jnp.where(masked, mask_tok, x)
            y = jnp.where((w << 1) < zero, rt_v[sl], y)
            out_v[sl] = y
        out_copies.append(pltpu.async_copy(
            out_v.at[pl.ds(base, HALF)],
            out_hbm.at[row, pl.ds(col + base, HALF)], sem_out))

    for cp in out_copies:
        cp.wait()


def kernel(inputs, input_masks_2, input_masks_3, random_tokens, loss_weight):
    w = inputs | (input_masks_2.astype(jnp.int32) << 31) | (
        input_masks_3.astype(jnp.int32) << 30)
    out = _mlm_sc(w, random_tokens)
    return out, loss_weight

# --- scband reference (transcript-rebuilt; emitter-appended) ---
"""Pipeline reference for scband-mlmprepare-data-86955907875023 (READ-ONLY COPY).

The authoritative reference and input builder live on the scoring server;
editing this copy changes nothing except your own understanding.
"""

import jax, jax.numpy as jnp
import numpy as np

B, S = 4, 8192
VOCAB = 50258
MIN_SPECIAL = 50256
MASK_TOKEN = 50257
P1, P2, P3 = 0.15, 0.9, 1.0 / 9.0


def setup_inputs(seed: int = 0) -> dict:
    key = jax.random.key(seed)
    k1, k2, k3, k4, k5 = jax.random.split(key, 5)
    # forward arg
    inputs = jax.random.randint(k1, (B, S), 0, VOCAB, dtype=jnp.int32)
    # buffers created in __init__ (materialized here as dict entries)
    input_masks_1 = jax.random.uniform(k2, (B, S)) < P1
    input_masks_2 = input_masks_1 & (jax.random.uniform(k3, (B, S)) < P2)
    input_masks_3 = input_masks_2 & (jax.random.uniform(k4, (B, S)) < P3)
    # torch builds a 1-D random_tokens of length mask3.sum() and boolean-mask assigns;
    # here we build a full [B, S] random grid and select with jnp.where (same distribution).
    random_tokens = jax.random.randint(k5, (B, S), 0, VOCAB - 2, dtype=jnp.int32)
    loss_weight = jnp.where(input_masks_1, 1.0, 0.0).astype(jnp.float32)
    return {
        "inputs": inputs,
        "input_masks_2": input_masks_2,
        "input_masks_3": input_masks_3,
        "random_tokens": random_tokens,
        "loss_weight": loss_weight,
    }


def reference(inputs, input_masks_2, input_masks_3, random_tokens, loss_weight):
    # self.input_masks_2[inputs >= min_special_token_id] = False
    m2 = input_masks_2 & jnp.logical_not(inputs >= MIN_SPECIAL)
    # inputs[input_masks_2] = mask_token_id
    out = jnp.where(m2, jnp.int32(MASK_TOKEN), inputs)
    # inputs[input_masks_3] = random_tokens
    # (note: torch does NOT re-derive mask3 from the mutated mask2, so neither do we)
    out = jnp.where(input_masks_3, random_tokens, out)
    return (out, loss_weight)

if __name__ == "__main__":
    import jax
    _d = setup_inputs()
    print(jax.jit(kernel)(*tuple(_d.values())))

</pallas_src>

<mosaic_0001>
#map = affine_map<(d0, d1) -> (0, 0)>
module attributes {stable_mosaic.version = 14 : i64} {
  func.func @_mlm_sc(%arg0: i32, %arg1: i32, %arg2: memref<4x8192xi32, #tpu.memory_space<hbm>>, %arg3: memref<4x8192xi32, #tpu.memory_space<hbm>>, %arg4: memref<4x8192xi32, #tpu.memory_space<hbm>>, %arg5: memref<2048xi32, #tpu.memory_space<vmem>>, %arg6: memref<2048xi32, #tpu.memory_space<vmem>>, %arg7: memref<2048xi32, #tpu.memory_space<vmem>>, %arg8: memref<!tpu.dma_semaphore, #tpu.memory_space<semaphore_mem>>, %arg9: memref<!tpu.dma_semaphore, #tpu.memory_space<semaphore_mem>>, %arg10: memref<!tpu.dma_semaphore, #tpu.memory_space<semaphore_mem>>) attributes {dimension_semantics = [#tpu.dimension_semantics<core_parallel>, #tpu.dimension_semantics<subcore_parallel>], iteration_bounds = array<i64: 1, 16>, scalar_prefetch = 0 : i64, scratch_operands = 6 : i64, tpu.core_type = #tpu.core_type<sc_vector_subcore>, window_params = [{transform_indices = #map}, {transform_indices = #map}, {transform_indices = #map}]} {
    %mul3A = arith.constant 1 : i32
    %mul3A_0 = arith.muli %arg1, %mul3A : i32
    %add3A = arith.addi %mul3A_0, %arg0 : i32
    %jit3A = arith.constant 4 : i32
    %div3A = arith.divsi %add3A, %jit3A : i32
    %sign3A = arith.constant 0 : i32
    %sign3A_1 = arith.cmpi sgt, %add3A, %sign3A : i32
    %sign3A_2 = arith.extui %sign3A_1 : i1 to i32
    %sign3A_3 = arith.constant 0 : i32
    %sign3A_4 = arith.cmpi slt, %add3A, %sign3A_3 : i32
    %sign3A_5 = arith.extui %sign3A_4 : i1 to i32
    %sign3A_6 = arith.subi %sign3A_2, %sign3A_5 : i32
    %sign3A_7 = arith.constant 0 : i32
    %sign3A_8 = arith.cmpi sgt, %jit3A, %sign3A_7 : i32
    %sign3A_9 = arith.extui %sign3A_8 : i1 to i32
    %sign3A_10 = arith.constant 0 : i32
    %sign3A_11 = arith.cmpi slt, %jit3A, %sign3A_10 : i32
    %sign3A_12 = arith.extui %sign3A_11 : i1 to i32
    %sign3A_13 = arith.subi %sign3A_9, %sign3A_12 : i32
    %ne3A = arith.cmpi ne, %sign3A_6, %sign3A_13 : i32
    %rem3A = arith.remsi %add3A, %jit3A : i32
    %ne3A_14 = arith.constant 0 : i32
    %ne3A_15 = arith.cmpi ne, %rem3A, %ne3A_14 : i32
    %and3A = arith.andi %ne3A, %ne3A_15 : i1
    %sub3A = arith.constant 1 : i32
    %sub3A_16 = arith.subi %div3A, %sub3A : i32
    %select_n3A = arith.select %and3A, %sub3A_16, %div3A : i32
    %jit3A_17 = arith.constant 4 : i32
    %eq3A = arith.constant 0 : i32
    %eq3A_18 = arith.cmpi eq, %jit3A_17, %eq3A : i32
    %jit3A_19 = arith.constant 1 : i32
    %select_n3A_20 = arith.select %eq3A_18, %jit3A_19, %jit3A_17 : i32
    %rem3A_21 = arith.remsi %add3A, %select_n3A_20 : i32
    %ne3A_22 = arith.constant 0 : i32
    %ne3A_23 = arith.cmpi ne, %rem3A_21, %ne3A_22 : i32
    %lt3A = arith.constant 0 : i32
    %lt3A_24 = arith.cmpi slt, %rem3A_21, %lt3A : i32
    %lt3A_25 = arith.constant 0 : i32
    %lt3A_26 = arith.cmpi slt, %select_n3A_20, %lt3A_25 : i32
    %ne3A_27 = arith.xori %lt3A_24, %lt3A_26 : i1
    %and3A_28 = arith.andi %ne3A_27, %ne3A_23 : i1
    %add3A_29 = arith.addi %rem3A_21, %select_n3A_20 : i32
    %select_n3A_30 = arith.select %and3A_28, %add3A_29, %rem3A_21 : i32
    %mul3A_31 = arith.constant 2048 : i32
    %mul3A_32 = arith.muli %select_n3A_30, %mul3A_31 : i32
    %broadcast_in_dim3A = arith.constant 0 : i32
    %broadcast_in_dim3A_33 = vector.broadcast %broadcast_in_dim3A : i32 to vector<16xi32>
    %broadcast_in_dim3A_34 = arith.constant 65535 : i32
    %broadcast_in_dim3A_35 = vector.broadcast %broadcast_in_dim3A_34 : i32 to vector<16xi32>
    %broadcast_in_dim3A_36 = arith.constant 50257 : i32
    %broadcast_in_dim3A_37 = vector.broadcast %broadcast_in_dim3A_36 : i32 to vector<16xi32>
    %add3A_38 = arith.constant 0 : i32
    %add3A_39 = arith.addi %mul3A_32, %add3A_38 : i32
    %dma_start3A = arith.constant 0 : i32
    %dma_start3A_40 = tpu.memref_slice %arg5[%dma_start3A] : memref<2048xi32, #tpu.memory_space<vmem>> -> memref<1024xi32, #tpu.memory_space<vmem>>
    %dma_start3A_41 = tpu.memref_slice %arg2[%select_n3A, %add3A_39] : memref<4x8192xi32, #tpu.memory_space<hbm>> -> memref<1x1024xi32, #tpu.memory_space<hbm>>
    %dma_start3A_42 = tpu.memref_squeeze %dma_start3A_41 : memref<1x1024xi32, #tpu.memory_space<hbm>> -> memref<1024xi32, #tpu.memory_space<hbm>>
    %dma_start3A_43 = arith.constant 0 : i32
    %dma_start3A_44 = tpu.memref_slice %arg5[%dma_start3A_43] : memref<2048xi32, #tpu.memory_space<vmem>> -> memref<1024xi32, #tpu.memory_space<vmem>>
    %dma_start3A_45 = tpu.memref_slice %arg2[%select_n3A, %add3A_39] : memref<4x8192xi32, #tpu.memory_space<hbm>> -> memref<1x1024xi32, #tpu.memory_space<hbm>>
    %dma_start3A_46 = tpu.memref_squeeze %dma_start3A_45 : memref<1x1024xi32, #tpu.memory_space<hbm>> -> memref<1024xi32, #tpu.memory_space<hbm>>
    tpu.enqueue_dma source(%dma_start3A_46 : memref<1024xi32, #tpu.memory_space<hbm>>) target(%dma_start3A_44 : memref<1024xi32, #tpu.memory_space<vmem>>) target_semaphore(%arg8 : memref<!tpu.dma_semaphore, #tpu.memory_space<semaphore_mem>>)
    %dma_start3A_47 = arith.constant 0 : i32
    %dma_start3A_48 = tpu.memref_slice %arg6[%dma_start3A_47] : memref<2048xi32, #tpu.memory_space<vmem>> -> memref<1024xi32, #tpu.memory_space<vmem>>
    %dma_start3A_49 = tpu.memref_slice %arg3[%select_n3A, %add3A_39] : memref<4x8192xi32, #tpu.memory_space<hbm>> -> memref<1x1024xi32, #tpu.memory_space<hbm>>
    %dma_start3A_50 = tpu.memref_squeeze %dma_start3A_49 : memref<1x1024xi32, #tpu.memory_space<hbm>> -> memref<1024xi32, #tpu.memory_space<hbm>>
    %dma_start3A_51 = arith.constant 0 : i32
    %dma_start3A_52 = tpu.memref_slice %arg6[%dma_start3A_51] : memref<2048xi32, #tpu.memory_space<vmem>> -> memref<1024xi32, #tpu.memory_space<vmem>>
    %dma_start3A_53 = tpu.memref_slice %arg3[%select_n3A, %add3A_39] : memref<4x8192xi32, #tpu.memory_space<hbm>> -> memref<1x1024xi32, #tpu.memory_space<hbm>>
    %dma_start3A_54 = tpu.memref_squeeze %dma_start3A_53 : memref<1x1024xi32, #tpu.memory_space<hbm>> -> memref<1024xi32, #tpu.memory_space<hbm>>
    tpu.enqueue_dma source(%dma_start3A_54 : memref<1024xi32, #tpu.memory_space<hbm>>) target(%dma_start3A_52 : memref<1024xi32, #tpu.memory_space<vmem>>) target_semaphore(%arg8 : memref<!tpu.dma_semaphore, #tpu.memory_space<semaphore_mem>>)
    %add3A_55 = arith.constant 1024 : i32
    %add3A_56 = arith.addi %mul3A_32, %add3A_55 : i32
    %dma_start3A_57 = arith.constant 1024 : i32
    %dma_start3A_58 = tpu.memref_slice %arg5[%dma_start3A_57] : memref<2048xi32, #tpu.memory_space<vmem>> -> memref<1024xi32, #tpu.memory_space<vmem>>
    %dma_start3A_59 = tpu.memref_slice %arg2[%select_n3A, %add3A_56] : memref<4x8192xi32, #tpu.memory_space<hbm>> -> memref<1x1024xi32, #tpu.memory_space<hbm>>
    %dma_start3A_60 = tpu.memref_squeeze %dma_start3A_59 : memref<1x1024xi32, #tpu.memory_space<hbm>> -> memref<1024xi32, #tpu.memory_space<hbm>>
    %dma_start3A_61 = arith.constant 1024 : i32
    %dma_start3A_62 = tpu.memref_slice %arg5[%dma_start3A_61] : memref<2048xi32, #tpu.memory_space<vmem>> -> memref<1024xi32, #tpu.memory_space<vmem>>
    %dma_start3A_63 = tpu.memref_slice %arg2[%select_n3A, %add3A_56] : memref<4x8192xi32, #tpu.memory_space<hbm>> -> memref<1x1024xi32, #tpu.memory_space<hbm>>
    %dma_start3A_64 = tpu.memref_squeeze %dma_start3A_63 : memref<1x1024xi32, #tpu.memory_space<hbm>> -> memref<1024xi32, #tpu.memory_space<hbm>>
    tpu.enqueue_dma source(%dma_start3A_64 : memref<1024xi32, #tpu.memory_space<hbm>>) target(%dma_start3A_62 : memref<1024xi32, #tpu.memory_space<vmem>>) target_semaphore(%arg9 : memref<!tpu.dma_semaphore, #tpu.memory_space<semaphore_mem>>)
    %dma_start3A_65 = arith.constant 1024 : i32
    %dma_start3A_66 = tpu.memref_slice %arg6[%dma_start3A_65] : memref<2048xi32, #tpu.memory_space<vmem>> -> memref<1024xi32, #tpu.memory_space<vmem>>
    %dma_start3A_67 = tpu.memref_slice %arg3[%select_n3A, %add3A_56] : memref<4x8192xi32, #tpu.memory_space<hbm>> -> memref<1x1024xi32, #tpu.memory_space<hbm>>
    %dma_start3A_68 = tpu.memref_squeeze %dma_start3A_67 : memref<1x1024xi32, #tpu.memory_space<hbm>> -> memref<1024xi32, #tpu.memory_space<hbm>>
    %dma_start3A_69 = arith.constant 1024 : i32
    %dma_start3A_70 = tpu.memref_slice %arg6[%dma_start3A_69] : memref<2048xi32, #tpu.memory_space<vmem>> -> memref<1024xi32, #tpu.memory_space<vmem>>
    %dma_start3A_71 = tpu.memref_slice %arg3[%select_n3A, %add3A_56] : memref<4x8192xi32, #tpu.memory_space<hbm>> -> memref<1x1024xi32, #tpu.memory_space<hbm>>
    %dma_start3A_72 = tpu.memref_squeeze %dma_start3A_71 : memref<1x1024xi32, #tpu.memory_space<hbm>> -> memref<1024xi32, #tpu.memory_space<hbm>>
    tpu.enqueue_dma source(%dma_start3A_72 : memref<1024xi32, #tpu.memory_space<hbm>>) target(%dma_start3A_70 : memref<1024xi32, #tpu.memory_space<vmem>>) target_semaphore(%arg9 : memref<!tpu.dma_semaphore, #tpu.memory_space<semaphore_mem>>)
    %dma_wait3A = arith.constant 0 : i32
    %dma_wait3A_73 = tpu.memref_slice %arg5[%dma_wait3A] : memref<2048xi32, #tpu.memory_space<vmem>> -> memref<1024xi32, #tpu.memory_space<vmem>>
    %dma_wait3A_74 = tpu.memref_slice %arg2[%select_n3A, %add3A_39] : memref<4x8192xi32, #tpu.memory_space<hbm>> -> memref<1x1024xi32, #tpu.memory_space<hbm>>
    %dma_wait3A_75 = tpu.memref_squeeze %dma_wait3A_74 : memref<1x1024xi32, #tpu.memory_space<hbm>> -> memref<1024xi32, #tpu.memory_space<hbm>>
    %dma_wait3A_76 = arith.constant 0 : i32
    %dma_wait3A_77 = tpu.memref_slice %arg5[%dma_wait3A_76] : memref<2048xi32, #tpu.memory_space<vmem>> -> memref<1024xi32, #tpu.memory_space<vmem>>
    %dma_wait3A_78 = tpu.memref_slice %arg2[%select_n3A, %add3A_39] : memref<4x8192xi32, #tpu.memory_space<hbm>> -> memref<1x1024xi32, #tpu.memory_space<hbm>>
    %dma_wait3A_79 = tpu.memref_squeeze %dma_wait3A_78 : memref<1x1024xi32, #tpu.memory_space<hbm>> -> memref<1024xi32, #tpu.memory_space<hbm>>
    tpu.wait_dma2 semaphore(%arg8 : memref<!tpu.dma_semaphore, #tpu.memory_space<semaphore_mem>>) src(%dma_wait3A_79 : memref<1024xi32, #tpu.memory_space<hbm>>) dst(%dma_wait3A_77 : memref<1024xi32, #tpu.memory_space<vmem>>)
    %dma_wait3A_80 = arith.constant 0 : i32
    %dma_wait3A_81 = tpu.memref_slice %arg6[%dma_wait3A_80] : memref<2048xi32, #tpu.memory_space<vmem>> -> memref<1024xi32, #tpu.memory_space<vmem>>
    %dma_wait3A_82 = tpu.memref_slice %arg3[%select_n3A, %add3A_39] : memref<4x8192xi32, #tpu.memory_space<hbm>> -> memref<1x1024xi32, #tpu.memory_space<hbm>>
    %dma_wait3A_83 = tpu.memref_squeeze %dma_wait3A_82 : memref<1x1024xi32, #tpu.memory_space<hbm>> -> memref<1024xi32, #tpu.memory_space<hbm>>
    %dma_wait3A_84 = arith.constant 0 : i32
    %dma_wait3A_85 = tpu.memref_slice %arg6[%dma_wait3A_84] : memref<2048xi32, #tpu.memory_space<vmem>> -> memref<1024xi32, #tpu.memory_space<vmem>>
    %dma_wait3A_86 = tpu.memref_slice %arg3[%select_n3A, %add3A_39] : memref<4x8192xi32, #tpu.memory_space<hbm>> -> memref<1x1024xi32, #tpu.memory_space<hbm>>
    %dma_wait3A_87 = tpu.memref_squeeze %dma_wait3A_86 : memref<1x1024xi32, #tpu.memory_space<hbm>> -> memref<1024xi32, #tpu.memory_space<hbm>>
    tpu.wait_dma2 semaphore(%arg8 : memref<!tpu.dma_semaphore, #tpu.memory_space<semaphore_mem>>) src(%dma_wait3A_87 : memref<1024xi32, #tpu.memory_space<hbm>>) dst(%dma_wait3A_85 : memref<1024xi32, #tpu.memory_space<vmem>>)
    %get3A = arith.constant 0 : index
    %get3A_88 = tpu.vector_load %arg5[%get3A] {strides = array<i32>} : memref<2048xi32, #tpu.memory_space<vmem>>, vector<16xi32>,
    %get3A_89 = vector.shape_cast %get3A_88 : vector<16xi32> to vector<16xi32>
    %and3A_90 = arith.andi %get3A_89, %broadcast_in_dim3A_35 : vector<16xi32>
    %lt3A_91 = arith.cmpi slt, %get3A_89, %broadcast_in_dim3A_33 : vector<16xi32>
    %lt3A_92 = arith.constant 50256 : i32
    %lt3A_93 = vector.broadcast %lt3A_92 : i32 to vector<16xi32>
    %lt3A_94 = arith.cmpi slt, %and3A_90, %lt3A_93 : vector<16xi32>
    %and3A_95 = arith.andi %lt3A_91, %lt3A_94 : vector<16xi1>
    %select_n3A_96 = arith.select %and3A_95, %broadcast_in_dim3A_37, %and3A_90 : vector<16xi1>, vector<16xi32>
    %shift_left3A = arith.constant 1 : i32
    %shift_left3A_97 = vector.broadcast %shift_left3A : i32 to vector<16xi32>
    %shift_left3A_98 = arith.shli %get3A_89, %shift_left3A_97 : vector<16xi32>
    %lt3A_99 = arith.cmpi slt, %shift_left3A_98, %broadcast_in_dim3A_33 : vector<16xi32>
    %get3A_100 = arith.constant 0 : index
    %get3A_101 = tpu.vector_load %arg6[%get3A_100] {strides = array<i32>} : memref<2048xi32, #tpu.memory_space<vmem>>, vector<16xi32>,
    %get3A_102 = vector.shape_cast %get3A_101 : vector<16xi32> to vector<16xi32>
    %select_n3A_103 = arith.select %lt3A_99, %get3A_102, %select_n3A_96 : vector<16xi1>, vector<16xi32>
    %swap3A = arith.constant 0 : index
    %swap3A_104 = tpu.vector_load %arg7[%swap3A] {strides = array<i32>} : memref<2048xi32, #tpu.memory_space<vmem>>, vector<16xi32>,
    %swap3A_105 = vector.shape_cast %swap3A_104 : vector<16xi32> to vector<16xi32>
    %swap3A_106 = vector.shape_cast %select_n3A_103 : vector<16xi32> to vector<16xi32>
    tpu.vector_store %arg7[%swap3A], %swap3A_106 {strides = array<i32>} : memref<2048xi32, #tpu.memory_space<vmem>>, vector<16xi32>,
    %get3A_107 = arith.constant 16 : index
    %get3A_108 = tpu.vector_load %arg5[%get3A_107] {strides = array<i32>} : memref<2048xi32, #tpu.memory_space<vmem>>, vector<16xi32>,
    %get3A_109 = vector.shape_cast %get3A_108 : vector<16xi32> to vector<16xi32>
    %and3A_110 = arith.andi %get3A_109, %broadcast_in_dim3A_35 : vector<16xi32>
    %lt3A_111 = arith.cmpi slt, %get3A_109, %broadcast_in_dim3A_33 : vector<16xi32>
    %lt3A_112 = arith.constant 50256 : i32
    %lt3A_113 = vector.broadcast %lt3A_112 : i32 to vector<16xi32>
    %lt3A_114 = arith.cmpi slt, %and3A_110, %lt3A_113 : vector<16xi32>
    %and3A_115 = arith.andi %lt3A_111, %lt3A_114 : vector<16xi1>
    %select_n3A_116 = arith.select %and3A_115, %broadcast_in_dim3A_37, %and3A_110 : vector<16xi1>, vector<16xi32>
    %shift_left3A_117 = arith.constant 1 : i32
    %shift_left3A_118 = vector.broadcast %shift_left3A_117 : i32 to vector<16xi32>
    %shift_left3A_119 = arith.shli %get3A_109, %shift_left3A_118 : vector<16xi32>
    %lt3A_120 = arith.cmpi slt, %shift_left3A_119, %broadcast_in_dim3A_33 : vector<16xi32>
    %get3A_121 = arith.constant 16 : index
    %get3A_122 = tpu.vector_load %arg6[%get3A_121] {strides = array<i32>} : memref<2048xi32, #tpu.memory_space<vmem>>, vector<16xi32>,
    %get3A_123 = vector.shape_cast %get3A_122 : vector<16xi32> to vector<16xi32>
    %select_n3A_124 = arith.select %lt3A_120, %get3A_123, %select_n3A_116 : vector<16xi1>, vector<16xi32>
    %swap3A_125 = arith.constant 16 : index
    %swap3A_126 = tpu.vector_load %arg7[%swap3A_125] {strides = array<i32>} : memref<2048xi32, #tpu.memory_space<vmem>>, vector<16xi32>,
    %swap3A_127 = vector.shape_cast %swap3A_126 : vector<16xi32> to vector<16xi32>
    %swap3A_128 = vector.shape_cast %select_n3A_124 : vector<16xi32> to vector<16xi32>
    tpu.vector_store %arg7[%swap3A_125], %swap3A_128 {strides = array<i32>} : memref<2048xi32, #tpu.memory_space<vmem>>, vector<16xi32>,
    %get3A_129 = arith.constant 32 : index
    %get3A_130 = tpu.vector_load %arg5[%get3A_129] {strides = array<i32>} : memref<2048xi32, #tpu.memory_space<vmem>>, vector<16xi32>,
    %get3A_131 = vector.shape_cast %get3A_130 : vector<16xi32> to vector<16xi32>
    %and3A_132 = arith.andi %get3A_131, %broadcast_in_dim3A_35 : vector<16xi32>
    %lt3A_133 = arith.cmpi slt, %get3A_131, %broadcast_in_dim3A_33 : vector<16xi32>
    %lt3A_134 = arith.constant 50256 : i32
    %lt3A_135 = vector.broadcast %lt3A_134 : i32 to vector<16xi32>
    %lt3A_136 = arith.cmpi slt, %and3A_132, %lt3A_135 : vector<16xi32>
    %and3A_137 = arith.andi %lt3A_133, %lt3A_136 : vector<16xi1>
    %select_n3A_138 = arith.select %and3A_137, %broadcast_in_dim3A_37, %and3A_132 : vector<16xi1>, vector<16xi32>
    %shift_left3A_139 = arith.constant 1 : i32
    %shift_left3A_140 = vector.broadcast %shift_left3A_139 : i32 to vector<16xi32>
    %shift_left3A_141 = arith.shli %get3A_131, %shift_left3A_140 : vector<16xi32>
    %lt3A_142 = arith.cmpi slt, %shift_left3A_141, %broadcast_in_dim3A_33 : vector<16xi32>
    %get3A_143 = arith.constant 32 : index
    %get3A_144 = tpu.vector_load %arg6[%get3A_143] {strides = array<i32>} : memref<2048xi32, #tpu.memory_space<vmem>>, vector<16xi32>,
    %get3A_145 = vector.shape_cast %get3A_144 : vector<16xi32> to vector<16xi32>
    %select_n3A_146 = arith.select %lt3A_142, %get3A_145, %select_n3A_138 : vector<16xi1>, vector<16xi32>
    %swap3A_147 = arith.constant 32 : index
    %swap3A_148 = tpu.vector_load %arg7[%swap3A_147] {strides = array<i32>} : memref<2048xi32, #tpu.memory_space<vmem>>, vector<16xi32>,
    %swap3A_149 = vector.shape_cast %swap3A_148 : vector<16xi32> to vector<16xi32>
    %swap3A_150 = vector.shape_cast %select_n3A_146 : vector<16xi32> to vector<16xi32>
    tpu.vector_store %arg7[%swap3A_147], %swap3A_150 {strides = array<i32>} : memref<2048xi32, #tpu.memory_space<vmem>>, vector<16xi32>,
    %get3A_151 = arith.constant 48 : index
    %get3A_152 = tpu.vector_load %arg5[%get3A_151] {strides = array<i32>} : memref<2048xi32, #tpu.memory_space<vmem>>, vector<16xi32>,
    %get3A_153 = vector.shape_cast %get3A_152 : vector<16xi32> to vector<16xi32>
    %and3A_154 = arith.andi %get3A_153, %broadcast_in_dim3A_35 : vector<16xi32>
    %lt3A_155 = arith.cmpi slt, %get3A_153, %broadcast_in_dim3A_33 : vector<16xi32>
    %lt3A_156 = arith.constant 50256 : i32
    %lt3A_157 = vector.broadcast %lt3A_156 : i32 to vector<16xi32>
    %lt3A_158 = arith.cmpi slt, %and3A_154, %lt3A_157 : vector<16xi32>
    %and3A_159 = arith.andi %lt3A_155, %lt3A_158 : vector<16xi1>
    %select_n3A_160 = arith.select %and3A_159, %broadcast_in_dim3A_37, %and3A_154 : vector<16xi1>, vector<16xi32>
    %shift_left3A_161 = arith.constant 1 : i32
    %shift_left3A_162 = vector.broadcast %shift_left3A_161 : i32 to vector<16xi32>
    %shift_left3A_163 = arith.shli %get3A_153, %shift_left3A_162 : vector<16xi32>
    %lt3A_164 = arith.cmpi slt, %shift_left3A_163, %broadcast_in_dim3A_33 : vector<16xi32>
    %get3A_165 = arith.constant 48 : index
    %get3A_166 = tpu.vector_load %arg6[%get3A_165] {strides = array<i32>} : memref<2048xi32, #tpu.memory_space<vmem>>, vector<16xi32>,
    %get3A_167 = vector.shape_cast %get3A_166 : vector<16xi32> to vector<16xi32>
    %select_n3A_168 = arith.select %lt3A_164, %get3A_167, %select_n3A_160 : vector<16xi1>, vector<16xi32>
    %swap3A_169 = arith.constant 48 : index
    %swap3A_170 = tpu.vector_load %arg7[%swap3A_169] {strides = array<i32>} : memref<2048xi32, #tpu.memory_space<vmem>>, vector<16xi32>,
    %swap3A_171 = vector.shape_cast %swap3A_170 : vector<16xi32> to vector<16xi32>
    %swap3A_172 = vector.shape_cast %select_n3A_168 : vector<16xi32> to vector<16xi32>
    tpu.vector_store %arg7[%swap3A_169], %swap3A_172 {strides = array<i32>} : memref<2048xi32, #tpu.memory_space<vmem>>, vector<16xi32>,
    %get3A_173 = arith.constant 64 : index
    %get3A_174 = tpu.vector_load %arg5[%get3A_173] {strides = array<i32>} : memref<2048xi32, #tpu.memory_space<vmem>>, vector<16xi32>,
    %get3A_175 = vector.shape_cast %get3A_174 : vector<16xi32> to vector<16xi32>
    %and3A_176 = arith.andi %get3A_175, %broadcast_in_dim3A_35 : vector<16xi32>
    %lt3A_177 = arith.cmpi slt, %get3A_175, %broadcast_in_dim3A_33 : vector<16xi32>
    %lt3A_178 = arith.constant 50256 : i32
    %lt3A_179 = vector.broadcast %lt3A_178 : i32 to vector<16xi32>
    %lt3A_180 = arith.cmpi slt, %and3A_176, %lt3A_179 : vector<16xi32>
    %and3A_181 = arith.andi %lt3A_177, %lt3A_180 : vector<16xi1>
    %select_n3A_182 = arith.select %and3A_181, %broadcast_in_dim3A_37, %and3A_176 : vector<16xi1>, vector<16xi32>
    %shift_left3A_183 = arith.constant 1 : i32
    %shift_left3A_184 = vector.broadcast %shift_left3A_183 : i32 to vector<16xi32>
    %shift_left3A_185 = arith.shli %get3A_175, %shift_left3A_184 : vector<16xi32>
    %lt3A_186 = arith.cmpi slt, %shift_left3A_185, %broadcast_in_dim3A_33 : vector<16xi32>
    %get3A_187 = arith.constant 64 : index
    %get3A_188 = tpu.vector_load %arg6[%get3A_187] {strides = array<i32>} : memref<2048xi32, #tpu.memory_space<vmem>>, vector<16xi32>,
    %get3A_189 = vector.shape_cast %get3A_188 : vector<16xi32> to vector<16xi32>
    %select_n3A_190 = arith.select %lt3A_186, %get3A_189, %select_n3A_182 : vector<16xi1>, vector<16xi32>
    %swap3A_191 = arith.constant 64 : index
    %swap3A_192 = tpu.vector_load %arg7[%swap3A_191] {strides = array<i32>} : memref<2048xi32, #tpu.memory_space<vmem>>, vector<16xi32>,
    %swap3A_193 = vector.shape_cast %swap3A_192 : vector<16xi32> to vector<16xi32>
    %swap3A_194 = vector.shape_cast %select_n3A_190 : vector<16xi32> to vector<16xi32>
    tpu.vector_store %arg7[%swap3A_191], %swap3A_194 {strides = array<i32>} : memref<2048xi32, #tpu.memory_space<vmem>>, vector<16xi32>,
    %get3A_195 = arith.constant 80 : index
    %get3A_196 = tpu.vector_load %arg5[%get3A_195] {strides = array<i32>} : memref<2048xi32, #tpu.memory_space<vmem>>, vector<16xi32>,
    %get3A_197 = vector.shape_cast %get3A_196 : vector<16xi32> to vector<16xi32>
    %and3A_198 = arith.andi %get3A_197, %broadcast_in_dim3A_35 : vector<16xi32>
    %lt3A_199 = arith.cmpi slt, %get3A_197, %broadcast_in_dim3A_33 : vector<16xi32>
    %lt3A_200 = arith.constant 50256 : i32
    %lt3A_201 = vector.broadcast %lt3A_200 : i32 to vector<16xi32>
    %lt3A_202 = arith.cmpi slt, %and3A_198, %lt3A_201 : vector<16xi32>
    %and3A_203 = arith.andi %lt3A_199, %lt3A_202 : vector<16xi1>
    %select_n3A_204 = arith.select %and3A_203, %broadcast_in_dim3A_37, %and3A_198 : vector<16xi1>, vector<16xi32>
    %shift_left3A_205 = arith.constant 1 : i32
    %shift_left3A_206 = vector.broadcast %shift_left3A_205 : i32 to vector<16xi32>
    %shift_left3A_207 = arith.shli %get3A_197, %shift_left3A_206 : vector<16xi32>
    %lt3A_208 = arith.cmpi slt, %shift_left3A_207, %broadcast_in_dim3A_33 : vector<16xi32>
    %get3A_209 = arith.constant 80 : index
    %get3A_210 = tpu.vector_load %arg6[%get3A_209] {strides = array<i32>} : memref<2048xi32, #tpu.memory_space<vmem>>, vector<16xi32>,
    %get3A_211 = vector.shape_cast %get3A_210 : vector<16xi32> to vector<16xi32>
    %select_n3A_212 = arith.select %lt3A_208, %get3A_211, %select_n3A_204 : vector<16xi1>, vector<16xi32>
    %swap3A_213 = arith.constant 80 : index
    %swap3A_214 = tpu.vector_load %arg7[%swap3A_213] {strides = array<i32>} : memref<2048xi32, #tpu.memory_space<vmem>>, vector<16xi32>,
    %swap3A_215 = vector.shape_cast %swap3A_214 : vector<16xi32> to vector<16xi32>
    %swap3A_216 = vector.shape_cast %select_n3A_212 : vector<16xi32> to vector<16xi32>
    tpu.vector_store %arg7[%swap3A_213], %swap3A_216 {strides = array<i32>} : memref<2048xi32, #tpu.memory_space<vmem>>, vector<16xi32>,
    %get3A_217 = arith.constant 96 : index
    %get3A_218 = tpu.vector_load %arg5[%get3A_217] {strides = array<i32>} : memref<2048xi32, #tpu.memory_space<vmem>>, vector<16xi32>,
    %get3A_219 = vector.shape_cast %get3A_218 : vector<16xi32> to vector<16xi32>
    %and3A_220 = arith.andi %get3A_219, %broadcast_in_dim3A_35 : vector<16xi32>
    %lt3A_221 = arith.cmpi slt, %get3A_219, %broadcast_in_dim3A_33 : vector<16xi32>
    %lt3A_222 = arith.constant 50256 : i32
    %lt3A_223 = vector.broadcast %lt3A_222 : i32 to vector<16xi32>
    %lt3A_224 = arith.cmpi slt, %and3A_220, %lt3A_223 : vector<16xi32>
    %and3A_225 = arith.andi %lt3A_221, %lt3A_224 : vector<16xi1>
    %select_n3A_226 = arith.select %and3A_225, %broadcast_in_dim3A_37, %and3A_220 : vector<16xi1>, vector<16xi32>
    %shift_left3A_227 = arith.constant 1 : i32
    %shift_left3A_228 = vector.broadcast %shift_left3A_227 : i32 to vector<16xi32>
    %shift_left3A_229 = arith.shli %get3A_219, %shift_left3A_228 : vector<16xi32>
    %lt3A_230 = arith.cmpi slt, %shift_left3A_229, %broadcast_in_dim3A_33 : vector<16xi32>
    %get3A_231 = arith.constant 96 : index
    %get3A_232 = tpu.vector_load %arg6[%get3A_231] {strides = array<i32>} : memref<2048xi32, #tpu.memory_space<vmem>>, vector<16xi32>,
    %get3A_233 = vector.shape_cast %get3A_232 : vector<16xi32> to vector<16xi32>
    %select_n3A_234 = arith.select %lt3A_230, %get3A_233, %select_n3A_226 : vector<16xi1>, vector<16xi32>
    %swap3A_235 = arith.constant 96 : index
    %swap3A_236 = tpu.vector_load %arg7[%swap3A_235] {strides = array<i32>} : memref<2048xi32, #tpu.memory_space<vmem>>, vector<16xi32>,
    %swap3A_237 = vector.shape_cast %swap3A_236 : vector<16xi32> to vector<16xi32>
    %swap3A_238 = vector.shape_cast %select_n3A_234 : vector<16xi32> to vector<16xi32>
    tpu.vector_store %arg7[%swap3A_235], %swap3A_238 {strides = array<i32>} : memref<2048xi32, #tpu.memory_space<vmem>>, vector<16xi32>,
    %get3A_239 = arith.constant 112 : index
    %get3A_240 = tpu.vector_load %arg5[%get3A_239] {strides = array<i32>} : memref<2048xi32, #tpu.memory_space<vmem>>, vector<16xi32>,
    %get3A_241 = vector.shape_cast %get3A_240 : vector<16xi32> to vector<16xi32>
    %and3A_242 = arith.andi %get3A_241, %broadcast_in_dim3A_35 : vector<16xi32>
    %lt3A_243 = arith.cmpi slt, %get3A_241, %broadcast_in_dim3A_33 : vector<16xi32>
    %lt3A_244 = arith.constant 50256 : i32
    %lt3A_245 = vector.broadcast %lt3A_244 : i32 to vector<16xi32>
    %lt3A_246 = arith.cmpi slt, %and3A_242, %lt3A_245 : vector<16xi32>
    %and3A_247 = arith.andi %lt3A_243, %lt3A_246 : vector<16xi1>
    %select_n3A_248 = arith.select %and3A_247, %broadcast_in_dim3A_37, %and3A_242 : vector<16xi1>, vector<16xi32>
    %shift_left3A_249 = arith.constant 1 : i32
    %shift_left3A_250 = vector.broadcast %shift_left3A_249 : i32 to vector<16xi32>
    %shift_left3A_251 = arith.shli %get3A_241, %shift_left3A_250 : vector<16xi32>
    %lt3A_252 = arith.cmpi slt, %shift_left3A_251, %broadcast_in_dim3A_33 : vector<16xi32>
    %get3A_253 = arith.constant 112 : index
    %get3A_254 = tpu.vector_load %arg6[%get3A_253] {strides = array<i32>} : memref<2048xi32, #tpu.memory_space<vmem>>, vector<16xi32>,
    %get3A_255 = vector.shape_cast %get3A_254 : vector<16xi32> to vector<16xi32>
    %select_n3A_256 = arith.select %lt3A_252, %get3A_255, %select_n3A_248 : vector<16xi1>, vector<16xi32>
    %swap3A_257 = arith.constant 112 : index
    %swap3A_258 = tpu.vector_load %arg7[%swap3A_257] {strides = array<i32>} : memref<2048xi32, #tpu.memory_space<vmem>>, vector<16xi32>,
    %swap3A_259 = vector.shape_cast %swap3A_258 : vector<16xi32> to vector<16xi32>
    %swap3A_260 = vector.shape_cast %select_n3A_256 : vector<16xi32> to vector<16xi32>
    tpu.vector_store %arg7[%swap3A_257], %swap3A_260 {strides = array<i32>} : memref<2048xi32, #tpu.memory_space<vmem>>, vector<16xi32>,
    %get3A_261 = arith.constant 128 : index
    %get3A_262 = tpu.vector_load %arg5[%get3A_261] {strides = array<i32>} : memref<2048xi32, #tpu.memory_space<vmem>>, vector<16xi32>,
    %get3A_263 = vector.shape_cast %get3A_262 : vector<16xi32> to vector<16xi32>
    %and3A_264 = arith.andi %get3A_263, %broadcast_in_dim3A_35 : vector<16xi32>
    %lt3A_265 = arith.cmpi slt, %get3A_263, %broadcast_in_dim3A_33 : vector<16xi32>
    %lt3A_266 = arith.constant 50256 : i32
    %lt3A_267 = vector.broadcast %lt3A_266 : i32 to vector<16xi32>
    %lt3A_268 = arith.cmpi slt, %and3A_264, %lt3A_267 : vector<16xi32>
    %and3A_269 = arith.andi %lt3A_265, %lt3A_268 : vector<16xi1>
    %select_n3A_270 = arith.select %and3A_269, %broadcast_in_dim3A_37, %and3A_264 : vector<16xi1>, vector<16xi32>
    %shift_left3A_271 = arith.constant 1 : i32
    %shift_left3A_272 = vector.broadcast %shift_left3A_271 : i32 to vector<16xi32>
    %shift_left3A_273 = arith.shli %get3A_263, %shift_left3A_272 : vector<16xi32>
    %lt3A_274 = arith.cmpi slt, %shift_left3A_273, %broadcast_in_dim3A_33 : vector<16xi32>
    %get3A_275 = arith.constant 128 : index
    %get3A_276 = tpu.vector_load %arg6[%get3A_275] {strides = array<i32>} : memref<2048xi32, #tpu.memory_space<vmem>>, vector<16xi32>,
    %get3A_277 = vector.shape_cast %get3A_276 : vector<16xi32> to vector<16xi32>
    %select_n3A_278 = arith.select %lt3A_274, %get3A_277, %select_n3A_270 : vector<16xi1>, vector<16xi32>
    %swap3A_279 = arith.constant 128 : index
    %swap3A_280 = tpu.vector_load %arg7[%swap3A_279] {strides = array<i32>} : memref<2048xi32, #tpu.memory_space<vmem>>, vector<16xi32>,
    %swap3A_281 = vector.shape_cast %swap3A_280 : vector<16xi32> to vector<16xi32>
    %swap3A_282 = vector.shape_cast %select_n3A_278 : vector<16xi32> to vector<16xi32>
    tpu.vector_store %arg7[%swap3A_279], %swap3A_282 {strides = array<i32>} : memref<2048xi32, #tpu.memory_space<vmem>>, vector<16xi32>,
    %get3A_283 = arith.constant 144 : index
    %get3A_284 = tpu.vector_load %arg5[%get3A_283] {strides = array<i32>} : memref<2048xi32, #tpu.memory_space<vmem>>, vector<16xi32>,
    %get3A_285 = vector.shape_cast %get3A_284 : vector<16xi32> to vector<16xi32>
    %and3A_286 = arith.andi %get3A_285, %broadcast_in_dim3A_35 : vector<16xi32>
    %lt3A_287 = arith.cmpi slt, %get3A_285, %broadcast_in_dim3A_33 : vector<16xi32>
    %lt3A_288 = arith.constant 50256 : i32
    %lt3A_289 = vector.broadcast %lt3A_288 : i32 to vector<16xi32>
    %lt3A_290 = arith.cmpi slt, %and3A_286, %lt3A_289 : vector<16xi32>
    %and3A_291 = arith.andi %lt3A_287, %lt3A_290 : vector<16xi1>
    %select_n3A_292 = arith.select %and3A_291, %broadcast_in_dim3A_37, %and3A_286 : vector<16xi1>, vector<16xi32>
    %shift_left3A_293 = arith.constant 1 : i32
    %shift_left3A_294 = vector.broadcast %shift_left3A_293 : i32 to vector<16xi32>
    %shift_left3A_295 = arith.shli %get3A_285, %shift_left3A_294 : vector<16xi32>
    %lt3A_296 = arith.cmpi slt, %shift_left3A_295, %broadcast_in_dim3A_33 : vector<16xi32>
    %get3A_297 = arith.constant 144 : index
    %get3A_298 = tpu.vector_load %arg6[%get3A_297] {strides = array<i32>} : memref<2048xi32, #tpu.memory_space<vmem>>, vector<16xi32>,
    %get3A_299 = vector.shape_cast %get3A_298 : vector<16xi32> to vector<16xi32>
    %select_n3A_300 = arith.select %lt3A_296, %get3A_299, %select_n3A_292 : vector<16xi1>, vector<16xi32>
    %swap3A_301 = arith.constant 144 : index
    %swap3A_302 = tpu.vector_load %arg7[%swap3A_301] {strides = array<i32>} : memref<2048xi32, #tpu.memory_space<vmem>>, vector<16xi32>,
    %swap3A_303 = vector.shape_cast %swap3A_302 : vector<16xi32> to vector<16xi32>
    %swap3A_304 = vector.shape_cast %select_n3A_300 : vector<16xi32> to vector<16xi32>
    tpu.vector_store %arg7[%swap3A_301], %swap3A_304 {strides = array<i32>} : memref<2048xi32, #tpu.memory_space<vmem>>, vector<16xi32>,
    %get3A_305 = arith.constant 160 : index
    %get3A_306 = tpu.vector_load %arg5[%get3A_305] {strides = array<i32>} : memref<2048xi32, #tpu.memory_space<vmem>>, vector<16xi32>,
    %get3A_307 = vector.shape_cast %get3A_306 : vector<16xi32> to vector<16xi32>
    %and3A_308 = arith.andi %get3A_307, %broadcast_in_dim3A_35 : vector<16xi32>
    %lt3A_309 = arith.cmpi slt, %get3A_307, %broadcast_in_dim3A_33 : vector<16xi32>
    %lt3A_310 = arith.constant 50256 : i32
    %lt3A_311 = vector.broadcast %lt3A_310 : i32 to vector<16xi32>
    %lt3A_312 = arith.cmpi slt, %and3A_308, %lt3A_311 : vector<16xi32>
    %and3A_313 = arith.andi %lt3A_309, %lt3A_312 : vector<16xi1>
    %select_n3A_314 = arith.select %and3A_313, %broadcast_in_dim3A_37, %and3A_308 : vector<16xi1>, vector<16xi32>
    %shift_left3A_315 = arith.constant 1 : i32
    %shift_left3A_316 = vector.broadcast %shift_left3A_315 : i32 to vector<16xi32>
    %shift_left3A_317 = arith.shli %get3A_307, %shift_left3A_316 : vector<16xi32>
    %lt3A_318 = arith.cmpi slt, %shift_left3A_317, %broadcast_in_dim3A_33 : vector<16xi32>
    %get3A_319 = arith.constant 160 : index
    %get3A_320 = tpu.vector_load %arg6[%get3A_319] {strides = array<i32>} : memref<2048xi32, #tpu.memory_space<vmem>>, vector<16xi32>,
    %get3A_321 = vector.shape_cast %get3A_320 : vector<16xi32> to vector<16xi32>
    %select_n3A_322 = arith.select %lt3A_318, %get3A_321, %select_n3A_314 : vector<16xi1>, vector<16xi32>
    %swap3A_323 = arith.constant 160 : index
    %swap3A_324 = tpu.vector_load %arg7[%swap3A_323] {strides = array<i32>} : memref<2048xi32, #tpu.memory_space<vmem>>, vector<16xi32>,
    %swap3A_325 = vector.shape_cast %swap3A_324 : vector<16xi32> to vector<16xi32>
    %swap3A_326 = vector.shape_cast %select_n3A_322 : vector<16xi32> to vector<16xi32>
    tpu.vector_store %arg7[%swap3A_323], %swap3A_326 {strides = array<i32>} : memref<2048xi32, #tpu.memory_space<vmem>>, vector<16xi32>,
    %get3A_327 = arith.constant 176 : index
    %get3A_328 = tpu.vector_load %arg5[%get3A_327] {strides = array<i32>} : memref<2048xi32, #tpu.memory_space<vmem>>, vector<16xi32>,
    %get3A_329 = vector.shape_cast %get3A_328 : vector<16xi32> to vector<16xi32>
    %and3A_330 = arith.andi %get3A_329, %broadcast_in_dim3A_35 : vector<16xi32>
    %lt3A_331 = arith.cmpi slt, %get3A_329, %broadcast_in_dim3A_33 : vector<16xi32>
    %lt3A_332 = arith.constant 50256 : i32
    %lt3A_333 = vector.broadcast %lt3A_332 : i32 to vector<16xi32>
    %lt3A_334 = arith.cmpi slt, %and3A_330, %lt3A_333 : vector<16xi32>
    %and3A_335 = arith.andi %lt3A_331, %lt3A_334 : vector<16xi1>
    %select_n3A_336 = arith.select %and3A_335, %broadcast_in_dim3A_37, %and3A_330 : vector<16xi1>, vector<16xi32>
    %shift_left3A_337 = arith.constant 1 : i32
    %shift_left3A_338 = vector.broadcast %shift_left3A_337 : i32 to vector<16xi32>
    %shift_left3A_339 = arith.shli %get3A_329, %shift_left3A_338 : vector<16xi32>
    %lt3A_340 = arith.cmpi slt, %shift_left3A_339, %broadcast_in_dim3A_33 : vector<16xi32>
    %get3A_341 = arith.constant 176 : index
    %get3A_342 = tpu.vector_load %arg6[%get3A_341] {strides = array<i32>} : memref<2048xi32, #tpu.memory_space<vmem>>, vector<16xi32>,
    %get3A_343 = vector.shape_cast %get3A_342 : vector<16xi32> to vector<16xi32>
    %select_n3A_344 = arith.select %lt3A_340, %get3A_343, %select_n3A_336 : vector<16xi1>, vector<16xi32>
    %swap3A_345 = arith.constant 176 : index
    %swap3A_346 = tpu.vector_load %arg7[%swap3A_345] {strides = array<i32>} : memref<2048xi32, #tpu.memory_space<vmem>>, vector<16xi32>,
    %swap3A_347 = vector.shape_cast %swap3A_346 : vector<16xi32> to vector<16xi32>
    %swap3A_348 = vector.shape_cast %select_n3A_344 : vector<16xi32> to vector<16xi32>
    tpu.vector_store %arg7[%swap3A_345], %swap3A_348 {strides = array<i32>} : memref<2048xi32, #tpu.memory_space<vmem>>, vector<16xi32>,
    %get3A_349 = arith.constant 192 : index
    %get3A_350 = tpu.vector_load %arg5[%get3A_349] {strides = array<i32>} : memref<2048xi32, #tpu.memory_space<vmem>>, vector<16xi32>,
    %get3A_351 = vector.shape_cast %get3A_350 : vector<16xi32> to vector<16xi32>
    %and3A_352 = arith.andi %get3A_351, %broadcast_in_dim3A_35 : vector<16xi32>
    %lt3A_353 = arith.cmpi slt, %get3A_351, %broadcast_in_dim3A_33 : vector<16xi32>
    %lt3A_354 = arith.constant 50256 : i32
    %lt3A_355 = vector.broadcast %lt3A_354 : i32 to vector<16xi32>
    %lt3A_356 = arith.cmpi slt, %and3A_352, %lt3A_355 : vector<16xi32>
    %and3A_357 = arith.andi %lt3A_353, %lt3A_356 : vector<16xi1>
    %select_n3A_358 = arith.select %and3A_357, %broadcast_in_dim3A_37, %and3A_352 : vector<16xi1>, vector<16xi32>
    %shift_left3A_359 = arith.constant 1 : i32
    %shift_left3A_360 = vector.broadcast %shift_left3A_359 : i32 to vector<16xi32>
    %shift_left3A_361 = arith.shli %get3A_351, %shift_left3A_360 : vector<16xi32>
    %lt3A_362 = arith.cmpi slt, %shift_left3A_361, %broadcast_in_dim3A_33 : vector<16xi32>
    %get3A_363 = arith.constant 192 : index
    %get3A_364 = tpu.vector_load %arg6[%get3A_363] {strides = array<i32>} : memref<2048xi32, #tpu.memory_space<vmem>>, vector<16xi32>,
    %get3A_365 = vector.shape_cast %get3A_364 : vector<16xi32> to vector<16xi32>
    %select_n3A_366 = arith.select %lt3A_362, %get3A_365, %select_n3A_358 : vector<16xi1>, vector<16xi32>
    %swap3A_367 = arith.constant 192 : index
    %swap3A_368 = tpu.vector_load %arg7[%swap3A_367] {strides = array<i32>} : memref<2048xi32, #tpu.memory_space<vmem>>, vector<16xi32>,
    %swap3A_369 = vector.shape_cast %swap3A_368 : vector<16xi32> to vector<16xi32>
    %swap3A_370 = vector.shape_cast %select_n3A_366 : vector<16xi32> to vector<16xi32>
    tpu.vector_store %arg7[%swap3A_367], %swap3A_370 {strides = array<i32>} : memref<2048xi32, #tpu.memory_space<vmem>>, vector<16xi32>,
    %get3A_371 = arith.constant 208 : index
    %get3A_372 = tpu.vector_load %arg5[%get3A_371] {strides = array<i32>} : memref<2048xi32, #tpu.memory_space<vmem>>, vector<16xi32>,
    %get3A_373 = vector.shape_cast %get3A_372 : vector<16xi32> to vector<16xi32>
    %and3A_374 = arith.andi %get3A_373, %broadcast_in_dim3A_35 : vector<16xi32>
    %lt3A_375 = arith.cmpi slt, %get3A_373, %broadcast_in_dim3A_33 : vector<16xi32>
    %lt3A_376 = arith.constant 50256 : i32
    %lt3A_377 = vector.broadcast %lt3A_376 : i32 to vector<16xi32>
    %lt3A_378 = arith.cmpi slt, %and3A_374, %lt3A_377 : vector<16xi32>
    %and3A_379 = arith.andi %lt3A_375, %lt3A_378 : vector<16xi1>
    %select_n3A_380 = arith.select %and3A_379, %broadcast_in_dim3A_37, %and3A_374 : vector<16xi1>, vector<16xi32>
    %shift_left3A_381 = arith.constant 1 : i32
    %shift_left3A_382 = vector.broadcast %shift_left3A_381 : i32 to vector<16xi32>
    %shift_left3A_383 = arith.shli %get3A_373, %shift_left3A_382 : vector<16xi32>
    %lt3A_384 = arith.cmpi slt, %shift_left3A_383, %broadcast_in_dim3A_33 : vector<16xi32>
    %get3A_385 = arith.constant 208 : index
    %get3A_386 = tpu.vector_load %arg6[%get3A_385] {strides = array<i32>} : memref<2048xi32, #tpu.memory_space<vmem>>, vector<16xi32>,
    %get3A_387 = vector.shape_cast %get3A_386 : vector<16xi32> to vector<16xi32>
    %select_n3A_388 = arith.select %lt3A_384, %get3A_387, %select_n3A_380 : vector<16xi1>, vector<16xi32>
    %swap3A_389 = arith.constant 208 : index
    %swap3A_390 = tpu.vector_load %arg7[%swap3A_389] {strides = array<i32>} : memref<2048xi32, #tpu.memory_space<vmem>>, vector<16xi32>,
    %swap3A_391 = vector.shape_cast %swap3A_390 : vector<16xi32> to vector<16xi32>
    %swap3A_392 = vector.shape_cast %select_n3A_388 : vector<16xi32> to vector<16xi32>
    tpu.vector_store %arg7[%swap3A_389], %swap3A_392 {strides = array<i32>} : memref<2048xi32, #tpu.memory_space<vmem>>, vector<16xi32>,
    %get3A_393 = arith.constant 224 : index
    %get3A_394 = tpu.vector_load %arg5[%get3A_393] {strides = array<i32>} : memref<2048xi32, #tpu.memory_space<vmem>>, vector<16xi32>,
    %get3A_395 = vector.shape_cast %get3A_394 : vector<16xi32> to vector<16xi32>
    %and3A_396 = arith.andi %get3A_395, %broadcast_in_dim3A_35 : vector<16xi32>
    %lt3A_397 = arith.cmpi slt, %get3A_395, %broadcast_in_dim3A_33 : vector<16xi32>
    %lt3A_398 = arith.constant 50256 : i32
    %lt3A_399 = vector.broadcast %lt3A_398 : i32 to vector<16xi32>
    %lt3A_400 = arith.cmpi slt, %and3A_396, %lt3A_399 : vector<16xi32>
    %and3A_401 = arith.andi %lt3A_397, %lt3A_400 : vector<16xi1>
    %select_n3A_402 = arith.select %and3A_401, %broadcast_in_dim3A_37, %and3A_396 : vector<16xi1>, vector<16xi32>
    %shift_left3A_403 = arith.constant 1 : i32
    %shift_left3A_404 = vector.broadcast %shift_left3A_403 : i32 to vector<16xi32>
    %shift_left3A_405 = arith.shli %get3A_395, %shift_left3A_404 : vector<16xi32>
    %lt3A_406 = arith.cmpi slt, %shift_left3A_405, %broadcast_in_dim3A_33 : vector<16xi32>
    %get3A_407 = arith.constant 224 : index
    %get3A_408 = tpu.vector_load %arg6[%get3A_407] {strides = array<i32>} : memref<2048xi32, #tpu.memory_space<vmem>>, vector<16xi32>,
    %get3A_409 = vector.shape_cast %get3A_408 : vector<16xi32> to vector<16xi32>
    %select_n3A_410 = arith.select %lt3A_406, %get3A_409, %select_n3A_402 : vector<16xi1>, vector<16xi32>
    %swap3A_411 = arith.constant 224 : index
    %swap3A_412 = tpu.vector_load %arg7[%swap3A_411] {strides = array<i32>} : memref<2048xi32, #tpu.memory_space<vmem>>, vector<16xi32>,
    %swap3A_413 = vector.shape_cast %swap3A_412 : vector<16xi32> to vector<16xi32>
    %swap3A_414 = vector.shape_cast %select_n3A_410 : vector<16xi32> to vector<16xi32>
    tpu.vector_store %arg7[%swap3A_411], %swap3A_414 {strides = array<i32>} : memref<2048xi32, #tpu.memory_space<vmem>>, vector<16xi32>,
    %get3A_415 = arith.constant 240 : index
    %get3A_416 = tpu.vector_load %arg5[%get3A_415] {strides = array<i32>} : memref<2048xi32, #tpu.memory_space<vmem>>, vector<16xi32>,
    %get3A_417 = vector.shape_cast %get3A_416 : vector<16xi32> to vector<16xi32>
    %and3A_418 = arith.andi %get3A_417, %broadcast_in_dim3A_35 : vector<16xi32>
    %lt3A_419 = arith.cmpi slt, %get3A_417, %broadcast_in_dim3A_33 : vector<16xi32>
    %lt3A_420 = arith.constant 50256 : i32
    %lt3A_421 = vector.broadcast %lt3A_420 : i32 to vector<16xi32>
    %lt3A_422 = arith.cmpi slt, %and3A_418, %lt3A_421 : vector<16xi32>
    %and3A_423 = arith.andi %lt3A_419, %lt3A_422 : vector<16xi1>
    %select_n3A_424 = arith.select %and3A_423, %broadcast_in_dim3A_37, %and3A_418 : vector<16xi1>, vector<16xi32>
    %shift_left3A_425 = arith.constant 1 : i32
    %shift_left3A_426 = vector.broadcast %shift_left3A_425 : i32 to vector<16xi32>
    %shift_left3A_427 = arith.shli %get3A_417, %shift_left3A_426 : vector<16xi32>
    %lt3A_428 = arith.cmpi slt, %shift_left3A_427, %broadcast_in_dim3A_33 : vector<16xi32>
    %get3A_429 = arith.constant 240 : index
    %get3A_430 = tpu.vector_load %arg6[%get3A_429] {strides = array<i32>} : memref<2048xi32, #tpu.memory_space<vmem>>, vector<16xi32>,
    %get3A_431 = vector.shape_cast %get3A_430 : vector<16xi32> to vector<16xi32>
    %select_n3A_432 = arith.select %lt3A_428, %get3A_431, %select_n3A_424 : vector<16xi1>, vector<16xi32>
    %swap3A_433 = arith.constant 240 : index
    %swap3A_434 = tpu.vector_load %arg7[%swap3A_433] {strides = array<i32>} : memref<2048xi32, #tpu.memory_space<vmem>>, vector<16xi32>,
    %swap3A_435 = vector.shape_cast %swap3A_434 : vector<16xi32> to vector<16xi32>
    %swap3A_436 = vector.shape_cast %select_n3A_432 : vector<16xi32> to vector<16xi32>
    tpu.vector_store %arg7[%swap3A_433], %swap3A_436 {strides = array<i32>} : memref<2048xi32, #tpu.memory_space<vmem>>, vector<16xi32>,
    %get3A_437 = arith.constant 256 : index
    %get3A_438 = tpu.vector_load %arg5[%get3A_437] {strides = array<i32>} : memref<2048xi32, #tpu.memory_space<vmem>>, vector<16xi32>,
    %get3A_439 = vector.shape_cast %get3A_438 : vector<16xi32> to vector<16xi32>
    %and3A_440 = arith.andi %get3A_439, %broadcast_in_dim3A_35 : vector<16xi32>
    %lt3A_441 = arith.cmpi slt, %get3A_439, %broadcast_in_dim3A_33 : vector<16xi32>
    %lt3A_442 = arith.constant 50256 : i32
    %lt3A_443 = vector.broadcast %lt3A_442 : i32 to vector<16xi32>
    %lt3A_444 = arith.cmpi slt, %and3A_440, %lt3A_443 : vector<16xi32>
    %and3A_445 = arith.andi %lt3A_441, %lt3A_444 : vector<16xi1>
    %select_n3A_446 = arith.select %and3A_445, %broadcast_in_dim3A_37, %and3A_440 : vector<16xi1>, vector<16xi32>
    %shift_left3A_447 = arith.constant 1 : i32
    %shift_left3A_448 = vector.broadcast %shift_left3A_447 : i32 to vector<16xi32>
    %shift_left3A_449 = arith.shli %get3A_439, %shift_left3A_448 : vector<16xi32>
    %lt3A_450 = arith.cmpi slt, %shift_left3A_449, %broadcast_in_dim3A_33 : vector<16xi32>
    %get3A_451 = arith.constant 256 : index
    %get3A_452 = tpu.vector_load %arg6[%get3A_451] {strides = array<i32>} : memref<2048xi32, #tpu.memory_space<vmem>>, vector<16xi32>,
    %get3A_453 = vector.shape_cast %get3A_452 : vector<16xi32> to vector<16xi32>
    %select_n3A_454 = arith.select %lt3A_450, %get3A_453, %select_n3A_446 : vector<16xi1>, vector<16xi32>
    %swap3A_455 = arith.constant 256 : index
    %swap3A_456 = tpu.vector_load %arg7[%swap3A_455] {strides = array<i32>} : memref<2048xi32, #tpu.memory_space<vmem>>, vector<16xi32>,
    %swap3A_457 = vector.shape_cast %swap3A_456 : vector<16xi32> to vector<16xi32>
    %swap3A_458 = vector.shape_cast %select_n3A_454 : vector<16xi32> to vector<16xi32>
    tpu.vector_store %arg7[%swap3A_455], %swap3A_458 {strides = array<i32>} : memref<2048xi32, #tpu.memory_space<vmem>>, vector<16xi32>,
    %get3A_459 = arith.constant 272 : index
    %get3A_460 = tpu.vector_load %arg5[%get3A_459] {strides = array<i32>} : memref<2048xi32, #tpu.memory_space<vmem>>, vector<16xi32>,
    %get3A_461 = vector.shape_cast %get3A_460 : vector<16xi32> to vector<16xi32>
    %and3A_462 = arith.andi %get3A_461, %broadcast_in_dim3A_35 : vector<16xi32>
    %lt3A_463 = arith.cmpi slt, %get3A_461, %broadcast_in_dim3A_33 : vector<16xi32>
    %lt3A_464 = arith.constant 50256 : i32
    %lt3A_465 = vector.broadcast %lt3A_464 : i32 to vector<16xi32>
    %lt3A_466 = arith.cmpi slt, %and3A_462, %lt3A_465 : vector<16xi32>
    %and3A_467 = arith.andi %lt3A_463, %lt3A_466 : vector<16xi1>
    %select_n3A_468 = arith.select %and3A_467, %broadcast_in_dim3A_37, %and3A_462 : vector<16xi1>, vector<16xi32>
    %shift_left3A_469 = arith.constant 1 : i32
    %shift_left3A_470 = vector.broadcast %shift_left3A_469 : i32 to vector<16xi32>
    %shift_left3A_471 = arith.shli %get3A_461, %shift_left3A_470 : vector<16xi32>
    %lt3A_472 = arith.cmpi slt, %shift_left3A_471, %broadcast_in_dim3A_33 : vector<16xi32>
    %get3A_473 = arith.constant 272 : index
    %get3A_474 = tpu.vector_load %arg6[%get3A_473] {strides = array<i32>} : memref<2048xi32, #tpu.memory_space<vmem>>, vector<16xi32>,
    %get3A_475 = vector.shape_cast %get3A_474 : vector<16xi32> to vector<16xi32>
    %select_n3A_476 = arith.select %lt3A_472, %get3A_475, %select_n3A_468 : vector<16xi1>, vector<16xi32>
    %swap3A_477 = arith.constant 272 : index
    %swap3A_478 = tpu.vector_load %arg7[%swap3A_477] {strides = array<i32>} : memref<2048xi32, #tpu.memory_space<vmem>>, vector<16xi32>,
    %swap3A_479 = vector.shape_cast %swap3A_478 : vector<16xi32> to vector<16xi32>
    %swap3A_480 = vector.shape_cast %select_n3A_476 : vector<16xi32> to vector<16xi32>
    tpu.vector_store %arg7[%swap3A_477], %swap3A_480 {strides = array<i32>} : memref<2048xi32, #tpu.memory_space<vmem>>, vector<16xi32>,
    %get3A_481 = arith.constant 288 : index
    %get3A_482 = tpu.vector_load %arg5[%get3A_481] {strides = array<i32>} : memref<2048xi32, #tpu.memory_space<vmem>>, vector<16xi32>,
    %get3A_483 = vector.shape_cast %get3A_482 : vector<16xi32> to vector<16xi32>
    %and3A_484 = arith.andi %get3A_483, %broadcast_in_dim3A_35 : vector<16xi32>
    %lt3A_485 = arith.cmpi slt, %get3A_483, %broadcast_in_dim3A_33 : vector<16xi32>
    %lt3A_486 = arith.constant 50256 : i32
    %lt3A_487 = vector.broadcast %lt3A_486 : i32 to vector<16xi32>
    %lt3A_488 = arith.cmpi slt, %and3A_484, %lt3A_487 : vector<16xi32>
    %and3A_489 = arith.andi %lt3A_485, %lt3A_488 : vector<16xi1>
    %select_n3A_490 = arith.select %and3A_489, %broadcast_in_dim3A_37, %and3A_484 : vector<16xi1>, vector<16xi32>
    %shift_left3A_491 = arith.constant 1 : i32
    %shift_left3A_492 = vector.broadcast %shift_left3A_491 : i32 to vector<16xi32>
    %shift_left3A_493 = arith.shli %get3A_483, %shift_left3A_492 : vector<16xi32>
    %lt3A_494 = arith.cmpi slt, %shift_left3A_493, %broadcast_in_dim3A_33 : vector<16xi32>
    %get3A_495 = arith.constant 288 : index
    %get3A_496 = tpu.vector_load %arg6[%get3A_495] {strides = array<i32>} : memref<2048xi32, #tpu.memory_space<vmem>>, vector<16xi32>,
    %get3A_497 = vector.shape_cast %get3A_496 : vector<16xi32> to vector<16xi32>
    %select_n3A_498 = arith.select %lt3A_494, %get3A_497, %select_n3A_490 : vector<16xi1>, vector<16xi32>
    %swap3A_499 = arith.constant 288 : index
    %swap3A_500 = tpu.vector_load %arg7[%swap3A_499] {strides = array<i32>} : memref<2048xi32, #tpu.memory_space<vmem>>, vector<16xi32>,
    %swap3A_501 = vector.shape_cast %swap3A_500 : vector<16xi32> to vector<16xi32>
    %swap3A_502 = vector.shape_cast %select_n3A_498 : vector<16xi32> to vector<16xi32>
    tpu.vector_store %arg7[%swap3A_499], %swap3A_502 {strides = array<i32>} : memref<2048xi32, #tpu.memory_space<vmem>>, vector<16xi32>,
    %get3A_503 = arith.constant 304 : index
    %get3A_504 = tpu.vector_load %arg5[%get3A_503] {strides = array<i32>} : memref<2048xi32, #tpu.memory_space<vmem>>, vector<16xi32>,
    %get3A_505 = vector.shape_cast %get3A_504 : vector<16xi32> to vector<16xi32>
    %and3A_506 = arith.andi %get3A_505, %broadcast_in_dim3A_35 : vector<16xi32>
    %lt3A_507 = arith.cmpi slt, %get3A_505, %broadcast_in_dim3A_33 : vector<16xi32>
    %lt3A_508 = arith.constant 50256 : i32
    %lt3A_509 = vector.broadcast %lt3A_508 : i32 to vector<16xi32>
    %lt3A_510 = arith.cmpi slt, %and3A_506, %lt3A_509 : vector<16xi32>
    %and3A_511 = arith.andi %lt3A_507, %lt3A_510 : vector<16xi1>
    %select_n3A_512 = arith.select %and3A_511, %broadcast_in_dim3A_37, %and3A_506 : vector<16xi1>, vector<16xi32>
    %shift_left3A_513 = arith.constant 1 : i32
    %shift_left3A_514 = vector.broadcast %shift_left3A_513 : i32 to vector<16xi32>
    %shift_left3A_515 = arith.shli %get3A_505, %shift_left3A_514 : vector<16xi32>
    %lt3A_516 = arith.cmpi slt, %shift_left3A_515, %broadcast_in_dim3A_33 : vector<16xi32>
    %get3A_517 = arith.constant 304 : index
    %get3A_518 = tpu.vector_load %arg6[%get3A_517] {strides = array<i32>} : memref<2048xi32, #tpu.memory_space<vmem>>, vector<16xi32>,
    %get3A_519 = vector.shape_cast %get3A_518 : vector<16xi32> to vector<16xi32>
    %select_n3A_520 = arith.select %lt3A_516, %get3A_519, %select_n3A_512 : vector<16xi1>, vector<16xi32>
    %swap3A_521 = arith.constant 304 : index
    %swap3A_522 = tpu.vector_load %arg7[%swap3A_521] {strides = array<i32>} : memref<2048xi32, #tpu.memory_space<vmem>>, vector<16xi32>,
    %swap3A_523 = vector.shape_cast %swap3A_522 : vector<16xi32> to vector<16xi32>
    %swap3A_524 = vector.shape_cast %select_n3A_520 : vector<16xi32> to vector<16xi32>
    tpu.vector_store %arg7[%swap3A_521], %swap3A_524 {strides = array<i32>} : memref<2048xi32, #tpu.memory_space<vmem>>, vector<16xi32>,
    %get3A_525 = arith.constant 320 : index
    %get3A_526 = tpu.vector_load %arg5[%get3A_525] {strides = array<i32>} : memref<2048xi32, #tpu.memory_space<vmem>>, vector<16xi32>,
    %get3A_527 = vector.shape_cast %get3A_526 : vector<16xi32> to vector<16xi32>
    %and3A_528 = arith.andi %get3A_527, %broadcast_in_dim3A_35 : vector<16xi32>
    %lt3A_529 = arith.cmpi slt, %get3A_527, %broadcast_in_dim3A_33 : vector<16xi32>
    %lt3A_530 = arith.constant 50256 : i32
    %lt3A_531 = vector.broadcast %lt3A_530 : i32 to vector<16xi32>
    %lt3A_532 = arith.cmpi slt, %and3A_528, %lt3A_531 : vector<16xi32>
    %and3A_533 = arith.andi %lt3A_529, %lt3A_532 : vector<16xi1>
    %select_n3A_534 = arith.select %and3A_533, %broadcast_in_dim3A_37, %and3A_528 : vector<16xi1>, vector<16xi32>
    %shift_left3A_535 = arith.constant 1 : i32
    %shift_left3A_536 = vector.broadcast %shift_left3A_535 : i32 to vector<16xi32>
    %shift_left3A_537 = arith.shli %get3A_527, %shift_left3A_536 : vector<16xi32>
    %lt3A_538 = arith.cmpi slt, %shift_left3A_537, %broadcast_in_dim3A_33 : vector<16xi32>
    %get3A_539 = arith.constant 320 : index
    %get3A_540 = tpu.vector_load %arg6[%get3A_539] {strides = array<i32>} : memref<2048xi32, #tpu.memory_space<vmem>>, vector<16xi32>,
    %get3A_541 = vector.shape_cast %get3A_540 : vector<16xi32> to vector<16xi32>
    %select_n3A_542 = arith.select %lt3A_538, %get3A_541, %select_n3A_534 : vector<16xi1>, vector<16xi32>
    %swap3A_543 = arith.constant 320 : index
    %swap3A_544 = tpu.vector_load %arg7[%swap3A_543] {strides = array<i32>} : memref<2048xi32, #tpu.memory_space<vmem>>, vector<16xi32>,
    %swap3A_545 = vector.shape_cast %swap3A_544 : vector<16xi32> to vector<16xi32>
    %swap3A_546 = vector.shape_cast %select_n3A_542 : vector<16xi32> to vector<16xi32>
    tpu.vector_store %arg7[%swap3A_543], %swap3A_546 {strides = array<i32>} : memref<2048xi32, #tpu.memory_space<vmem>>, vector<16xi32>,
    %get3A_547 = arith.constant 336 : index
    %get3A_548 = tpu.vector_load %arg5[%get3A_547] {strides = array<i32>} : memref<2048xi32, #tpu.memory_space<vmem>>, vector<16xi32>,
    %get3A_549 = vector.shape_cast %get3A_548 : vector<16xi32> to vector<16xi32>
    %and3A_550 = arith.andi %get3A_549, %broadcast_in_dim3A_35 : vector<16xi32>
    %lt3A_551 = arith.cmpi slt, %get3A_549, %broadcast_in_dim3A_33 : vector<16xi32>
    %lt3A_552 = arith.constant 50256 : i32
    %lt3A_553 = vector.broadcast %lt3A_552 : i32 to vector<16xi32>
    %lt3A_554 = arith.cmpi slt, %and3A_550, %lt3A_553 : vector<16xi32>
    %and3A_555 = arith.andi %lt3A_551, %lt3A_554 : vector<16xi1>
    %select_n3A_556 = arith.select %and3A_555, %broadcast_in_dim3A_37, %and3A_550 : vector<16xi1>, vector<16xi32>
    %shift_left3A_557 = arith.constant 1 : i32
    %shift_left3A_558 = vector.broadcast %shift_left3A_557 : i32 to vector<16xi32>
    %shift_left3A_559 = arith.shli %get3A_549, %shift_left3A_558 : vector<16xi32>
    %lt3A_560 = arith.cmpi slt, %shift_left3A_559, %broadcast_in_dim3A_33 : vector<16xi32>
    %get3A_561 = arith.constant 336 : index
    %get3A_562 = tpu.vector_load %arg6[%get3A_561] {strides = array<i32>} : memref<2048xi32, #tpu.memory_space<vmem>>, vector<16xi32>,
    %get3A_563 = vector.shape_cast %get3A_562 : vector<16xi32> to vector<16xi32>
    %select_n3A_564 = arith.select %lt3A_560, %get3A_563, %select_n3A_556 : vector<16xi1>, vector<16xi32>
    %swap3A_565 = arith.constant 336 : index
    %swap3A_566 = tpu.vector_load %arg7[%swap3A_565] {strides = array<i32>} : memref<2048xi32, #tpu.memory_space<vmem>>, vector<16xi32>,
    %swap3A_567 = vector.shape_cast %swap3A_566 : vector<16xi32> to vector<16xi32>
    %swap3A_568 = vector.shape_cast %select_n3A_564 : vector<16xi32> to vector<16xi32>
    tpu.vector_store %arg7[%swap3A_565], %swap3A_568 {strides = array<i32>} : memref<2048xi32, #tpu.memory_space<vmem>>, vector<16xi32>,
    %get3A_569 = arith.constant 352 : index
    %get3A_570 = tpu.vector_load %arg5[%get3A_569] {strides = array<i32>} : memref<2048xi32, #tpu.memory_space<vmem>>, vector<16xi32>,
    %get3A_571 = vector.shape_cast %get3A_570 : vector<16xi32> to vector<16xi32>
    %and3A_572 = arith.andi %get3A_571, %broadcast_in_dim3A_35 : vector<16xi32>
    %lt3A_573 = arith.cmpi slt, %get3A_571, %broadcast_in_dim3A_33 : vector<16xi32>
    %lt3A_574 = arith.constant 50256 : i32
    %lt3A_575 = vector.broadcast %lt3A_574 : i32 to vector<16xi32>
    %lt3A_576 = arith.cmpi slt, %and3A_572, %lt3A_575 : vector<16xi32>
    %and3A_577 = arith.andi %lt3A_573, %lt3A_576 : vector<16xi1>
    %select_n3A_578 = arith.select %and3A_577, %broadcast_in_dim3A_37, %and3A_572 : vector<16xi1>, vector<16xi32>
    %shift_left3A_579 = arith.constant 1 : i32
    %shift_left3A_580 = vector.broadcast %shift_left3A_579 : i32 to vector<16xi32>
    %shift_left3A_581 = arith.shli %get3A_571, %shift_left3A_580 : vector<16xi32>
    %lt3A_582 = arith.cmpi slt, %shift_left3A_581, %broadcast_in_dim3A_33 : vector<16xi32>
    %get3A_583 = arith.constant 352 : index
    %get3A_584 = tpu.vector_load %arg6[%get3A_583] {strides = array<i32>} : memref<2048xi32, #tpu.memory_space<vmem>>, vector<16xi32>,
    %get3A_585 = vector.shape_cast %get3A_584 : vector<16xi32> to vector<16xi32>
    %select_n3A_586 = arith.select %lt3A_582, %get3A_585, %select_n3A_578 : vector<16xi1>, vector<16xi32>
    %swap3A_587 = arith.constant 352 : index
    %swap3A_588 = tpu.vector_load %arg7[%swap3A_587] {strides = array<i32>} : memref<2048xi32, #tpu.memory_space<vmem>>, vector<16xi32>,
    %swap3A_589 = vector.shape_cast %swap3A_588 : vector<16xi32> to vector<16xi32>
    %swap3A_590 = vector.shape_cast %select_n3A_586 : vector<16xi32> to vector<16xi32>
    tpu.vector_store %arg7[%swap3A_587], %swap3A_590 {strides = array<i32>} : memref<2048xi32, #tpu.memory_space<vmem>>, vector<16xi32>,
    %get3A_591 = arith.constant 368 : index
    %get3A_592 = tpu.vector_load %arg5[%get3A_591] {strides = array<i32>} : memref<2048xi32, #tpu.memory_space<vmem>>, vector<16xi32>,
    %get3A_593 = vector.shape_cast %get3A_592 : vector<16xi32> to vector<16xi32>
    %and3A_594 = arith.andi %get3A_593, %broadcast_in_dim3A_35 : vector<16xi32>
    %lt3A_595 = arith.cmpi slt, %get3A_593, %broadcast_in_dim3A_33 : vector<16xi32>
    %lt3A_596 = arith.constant 50256 : i32
    %lt3A_597 = vector.broadcast %lt3A_596 : i32 to vector<16xi32>
    %lt3A_598 = arith.cmpi slt, %and3A_594, %lt3A_597 : vector<16xi32>
    %and3A_599 = arith.andi %lt3A_595, %lt3A_598 : vector<16xi1>
    %select_n3A_600 = arith.select %and3A_599, %broadcast_in_dim3A_37, %and3A_594 : vector<16xi1>, vector<16xi32>
    %shift_left3A_601 = arith.constant 1 : i32
    %shift_left3A_602 = vector.broadcast %shift_left3A_601 : i32 to vector<16xi32>
    %shift_left3A_603 = arith.shli %get3A_593, %shift_left3A_602 : vector<16xi32>
    %lt3A_604 = arith.cmpi slt, %shift_left3A_603, %broadcast_in_dim3A_33 : vector<16xi32>
    %get3A_605 = arith.constant 368 : index
    %get3A_606 = tpu.vector_load %arg6[%get3A_605] {strides = array<i32>} : memref<2048xi32, #tpu.memory_space<vmem>>, vector<16xi32>,
    %get3A_607 = vector.shape_cast %get3A_606 : vector<16xi32> to vector<16xi32>
    %select_n3A_608 = arith.select %lt3A_604, %get3A_607, %select_n3A_600 : vector<16xi1>, vector<16xi32>
    %swap3A_609 = arith.constant 368 : index
    %swap3A_610 = tpu.vector_load %arg7[%swap3A_609] {strides = array<i32>} : memref<2048xi32, #tpu.memory_space<vmem>>, vector<16xi32>,
    %swap3A_611 = vector.shape_cast %swap3A_610 : vector<16xi32> to vector<16xi32>
    %swap3A_612 = vector.shape_cast %select_n3A_608 : vector<16xi32> to vector<16xi32>
    tpu.vector_store %arg7[%swap3A_609], %swap3A_612 {strides = array<i32>} : memref<2048xi32, #tpu.memory_space<vmem>>, vector<16xi32>,
    %get3A_613 = arith.constant 384 : index
    %get3A_614 = tpu.vector_load %arg5[%get3A_613] {strides = array<i32>} : memref<2048xi32, #tpu.memory_space<vmem>>, vector<16xi32>,
    %get3A_615 = vector.shape_cast %get3A_614 : vector<16xi32> to vector<16xi32>
    %and3A_616 = arith.andi %get3A_615, %broadcast_in_dim3A_35 : vector<16xi32>
    %lt3A_617 = arith.cmpi slt, %get3A_615, %broadcast_in_dim3A_33 : vector<16xi32>
    %lt3A_618 = arith.constant 50256 : i32
    %lt3A_619 = vector.broadcast %lt3A_618 : i32 to vector<16xi32>
    %lt3A_620 = arith.cmpi slt, %and3A_616, %lt3A_619 : vector<16xi32>
    %and3A_621 = arith.andi %lt3A_617, %lt3A_620 : vector<16xi1>
    %select_n3A_622 = arith.select %and3A_621, %broadcast_in_dim3A_37, %and3A_616 : vector<16xi1>, vector<16xi32>
    %shift_left3A_623 = arith.constant 1 : i32
    %shift_left3A_624 = vector.broadcast %shift_left3A_623 : i32 to vector<16xi32>
    %shift_left3A_625 = arith.shli %get3A_615, %shift_left3A_624 : vector<16xi32>
    %lt3A_626 = arith.cmpi slt, %shift_left3A_625, %broadcast_in_dim3A_33 : vector<16xi32>
    %get3A_627 = arith.constant 384 : index
    %get3A_628 = tpu.vector_load %arg6[%get3A_627] {strides = array<i32>} : memref<2048xi32, #tpu.memory_space<vmem>>, vector<16xi32>,
    %get3A_629 = vector.shape_cast %get3A_628 : vector<16xi32> to vector<16xi32>
    %select_n3A_630 = arith.select %lt3A_626, %get3A_629, %select_n3A_622 : vector<16xi1>, vector<16xi32>
    %swap3A_631 = arith.constant 384 : index
    %swap3A_632 = tpu.vector_load %arg7[%swap3A_631] {strides = array<i32>} : memref<2048xi32, #tpu.memory_space<vmem>>, vector<16xi32>,
    %swap3A_633 = vector.shape_cast %swap3A_632 : vector<16xi32> to vector<16xi32>
    %swap3A_634 = vector.shape_cast %select_n3A_630 : vector<16xi32> to vector<16xi32>
    tpu.vector_store %arg7[%swap3A_631], %swap3A_634 {strides = array<i32>} : memref<2048xi32, #tpu.memory_space<vmem>>, vector<16xi32>,
    %get3A_635 = arith.constant 400 : index
    %get3A_636 = tpu.vector_load %arg5[%get3A_635] {strides = array<i32>} : memref<2048xi32, #tpu.memory_space<vmem>>, vector<16xi32>,
    %get3A_637 = vector.shape_cast %get3A_636 : vector<16xi32> to vector<16xi32>
    %and3A_638 = arith.andi %get3A_637, %broadcast_in_dim3A_35 : vector<16xi32>
    %lt3A_639 = arith.cmpi slt, %get3A_637, %broadcast_in_dim3A_33 : vector<16xi32>
    %lt3A_640 = arith.constant 50256 : i32
    %lt3A_641 = vector.broadcast %lt3A_640 : i32 to vector<16xi32>
    %lt3A_642 = arith.cmpi slt, %and3A_638, %lt3A_641 : vector<16xi32>
    %and3A_643 = arith.andi %lt3A_639, %lt3A_642 : vector<16xi1>
    %select_n3A_644 = arith.select %and3A_643, %broadcast_in_dim3A_37, %and3A_638 : vector<16xi1>, vector<16xi32>
    %shift_left3A_645 = arith.constant 1 : i32
    %shift_left3A_646 = vector.broadcast %shift_left3A_645 : i32 to vector<16xi32>
    %shift_left3A_647 = arith.shli %get3A_637, %shift_left3A_646 : vector<16xi32>
    %lt3A_648 = arith.cmpi slt, %shift_left3A_647, %broadcast_in_dim3A_33 : vector<16xi32>
    %get3A_649 = arith.constant 400 : index
    %get3A_650 = tpu.vector_load %arg6[%get3A_649] {strides = array<i32>} : memref<2048xi32, #tpu.memory_space<vmem>>, vector<16xi32>,
    %get3A_651 = vector.shape_cast %get3A_650 : vector<16xi32> to vector<16xi32>
    %select_n3A_652 = arith.select %lt3A_648, %get3A_651, %select_n3A_644 : vector<16xi1>, vector<16xi32>
    %swap3A_653 = arith.constant 400 : index
    %swap3A_654 = tpu.vector_load %arg7[%swap3A_653] {strides = array<i32>} : memref<2048xi32, #tpu.memory_space<vmem>>, vector<16xi32>,
    %swap3A_655 = vector.shape_cast %swap3A_654 : vector<16xi32> to vector<16xi32>
    %swap3A_656 = vector.shape_cast %select_n3A_652 : vector<16xi32> to vector<16xi32>
    tpu.vector_store %arg7[%swap3A_653], %swap3A_656 {strides = array<i32>} : memref<2048xi32, #tpu.memory_space<vmem>>, vector<16xi32>,
    %get3A_657 = arith.constant 416 : index
    %get3A_658 = tpu.vector_load %arg5[%get3A_657] {strides = array<i32>} : memref<2048xi32, #tpu.memory_space<vmem>>, vector<16xi32>,
    %get3A_659 = vector.shape_cast %get3A_658 : vector<16xi32> to vector<16xi32>
    %and3A_660 = arith.andi %get3A_659, %broadcast_in_dim3A_35 : vector<16xi32>
    %lt3A_661 = arith.cmpi slt, %get3A_659, %broadcast_in_dim3A_33 : vector<16xi32>
    %lt3A_662 = arith.constant 50256 : i32
    %lt3A_663 = vector.broadcast %lt3A_662 : i32 to vector<16xi32>
    %lt3A_664 = arith.cmpi slt, %and3A_660, %lt3A_663 : vector<16xi32>
    %and3A_665 = arith.andi %lt3A_661, %lt3A_664 : vector<16xi1>
    %select_n3A_666 = arith.select %and3A_665, %broadcast_in_dim3A_37, %and3A_660 : vector<16xi1>, vector<16xi32>
    %shift_left3A_667 = arith.constant 1 : i32
    %shift_left3A_668 = vector.broadcast %shift_left3A_667 : i32 to vector<16xi32>
    %shift_left3A_669 = arith.shli %get3A_659, %shift_left3A_668 : vector<16xi32>
    %lt3A_670 = arith.cmpi slt, %shift_left3A_669, %broadcast_in_dim3A_33 : vector<16xi32>
    %get3A_671 = arith.constant 416 : index
    %get3A_672 = tpu.vector_load %arg6[%get3A_671] {strides = array<i32>} : memref<2048xi32, #tpu.memory_space<vmem>>, vector<16xi32>,
    %get3A_673 = vector.shape_cast %get3A_672 : vector<16xi32> to vector<16xi32>
    %select_n3A_674 = arith.select %lt3A_670, %get3A_673, %select_n3A_666 : vector<16xi1>, vector<16xi32>
    %swap3A_675 = arith.constant 416 : index
    %swap3A_676 = tpu.vector_load %arg7[%swap3A_675] {strides = array<i32>} : memref<2048xi32, #tpu.memory_space<vmem>>, vector<16xi32>,
    %swap3A_677 = vector.shape_cast %swap3A_676 : vector<16xi32> to vector<16xi32>
    %swap3A_678 = vector.shape_cast %select_n3A_674 : vector<16xi32> to vector<16xi32>
    tpu.vector_store %arg7[%swap3A_675], %swap3A_678 {strides = array<i32>} : memref<2048xi32, #tpu.memory_space<vmem>>, vector<16xi32>,
    %get3A_679 = arith.constant 432 : index
    %get3A_680 = tpu.vector_load %arg5[%get3A_679] {strides = array<i32>} : memref<2048xi32, #tpu.memory_space<vmem>>, vector<16xi32>,
    %get3A_681 = vector.shape_cast %get3A_680 : vector<16xi32> to vector<16xi32>
    %and3A_682 = arith.andi %get3A_681, %broadcast_in_dim3A_35 : vector<16xi32>
    %lt3A_683 = arith.cmpi slt, %get3A_681, %broadcast_in_dim3A_33 : vector<16xi32>
    %lt3A_684 = arith.constant 50256 : i32
    %lt3A_685 = vector.broadcast %lt3A_684 : i32 to vector<16xi32>
    %lt3A_686 = arith.cmpi slt, %and3A_682, %lt3A_685 : vector<16xi32>
    %and3A_687 = arith.andi %lt3A_683, %lt3A_686 : vector<16xi1>
    %select_n3A_688 = arith.select %and3A_687, %broadcast_in_dim3A_37, %and3A_682 : vector<16xi1>, vector<16xi32>
    %shift_left3A_689 = arith.constant 1 : i32
    %shift_left3A_690 = vector.broadcast %shift_left3A_689 : i32 to vector<16xi32>
    %shift_left3A_691 = arith.shli %get3A_681, %shift_left3A_690 : vector<16xi32>
    %lt3A_692 = arith.cmpi slt, %shift_left3A_691, %broadcast_in_dim3A_33 : vector<16xi32>
    %get3A_693 = arith.constant 432 : index
    %get3A_694 = tpu.vector_load %arg6[%get3A_693] {strides = array<i32>} : memref<2048xi32, #tpu.memory_space<vmem>>, vector<16xi32>,
    %get3A_695 = vector.shape_cast %get3A_694 : vector<16xi32> to vector<16xi32>
    %select_n3A_696 = arith.select %lt3A_692, %get3A_695, %select_n3A_688 : vector<16xi1>, vector<16xi32>
    %swap3A_697 = arith.constant 432 : index
    %swap3A_698 = tpu.vector_load %arg7[%swap3A_697] {strides = array<i32>} : memref<2048xi32, #tpu.memory_space<vmem>>, vector<16xi32>,
    %swap3A_699 = vector.shape_cast %swap3A_698 : vector<16xi32> to vector<16xi32>
    %swap3A_700 = vector.shape_cast %select_n3A_696 : vector<16xi32> to vector<16xi32>
    tpu.vector_store %arg7[%swap3A_697], %swap3A_700 {strides = array<i32>} : memref<2048xi32, #tpu.memory_space<vmem>>, vector<16xi32>,
    %get3A_701 = arith.constant 448 : index
    %get3A_702 = tpu.vector_load %arg5[%get3A_701] {strides = array<i32>} : memref<2048xi32, #tpu.memory_space<vmem>>, vector<16xi32>,
    %get3A_703 = vector.shape_cast %get3A_702 : vector<16xi32> to vector<16xi32>
    %and3A_704 = arith.andi %get3A_703, %broadcast_in_dim3A_35 : vector<16xi32>
    %lt3A_705 = arith.cmpi slt, %get3A_703, %broadcast_in_dim3A_33 : vector<16xi32>
    %lt3A_706 = arith.constant 50256 : i32
    %lt3A_707 = vector.broadcast %lt3A_706 : i32 to vector<16xi32>
    %lt3A_708 = arith.cmpi slt, %and3A_704, %lt3A_707 : vector<16xi32>
    %and3A_709 = arith.andi %lt3A_705, %lt3A_708 : vector<16xi1>
    %select_n3A_710 = arith.select %and3A_709, %broadcast_in_dim3A_37, %and3A_704 : vector<16xi1>, vector<16xi32>
    %shift_left3A_711 = arith.constant 1 : i32
    %shift_left3A_712 = vector.broadcast %shift_left3A_711 : i32 to vector<16xi32>
    %shift_left3A_713 = arith.shli %get3A_703, %shift_left3A_712 : vector<16xi32>
    %lt3A_714 = arith.cmpi slt, %shift_left3A_713, %broadcast_in_dim3A_33 : vector<16xi32>
    %get3A_715 = arith.constant 448 : index
    %get3A_716 = tpu.vector_load %arg6[%get3A_715] {strides = array<i32>} : memref<2048xi32, #tpu.memory_space<vmem>>, vector<16xi32>,
    %get3A_717 = vector.shape_cast %get3A_716 : vector<16xi32> to vector<16xi32>
    %select_n3A_718 = arith.select %lt3A_714, %get3A_717, %select_n3A_710 : vector<16xi1>, vector<16xi32>
    %swap3A_719 = arith.constant 448 : index
    %swap3A_720 = tpu.vector_load %arg7[%swap3A_719] {strides = array<i32>} : memref<2048xi32, #tpu.memory_space<vmem>>, vector<16xi32>,
    %swap3A_721 = vector.shape_cast %swap3A_720 : vector<16xi32> to vector<16xi32>
    %swap3A_722 = vector.shape_cast %select_n3A_718 : vector<16xi32> to vector<16xi32>
    tpu.vector_store %arg7[%swap3A_719], %swap3A_722 {strides = array<i32>} : memref<2048xi32, #tpu.memory_space<vmem>>, vector<16xi32>,
    %get3A_723 = arith.constant 464 : index
    %get3A_724 = tpu.vector_load %arg5[%get3A_723] {strides = array<i32>} : memref<2048xi32, #tpu.memory_space<vmem>>, vector<16xi32>,
    %get3A_725 = vector.shape_cast %get3A_724 : vector<16xi32> to vector<16xi32>
    %and3A_726 = arith.andi %get3A_725, %broadcast_in_dim3A_35 : vector<16xi32>
    %lt3A_727 = arith.cmpi slt, %get3A_725, %broadcast_in_dim3A_33 : vector<16xi32>
    %lt3A_728 = arith.constant 50256 : i32
    %lt3A_729 = vector.broadcast %lt3A_728 : i32 to vector<16xi32>
    %lt3A_730 = arith.cmpi slt, %and3A_726, %lt3A_729 : vector<16xi32>
    %and3A_731 = arith.andi %lt3A_727, %lt3A_730 : vector<16xi1>
    %select_n3A_732 = arith.select %and3A_731, %broadcast_in_dim3A_37, %and3A_726 : vector<16xi1>, vector<16xi32>
    %shift_left3A_733 = arith.constant 1 : i32
    %shift_left3A_734 = vector.broadcast %shift_left3A_733 : i32 to vector<16xi32>
    %shift_left3A_735 = arith.shli %get3A_725, %shift_left3A_734 : vector<16xi32>
    %lt3A_736 = arith.cmpi slt, %shift_left3A_735, %broadcast_in_dim3A_33 : vector<16xi32>
    %get3A_737 = arith.constant 464 : index
    %get3A_738 = tpu.vector_load %arg6[%get3A_737] {strides = array<i32>} : memref<2048xi32, #tpu.memory_space<vmem>>, vector<16xi32>,
    %get3A_739 = vector.shape_cast %get3A_738 : vector<16xi32> to vector<16xi32>
    %select_n3A_740 = arith.select %lt3A_736, %get3A_739, %select_n3A_732 : vector<16xi1>, vector<16xi32>
    %swap3A_741 = arith.constant 464 : index
    %swap3A_742 = tpu.vector_load %arg7[%swap3A_741] {strides = array<i32>} : memref<2048xi32, #tpu.memory_space<vmem>>, vector<16xi32>,
    %swap3A_743 = vector.shape_cast %swap3A_742 : vector<16xi32> to vector<16xi32>
    %swap3A_744 = vector.shape_cast %select_n3A_740 : vector<16xi32> to vector<16xi32>
    tpu.vector_store %arg7[%swap3A_741], %swap3A_744 {strides = array<i32>} : memref<2048xi32, #tpu.memory_space<vmem>>, vector<16xi32>,
    %get3A_745 = arith.constant 480 : index
    %get3A_746 = tpu.vector_load %arg5[%get3A_745] {strides = array<i32>} : memref<2048xi32, #tpu.memory_space<vmem>>, vector<16xi32>,
    %get3A_747 = vector.shape_cast %get3A_746 : vector<16xi32> to vector<16xi32>
    %and3A_748 = arith.andi %get3A_747, %broadcast_in_dim3A_35 : vector<16xi32>
    %lt3A_749 = arith.cmpi slt, %get3A_747, %broadcast_in_dim3A_33 : vector<16xi32>
    %lt3A_750 = arith.constant 50256 : i32
    %lt3A_751 = vector.broadcast %lt3A_750 : i32 to vector<16xi32>
    %lt3A_752 = arith.cmpi slt, %and3A_748, %lt3A_751 : vector<16xi32>
    %and3A_753 = arith.andi %lt3A_749, %lt3A_752 : vector<16xi1>
    %select_n3A_754 = arith.select %and3A_753, %broadcast_in_dim3A_37, %and3A_748 : vector<16xi1>, vector<16xi32>
    %shift_left3A_755 = arith.constant 1 : i32
    %shift_left3A_756 = vector.broadcast %shift_left3A_755 : i32 to vector<16xi32>
    %shift_left3A_757 = arith.shli %get3A_747, %shift_left3A_756 : vector<16xi32>
    %lt3A_758 = arith.cmpi slt, %shift_left3A_757, %broadcast_in_dim3A_33 : vector<16xi32>
    %get3A_759 = arith.constant 480 : index
    %get3A_760 = tpu.vector_load %arg6[%get3A_759] {strides = array<i32>} : memref<2048xi32, #tpu.memory_space<vmem>>, vector<16xi32>,
    %get3A_761 = vector.shape_cast %get3A_760 : vector<16xi32> to vector<16xi32>
    %select_n3A_762 = arith.select %lt3A_758, %get3A_761, %select_n3A_754 : vector<16xi1>, vector<16xi32>
    %swap3A_763 = arith.constant 480 : index
    %swap3A_764 = tpu.vector_load %arg7[%swap3A_763] {strides = array<i32>} : memref<2048xi32, #tpu.memory_space<vmem>>, vector<16xi32>,
    %swap3A_765 = vector.shape_cast %swap3A_764 : vector<16xi32> to vector<16xi32>
    %swap3A_766 = vector.shape_cast %select_n3A_762 : vector<16xi32> to vector<16xi32>
    tpu.vector_store %arg7[%swap3A_763], %swap3A_766 {strides = array<i32>} : memref<2048xi32, #tpu.memory_space<vmem>>, vector<16xi32>,
    %get3A_767 = arith.constant 496 : index
    %get3A_768 = tpu.vector_load %arg5[%get3A_767] {strides = array<i32>} : memref<2048xi32, #tpu.memory_space<vmem>>, vector<16xi32>,
    %get3A_769 = vector.shape_cast %get3A_768 : vector<16xi32> to vector<16xi32>
    %and3A_770 = arith.andi %get3A_769, %broadcast_in_dim3A_35 : vector<16xi32>
    %lt3A_771 = arith.cmpi slt, %get3A_769, %broadcast_in_dim3A_33 : vector<16xi32>
    %lt3A_772 = arith.constant 50256 : i32
    %lt3A_773 = vector.broadcast %lt3A_772 : i32 to vector<16xi32>
    %lt3A_774 = arith.cmpi slt, %and3A_770, %lt3A_773 : vector<16xi32>
    %and3A_775 = arith.andi %lt3A_771, %lt3A_774 : vector<16xi1>
    %select_n3A_776 = arith.select %and3A_775, %broadcast_in_dim3A_37, %and3A_770 : vector<16xi1>, vector<16xi32>
    %shift_left3A_777 = arith.constant 1 : i32
    %shift_left3A_778 = vector.broadcast %shift_left3A_777 : i32 to vector<16xi32>
    %shift_left3A_779 = arith.shli %get3A_769, %shift_left3A_778 : vector<16xi32>
    %lt3A_780 = arith.cmpi slt, %shift_left3A_779, %broadcast_in_dim3A_33 : vector<16xi32>
    %get3A_781 = arith.constant 496 : index
    %get3A_782 = tpu.vector_load %arg6[%get3A_781] {strides = array<i32>} : memref<2048xi32, #tpu.memory_space<vmem>>, vector<16xi32>,
    %get3A_783 = vector.shape_cast %get3A_782 : vector<16xi32> to vector<16xi32>
    %select_n3A_784 = arith.select %lt3A_780, %get3A_783, %select_n3A_776 : vector<16xi1>, vector<16xi32>
    %swap3A_785 = arith.constant 496 : index
    %swap3A_786 = tpu.vector_load %arg7[%swap3A_785] {strides = array<i32>} : memref<2048xi32, #tpu.memory_space<vmem>>, vector<16xi32>,
    %swap3A_787 = vector.shape_cast %swap3A_786 : vector<16xi32> to vector<16xi32>
    %swap3A_788 = vector.shape_cast %select_n3A_784 : vector<16xi32> to vector<16xi32>
    tpu.vector_store %arg7[%swap3A_785], %swap3A_788 {strides = array<i32>} : memref<2048xi32, #tpu.memory_space<vmem>>, vector<16xi32>,
    %get3A_789 = arith.constant 512 : index
    %get3A_790 = tpu.vector_load %arg5[%get3A_789] {strides = array<i32>} : memref<2048xi32, #tpu.memory_space<vmem>>, vector<16xi32>,
    %get3A_791 = vector.shape_cast %get3A_790 : vector<16xi32> to vector<16xi32>
    %and3A_792 = arith.andi %get3A_791, %broadcast_in_dim3A_35 : vector<16xi32>
    %lt3A_793 = arith.cmpi slt, %get3A_791, %broadcast_in_dim3A_33 : vector<16xi32>
    %lt3A_794 = arith.constant 50256 : i32
    %lt3A_795 = vector.broadcast %lt3A_794 : i32 to vector<16xi32>
    %lt3A_796 = arith.cmpi slt, %and3A_792, %lt3A_795 : vector<16xi32>
    %and3A_797 = arith.andi %lt3A_793, %lt3A_796 : vector<16xi1>
    %select_n3A_798 = arith.select %and3A_797, %broadcast_in_dim3A_37, %and3A_792 : vector<16xi1>, vector<16xi32>
    %shift_left3A_799 = arith.constant 1 : i32
    %shift_left3A_800 = vector.broadcast %shift_left3A_799 : i32 to vector<16xi32>
    %shift_left3A_801 = arith.shli %get3A_791, %shift_left3A_800 : vector<16xi32>
    %lt3A_802 = arith.cmpi slt, %shift_left3A_801, %broadcast_in_dim3A_33 : vector<16xi32>
    %get3A_803 = arith.constant 512 : index
    %get3A_804 = tpu.vector_load %arg6[%get3A_803] {strides = array<i32>} : memref<2048xi32, #tpu.memory_space<vmem>>, vector<16xi32>,
    %get3A_805 = vector.shape_cast %get3A_804 : vector<16xi32> to vector<16xi32>
    %select_n3A_806 = arith.select %lt3A_802, %get3A_805, %select_n3A_798 : vector<16xi1>, vector<16xi32>
    %swap3A_807 = arith.constant 512 : index
    %swap3A_808 = tpu.vector_load %arg7[%swap3A_807] {strides = array<i32>} : memref<2048xi32, #tpu.memory_space<vmem>>, vector<16xi32>,
    %swap3A_809 = vector.shape_cast %swap3A_808 : vector<16xi32> to vector<16xi32>
    %swap3A_810 = vector.shape_cast %select_n3A_806 : vector<16xi32> to vector<16xi32>
    tpu.vector_store %arg7[%swap3A_807], %swap3A_810 {strides = array<i32>} : memref<2048xi32, #tpu.memory_space<vmem>>, vector<16xi32>,
    %get3A_811 = arith.constant 528 : index
    %get3A_812 = tpu.vector_load %arg5[%get3A_811] {strides = array<i32>} : memref<2048xi32, #tpu.memory_space<vmem>>, vector<16xi32>,
    %get3A_813 = vector.shape_cast %get3A_812 : vector<16xi32> to vector<16xi32>
    %and3A_814 = arith.andi %get3A_813, %broadcast_in_dim3A_35 : vector<16xi32>
    %lt3A_815 = arith.cmpi slt, %get3A_813, %broadcast_in_dim3A_33 : vector<16xi32>
    %lt3A_816 = arith.constant 50256 : i32
    %lt3A_817 = vector.broadcast %lt3A_816 : i32 to vector<16xi32>
    %lt3A_818 = arith.cmpi slt, %and3A_814, %lt3A_817 : vector<16xi32>
    %and3A_819 = arith.andi %lt3A_815, %lt3A_818 : vector<16xi1>
    %select_n3A_820 = arith.select %and3A_819, %broadcast_in_dim3A_37, %and3A_814 : vector<16xi1>, vector<16xi32>
    %shift_left3A_821 = arith.constant 1 : i32
    %shift_left3A_822 = vector.broadcast %shift_left3A_821 : i32 to vector<16xi32>
    %shift_left3A_823 = arith.shli %get3A_813, %shift_left3A_822 : vector<16xi32>
    %lt3A_824 = arith.cmpi slt, %shift_left3A_823, %broadcast_in_dim3A_33 : vector<16xi32>
    %get3A_825 = arith.constant 528 : index
    %get3A_826 = tpu.vector_load %arg6[%get3A_825] {strides = array<i32>} : memref<2048xi32, #tpu.memory_space<vmem>>, vector<16xi32>,
    %get3A_827 = vector.shape_cast %get3A_826 : vector<16xi32> to vector<16xi32>
    %select_n3A_828 = arith.select %lt3A_824, %get3A_827, %select_n3A_820 : vector<16xi1>, vector<16xi32>
    %swap3A_829 = arith.constant 528 : index
    %swap3A_830 = tpu.vector_load %arg7[%swap3A_829] {strides = array<i32>} : memref<2048xi32, #tpu.memory_space<vmem>>, vector<16xi32>,
    %swap3A_831 = vector.shape_cast %swap3A_830 : vector<16xi32> to vector<16xi32>
    %swap3A_832 = vector.shape_cast %select_n3A_828 : vector<16xi32> to vector<16xi32>
    tpu.vector_store %arg7[%swap3A_829], %swap3A_832 {strides = array<i32>} : memref<2048xi32, #tpu.memory_space<vmem>>, vector<16xi32>,
    %get3A_833 = arith.constant 544 : index
    %get3A_834 = tpu.vector_load %arg5[%get3A_833] {strides = array<i32>} : memref<2048xi32, #tpu.memory_space<vmem>>, vector<16xi32>,
    %get3A_835 = vector.shape_cast %get3A_834 : vector<16xi32> to vector<16xi32>
    %and3A_836 = arith.andi %get3A_835, %broadcast_in_dim3A_35 : vector<16xi32>
    %lt3A_837 = arith.cmpi slt, %get3A_835, %broadcast_in_dim3A_33 : vector<16xi32>
    %lt3A_838 = arith.constant 50256 : i32
    %lt3A_839 = vector.broadcast %lt3A_838 : i32 to vector<16xi32>
    %lt3A_840 = arith.cmpi slt, %and3A_836, %lt3A_839 : vector<16xi32>
    %and3A_841 = arith.andi %lt3A_837, %lt3A_840 : vector<16xi1>
    %select_n3A_842 = arith.select %and3A_841, %broadcast_in_dim3A_37, %and3A_836 : vector<16xi1>, vector<16xi32>
    %shift_left3A_843 = arith.constant 1 : i32
    %shift_left3A_844 = vector.broadcast %shift_left3A_843 : i32 to vector<16xi32>
    %shift_left3A_845 = arith.shli %get3A_835, %shift_left3A_844 : vector<16xi32>
    %lt3A_846 = arith.cmpi slt, %shift_left3A_845, %broadcast_in_dim3A_33 : vector<16xi32>
    %get3A_847 = arith.constant 544 : index
    %get3A_848 = tpu.vector_load %arg6[%get3A_847] {strides = array<i32>} : memref<2048xi32, #tpu.memory_space<vmem>>, vector<16xi32>,
    %get3A_849 = vector.shape_cast %get3A_848 : vector<16xi32> to vector<16xi32>
    %select_n3A_850 = arith.select %lt3A_846, %get3A_849, %select_n3A_842 : vector<16xi1>, vector<16xi32>
    %swap3A_851 = arith.constant 544 : index
    %swap3A_852 = tpu.vector_load %arg7[%swap3A_851] {strides = array<i32>} : memref<2048xi32, #tpu.memory_space<vmem>>, vector<16xi32>,
    %swap3A_853 = vector.shape_cast %swap3A_852 : vector<16xi32> to vector<16xi32>
    %swap3A_854 = vector.shape_cast %select_n3A_850 : vector<16xi32> to vector<16xi32>
    tpu.vector_store %arg7[%swap3A_851], %swap3A_854 {strides = array<i32>} : memref<2048xi32, #tpu.memory_space<vmem>>, vector<16xi32>,
    %get3A_855 = arith.constant 560 : index
    %get3A_856 = tpu.vector_load %arg5[%get3A_855] {strides = array<i32>} : memref<2048xi32, #tpu.memory_space<vmem>>, vector<16xi32>,
    %get3A_857 = vector.shape_cast %get3A_856 : vector<16xi32> to vector<16xi32>
    %and3A_858 = arith.andi %get3A_857, %broadcast_in_dim3A_35 : vector<16xi32>
    %lt3A_859 = arith.cmpi slt, %get3A_857, %broadcast_in_dim3A_33 : vector<16xi32>
    %lt3A_860 = arith.constant 50256 : i32
    %lt3A_861 = vector.broadcast %lt3A_860 : i32 to vector<16xi32>
    %lt3A_862 = arith.cmpi slt, %and3A_858, %lt3A_861 : vector<16xi32>
    %and3A_863 = arith.andi %lt3A_859, %lt3A_862 : vector<16xi1>
    %select_n3A_864 = arith.select %and3A_863, %broadcast_in_dim3A_37, %and3A_858 : vector<16xi1>, vector<16xi32>
    %shift_left3A_865 = arith.constant 1 : i32
    %shift_left3A_866 = vector.broadcast %shift_left3A_865 : i32 to vector<16xi32>
    %shift_left3A_867 = arith.shli %get3A_857, %shift_left3A_866 : vector<16xi32>
    %lt3A_868 = arith.cmpi slt, %shift_left3A_867, %broadcast_in_dim3A_33 : vector<16xi32>
    %get3A_869 = arith.constant 560 : index
    %get3A_870 = tpu.vector_load %arg6[%get3A_869] {strides = array<i32>} : memref<2048xi32, #tpu.memory_space<vmem>>, vector<16xi32>,
    %get3A_871 = vector.shape_cast %get3A_870 : vector<16xi32> to vector<16xi32>
    %select_n3A_872 = arith.select %lt3A_868, %get3A_871, %select_n3A_864 : vector<16xi1>, vector<16xi32>
    %swap3A_873 = arith.constant 560 : index
    %swap3A_874 = tpu.vector_load %arg7[%swap3A_873] {strides = array<i32>} : memref<2048xi32, #tpu.memory_space<vmem>>, vector<16xi32>,
    %swap3A_875 = vector.shape_cast %swap3A_874 : vector<16xi32> to vector<16xi32>
    %swap3A_876 = vector.shape_cast %select_n3A_872 : vector<16xi32> to vector<16xi32>
    tpu.vector_store %arg7[%swap3A_873], %swap3A_876 {strides = array<i32>} : memref<2048xi32, #tpu.memory_space<vmem>>, vector<16xi32>,
    %get3A_877 = arith.constant 576 : index
    %get3A_878 = tpu.vector_load %arg5[%get3A_877] {strides = array<i32>} : memref<2048xi32, #tpu.memory_space<vmem>>, vector<16xi32>,
    %get3A_879 = vector.shape_cast %get3A_878 : vector<16xi32> to vector<16xi32>
    %and3A_880 = arith.andi %get3A_879, %broadcast_in_dim3A_35 : vector<16xi32>
    %lt3A_881 = arith.cmpi slt, %get3A_879, %broadcast_in_dim3A_33 : vector<16xi32>
    %lt3A_882 = arith.constant 50256 : i32
    %lt3A_883 = vector.broadcast %lt3A_882 : i32 to vector<16xi32>
    %lt3A_884 = arith.cmpi slt, %and3A_880, %lt3A_883 : vector<16xi32>
    %and3A_885 = arith.andi %lt3A_881, %lt3A_884 : vector<16xi1>
    %select_n3A_886 = arith.select %and3A_885, %broadcast_in_dim3A_37, %and3A_880 : vector<16xi1>, vector<16xi32>
    %shift_left3A_887 = arith.constant 1 : i32
    %shift_left3A_888 = vector.broadcast %shift_left3A_887 : i32 to vector<16xi32>
    %shift_left3A_889 = arith.shli %get3A_879, %shift_left3A_888 : vector<16xi32>
    %lt3A_890 = arith.cmpi slt, %shift_left3A_889, %broadcast_in_dim3A_33 : vector<16xi32>
    %get3A_891 = arith.constant 576 : index
    %get3A_892 = tpu.vector_load %arg6[%get3A_891] {strides = array<i32>} : memref<2048xi32, #tpu.memory_space<vmem>>, vector<16xi32>,
    %get3A_893 = vector.shape_cast %get3A_892 : vector<16xi32> to vector<16xi32>
    %select_n3A_894 = arith.select %lt3A_890, %get3A_893, %select_n3A_886 : vector<16xi1>, vector<16xi32>
    %swap3A_895 = arith.constant 576 : index
    %swap3A_896 = tpu.vector_load %arg7[%swap3A_895] {strides = array<i32>} : memref<2048xi32, #tpu.memory_space<vmem>>, vector<16xi32>,
    %swap3A_897 = vector.shape_cast %swap3A_896 : vector<16xi32> to vector<16xi32>
    %swap3A_898 = vector.shape_cast %select_n3A_894 : vector<16xi32> to vector<16xi32>
    tpu.vector_store %arg7[%swap3A_895], %swap3A_898 {strides = array<i32>} : memref<2048xi32, #tpu.memory_space<vmem>>, vector<16xi32>,
    %get3A_899 = arith.constant 592 : index
    %get3A_900 = tpu.vector_load %arg5[%get3A_899] {strides = array<i32>} : memref<2048xi32, #tpu.memory_space<vmem>>, vector<16xi32>,
    %get3A_901 = vector.shape_cast %get3A_900 : vector<16xi32> to vector<16xi32>
    %and3A_902 = arith.andi %get3A_901, %broadcast_in_dim3A_35 : vector<16xi32>
    %lt3A_903 = arith.cmpi slt, %get3A_901, %broadcast_in_dim3A_33 : vector<16xi32>
    %lt3A_904 = arith.constant 50256 : i32
    %lt3A_905 = vector.broadcast %lt3A_904 : i32 to vector<16xi32>
    %lt3A_906 = arith.cmpi slt, %and3A_902, %lt3A_905 : vector<16xi32>
    %and3A_907 = arith.andi %lt3A_903, %lt3A_906 : vector<16xi1>
    %select_n3A_908 = arith.select %and3A_907, %broadcast_in_dim3A_37, %and3A_902 : vector<16xi1>, vector<16xi32>
    %shift_left3A_909 = arith.constant 1 : i32
    %shift_left3A_910 = vector.broadcast %shift_left3A_909 : i32 to vector<16xi32>
    %shift_left3A_911 = arith.shli %get3A_901, %shift_left3A_910 : vector<16xi32>
    %lt3A_912 = arith.cmpi slt, %shift_left3A_911, %broadcast_in_dim3A_33 : vector<16xi32>
    %get3A_913 = arith.constant 592 : index
    %get3A_914 = tpu.vector_load %arg6[%get3A_913] {strides = array<i32>} : memref<2048xi32, #tpu.memory_space<vmem>>, vector<16xi32>,
    %get3A_915 = vector.shape_cast %get3A_914 : vector<16xi32> to vector<16xi32>
    %select_n3A_916 = arith.select %lt3A_912, %get3A_915, %select_n3A_908 : vector<16xi1>, vector<16xi32>
    %swap3A_917 = arith.constant 592 : index
    %swap3A_918 = tpu.vector_load %arg7[%swap3A_917] {strides = array<i32>} : memref<2048xi32, #tpu.memory_space<vmem>>, vector<16xi32>,
    %swap3A_919 = vector.shape_cast %swap3A_918 : vector<16xi32> to vector<16xi32>
    %swap3A_920 = vector.shape_cast %select_n3A_916 : vector<16xi32> to vector<16xi32>
    tpu.vector_store %arg7[%swap3A_917], %swap3A_920 {strides = array<i32>} : memref<2048xi32, #tpu.memory_space<vmem>>, vector<16xi32>,
    %get3A_921 = arith.constant 608 : index
    %get3A_922 = tpu.vector_load %arg5[%get3A_921] {strides = array<i32>} : memref<2048xi32, #tpu.memory_space<vmem>>, vector<16xi32>,
    %get3A_923 = vector.shape_cast %get3A_922 : vector<16xi32> to vector<16xi32>
    %and3A_924 = arith.andi %get3A_923, %broadcast_in_dim3A_35 : vector<16xi32>
    %lt3A_925 = arith.cmpi slt, %get3A_923, %broadcast_in_dim3A_33 : vector<16xi32>
    %lt3A_926 = arith.constant 50256 : i32
    %lt3A_927 = vector.broadcast %lt3A_926 : i32 to vector<16xi32>
    %lt3A_928 = arith.cmpi slt, %and3A_924, %lt3A_927 : vector<16xi32>
    %and3A_929 = arith.andi %lt3A_925, %lt3A_928 : vector<16xi1>
    %select_n3A_930 = arith.select %and3A_929, %broadcast_in_dim3A_37, %and3A_924 : vector<16xi1>, vector<16xi32>
    %shift_left3A_931 = arith.constant 1 : i32
    %shift_left3A_932 = vector.broadcast %shift_left3A_931 : i32 to vector<16xi32>
    %shift_left3A_933 = arith.shli %get3A_923, %shift_left3A_932 : vector<16xi32>
    %lt3A_934 = arith.cmpi slt, %shift_left3A_933, %broadcast_in_dim3A_33 : vector<16xi32>
    %get3A_935 = arith.constant 608 : index
    %get3A_936 = tpu.vector_load %arg6[%get3A_935] {strides = array<i32>} : memref<2048xi32, #tpu.memory_space<vmem>>, vector<16xi32>,
    %get3A_937 = vector.shape_cast %get3A_936 : vector<16xi32> to vector<16xi32>
    %select_n3A_938 = arith.select %lt3A_934, %get3A_937, %select_n3A_930 : vector<16xi1>, vector<16xi32>
    %swap3A_939 = arith.constant 608 : index
    %swap3A_940 = tpu.vector_load %arg7[%swap3A_939] {strides = array<i32>} : memref<2048xi32, #tpu.memory_space<vmem>>, vector<16xi32>,
    %swap3A_941 = vector.shape_cast %swap3A_940 : vector<16xi32> to vector<16xi32>
    %swap3A_942 = vector.shape_cast %select_n3A_938 : vector<16xi32> to vector<16xi32>
    tpu.vector_store %arg7[%swap3A_939], %swap3A_942 {strides = array<i32>} : memref<2048xi32, #tpu.memory_space<vmem>>, vector<16xi32>,
    %get3A_943 = arith.constant 624 : index
    %get3A_944 = tpu.vector_load %arg5[%get3A_943] {strides = array<i32>} : memref<2048xi32, #tpu.memory_space<vmem>>, vector<16xi32>,
    %get3A_945 = vector.shape_cast %get3A_944 : vector<16xi32> to vector<16xi32>
    %and3A_946 = arith.andi %get3A_945, %broadcast_in_dim3A_35 : vector<16xi32>
    %lt3A_947 = arith.cmpi slt, %get3A_945, %broadcast_in_dim3A_33 : vector<16xi32>
    %lt3A_948 = arith.constant 50256 : i32
    %lt3A_949 = vector.broadcast %lt3A_948 : i32 to vector<16xi32>
    %lt3A_950 = arith.cmpi slt, %and3A_946, %lt3A_949 : vector<16xi32>
    %and3A_951 = arith.andi %lt3A_947, %lt3A_950 : vector<16xi1>
    %select_n3A_952 = arith.select %and3A_951, %broadcast_in_dim3A_37, %and3A_946 : vector<16xi1>, vector<16xi32>
    %shift_left3A_953 = arith.constant 1 : i32
    %shift_left3A_954 = vector.broadcast %shift_left3A_953 : i32 to vector<16xi32>
    %shift_left3A_955 = arith.shli %get3A_945, %shift_left3A_954 : vector<16xi32>
    %lt3A_956 = arith.cmpi slt, %shift_left3A_955, %broadcast_in_dim3A_33 : vector<16xi32>
    %get3A_957 = arith.constant 624 : index
    %get3A_958 = tpu.vector_load %arg6[%get3A_957] {strides = array<i32>} : memref<2048xi32, #tpu.memory_space<vmem>>, vector<16xi32>,
    %get3A_959 = vector.shape_cast %get3A_958 : vector<16xi32> to vector<16xi32>
    %select_n3A_960 = arith.select %lt3A_956, %get3A_959, %select_n3A_952 : vector<16xi1>, vector<16xi32>
    %swap3A_961 = arith.constant 624 : index
    %swap3A_962 = tpu.vector_load %arg7[%swap3A_961] {strides = array<i32>} : memref<2048xi32, #tpu.memory_space<vmem>>, vector<16xi32>,
    %swap3A_963 = vector.shape_cast %swap3A_962 : vector<16xi32> to vector<16xi32>
    %swap3A_964 = vector.shape_cast %select_n3A_960 : vector<16xi32> to vector<16xi32>
    tpu.vector_store %arg7[%swap3A_961], %swap3A_964 {strides = array<i32>} : memref<2048xi32, #tpu.memory_space<vmem>>, vector<16xi32>,
    %get3A_965 = arith.constant 640 : index
    %get3A_966 = tpu.vector_load %arg5[%get3A_965] {strides = array<i32>} : memref<2048xi32, #tpu.memory_space<vmem>>, vector<16xi32>,
    %get3A_967 = vector.shape_cast %get3A_966 : vector<16xi32> to vector<16xi32>
    %and3A_968 = arith.andi %get3A_967, %broadcast_in_dim3A_35 : vector<16xi32>
    %lt3A_969 = arith.cmpi slt, %get3A_967, %broadcast_in_dim3A_33 : vector<16xi32>
    %lt3A_970 = arith.constant 50256 : i32
    %lt3A_971 = vector.broadcast %lt3A_970 : i32 to vector<16xi32>
    %lt3A_972 = arith.cmpi slt, %and3A_968, %lt3A_971 : vector<16xi32>
    %and3A_973 = arith.andi %lt3A_969, %lt3A_972 : vector<16xi1>
    %select_n3A_974 = arith.select %and3A_973, %broadcast_in_dim3A_37, %and3A_968 : vector<16xi1>, vector<16xi32>
    %shift_left3A_975 = arith.constant 1 : i32
    %shift_left3A_976 = vector.broadcast %shift_left3A_975 : i32 to vector<16xi32>
    %shift_left3A_977 = arith.shli %get3A_967, %shift_left3A_976 : vector<16xi32>
    %lt3A_978 = arith.cmpi slt, %shift_left3A_977, %broadcast_in_dim3A_33 : vector<16xi32>
    %get3A_979 = arith.constant 640 : index
    %get3A_980 = tpu.vector_load %arg6[%get3A_979] {strides = array<i32>} : memref<2048xi32, #tpu.memory_space<vmem>>, vector<16xi32>,
    %get3A_981 = vector.shape_cast %get3A_980 : vector<16xi32> to vector<16xi32>
    %select_n3A_982 = arith.select %lt3A_978, %get3A_981, %select_n3A_974 : vector<16xi1>, vector<16xi32>
    %swap3A_983 = arith.constant 640 : index
    %swap3A_984 = tpu.vector_load %arg7[%swap3A_983] {strides = array<i32>} : memref<2048xi32, #tpu.memory_space<vmem>>, vector<16xi32>,
    %swap3A_985 = vector.shape_cast %swap3A_984 : vector<16xi32> to vector<16xi32>
    %swap3A_986 = vector.shape_cast %select_n3A_982 : vector<16xi32> to vector<16xi32>
    tpu.vector_store %arg7[%swap3A_983], %swap3A_986 {strides = array<i32>} : memref<2048xi32, #tpu.memory_space<vmem>>, vector<16xi32>,
    %get3A_987 = arith.constant 656 : index
    %get3A_988 = tpu.vector_load %arg5[%get3A_987] {strides = array<i32>} : memref<2048xi32, #tpu.memory_space<vmem>>, vector<16xi32>,
    %get3A_989 = vector.shape_cast %get3A_988 : vector<16xi32> to vector<16xi32>
    %and3A_990 = arith.andi %get3A_989, %broadcast_in_dim3A_35 : vector<16xi32>
    %lt3A_991 = arith.cmpi slt, %get3A_989, %broadcast_in_dim3A_33 : vector<16xi32>
    %lt3A_992 = arith.constant 50256 : i32
    %lt3A_993 = vector.broadcast %lt3A_992 : i32 to vector<16xi32>
    %lt3A_994 = arith.cmpi slt, %and3A_990, %lt3A_993 : vector<16xi32>
    %and3A_995 = arith.andi %lt3A_991, %lt3A_994 : vector<16xi1>
    %select_n3A_996 = arith.select %and3A_995, %broadcast_in_dim3A_37, %and3A_990 : vector<16xi1>, vector<16xi32>
    %shift_left3A_997 = arith.constant 1 : i32
    %shift_left3A_998 = vector.broadcast %shift_left3A_997 : i32 to vector<16xi32>
    %shift_left3A_999 = arith.shli %get3A_989, %shift_left3A_998 : vector<16xi32>
    %lt3A_1000 = arith.cmpi slt, %shift_left3A_999, %broadcast_in_dim3A_33 : vector<16xi32>
    %get3A_1001 = arith.constant 656 : index
    %get3A_1002 = tpu.vector_load %arg6[%get3A_1001] {strides = array<i32>} : memref<2048xi32, #tpu.memory_space<vmem>>, vector<16xi32>,
    %get3A_1003 = vector.shape_cast %get3A_1002 : vector<16xi32> to vector<16xi32>
    %select_n3A_1004 = arith.select %lt3A_1000, %get3A_1003, %select_n3A_996 : vector<16xi1>, vector<16xi32>
    %swap3A_1005 = arith.constant 656 : index
    %swap3A_1006 = tpu.vector_load %arg7[%swap3A_1005] {strides = array<i32>} : memref<2048xi32, #tpu.memory_space<vmem>>, vector<16xi32>,
    %swap3A_1007 = vector.shape_cast %swap3A_1006 : vector<16xi32> to vector<16xi32>
    %swap3A_1008 = vector.shape_cast %select_n3A_1004 : vector<16xi32> to vector<16xi32>
    tpu.vector_store %arg7[%swap3A_1005], %swap3A_1008 {strides = array<i32>} : memref<2048xi32, #tpu.memory_space<vmem>>, vector<16xi32>,
    %get3A_1009 = arith.constant 672 : index
    %get3A_1010 = tpu.vector_load %arg5[%get3A_1009] {strides = array<i32>} : memref<2048xi32, #tpu.memory_space<vmem>>, vector<16xi32>,
    %get3A_1011 = vector.shape_cast %get3A_1010 : vector<16xi32> to vector<16xi32>
    %and3A_1012 = arith.andi %get3A_1011, %broadcast_in_dim3A_35 : vector<16xi32>
    %lt3A_1013 = arith.cmpi slt, %get3A_1011, %broadcast_in_dim3A_33 : vector<16xi32>
    %lt3A_1014 = arith.constant 50256 : i32
    %lt3A_1015 = vector.broadcast %lt3A_1014 : i32 to vector<16xi32>
    %lt3A_1016 = arith.cmpi slt, %and3A_1012, %lt3A_1015 : vector<16xi32>
    %and3A_1017 = arith.andi %lt3A_1013, %lt3A_1016 : vector<16xi1>
    %select_n3A_1018 = arith.select %and3A_1017, %broadcast_in_dim3A_37, %and3A_1012 : vector<16xi1>, vector<16xi32>
    %shift_left3A_1019 = arith.constant 1 : i32
    %shift_left3A_1020 = vector.broadcast %shift_left3A_1019 : i32 to vector<16xi32>
    %shift_left3A_1021 = arith.shli %get3A_1011, %shift_left3A_1020 : vector<16xi32>
    %lt3A_1022 = arith.cmpi slt, %shift_left3A_1021, %broadcast_in_dim3A_33 : vector<16xi32>
    %get3A_1023 = arith.constant 672 : index
    %get3A_1024 = tpu.vector_load %arg6[%get3A_1023] {strides = array<i32>} : memref<2048xi32, #tpu.memory_space<vmem>>, vector<16xi32>,
    %get3A_1025 = vector.shape_cast %get3A_1024 : vector<16xi32> to vector<16xi32>
    %select_n3A_1026 = arith.select %lt3A_1022, %get3A_1025, %select_n3A_1018 : vector<16xi1>, vector<16xi32>
    %swap3A_1027 = arith.constant 672 : index
    %swap3A_1028 = tpu.vector_load %arg7[%swap3A_1027] {strides = array<i32>} : memref<2048xi32, #tpu.memory_space<vmem>>, vector<16xi32>,
    %swap3A_1029 = vector.shape_cast %swap3A_1028 : vector<16xi32> to vector<16xi32>
    %swap3A_1030 = vector.shape_cast %select_n3A_1026 : vector<16xi32> to vector<16xi32>
    tpu.vector_store %arg7[%swap3A_1027], %swap3A_1030 {strides = array<i32>} : memref<2048xi32, #tpu.memory_space<vmem>>, vector<16xi32>,
    %get3A_1031 = arith.constant 688 : index
    %get3A_1032 = tpu.vector_load %arg5[%get3A_1031] {strides = array<i32>} : memref<2048xi32, #tpu.memory_space<vmem>>, vector<16xi32>,
    %get3A_1033 = vector.shape_cast %get3A_1032 : vector<16xi32> to vector<16xi32>
    %and3A_1034 = arith.andi %get3A_1033, %broadcast_in_dim3A_35 : vector<16xi32>
    %lt3A_1035 = arith.cmpi slt, %get3A_1033, %broadcast_in_dim3A_33 : vector<16xi32>
    %lt3A_1036 = arith.constant 50256 : i32
    %lt3A_1037 = vector.broadcast %lt3A_1036 : i32 to vector<16xi32>
    %lt3A_1038 = arith.cmpi slt, %and3A_1034, %lt3A_1037 : vector<16xi32>
    %and3A_1039 = arith.andi %lt3A_1035, %lt3A_1038 : vector<16xi1>
    %select_n3A_1040 = arith.select %and3A_1039, %broadcast_in_dim3A_37, %and3A_1034 : vector<16xi1>, vector<16xi32>
    %shift_left3A_1041 = arith.constant 1 : i32
    %shift_left3A_1042 = vector.broadcast %shift_left3A_1041 : i32 to vector<16xi32>
    %shift_left3A_1043 = arith.shli %get3A_1033, %shift_left3A_1042 : vector<16xi32>
    %lt3A_1044 = arith.cmpi slt, %shift_left3A_1043, %broadcast_in_dim3A_33 : vector<16xi32>
    %get3A_1045 = arith.constant 688 : index
    %get3A_1046 = tpu.vector_load %arg6[%get3A_1045] {strides = array<i32>} : memref<2048xi32, #tpu.memory_space<vmem>>, vector<16xi32>,
    %get3A_1047 = vector.shape_cast %get3A_1046 : vector<16xi32> to vector<16xi32>
    %select_n3A_1048 = arith.select %lt3A_1044, %get3A_1047, %select_n3A_1040 : vector<16xi1>, vector<16xi32>
    %swap3A_1049 = arith.constant 688 : index
    %swap3A_1050 = tpu.vector_load %arg7[%swap3A_1049] {strides = array<i32>} : memref<2048xi32, #tpu.memory_space<vmem>>, vector<16xi32>,
    %swap3A_1051 = vector.shape_cast %swap3A_1050 : vector<16xi32> to vector<16xi32>
    %swap3A_1052 = vector.shape_cast %select_n3A_1048 : vector<16xi32> to vector<16xi32>
    tpu.vector_store %arg7[%swap3A_1049], %swap3A_1052 {strides = array<i32>} : memref<2048xi32, #tpu.memory_space<vmem>>, vector<16xi32>,
    %get3A_1053 = arith.constant 704 : index
    %get3A_1054 = tpu.vector_load %arg5[%get3A_1053] {strides = array<i32>} : memref<2048xi32, #tpu.memory_space<vmem>>, vector<16xi32>,
    %get3A_1055 = vector.shape_cast %get3A_1054 : vector<16xi32> to vector<16xi32>
    %and3A_1056 = arith.andi %get3A_1055, %broadcast_in_dim3A_35 : vector<16xi32>
    %lt3A_1057 = arith.cmpi slt, %get3A_1055, %broadcast_in_dim3A_33 : vector<16xi32>
    %lt3A_1058 = arith.constant 50256 : i32
    %lt3A_1059 = vector.broadcast %lt3A_1058 : i32 to vector<16xi32>
    %lt3A_1060 = arith.cmpi slt, %and3A_1056, %lt3A_1059 : vector<16xi32>
    %and3A_1061 = arith.andi %lt3A_1057, %lt3A_1060 : vector<16xi1>
    %select_n3A_1062 = arith.select %and3A_1061, %broadcast_in_dim3A_37, %and3A_1056 : vector<16xi1>, vector<16xi32>
    %shift_left3A_1063 = arith.constant 1 : i32
    %shift_left3A_1064 = vector.broadcast %shift_left3A_1063 : i32 to vector<16xi32>
    %shift_left3A_1065 = arith.shli %get3A_1055, %shift_left3A_1064 : vector<16xi32>
    %lt3A_1066 = arith.cmpi slt, %shift_left3A_1065, %broadcast_in_dim3A_33 : vector<16xi32>
    %get3A_1067 = arith.constant 704 : index
    %get3A_1068 = tpu.vector_load %arg6[%get3A_1067] {strides = array<i32>} : memref<2048xi32, #tpu.memory_space<vmem>>, vector<16xi32>,
    %get3A_1069 = vector.shape_cast %get3A_1068 : vector<16xi32> to vector<16xi32>
    %select_n3A_1070 = arith.select %lt3A_1066, %get3A_1069, %select_n3A_1062 : vector<16xi1>, vector<16xi32>
    %swap3A_1071 = arith.constant 704 : index
    %swap3A_1072 = tpu.vector_load %arg7[%swap3A_1071] {strides = array<i32>} : memref<2048xi32, #tpu.memory_space<vmem>>, vector<16xi32>,
    %swap3A_1073 = vector.shape_cast %swap3A_1072 : vector<16xi32> to vector<16xi32>
    %swap3A_1074 = vector.shape_cast %select_n3A_1070 : vector<16xi32> to vector<16xi32>
    tpu.vector_store %arg7[%swap3A_1071], %swap3A_1074 {strides = array<i32>} : memref<2048xi32, #tpu.memory_space<vmem>>, vector<16xi32>,
    %get3A_1075 = arith.constant 720 : index
    %get3A_1076 = tpu.vector_load %arg5[%get3A_1075] {strides = array<i32>} : memref<2048xi32, #tpu.memory_space<vmem>>, vector<16xi32>,
    %get3A_1077 = vector.shape_cast %get3A_1076 : vector<16xi32> to vector<16xi32>
    %and3A_1078 = arith.andi %get3A_1077, %broadcast_in_dim3A_35 : vector<16xi32>
    %lt3A_1079 = arith.cmpi slt, %get3A_1077, %broadcast_in_dim3A_33 : vector<16xi32>
    %lt3A_1080 = arith.constant 50256 : i32
    %lt3A_1081 = vector.broadcast %lt3A_1080 : i32 to vector<16xi32>
    %lt3A_1082 = arith.cmpi slt, %and3A_1078, %lt3A_1081 : vector<16xi32>
    %and3A_1083 = arith.andi %lt3A_1079, %lt3A_1082 : vector<16xi1>
    %select_n3A_1084 = arith.select %and3A_1083, %broadcast_in_dim3A_37, %and3A_1078 : vector<16xi1>, vector<16xi32>
    %shift_left3A_1085 = arith.constant 1 : i32
    %shift_left3A_1086 = vector.broadcast %shift_left3A_1085 : i32 to vector<16xi32>
    %shift_left3A_1087 = arith.shli %get3A_1077, %shift_left3A_1086 : vector<16xi32>
    %lt3A_1088 = arith.cmpi slt, %shift_left3A_1087, %broadcast_in_dim3A_33 : vector<16xi32>
    %get3A_1089 = arith.constant 720 : index
    %get3A_1090 = tpu.vector_load %arg6[%get3A_1089] {strides = array<i32>} : memref<2048xi32, #tpu.memory_space<vmem>>, vector<16xi32>,
    %get3A_1091 = vector.shape_cast %get3A_1090 : vector<16xi32> to vector<16xi32>
    %select_n3A_1092 = arith.select %lt3A_1088, %get3A_1091, %select_n3A_1084 : vector<16xi1>, vector<16xi32>
    %swap3A_1093 = arith.constant 720 : index
    %swap3A_1094 = tpu.vector_load %arg7[%swap3A_1093] {strides = array<i32>} : memref<2048xi32, #tpu.memory_space<vmem>>, vector<16xi32>,
    %swap3A_1095 = vector.shape_cast %swap3A_1094 : vector<16xi32> to vector<16xi32>
    %swap3A_1096 = vector.shape_cast %select_n3A_1092 : vector<16xi32> to vector<16xi32>
    tpu.vector_store %arg7[%swap3A_1093], %swap3A_1096 {strides = array<i32>} : memref<2048xi32, #tpu.memory_space<vmem>>, vector<16xi32>,
    %get3A_1097 = arith.constant 736 : index
    %get3A_1098 = tpu.vector_load %arg5[%get3A_1097] {strides = array<i32>} : memref<2048xi32, #tpu.memory_space<vmem>>, vector<16xi32>,
    %get3A_1099 = vector.shape_cast %get3A_1098 : vector<16xi32> to vector<16xi32>
    %and3A_1100 = arith.andi %get3A_1099, %broadcast_in_dim3A_35 : vector<16xi32>
    %lt3A_1101 = arith.cmpi slt, %get3A_1099, %broadcast_in_dim3A_33 : vector<16xi32>
    %lt3A_1102 = arith.constant 50256 : i32
    %lt3A_1103 = vector.broadcast %lt3A_1102 : i32 to vector<16xi32>
    %lt3A_1104 = arith.cmpi slt, %and3A_1100, %lt3A_1103 : vector<16xi32>
    %and3A_1105 = arith.andi %lt3A_1101, %lt3A_1104 : vector<16xi1>
    %select_n3A_1106 = arith.select %and3A_1105, %broadcast_in_dim3A_37, %and3A_1100 : vector<16xi1>, vector<16xi32>
    %shift_left3A_1107 = arith.constant 1 : i32
    %shift_left3A_1108 = vector.broadcast %shift_left3A_1107 : i32 to vector<16xi32>
    %shift_left3A_1109 = arith.shli %get3A_1099, %shift_left3A_1108 : vector<16xi32>
    %lt3A_1110 = arith.cmpi slt, %shift_left3A_1109, %broadcast_in_dim3A_33 : vector<16xi32>
    %get3A_1111 = arith.constant 736 : index
    %get3A_1112 = tpu.vector_load %arg6[%get3A_1111] {strides = array<i32>} : memref<2048xi32, #tpu.memory_space<vmem>>, vector<16xi32>,
    %get3A_1113 = vector.shape_cast %get3A_1112 : vector<16xi32> to vector<16xi32>
    %select_n3A_1114 = arith.select %lt3A_1110, %get3A_1113, %select_n3A_1106 : vector<16xi1>, vector<16xi32>
    %swap3A_1115 = arith.constant 736 : index
    %swap3A_1116 = tpu.vector_load %arg7[%swap3A_1115] {strides = array<i32>} : memref<2048xi32, #tpu.memory_space<vmem>>, vector<16xi32>,
    %swap3A_1117 = vector.shape_cast %swap3A_1116 : vector<16xi32> to vector<16xi32>
    %swap3A_1118 = vector.shape_cast %select_n3A_1114 : vector<16xi32> to vector<16xi32>
    tpu.vector_store %arg7[%swap3A_1115], %swap3A_1118 {strides = array<i32>} : memref<2048xi32, #tpu.memory_space<vmem>>, vector<16xi32>,
    %get3A_1119 = arith.constant 752 : index
    %get3A_1120 = tpu.vector_load %arg5[%get3A_1119] {strides = array<i32>} : memref<2048xi32, #tpu.memory_space<vmem>>, vector<16xi32>,
    %get3A_1121 = vector.shape_cast %get3A_1120 : vector<16xi32> to vector<16xi32>
    %and3A_1122 = arith.andi %get3A_1121, %broadcast_in_dim3A_35 : vector<16xi32>
    %lt3A_1123 = arith.cmpi slt, %get3A_1121, %broadcast_in_dim3A_33 : vector<16xi32>
    %lt3A_1124 = arith.constant 50256 : i32
    %lt3A_1125 = vector.broadcast %lt3A_1124 : i32 to vector<16xi32>
    %lt3A_1126 = arith.cmpi slt, %and3A_1122, %lt3A_1125 : vector<16xi32>
    %and3A_1127 = arith.andi %lt3A_1123, %lt3A_1126 : vector<16xi1>
    %select_n3A_1128 = arith.select %and3A_1127, %broadcast_in_dim3A_37, %and3A_1122 : vector<16xi1>, vector<16xi32>
    %shift_left3A_1129 = arith.constant 1 : i32
    %shift_left3A_1130 = vector.broadcast %shift_left3A_1129 : i32 to vector<16xi32>
    %shift_left3A_1131 = arith.shli %get3A_1121, %shift_left3A_1130 : vector<16xi32>
    %lt3A_1132 = arith.cmpi slt, %shift_left3A_1131, %broadcast_in_dim3A_33 : vector<16xi32>
    %get3A_1133 = arith.constant 752 : index
    %get3A_1134 = tpu.vector_load %arg6[%get3A_1133] {strides = array<i32>} : memref<2048xi32, #tpu.memory_space<vmem>>, vector<16xi32>,
    %get3A_1135 = vector.shape_cast %get3A_1134 : vector<16xi32> to vector<16xi32>
    %select_n3A_1136 = arith.select %lt3A_1132, %get3A_1135, %select_n3A_1128 : vector<16xi1>, vector<16xi32>
    %swap3A_1137 = arith.constant 752 : index
    %swap3A_1138 = tpu.vector_load %arg7[%swap3A_1137] {strides = array<i32>} : memref<2048xi32, #tpu.memory_space<vmem>>, vector<16xi32>,
    %swap3A_1139 = vector.shape_cast %swap3A_1138 : vector<16xi32> to vector<16xi32>
    %swap3A_1140 = vector.shape_cast %select_n3A_1136 : vector<16xi32> to vector<16xi32>
    tpu.vector_store %arg7[%swap3A_1137], %swap3A_1140 {strides = array<i32>} : memref<2048xi32, #tpu.memory_space<vmem>>, vector<16xi32>,
    %get3A_1141 = arith.constant 768 : index
    %get3A_1142 = tpu.vector_load %arg5[%get3A_1141] {strides = array<i32>} : memref<2048xi32, #tpu.memory_space<vmem>>, vector<16xi32>,
    %get3A_1143 = vector.shape_cast %get3A_1142 : vector<16xi32> to vector<16xi32>
    %and3A_1144 = arith.andi %get3A_1143, %broadcast_in_dim3A_35 : vector<16xi32>
    %lt3A_1145 = arith.cmpi slt, %get3A_1143, %broadcast_in_dim3A_33 : vector<16xi32>
    %lt3A_1146 = arith.constant 50256 : i32
    %lt3A_1147 = vector.broadcast %lt3A_1146 : i32 to vector<16xi32>
    %lt3A_1148 = arith.cmpi slt, %and3A_1144, %lt3A_1147 : vector<16xi32>
    %and3A_1149 = arith.andi %lt3A_1145, %lt3A_1148 : vector<16xi1>
    %select_n3A_1150 = arith.select %and3A_1149, %broadcast_in_dim3A_37, %and3A_1144 : vector<16xi1>, vector<16xi32>
    %shift_left3A_1151 = arith.constant 1 : i32
    %shift_left3A_1152 = vector.broadcast %shift_left3A_1151 : i32 to vector<16xi32>
    %shift_left3A_1153 = arith.shli %get3A_1143, %shift_left3A_1152 : vector<16xi32>
    %lt3A_1154 = arith.cmpi slt, %shift_left3A_1153, %broadcast_in_dim3A_33 : vector<16xi32>
    %get3A_1155 = arith.constant 768 : index
    %get3A_1156 = tpu.vector_load %arg6[%get3A_1155] {strides = array<i32>} : memref<2048xi32, #tpu.memory_space<vmem>>, vector<16xi32>,
    %get3A_1157 = vector.shape_cast %get3A_1156 : vector<16xi32> to vector<16xi32>
    %select_n3A_1158 = arith.select %lt3A_1154, %get3A_1157, %select_n3A_1150 : vector<16xi1>, vector<16xi32>
    %swap3A_1159 = arith.constant 768 : index
    %swap3A_1160 = tpu.vector_load %arg7[%swap3A_1159] {strides = array<i32>} : memref<2048xi32, #tpu.memory_space<vmem>>, vector<16xi32>,
    %swap3A_1161 = vector.shape_cast %swap3A_1160 : vector<16xi32> to vector<16xi32>
    %swap3A_1162 = vector.shape_cast %select_n3A_1158 : vector<16xi32> to vector<16xi32>
    tpu.vector_store %arg7[%swap3A_1159], %swap3A_1162 {strides = array<i32>} : memref<2048xi32, #tpu.memory_space<vmem>>, vector<16xi32>,
    %get3A_1163 = arith.constant 784 : index
    %get3A_1164 = tpu.vector_load %arg5[%get3A_1163] {strides = array<i32>} : memref<2048xi32, #tpu.memory_space<vmem>>, vector<16xi32>,
    %get3A_1165 = vector.shape_cast %get3A_1164 : vector<16xi32> to vector<16xi32>
    %and3A_1166 = arith.andi %get3A_1165, %broadcast_in_dim3A_35 : vector<16xi32>
    %lt3A_1167 = arith.cmpi slt, %get3A_1165, %broadcast_in_dim3A_33 : vector<16xi32>
    %lt3A_1168 = arith.constant 50256 : i32
    %lt3A_1169 = vector.broadcast %lt3A_1168 : i32 to vector<16xi32>
    %lt3A_1170 = arith.cmpi slt, %and3A_1166, %lt3A_1169 : vector<16xi32>
    %and3A_1171 = arith.andi %lt3A_1167, %lt3A_1170 : vector<16xi1>
    %select_n3A_1172 = arith.select %and3A_1171, %broadcast_in_dim3A_37, %and3A_1166 : vector<16xi1>, vector<16xi32>
    %shift_left3A_1173 = arith.constant 1 : i32
    %shift_left3A_1174 = vector.broadcast %shift_left3A_1173 : i32 to vector<16xi32>
    %shift_left3A_1175 = arith.shli %get3A_1165, %shift_left3A_1174 : vector<16xi32>
    %lt3A_1176 = arith.cmpi slt, %shift_left3A_1175, %broadcast_in_dim3A_33 : vector<16xi32>
    %get3A_1177 = arith.constant 784 : index
    %get3A_1178 = tpu.vector_load %arg6[%get3A_1177] {strides = array<i32>} : memref<2048xi32, #tpu.memory_space<vmem>>, vector<16xi32>,
    %get3A_1179 = vector.shape_cast %get3A_1178 : vector<16xi32> to vector<16xi32>
    %select_n3A_1180 = arith.select %lt3A_1176, %get3A_1179, %select_n3A_1172 : vector<16xi1>, vector<16xi32>
    %swap3A_1181 = arith.constant 784 : index
    %swap3A_1182 = tpu.vector_load %arg7[%swap3A_1181] {strides = array<i32>} : memref<2048xi32, #tpu.memory_space<vmem>>, vector<16xi32>,
    %swap3A_1183 = vector.shape_cast %swap3A_1182 : vector<16xi32> to vector<16xi32>
    %swap3A_1184 = vector.shape_cast %select_n3A_1180 : vector<16xi32> to vector<16xi32>
    tpu.vector_store %arg7[%swap3A_1181], %swap3A_1184 {strides = array<i32>} : memref<2048xi32, #tpu.memory_space<vmem>>, vector<16xi32>,
    %get3A_1185 = arith.constant 800 : index
    %get3A_1186 = tpu.vector_load %arg5[%get3A_1185] {strides = array<i32>} : memref<2048xi32, #tpu.memory_space<vmem>>, vector<16xi32>,
    %get3A_1187 = vector.shape_cast %get3A_1186 : vector<16xi32> to vector<16xi32>
    %and3A_1188 = arith.andi %get3A_1187, %broadcast_in_dim3A_35 : vector<16xi32>
    %lt3A_1189 = arith.cmpi slt, %get3A_1187, %broadcast_in_dim3A_33 : vector<16xi32>
    %lt3A_1190 = arith.constant 50256 : i32
    %lt3A_1191 = vector.broadcast %lt3A_1190 : i32 to vector<16xi32>
    %lt3A_1192 = arith.cmpi slt, %and3A_1188, %lt3A_1191 : vector<16xi32>
    %and3A_1193 = arith.andi %lt3A_1189, %lt3A_1192 : vector<16xi1>
    %select_n3A_1194 = arith.select %and3A_1193, %broadcast_in_dim3A_37, %and3A_1188 : vector<16xi1>, vector<16xi32>
    %shift_left3A_1195 = arith.constant 1 : i32
    %shift_left3A_1196 = vector.broadcast %shift_left3A_1195 : i32 to vector<16xi32>
    %shift_left3A_1197 = arith.shli %get3A_1187, %shift_left3A_1196 : vector<16xi32>
    %lt3A_1198 = arith.cmpi slt, %shift_left3A_1197, %broadcast_in_dim3A_33 : vector<16xi32>
    %get3A_1199 = arith.constant 800 : index
    %get3A_1200 = tpu.vector_load %arg6[%get3A_1199] {strides = array<i32>} : memref<2048xi32, #tpu.memory_space<vmem>>, vector<16xi32>,
    %get3A_1201 = vector.shape_cast %get3A_1200 : vector<16xi32> to vector<16xi32>
    %select_n3A_1202 = arith.select %lt3A_1198, %get3A_1201, %select_n3A_1194 : vector<16xi1>, vector<16xi32>
    %swap3A_1203 = arith.constant 800 : index
    %swap3A_1204 = tpu.vector_load %arg7[%swap3A_1203] {strides = array<i32>} : memref<2048xi32, #tpu.memory_space<vmem>>, vector<16xi32>,
    %swap3A_1205 = vector.shape_cast %swap3A_1204 : vector<16xi32> to vector<16xi32>
    %swap3A_1206 = vector.shape_cast %select_n3A_1202 : vector<16xi32> to vector<16xi32>
    tpu.vector_store %arg7[%swap3A_1203], %swap3A_1206 {strides = array<i32>} : memref<2048xi32, #tpu.memory_space<vmem>>, vector<16xi32>,
    %get3A_1207 = arith.constant 816 : index
    %get3A_1208 = tpu.vector_load %arg5[%get3A_1207] {strides = array<i32>} : memref<2048xi32, #tpu.memory_space<vmem>>, vector<16xi32>,
    %get3A_1209 = vector.shape_cast %get3A_1208 : vector<16xi32> to vector<16xi32>
    %and3A_1210 = arith.andi %get3A_1209, %broadcast_in_dim3A_35 : vector<16xi32>
    %lt3A_1211 = arith.cmpi slt, %get3A_1209, %broadcast_in_dim3A_33 : vector<16xi32>
    %lt3A_1212 = arith.constant 50256 : i32
    %lt3A_1213 = vector.broadcast %lt3A_1212 : i32 to vector<16xi32>
    %lt3A_1214 = arith.cmpi slt, %and3A_1210, %lt3A_1213 : vector<16xi32>
    %and3A_1215 = arith.andi %lt3A_1211, %lt3A_1214 : vector<16xi1>
    %select_n3A_1216 = arith.select %and3A_1215, %broadcast_in_dim3A_37, %and3A_1210 : vector<16xi1>, vector<16xi32>
    %shift_left3A_1217 = arith.constant 1 : i32
    %shift_left3A_1218 = vector.broadcast %shift_left3A_1217 : i32 to vector<16xi32>
    %shift_left3A_1219 = arith.shli %get3A_1209, %shift_left3A_1218 : vector<16xi32>
    %lt3A_1220 = arith.cmpi slt, %shift_left3A_1219, %broadcast_in_dim3A_33 : vector<16xi32>
    %get3A_1221 = arith.constant 816 : index
    %get3A_1222 = tpu.vector_load %arg6[%get3A_1221] {strides = array<i32>} : memref<2048xi32, #tpu.memory_space<vmem>>, vector<16xi32>,
    %get3A_1223 = vector.shape_cast %get3A_1222 : vector<16xi32> to vector<16xi32>
    %select_n3A_1224 = arith.select %lt3A_1220, %get3A_1223, %select_n3A_1216 : vector<16xi1>, vector<16xi32>
    %swap3A_1225 = arith.constant 816 : index
    %swap3A_1226 = tpu.vector_load %arg7[%swap3A_1225] {strides = array<i32>} : memref<2048xi32, #tpu.memory_space<vmem>>, vector<16xi32>,
    %swap3A_1227 = vector.shape_cast %swap3A_1226 : vector<16xi32> to vector<16xi32>
    %swap3A_1228 = vector.shape_cast %select_n3A_1224 : vector<16xi32> to vector<16xi32>
    tpu.vector_store %arg7[%swap3A_1225], %swap3A_1228 {strides = array<i32>} : memref<2048xi32, #tpu.memory_space<vmem>>, vector<16xi32>,
    %get3A_1229 = arith.constant 832 : index
    %get3A_1230 = tpu.vector_load %arg5[%get3A_1229] {strides = array<i32>} : memref<2048xi32, #tpu.memory_space<vmem>>, vector<16xi32>,
    %get3A_1231 = vector.shape_cast %get3A_1230 : vector<16xi32> to vector<16xi32>
    %and3A_1232 = arith.andi %get3A_1231, %broadcast_in_dim3A_35 : vector<16xi32>
    %lt3A_1233 = arith.cmpi slt, %get3A_1231, %broadcast_in_dim3A_33 : vector<16xi32>
    %lt3A_1234 = arith.constant 50256 : i32
    %lt3A_1235 = vector.broadcast %lt3A_1234 : i32 to vector<16xi32>
    %lt3A_1236 = arith.cmpi slt, %and3A_1232, %lt3A_1235 : vector<16xi32>
    %and3A_1237 = arith.andi %lt3A_1233, %lt3A_1236 : vector<16xi1>
    %select_n3A_1238 = arith.select %and3A_1237, %broadcast_in_dim3A_37, %and3A_1232 : vector<16xi1>, vector<16xi32>
    %shift_left3A_1239 = arith.constant 1 : i32
    %shift_left3A_1240 = vector.broadcast %shift_left3A_1239 : i32 to vector<16xi32>
    %shift_left3A_1241 = arith.shli %get3A_1231, %shift_left3A_1240 : vector<16xi32>
    %lt3A_1242 = arith.cmpi slt, %shift_left3A_1241, %broadcast_in_dim3A_33 : vector<16xi32>
    %get3A_1243 = arith.constant 832 : index
    %get3A_1244 = tpu.vector_load %arg6[%get3A_1243] {strides = array<i32>} : memref<2048xi32, #tpu.memory_space<vmem>>, vector<16xi32>,
    %get3A_1245 = vector.shape_cast %get3A_1244 : vector<16xi32> to vector<16xi32>
    %select_n3A_1246 = arith.select %lt3A_1242, %get3A_1245, %select_n3A_1238 : vector<16xi1>, vector<16xi32>
    %swap3A_1247 = arith.constant 832 : index
    %swap3A_1248 = tpu.vector_load %arg7[%swap3A_1247] {strides = array<i32>} : memref<2048xi32, #tpu.memory_space<vmem>>, vector<16xi32>,
    %swap3A_1249 = vector.shape_cast %swap3A_1248 : vector<16xi32> to vector<16xi32>
    %swap3A_1250 = vector.shape_cast %select_n3A_1246 : vector<16xi32> to vector<16xi32>
    tpu.vector_store %arg7[%swap3A_1247], %swap3A_1250 {strides = array<i32>} : memref<2048xi32, #tpu.memory_space<vmem>>, vector<16xi32>,
    %get3A_1251 = arith.constant 848 : index
    %get3A_1252 = tpu.vector_load %arg5[%get3A_1251] {strides = array<i32>} : memref<2048xi32, #tpu.memory_space<vmem>>, vector<16xi32>,
    %get3A_1253 = vector.shape_cast %get3A_1252 : vector<16xi32> to vector<16xi32>
    %and3A_1254 = arith.andi %get3A_1253, %broadcast_in_dim3A_35 : vector<16xi32>
    %lt3A_1255 = arith.cmpi slt, %get3A_1253, %broadcast_in_dim3A_33 : vector<16xi32>
    %lt3A_1256 = arith.constant 50256 : i32
    %lt3A_1257 = vector.broadcast %lt3A_1256 : i32 to vector<16xi32>
    %lt3A_1258 = arith.cmpi slt, %and3A_1254, %lt3A_1257 : vector<16xi32>
    %and3A_1259 = arith.andi %lt3A_1255, %lt3A_1258 : vector<16xi1>
    %select_n3A_1260 = arith.select %and3A_1259, %broadcast_in_dim3A_37, %and3A_1254 : vector<16xi1>, vector<16xi32>
    %shift_left3A_1261 = arith.constant 1 : i32
    %shift_left3A_1262 = vector.broadcast %shift_left3A_1261 : i32 to vector<16xi32>
    %shift_left3A_1263 = arith.shli %get3A_1253, %shift_left3A_1262 : vector<16xi32>
    %lt3A_1264 = arith.cmpi slt, %shift_left3A_1263, %broadcast_in_dim3A_33 : vector<16xi32>
    %get3A_1265 = arith.constant 848 : index
    %get3A_1266 = tpu.vector_load %arg6[%get3A_1265] {strides = array<i32>} : memref<2048xi32, #tpu.memory_space<vmem>>, vector<16xi32>,
    %get3A_1267 = vector.shape_cast %get3A_1266 : vector<16xi32> to vector<16xi32>
    %select_n3A_1268 = arith.select %lt3A_1264, %get3A_1267, %select_n3A_1260 : vector<16xi1>, vector<16xi32>
    %swap3A_1269 = arith.constant 848 : index
    %swap3A_1270 = tpu.vector_load %arg7[%swap3A_1269] {strides = array<i32>} : memref<2048xi32, #tpu.memory_space<vmem>>, vector<16xi32>,
    %swap3A_1271 = vector.shape_cast %swap3A_1270 : vector<16xi32> to vector<16xi32>
    %swap3A_1272 = vector.shape_cast %select_n3A_1268 : vector<16xi32> to vector<16xi32>
    tpu.vector_store %arg7[%swap3A_1269], %swap3A_1272 {strides = array<i32>} : memref<2048xi32, #tpu.memory_space<vmem>>, vector<16xi32>,
    %get3A_1273 = arith.constant 864 : index
    %get3A_1274 = tpu.vector_load %arg5[%get3A_1273] {strides = array<i32>} : memref<2048xi32, #tpu.memory_space<vmem>>, vector<16xi32>,
    %get3A_1275 = vector.shape_cast %get3A_1274 : vector<16xi32> to vector<16xi32>
    %and3A_1276 = arith.andi %get3A_1275, %broadcast_in_dim3A_35 : vector<16xi32>
    %lt3A_1277 = arith.cmpi slt, %get3A_1275, %broadcast_in_dim3A_33 : vector<16xi32>
    %lt3A_1278 = arith.constant 50256 : i32
    %lt3A_1279 = vector.broadcast %lt3A_1278 : i32 to vector<16xi32>
    %lt3A_1280 = arith.cmpi slt, %and3A_1276, %lt3A_1279 : vector<16xi32>
    %and3A_1281 = arith.andi %lt3A_1277, %lt3A_1280 : vector<16xi1>
    %select_n3A_1282 = arith.select %and3A_1281, %broadcast_in_dim3A_37, %and3A_1276 : vector<16xi1>, vector<16xi32>
    %shift_left3A_1283 = arith.constant 1 : i32
    %shift_left3A_1284 = vector.broadcast %shift_left3A_1283 : i32 to vector<16xi32>
    %shift_left3A_1285 = arith.shli %get3A_1275, %shift_left3A_1284 : vector<16xi32>
    %lt3A_1286 = arith.cmpi slt, %shift_left3A_1285, %broadcast_in_dim3A_33 : vector<16xi32>
    %get3A_1287 = arith.constant 864 : index
    %get3A_1288 = tpu.vector_load %arg6[%get3A_1287] {strides = array<i32>} : memref<2048xi32, #tpu.memory_space<vmem>>, vector<16xi32>,
    %get3A_1289 = vector.shape_cast %get3A_1288 : vector<16xi32> to vector<16xi32>
    %select_n3A_1290 = arith.select %lt3A_1286, %get3A_1289, %select_n3A_1282 : vector<16xi1>, vector<16xi32>
    %swap3A_1291 = arith.constant 864 : index
    %swap3A_1292 = tpu.vector_load %arg7[%swap3A_1291] {strides = array<i32>} : memref<2048xi32, #tpu.memory_space<vmem>>, vector<16xi32>,
    %swap3A_1293 = vector.shape_cast %swap3A_1292 : vector<16xi32> to vector<16xi32>
    %swap3A_1294 = vector.shape_cast %select_n3A_1290 : vector<16xi32> to vector<16xi32>
    tpu.vector_store %arg7[%swap3A_1291], %swap3A_1294 {strides = array<i32>} : memref<2048xi32, #tpu.memory_space<vmem>>, vector<16xi32>,
    %get3A_1295 = arith.constant 880 : index
    %get3A_1296 = tpu.vector_load %arg5[%get3A_1295] {strides = array<i32>} : memref<2048xi32, #tpu.memory_space<vmem>>, vector<16xi32>,
    %get3A_1297 = vector.shape_cast %get3A_1296 : vector<16xi32> to vector<16xi32>
    %and3A_1298 = arith.andi %get3A_1297, %broadcast_in_dim3A_35 : vector<16xi32>
    %lt3A_1299 = arith.cmpi slt, %get3A_1297, %broadcast_in_dim3A_33 : vector<16xi32>
    %lt3A_1300 = arith.constant 50256 : i32
    %lt3A_1301 = vector.broadcast %lt3A_1300 : i32 to vector<16xi32>
    %lt3A_1302 = arith.cmpi slt, %and3A_1298, %lt3A_1301 : vector<16xi32>
    %and3A_1303 = arith.andi %lt3A_1299, %lt3A_1302 : vector<16xi1>
    %select_n3A_1304 = arith.select %and3A_1303, %broadcast_in_dim3A_37, %and3A_1298 : vector<16xi1>, vector<16xi32>
    %shift_left3A_1305 = arith.constant 1 : i32
    %shift_left3A_1306 = vector.broadcast %shift_left3A_1305 : i32 to vector<16xi32>
    %shift_left3A_1307 = arith.shli %get3A_1297, %shift_left3A_1306 : vector<16xi32>
    %lt3A_1308 = arith.cmpi slt, %shift_left3A_1307, %broadcast_in_dim3A_33 : vector<16xi32>
    %get3A_1309 = arith.constant 880 : index
    %get3A_1310 = tpu.vector_load %arg6[%get3A_1309] {strides = array<i32>} : memref<2048xi32, #tpu.memory_space<vmem>>, vector<16xi32>,
    %get3A_1311 = vector.shape_cast %get3A_1310 : vector<16xi32> to vector<16xi32>
    %select_n3A_1312 = arith.select %lt3A_1308, %get3A_1311, %select_n3A_1304 : vector<16xi1>, vector<16xi32>
    %swap3A_1313 = arith.constant 880 : index
    %swap3A_1314 = tpu.vector_load %arg7[%swap3A_1313] {strides = array<i32>} : memref<2048xi32, #tpu.memory_space<vmem>>, vector<16xi32>,
    %swap3A_1315 = vector.shape_cast %swap3A_1314 : vector<16xi32> to vector<16xi32>
    %swap3A_1316 = vector.shape_cast %select_n3A_1312 : vector<16xi32> to vector<16xi32>
    tpu.vector_store %arg7[%swap3A_1313], %swap3A_1316 {strides = array<i32>} : memref<2048xi32, #tpu.memory_space<vmem>>, vector<16xi32>,
    %get3A_1317 = arith.constant 896 : index
    %get3A_1318 = tpu.vector_load %arg5[%get3A_1317] {strides = array<i32>} : memref<2048xi32, #tpu.memory_space<vmem>>, vector<16xi32>,
    %get3A_1319 = vector.shape_cast %get3A_1318 : vector<16xi32> to vector<16xi32>
    %and3A_1320 = arith.andi %get3A_1319, %broadcast_in_dim3A_35 : vector<16xi32>
    %lt3A_1321 = arith.cmpi slt, %get3A_1319, %broadcast_in_dim3A_33 : vector<16xi32>
    %lt3A_1322 = arith.constant 50256 : i32
    %lt3A_1323 = vector.broadcast %lt3A_1322 : i32 to vector<16xi32>
    %lt3A_1324 = arith.cmpi slt, %and3A_1320, %lt3A_1323 : vector<16xi32>
    %and3A_1325 = arith.andi %lt3A_1321, %lt3A_1324 : vector<16xi1>
    %select_n3A_1326 = arith.select %and3A_1325, %broadcast_in_dim3A_37, %and3A_1320 : vector<16xi1>, vector<16xi32>
    %shift_left3A_1327 = arith.constant 1 : i32
    %shift_left3A_1328 = vector.broadcast %shift_left3A_1327 : i32 to vector<16xi32>
    %shift_left3A_1329 = arith.shli %get3A_1319, %shift_left3A_1328 : vector<16xi32>
    %lt3A_1330 = arith.cmpi slt, %shift_left3A_1329, %broadcast_in_dim3A_33 : vector<16xi32>
    %get3A_1331 = arith.constant 896 : index
    %get3A_1332 = tpu.vector_load %arg6[%get3A_1331] {strides = array<i32>} : memref<2048xi32, #tpu.memory_space<vmem>>, vector<16xi32>,
    %get3A_1333 = vector.shape_cast %get3A_1332 : vector<16xi32> to vector<16xi32>
    %select_n3A_1334 = arith.select %lt3A_1330, %get3A_1333, %select_n3A_1326 : vector<16xi1>, vector<16xi32>
    %swap3A_1335 = arith.constant 896 : index
    %swap3A_1336 = tpu.vector_load %arg7[%swap3A_1335] {strides = array<i32>} : memref<2048xi32, #tpu.memory_space<vmem>>, vector<16xi32>,
    %swap3A_1337 = vector.shape_cast %swap3A_1336 : vector<16xi32> to vector<16xi32>
    %swap3A_1338 = vector.shape_cast %select_n3A_1334 : vector<16xi32> to vector<16xi32>
    tpu.vector_store %arg7[%swap3A_1335], %swap3A_1338 {strides = array<i32>} : memref<2048xi32, #tpu.memory_space<vmem>>, vector<16xi32>,
    %get3A_1339 = arith.constant 912 : index
    %get3A_1340 = tpu.vector_load %arg5[%get3A_1339] {strides = array<i32>} : memref<2048xi32, #tpu.memory_space<vmem>>, vector<16xi32>,
    %get3A_1341 = vector.shape_cast %get3A_1340 : vector<16xi32> to vector<16xi32>
    %and3A_1342 = arith.andi %get3A_1341, %broadcast_in_dim3A_35 : vector<16xi32>
    %lt3A_1343 = arith.cmpi slt, %get3A_1341, %broadcast_in_dim3A_33 : vector<16xi32>
    %lt3A_1344 = arith.constant 50256 : i32
    %lt3A_1345 = vector.broadcast %lt3A_1344 : i32 to vector<16xi32>
    %lt3A_1346 = arith.cmpi slt, %and3A_1342, %lt3A_1345 : vector<16xi32>
    %and3A_1347 = arith.andi %lt3A_1343, %lt3A_1346 : vector<16xi1>
    %select_n3A_1348 = arith.select %and3A_1347, %broadcast_in_dim3A_37, %and3A_1342 : vector<16xi1>, vector<16xi32>
    %shift_left3A_1349 = arith.constant 1 : i32
    %shift_left3A_1350 = vector.broadcast %shift_left3A_1349 : i32 to vector<16xi32>
    %shift_left3A_1351 = arith.shli %get3A_1341, %shift_left3A_1350 : vector<16xi32>
    %lt3A_1352 = arith.cmpi slt, %shift_left3A_1351, %broadcast_in_dim3A_33 : vector<16xi32>
    %get3A_1353 = arith.constant 912 : index
    %get3A_1354 = tpu.vector_load %arg6[%get3A_1353] {strides = array<i32>} : memref<2048xi32, #tpu.memory_space<vmem>>, vector<16xi32>,
    %get3A_1355 = vector.shape_cast %get3A_1354 : vector<16xi32> to vector<16xi32>
    %select_n3A_1356 = arith.select %lt3A_1352, %get3A_1355, %select_n3A_1348 : vector<16xi1>, vector<16xi32>
    %swap3A_1357 = arith.constant 912 : index
    %swap3A_1358 = tpu.vector_load %arg7[%swap3A_1357] {strides = array<i32>} : memref<2048xi32, #tpu.memory_space<vmem>>, vector<16xi32>,
    %swap3A_1359 = vector.shape_cast %swap3A_1358 : vector<16xi32> to vector<16xi32>
    %swap3A_1360 = vector.shape_cast %select_n3A_1356 : vector<16xi32> to vector<16xi32>
    tpu.vector_store %arg7[%swap3A_1357], %swap3A_1360 {strides = array<i32>} : memref<2048xi32, #tpu.memory_space<vmem>>, vector<16xi32>,
    %get3A_1361 = arith.constant 928 : index
    %get3A_1362 = tpu.vector_load %arg5[%get3A_1361] {strides = array<i32>} : memref<2048xi32, #tpu.memory_space<vmem>>, vector<16xi32>,
    %get3A_1363 = vector.shape_cast %get3A_1362 : vector<16xi32> to vector<16xi32>
    %and3A_1364 = arith.andi %get3A_1363, %broadcast_in_dim3A_35 : vector<16xi32>
    %lt3A_1365 = arith.cmpi slt, %get3A_1363, %broadcast_in_dim3A_33 : vector<16xi32>
    %lt3A_1366 = arith.constant 50256 : i32
    %lt3A_1367 = vector.broadcast %lt3A_1366 : i32 to vector<16xi32>
    %lt3A_1368 = arith.cmpi slt, %and3A_1364, %lt3A_1367 : vector<16xi32>
    %and3A_1369 = arith.andi %lt3A_1365, %lt3A_1368 : vector<16xi1>
    %select_n3A_1370 = arith.select %and3A_1369, %broadcast_in_dim3A_37, %and3A_1364 : vector<16xi1>, vector<16xi32>
    %shift_left3A_1371 = arith.constant 1 : i32
    %shift_left3A_1372 = vector.broadcast %shift_left3A_1371 : i32 to vector<16xi32>
    %shift_left3A_1373 = arith.shli %get3A_1363, %shift_left3A_1372 : vector<16xi32>
    %lt3A_1374 = arith.cmpi slt, %shift_left3A_1373, %broadcast_in_dim3A_33 : vector<16xi32>
    %get3A_1375 = arith.constant 928 : index
    %get3A_1376 = tpu.vector_load %arg6[%get3A_1375] {strides = array<i32>} : memref<2048xi32, #tpu.memory_space<vmem>>, vector<16xi32>,
    %get3A_1377 = vector.shape_cast %get3A_1376 : vector<16xi32> to vector<16xi32>
    %select_n3A_1378 = arith.select %lt3A_1374, %get3A_1377, %select_n3A_1370 : vector<16xi1>, vector<16xi32>
    %swap3A_1379 = arith.constant 928 : index
    %swap3A_1380 = tpu.vector_load %arg7[%swap3A_1379] {strides = array<i32>} : memref<2048xi32, #tpu.memory_space<vmem>>, vector<16xi32>,
    %swap3A_1381 = vector.shape_cast %swap3A_1380 : vector<16xi32> to vector<16xi32>
    %swap3A_1382 = vector.shape_cast %select_n3A_1378 : vector<16xi32> to vector<16xi32>
    tpu.vector_store %arg7[%swap3A_1379], %swap3A_1382 {strides = array<i32>} : memref<2048xi32, #tpu.memory_space<vmem>>, vector<16xi32>,
    %get3A_1383 = arith.constant 944 : index
    %get3A_1384 = tpu.vector_load %arg5[%get3A_1383] {strides = array<i32>} : memref<2048xi32, #tpu.memory_space<vmem>>, vector<16xi32>,
    %get3A_1385 = vector.shape_cast %get3A_1384 : vector<16xi32> to vector<16xi32>
    %and3A_1386 = arith.andi %get3A_1385, %broadcast_in_dim3A_35 : vector<16xi32>
    %lt3A_1387 = arith.cmpi slt, %get3A_1385, %broadcast_in_dim3A_33 : vector<16xi32>
    %lt3A_1388 = arith.constant 50256 : i32
    %lt3A_1389 = vector.broadcast %lt3A_1388 : i32 to vector<16xi32>
    %lt3A_1390 = arith.cmpi slt, %and3A_1386, %lt3A_1389 : vector<16xi32>
    %and3A_1391 = arith.andi %lt3A_1387, %lt3A_1390 : vector<16xi1>
    %select_n3A_1392 = arith.select %and3A_1391, %broadcast_in_dim3A_37, %and3A_1386 : vector<16xi1>, vector<16xi32>
    %shift_left3A_1393 = arith.constant 1 : i32
    %shift_left3A_1394 = vector.broadcast %shift_left3A_1393 : i32 to vector<16xi32>
    %shift_left3A_1395 = arith.shli %get3A_1385, %shift_left3A_1394 : vector<16xi32>
    %lt3A_1396 = arith.cmpi slt, %shift_left3A_1395, %broadcast_in_dim3A_33 : vector<16xi32>
    %get3A_1397 = arith.constant 944 : index
    %get3A_1398 = tpu.vector_load %arg6[%get3A_1397] {strides = array<i32>} : memref<2048xi32, #tpu.memory_space<vmem>>, vector<16xi32>,
    %get3A_1399 = vector.shape_cast %get3A_1398 : vector<16xi32> to vector<16xi32>
    %select_n3A_1400 = arith.select %lt3A_1396, %get3A_1399, %select_n3A_1392 : vector<16xi1>, vector<16xi32>
    %swap3A_1401 = arith.constant 944 : index
    %swap3A_1402 = tpu.vector_load %arg7[%swap3A_1401] {strides = array<i32>} : memref<2048xi32, #tpu.memory_space<vmem>>, vector<16xi32>,
    %swap3A_1403 = vector.shape_cast %swap3A_1402 : vector<16xi32> to vector<16xi32>
    %swap3A_1404 = vector.shape_cast %select_n3A_1400 : vector<16xi32> to vector<16xi32>
    tpu.vector_store %arg7[%swap3A_1401], %swap3A_1404 {strides = array<i32>} : memref<2048xi32, #tpu.memory_space<vmem>>, vector<16xi32>,
    %get3A_1405 = arith.constant 960 : index
    %get3A_1406 = tpu.vector_load %arg5[%get3A_1405] {strides = array<i32>} : memref<2048xi32, #tpu.memory_space<vmem>>, vector<16xi32>,
    %get3A_1407 = vector.shape_cast %get3A_1406 : vector<16xi32> to vector<16xi32>
    %and3A_1408 = arith.andi %get3A_1407, %broadcast_in_dim3A_35 : vector<16xi32>
    %lt3A_1409 = arith.cmpi slt, %get3A_1407, %broadcast_in_dim3A_33 : vector<16xi32>
    %lt3A_1410 = arith.constant 50256 : i32
    %lt3A_1411 = vector.broadcast %lt3A_1410 : i32 to vector<16xi32>
    %lt3A_1412 = arith.cmpi slt, %and3A_1408, %lt3A_1411 : vector<16xi32>
    %and3A_1413 = arith.andi %lt3A_1409, %lt3A_1412 : vector<16xi1>
    %select_n3A_1414 = arith.select %and3A_1413, %broadcast_in_dim3A_37, %and3A_1408 : vector<16xi1>, vector<16xi32>
    %shift_left3A_1415 = arith.constant 1 : i32
    %shift_left3A_1416 = vector.broadcast %shift_left3A_1415 : i32 to vector<16xi32>
    %shift_left3A_1417 = arith.shli %get3A_1407, %shift_left3A_1416 : vector<16xi32>
    %lt3A_1418 = arith.cmpi slt, %shift_left3A_1417, %broadcast_in_dim3A_33 : vector<16xi32>
    %get3A_1419 = arith.constant 960 : index
    %get3A_1420 = tpu.vector_load %arg6[%get3A_1419] {strides = array<i32>} : memref<2048xi32, #tpu.memory_space<vmem>>, vector<16xi32>,
    %get3A_1421 = vector.shape_cast %get3A_1420 : vector<16xi32> to vector<16xi32>
    %select_n3A_1422 = arith.select %lt3A_1418, %get3A_1421, %select_n3A_1414 : vector<16xi1>, vector<16xi32>
    %swap3A_1423 = arith.constant 960 : index
    %swap3A_1424 = tpu.vector_load %arg7[%swap3A_1423] {strides = array<i32>} : memref<2048xi32, #tpu.memory_space<vmem>>, vector<16xi32>,
    %swap3A_1425 = vector.shape_cast %swap3A_1424 : vector<16xi32> to vector<16xi32>
    %swap3A_1426 = vector.shape_cast %select_n3A_1422 : vector<16xi32> to vector<16xi32>
    tpu.vector_store %arg7[%swap3A_1423], %swap3A_1426 {strides = array<i32>} : memref<2048xi32, #tpu.memory_space<vmem>>, vector<16xi32>,
    %get3A_1427 = arith.constant 976 : index
    %get3A_1428 = tpu.vector_load %arg5[%get3A_1427] {strides = array<i32>} : memref<2048xi32, #tpu.memory_space<vmem>>, vector<16xi32>,
    %get3A_1429 = vector.shape_cast %get3A_1428 : vector<16xi32> to vector<16xi32>
    %and3A_1430 = arith.andi %get3A_1429, %broadcast_in_dim3A_35 : vector<16xi32>
    %lt3A_1431 = arith.cmpi slt, %get3A_1429, %broadcast_in_dim3A_33 : vector<16xi32>
    %lt3A_1432 = arith.constant 50256 : i32
    %lt3A_1433 = vector.broadcast %lt3A_1432 : i32 to vector<16xi32>
    %lt3A_1434 = arith.cmpi slt, %and3A_1430, %lt3A_1433 : vector<16xi32>
    %and3A_1435 = arith.andi %lt3A_1431, %lt3A_1434 : vector<16xi1>
    %select_n3A_1436 = arith.select %and3A_1435, %broadcast_in_dim3A_37, %and3A_1430 : vector<16xi1>, vector<16xi32>
    %shift_left3A_1437 = arith.constant 1 : i32
    %shift_left3A_1438 = vector.broadcast %shift_left3A_1437 : i32 to vector<16xi32>
    %shift_left3A_1439 = arith.shli %get3A_1429, %shift_left3A_1438 : vector<16xi32>
    %lt3A_1440 = arith.cmpi slt, %shift_left3A_1439, %broadcast_in_dim3A_33 : vector<16xi32>
    %get3A_1441 = arith.constant 976 : index
    %get3A_1442 = tpu.vector_load %arg6[%get3A_1441] {strides = array<i32>} : memref<2048xi32, #tpu.memory_space<vmem>>, vector<16xi32>,
    %get3A_1443 = vector.shape_cast %get3A_1442 : vector<16xi32> to vector<16xi32>
    %select_n3A_1444 = arith.select %lt3A_1440, %get3A_1443, %select_n3A_1436 : vector<16xi1>, vector<16xi32>
    %swap3A_1445 = arith.constant 976 : index
    %swap3A_1446 = tpu.vector_load %arg7[%swap3A_1445] {strides = array<i32>} : memref<2048xi32, #tpu.memory_space<vmem>>, vector<16xi32>,
    %swap3A_1447 = vector.shape_cast %swap3A_1446 : vector<16xi32> to vector<16xi32>
    %swap3A_1448 = vector.shape_cast %select_n3A_1444 : vector<16xi32> to vector<16xi32>
    tpu.vector_store %arg7[%swap3A_1445], %swap3A_1448 {strides = array<i32>} : memref<2048xi32, #tpu.memory_space<vmem>>, vector<16xi32>,
    %get3A_1449 = arith.constant 992 : index
    %get3A_1450 = tpu.vector_load %arg5[%get3A_1449] {strides = array<i32>} : memref<2048xi32, #tpu.memory_space<vmem>>, vector<16xi32>,
    %get3A_1451 = vector.shape_cast %get3A_1450 : vector<16xi32> to vector<16xi32>
    %and3A_1452 = arith.andi %get3A_1451, %broadcast_in_dim3A_35 : vector<16xi32>
    %lt3A_1453 = arith.cmpi slt, %get3A_1451, %broadcast_in_dim3A_33 : vector<16xi32>
    %lt3A_1454 = arith.constant 50256 : i32
    %lt3A_1455 = vector.broadcast %lt3A_1454 : i32 to vector<16xi32>
    %lt3A_1456 = arith.cmpi slt, %and3A_1452, %lt3A_1455 : vector<16xi32>
    %and3A_1457 = arith.andi %lt3A_1453, %lt3A_1456 : vector<16xi1>
    %select_n3A_1458 = arith.select %and3A_1457, %broadcast_in_dim3A_37, %and3A_1452 : vector<16xi1>, vector<16xi32>
    %shift_left3A_1459 = arith.constant 1 : i32
    %shift_left3A_1460 = vector.broadcast %shift_left3A_1459 : i32 to vector<16xi32>
    %shift_left3A_1461 = arith.shli %get3A_1451, %shift_left3A_1460 : vector<16xi32>
    %lt3A_1462 = arith.cmpi slt, %shift_left3A_1461, %broadcast_in_dim3A_33 : vector<16xi32>
    %get3A_1463 = arith.constant 992 : index
    %get3A_1464 = tpu.vector_load %arg6[%get3A_1463] {strides = array<i32>} : memref<2048xi32, #tpu.memory_space<vmem>>, vector<16xi32>,
    %get3A_1465 = vector.shape_cast %get3A_1464 : vector<16xi32> to vector<16xi32>
    %select_n3A_1466 = arith.select %lt3A_1462, %get3A_1465, %select_n3A_1458 : vector<16xi1>, vector<16xi32>
    %swap3A_1467 = arith.constant 992 : index
    %swap3A_1468 = tpu.vector_load %arg7[%swap3A_1467] {strides = array<i32>} : memref<2048xi32, #tpu.memory_space<vmem>>, vector<16xi32>,
    %swap3A_1469 = vector.shape_cast %swap3A_1468 : vector<16xi32> to vector<16xi32>
    %swap3A_1470 = vector.shape_cast %select_n3A_1466 : vector<16xi32> to vector<16xi32>
    tpu.vector_store %arg7[%swap3A_1467], %swap3A_1470 {strides = array<i32>} : memref<2048xi32, #tpu.memory_space<vmem>>, vector<16xi32>,
    %get3A_1471 = arith.constant 1008 : index
    %get3A_1472 = tpu.vector_load %arg5[%get3A_1471] {strides = array<i32>} : memref<2048xi32, #tpu.memory_space<vmem>>, vector<16xi32>,
    %get3A_1473 = vector.shape_cast %get3A_1472 : vector<16xi32> to vector<16xi32>
    %and3A_1474 = arith.andi %get3A_1473, %broadcast_in_dim3A_35 : vector<16xi32>
    %lt3A_1475 = arith.cmpi slt, %get3A_1473, %broadcast_in_dim3A_33 : vector<16xi32>
    %lt3A_1476 = arith.constant 50256 : i32
    %lt3A_1477 = vector.broadcast %lt3A_1476 : i32 to vector<16xi32>
    %lt3A_1478 = arith.cmpi slt, %and3A_1474, %lt3A_1477 : vector<16xi32>
    %and3A_1479 = arith.andi %lt3A_1475, %lt3A_1478 : vector<16xi1>
    %select_n3A_1480 = arith.select %and3A_1479, %broadcast_in_dim3A_37, %and3A_1474 : vector<16xi1>, vector<16xi32>
    %shift_left3A_1481 = arith.constant 1 : i32
    %shift_left3A_1482 = vector.broadcast %shift_left3A_1481 : i32 to vector<16xi32>
    %shift_left3A_1483 = arith.shli %get3A_1473, %shift_left3A_1482 : vector<16xi32>
    %lt3A_1484 = arith.cmpi slt, %shift_left3A_1483, %broadcast_in_dim3A_33 : vector<16xi32>
    %get3A_1485 = arith.constant 1008 : index
    %get3A_1486 = tpu.vector_load %arg6[%get3A_1485] {strides = array<i32>} : memref<2048xi32, #tpu.memory_space<vmem>>, vector<16xi32>,
    %get3A_1487 = vector.shape_cast %get3A_1486 : vector<16xi32> to vector<16xi32>
    %select_n3A_1488 = arith.select %lt3A_1484, %get3A_1487, %select_n3A_1480 : vector<16xi1>, vector<16xi32>
    %swap3A_1489 = arith.constant 1008 : index
    %swap3A_1490 = tpu.vector_load %arg7[%swap3A_1489] {strides = array<i32>} : memref<2048xi32, #tpu.memory_space<vmem>>, vector<16xi32>,
    %swap3A_1491 = vector.shape_cast %swap3A_1490 : vector<16xi32> to vector<16xi32>
    %swap3A_1492 = vector.shape_cast %select_n3A_1488 : vector<16xi32> to vector<16xi32>
    tpu.vector_store %arg7[%swap3A_1489], %swap3A_1492 {strides = array<i32>} : memref<2048xi32, #tpu.memory_space<vmem>>, vector<16xi32>,
    %add3A_1493 = arith.constant 0 : i32
    %add3A_1494 = arith.addi %mul3A_32, %add3A_1493 : i32
    %dma_start3A_1495 = arith.constant 0 : i32
    %dma_start3A_1496 = tpu.memref_slice %arg7[%dma_start3A_1495] : memref<2048xi32, #tpu.memory_space<vmem>> -> memref<1024xi32, #tpu.memory_space<vmem>>
    %dma_start3A_1497 = tpu.memref_slice %arg4[%select_n3A, %add3A_1494] : memref<4x8192xi32, #tpu.memory_space<hbm>> -> memref<1x1024xi32, #tpu.memory_space<hbm>>
    %dma_start3A_1498 = tpu.memref_squeeze %dma_start3A_1497 : memref<1x1024xi32, #tpu.memory_space<hbm>> -> memref<1024xi32, #tpu.memory_space<hbm>>
    %dma_start3A_1499 = tpu.memref_slice %arg4[%select_n3A, %add3A_1494] : memref<4x8192xi32, #tpu.memory_space<hbm>> -> memref<1x1024xi32, #tpu.memory_space<hbm>>
    %dma_start3A_1500 = tpu.memref_squeeze %dma_start3A_1499 : memref<1x1024xi32, #tpu.memory_space<hbm>> -> memref<1024xi32, #tpu.memory_space<hbm>>
    %dma_start3A_1501 = arith.constant 0 : i32
    %dma_start3A_1502 = tpu.memref_slice %arg7[%dma_start3A_1501] : memref<2048xi32, #tpu.memory_space<vmem>> -> memref<1024xi32, #tpu.memory_space<vmem>>
    tpu.enqueue_dma source(%dma_start3A_1502 : memref<1024xi32, #tpu.memory_space<vmem>>) target(%dma_start3A_1500 : memref<1024xi32, #tpu.memory_space<hbm>>) target_semaphore(%arg10 : memref<!tpu.dma_semaphore, #tpu.memory_space<semaphore_mem>>)
    %dma_wait3A_1503 = arith.constant 1024 : i32
    %dma_wait3A_1504 = tpu.memref_slice %arg5[%dma_wait3A_1503] : memref<2048xi32, #tpu.memory_space<vmem>> -> memref<1024xi32, #tpu.memory_space<vmem>>
    %dma_wait3A_1505 = tpu.memref_slice %arg2[%select_n3A, %add3A_56] : memref<4x8192xi32, #tpu.memory_space<hbm>> -> memref<1x1024xi32, #tpu.memory_space<hbm>>
    %dma_wait3A_1506 = tpu.memref_squeeze %dma_wait3A_1505 : memref<1x1024xi32, #tpu.memory_space<hbm>> -> memref<1024xi32, #tpu.memory_space<hbm>>
    %dma_wait3A_1507 = arith.constant 1024 : i32
    %dma_wait3A_1508 = tpu.memref_slice %arg5[%dma_wait3A_1507] : memref<2048xi32, #tpu.memory_space<vmem>> -> memref<1024xi32, #tpu.memory_space<vmem>>
    %dma_wait3A_1509 = tpu.memref_slice %arg2[%select_n3A, %add3A_56] : memref<4x8192xi32, #tpu.memory_space<hbm>> -> memref<1x1024xi32, #tpu.memory_space<hbm>>
    %dma_wait3A_1510 = tpu.memref_squeeze %dma_wait3A_1509 : memref<1x1024xi32, #tpu.memory_space<hbm>> -> memref<1024xi32, #tpu.memory_space<hbm>>
    tpu.wait_dma2 semaphore(%arg9 : memref<!tpu.dma_semaphore, #tpu.memory_space<semaphore_mem>>) src(%dma_wait3A_1510 : memref<1024xi32, #tpu.memory_space<hbm>>) dst(%dma_wait3A_1508 : memref<1024xi32, #tpu.memory_space<vmem>>)
    %dma_wait3A_1511 = arith.constant 1024 : i32
    %dma_wait3A_1512 = tpu.memref_slice %arg6[%dma_wait3A_1511] : memref<2048xi32, #tpu.memory_space<vmem>> -> memref<1024xi32, #tpu.memory_space<vmem>>
    %dma_wait3A_1513 = tpu.memref_slice %arg3[%select_n3A, %add3A_56] : memref<4x8192xi32, #tpu.memory_space<hbm>> -> memref<1x1024xi32, #tpu.memory_space<hbm>>
    %dma_wait3A_1514 = tpu.memref_squeeze %dma_wait3A_1513 : memref<1x1024xi32, #tpu.memory_space<hbm>> -> memref<1024xi32, #tpu.memory_space<hbm>>
    %dma_wait3A_1515 = arith.constant 1024 : i32
    %dma_wait3A_1516 = tpu.memref_slice %arg6[%dma_wait3A_1515] : memref<2048xi32, #tpu.memory_space<vmem>> -> memref<1024xi32, #tpu.memory_space<vmem>>
    %dma_wait3A_1517 = tpu.memref_slice %arg3[%select_n3A, %add3A_56] : memref<4x8192xi32, #tpu.memory_space<hbm>> -> memref<1x1024xi32, #tpu.memory_space<hbm>>
    %dma_wait3A_1518 = tpu.memref_squeeze %dma_wait3A_1517 : memref<1x1024xi32, #tpu.memory_space<hbm>> -> memref<1024xi32, #tpu.memory_space<hbm>>
    tpu.wait_dma2 semaphore(%arg9 : memref<!tpu.dma_semaphore, #tpu.memory_space<semaphore_mem>>) src(%dma_wait3A_1518 : memref<1024xi32, #tpu.memory_space<hbm>>) dst(%dma_wait3A_1516 : memref<1024xi32, #tpu.memory_space<vmem>>)
    %get3A_1519 = arith.constant 1024 : index
    %get3A_1520 = tpu.vector_load %arg5[%get3A_1519] {strides = array<i32>} : memref<2048xi32, #tpu.memory_space<vmem>>, vector<16xi32>,
    %get3A_1521 = vector.shape_cast %get3A_1520 : vector<16xi32> to vector<16xi32>
    %and3A_1522 = arith.andi %get3A_1521, %broadcast_in_dim3A_35 : vector<16xi32>
    %lt3A_1523 = arith.cmpi slt, %get3A_1521, %broadcast_in_dim3A_33 : vector<16xi32>
    %lt3A_1524 = arith.constant 50256 : i32
    %lt3A_1525 = vector.broadcast %lt3A_1524 : i32 to vector<16xi32>
    %lt3A_1526 = arith.cmpi slt, %and3A_1522, %lt3A_1525 : vector<16xi32>
    %and3A_1527 = arith.andi %lt3A_1523, %lt3A_1526 : vector<16xi1>
    %select_n3A_1528 = arith.select %and3A_1527, %broadcast_in_dim3A_37, %and3A_1522 : vector<16xi1>, vector<16xi32>
    %shift_left3A_1529 = arith.constant 1 : i32
    %shift_left3A_1530 = vector.broadcast %shift_left3A_1529 : i32 to vector<16xi32>
    %shift_left3A_1531 = arith.shli %get3A_1521, %shift_left3A_1530 : vector<16xi32>
    %lt3A_1532 = arith.cmpi slt, %shift_left3A_1531, %broadcast_in_dim3A_33 : vector<16xi32>
    %get3A_1533 = arith.constant 1024 : index
    %get3A_1534 = tpu.vector_load %arg6[%get3A_1533] {strides = array<i32>} : memref<2048xi32, #tpu.memory_space<vmem>>, vector<16xi32>,
    %get3A_1535 = vector.shape_cast %get3A_1534 : vector<16xi32> to vector<16xi32>
    %select_n3A_1536 = arith.select %lt3A_1532, %get3A_1535, %select_n3A_1528 : vector<16xi1>, vector<16xi32>
    %swap3A_1537 = arith.constant 1024 : index
    %swap3A_1538 = tpu.vector_load %arg7[%swap3A_1537] {strides = array<i32>} : memref<2048xi32, #tpu.memory_space<vmem>>, vector<16xi32>,
    %swap3A_1539 = vector.shape_cast %swap3A_1538 : vector<16xi32> to vector<16xi32>
    %swap3A_1540 = vector.shape_cast %select_n3A_1536 : vector<16xi32> to vector<16xi32>
    tpu.vector_store %arg7[%swap3A_1537], %swap3A_1540 {strides = array<i32>} : memref<2048xi32, #tpu.memory_space<vmem>>, vector<16xi32>,
    %get3A_1541 = arith.constant 1040 : index
    %get3A_1542 = tpu.vector_load %arg5[%get3A_1541] {strides = array<i32>} : memref<2048xi32, #tpu.memory_space<vmem>>, vector<16xi32>,
    %get3A_1543 = vector.shape_cast %get3A_1542 : vector<16xi32> to vector<16xi32>
    %and3A_1544 = arith.andi %get3A_1543, %broadcast_in_dim3A_35 : vector<16xi32>
    %lt3A_1545 = arith.cmpi slt, %get3A_1543, %broadcast_in_dim3A_33 : vector<16xi32>
    %lt3A_1546 = arith.constant 50256 : i32
    %lt3A_1547 = vector.broadcast %lt3A_1546 : i32 to vector<16xi32>
    %lt3A_1548 = arith.cmpi slt, %and3A_1544, %lt3A_1547 : vector<16xi32>
    %and3A_1549 = arith.andi %lt3A_1545, %lt3A_1548 : vector<16xi1>
    %select_n3A_1550 = arith.select %and3A_1549, %broadcast_in_dim3A_37, %and3A_1544 : vector<16xi1>, vector<16xi32>
    %shift_left3A_1551 = arith.constant 1 : i32
    %shift_left3A_1552 = vector.broadcast %shift_left3A_1551 : i32 to vector<16xi32>
    %shift_left3A_1553 = arith.shli %get3A_1543, %shift_left3A_1552 : vector<16xi32>
    %lt3A_1554 = arith.cmpi slt, %shift_left3A_1553, %broadcast_in_dim3A_33 : vector<16xi32>
    %get3A_1555 = arith.constant 1040 : index
    %get3A_1556 = tpu.vector_load %arg6[%get3A_1555] {strides = array<i32>} : memref<2048xi32, #tpu.memory_space<vmem>>, vector<16xi32>,
    %get3A_1557 = vector.shape_cast %get3A_1556 : vector<16xi32> to vector<16xi32>
    %select_n3A_1558 = arith.select %lt3A_1554, %get3A_1557, %select_n3A_1550 : vector<16xi1>, vector<16xi32>
    %swap3A_1559 = arith.constant 1040 : index
    %swap3A_1560 = tpu.vector_load %arg7[%swap3A_1559] {strides = array<i32>} : memref<2048xi32, #tpu.memory_space<vmem>>, vector<16xi32>,
    %swap3A_1561 = vector.shape_cast %swap3A_1560 : vector<16xi32> to vector<16xi32>
    %swap3A_1562 = vector.shape_cast %select_n3A_1558 : vector<16xi32> to vector<16xi32>
    tpu.vector_store %arg7[%swap3A_1559], %swap3A_1562 {strides = array<i32>} : memref<2048xi32, #tpu.memory_space<vmem>>, vector<16xi32>,
    %get3A_1563 = arith.constant 1056 : index
    %get3A_1564 = tpu.vector_load %arg5[%get3A_1563] {strides = array<i32>} : memref<2048xi32, #tpu.memory_space<vmem>>, vector<16xi32>,
    %get3A_1565 = vector.shape_cast %get3A_1564 : vector<16xi32> to vector<16xi32>
    %and3A_1566 = arith.andi %get3A_1565, %broadcast_in_dim3A_35 : vector<16xi32>
    %lt3A_1567 = arith.cmpi slt, %get3A_1565, %broadcast_in_dim3A_33 : vector<16xi32>
    %lt3A_1568 = arith.constant 50256 : i32
    %lt3A_1569 = vector.broadcast %lt3A_1568 : i32 to vector<16xi32>
    %lt3A_1570 = arith.cmpi slt, %and3A_1566, %lt3A_1569 : vector<16xi32>
    %and3A_1571 = arith.andi %lt3A_1567, %lt3A_1570 : vector<16xi1>
    %select_n3A_1572 = arith.select %and3A_1571, %broadcast_in_dim3A_37, %and3A_1566 : vector<16xi1>, vector<16xi32>
    %shift_left3A_1573 = arith.constant 1 : i32
    %shift_left3A_1574 = vector.broadcast %shift_left3A_1573 : i32 to vector<16xi32>
    %shift_left3A_1575 = arith.shli %get3A_1565, %shift_left3A_1574 : vector<16xi32>
    %lt3A_1576 = arith.cmpi slt, %shift_left3A_1575, %broadcast_in_dim3A_33 : vector<16xi32>
    %get3A_1577 = arith.constant 1056 : index
    %get3A_1578 = tpu.vector_load %arg6[%get3A_1577] {strides = array<i32>} : memref<2048xi32, #tpu.memory_space<vmem>>, vector<16xi32>,
    %get3A_1579 = vector.shape_cast %get3A_1578 : vector<16xi32> to vector<16xi32>
    %select_n3A_1580 = arith.select %lt3A_1576, %get3A_1579, %select_n3A_1572 : vector<16xi1>, vector<16xi32>
    %swap3A_1581 = arith.constant 1056 : index
    %swap3A_1582 = tpu.vector_load %arg7[%swap3A_1581] {strides = array<i32>} : memref<2048xi32, #tpu.memory_space<vmem>>, vector<16xi32>,
    %swap3A_1583 = vector.shape_cast %swap3A_1582 : vector<16xi32> to vector<16xi32>
    %swap3A_1584 = vector.shape_cast %select_n3A_1580 : vector<16xi32> to vector<16xi32>
    tpu.vector_store %arg7[%swap3A_1581], %swap3A_1584 {strides = array<i32>} : memref<2048xi32, #tpu.memory_space<vmem>>, vector<16xi32>,
    %get3A_1585 = arith.constant 1072 : index
    %get3A_1586 = tpu.vector_load %arg5[%get3A_1585] {strides = array<i32>} : memref<2048xi32, #tpu.memory_space<vmem>>, vector<16xi32>,
    %get3A_1587 = vector.shape_cast %get3A_1586 : vector<16xi32> to vector<16xi32>
    %and3A_1588 = arith.andi %get3A_1587, %broadcast_in_dim3A_35 : vector<16xi32>
    %lt3A_1589 = arith.cmpi slt, %get3A_1587, %broadcast_in_dim3A_33 : vector<16xi32>
    %lt3A_1590 = arith.constant 50256 : i32
    %lt3A_1591 = vector.broadcast %lt3A_1590 : i32 to vector<16xi32>
    %lt3A_1592 = arith.cmpi slt, %and3A_1588, %lt3A_1591 : vector<16xi32>
    %and3A_1593 = arith.andi %lt3A_1589, %lt3A_1592 : vector<16xi1>
    %select_n3A_1594 = arith.select %and3A_1593, %broadcast_in_dim3A_37, %and3A_1588 : vector<16xi1>, vector<16xi32>
    %shift_left3A_1595 = arith.constant 1 : i32
    %shift_left3A_1596 = vector.broadcast %shift_left3A_1595 : i32 to vector<16xi32>
    %shift_left3A_1597 = arith.shli %get3A_1587, %shift_left3A_1596 : vector<16xi32>
    %lt3A_1598 = arith.cmpi slt, %shift_left3A_1597, %broadcast_in_dim3A_33 : vector<16xi32>
    %get3A_1599 = arith.constant 1072 : index
    %get3A_1600 = tpu.vector_load %arg6[%get3A_1599] {strides = array<i32>} : memref<2048xi32, #tpu.memory_space<vmem>>, vector<16xi32>,
    %get3A_1601 = vector.shape_cast %get3A_1600 : vector<16xi32> to vector<16xi32>
    %select_n3A_1602 = arith.select %lt3A_1598, %get3A_1601, %select_n3A_1594 : vector<16xi1>, vector<16xi32>
    %swap3A_1603 = arith.constant 1072 : index
    %swap3A_1604 = tpu.vector_load %arg7[%swap3A_1603] {strides = array<i32>} : memref<2048xi32, #tpu.memory_space<vmem>>, vector<16xi32>,
    %swap3A_1605 = vector.shape_cast %swap3A_1604 : vector<16xi32> to vector<16xi32>
    %swap3A_1606 = vector.shape_cast %select_n3A_1602 : vector<16xi32> to vector<16xi32>
    tpu.vector_store %arg7[%swap3A_1603], %swap3A_1606 {strides = array<i32>} : memref<2048xi32, #tpu.memory_space<vmem>>, vector<16xi32>,
    %get3A_1607 = arith.constant 1088 : index
    %get3A_1608 = tpu.vector_load %arg5[%get3A_1607] {strides = array<i32>} : memref<2048xi32, #tpu.memory_space<vmem>>, vector<16xi32>,
    %get3A_1609 = vector.shape_cast %get3A_1608 : vector<16xi32> to vector<16xi32>
    %and3A_1610 = arith.andi %get3A_1609, %broadcast_in_dim3A_35 : vector<16xi32>
    %lt3A_1611 = arith.cmpi slt, %get3A_1609, %broadcast_in_dim3A_33 : vector<16xi32>
    %lt3A_1612 = arith.constant 50256 : i32
    %lt3A_1613 = vector.broadcast %lt3A_1612 : i32 to vector<16xi32>
    %lt3A_1614 = arith.cmpi slt, %and3A_1610, %lt3A_1613 : vector<16xi32>
    %and3A_1615 = arith.andi %lt3A_1611, %lt3A_1614 : vector<16xi1>
    %select_n3A_1616 = arith.select %and3A_1615, %broadcast_in_dim3A_37, %and3A_1610 : vector<16xi1>, vector<16xi32>
    %shift_left3A_1617 = arith.constant 1 : i32
    %shift_left3A_1618 = vector.broadcast %shift_left3A_1617 : i32 to vector<16xi32>
    %shift_left3A_1619 = arith.shli %get3A_1609, %shift_left3A_1618 : vector<16xi32>
    %lt3A_1620 = arith.cmpi slt, %shift_left3A_1619, %broadcast_in_dim3A_33 : vector<16xi32>
    %get3A_1621 = arith.constant 1088 : index
    %get3A_1622 = tpu.vector_load %arg6[%get3A_1621] {strides = array<i32>} : memref<2048xi32, #tpu.memory_space<vmem>>, vector<16xi32>,
    %get3A_1623 = vector.shape_cast %get3A_1622 : vector<16xi32> to vector<16xi32>
    %select_n3A_1624 = arith.select %lt3A_1620, %get3A_1623, %select_n3A_1616 : vector<16xi1>, vector<16xi32>
    %swap3A_1625 = arith.constant 1088 : index
    %swap3A_1626 = tpu.vector_load %arg7[%swap3A_1625] {strides = array<i32>} : memref<2048xi32, #tpu.memory_space<vmem>>, vector<16xi32>,
    %swap3A_1627 = vector.shape_cast %swap3A_1626 : vector<16xi32> to vector<16xi32>
    %swap3A_1628 = vector.shape_cast %select_n3A_1624 : vector<16xi32> to vector<16xi32>
    tpu.vector_store %arg7[%swap3A_1625], %swap3A_1628 {strides = array<i32>} : memref<2048xi32, #tpu.memory_space<vmem>>, vector<16xi32>,
    %get3A_1629 = arith.constant 1104 : index
    %get3A_1630 = tpu.vector_load %arg5[%get3A_1629] {strides = array<i32>} : memref<2048xi32, #tpu.memory_space<vmem>>, vector<16xi32>,
    %get3A_1631 = vector.shape_cast %get3A_1630 : vector<16xi32> to vector<16xi32>
    %and3A_1632 = arith.andi %get3A_1631, %broadcast_in_dim3A_35 : vector<16xi32>
    %lt3A_1633 = arith.cmpi slt, %get3A_1631, %broadcast_in_dim3A_33 : vector<16xi32>
    %lt3A_1634 = arith.constant 50256 : i32
    %lt3A_1635 = vector.broadcast %lt3A_1634 : i32 to vector<16xi32>
    %lt3A_1636 = arith.cmpi slt, %and3A_1632, %lt3A_1635 : vector<16xi32>
    %and3A_1637 = arith.andi %lt3A_1633, %lt3A_1636 : vector<16xi1>
    %select_n3A_1638 = arith.select %and3A_1637, %broadcast_in_dim3A_37, %and3A_1632 : vector<16xi1>, vector<16xi32>
    %shift_left3A_1639 = arith.constant 1 : i32
    %shift_left3A_1640 = vector.broadcast %shift_left3A_1639 : i32 to vector<16xi32>
    %shift_left3A_1641 = arith.shli %get3A_1631, %shift_left3A_1640 : vector<16xi32>
    %lt3A_1642 = arith.cmpi slt, %shift_left3A_1641, %broadcast_in_dim3A_33 : vector<16xi32>
    %get3A_1643 = arith.constant 1104 : index
    %get3A_1644 = tpu.vector_load %arg6[%get3A_1643] {strides = array<i32>} : memref<2048xi32, #tpu.memory_space<vmem>>, vector<16xi32>,
    %get3A_1645 = vector.shape_cast %get3A_1644 : vector<16xi32> to vector<16xi32>
    %select_n3A_1646 = arith.select %lt3A_1642, %get3A_1645, %select_n3A_1638 : vector<16xi1>, vector<16xi32>
    %swap3A_1647 = arith.constant 1104 : index
    %swap3A_1648 = tpu.vector_load %arg7[%swap3A_1647] {strides = array<i32>} : memref<2048xi32, #tpu.memory_space<vmem>>, vector<16xi32>,
    %swap3A_1649 = vector.shape_cast %swap3A_1648 : vector<16xi32> to vector<16xi32>
    %swap3A_1650 = vector.shape_cast %select_n3A_1646 : vector<16xi32> to vector<16xi32>
    tpu.vector_store %arg7[%swap3A_1647], %swap3A_1650 {strides = array<i32>} : memref<2048xi32, #tpu.memory_space<vmem>>, vector<16xi32>,
    %get3A_1651 = arith.constant 1120 : index
    %get3A_1652 = tpu.vector_load %arg5[%get3A_1651] {strides = array<i32>} : memref<2048xi32, #tpu.memory_space<vmem>>, vector<16xi32>,
    %get3A_1653 = vector.shape_cast %get3A_1652 : vector<16xi32> to vector<16xi32>
    %and3A_1654 = arith.andi %get3A_1653, %broadcast_in_dim3A_35 : vector<16xi32>
    %lt3A_1655 = arith.cmpi slt, %get3A_1653, %broadcast_in_dim3A_33 : vector<16xi32>
    %lt3A_1656 = arith.constant 50256 : i32
    %lt3A_1657 = vector.broadcast %lt3A_1656 : i32 to vector<16xi32>
    %lt3A_1658 = arith.cmpi slt, %and3A_1654, %lt3A_1657 : vector<16xi32>
    %and3A_1659 = arith.andi %lt3A_1655, %lt3A_1658 : vector<16xi1>
    %select_n3A_1660 = arith.select %and3A_1659, %broadcast_in_dim3A_37, %and3A_1654 : vector<16xi1>, vector<16xi32>
    %shift_left3A_1661 = arith.constant 1 : i32
    %shift_left3A_1662 = vector.broadcast %shift_left3A_1661 : i32 to vector<16xi32>
    %shift_left3A_1663 = arith.shli %get3A_1653, %shift_left3A_1662 : vector<16xi32>
    %lt3A_1664 = arith.cmpi slt, %shift_left3A_1663, %broadcast_in_dim3A_33 : vector<16xi32>
    %get3A_1665 = arith.constant 1120 : index
    %get3A_1666 = tpu.vector_load %arg6[%get3A_1665] {strides = array<i32>} : memref<2048xi32, #tpu.memory_space<vmem>>, vector<16xi32>,
    %get3A_1667 = vector.shape_cast %get3A_1666 : vector<16xi32> to vector<16xi32>
    %select_n3A_1668 = arith.select %lt3A_1664, %get3A_1667, %select_n3A_1660 : vector<16xi1>, vector<16xi32>
    %swap3A_1669 = arith.constant 1120 : index
    %swap3A_1670 = tpu.vector_load %arg7[%swap3A_1669] {strides = array<i32>} : memref<2048xi32, #tpu.memory_space<vmem>>, vector<16xi32>,
    %swap3A_1671 = vector.shape_cast %swap3A_1670 : vector<16xi32> to vector<16xi32>
    %swap3A_1672 = vector.shape_cast %select_n3A_1668 : vector<16xi32> to vector<16xi32>
    tpu.vector_store %arg7[%swap3A_1669], %swap3A_1672 {strides = array<i32>} : memref<2048xi32, #tpu.memory_space<vmem>>, vector<16xi32>,
    %get3A_1673 = arith.constant 1136 : index
    %get3A_1674 = tpu.vector_load %arg5[%get3A_1673] {strides = array<i32>} : memref<2048xi32, #tpu.memory_space<vmem>>, vector<16xi32>,
    %get3A_1675 = vector.shape_cast %get3A_1674 : vector<16xi32> to vector<16xi32>
    %and3A_1676 = arith.andi %get3A_1675, %broadcast_in_dim3A_35 : vector<16xi32>
    %lt3A_1677 = arith.cmpi slt, %get3A_1675, %broadcast_in_dim3A_33 : vector<16xi32>
    %lt3A_1678 = arith.constant 50256 : i32
    %lt3A_1679 = vector.broadcast %lt3A_1678 : i32 to vector<16xi32>
    %lt3A_1680 = arith.cmpi slt, %and3A_1676, %lt3A_1679 : vector<16xi32>
    %and3A_1681 = arith.andi %lt3A_1677, %lt3A_1680 : vector<16xi1>
    %select_n3A_1682 = arith.select %and3A_1681, %broadcast_in_dim3A_37, %and3A_1676 : vector<16xi1>, vector<16xi32>
    %shift_left3A_1683 = arith.constant 1 : i32
    %shift_left3A_1684 = vector.broadcast %shift_left3A_1683 : i32 to vector<16xi32>
    %shift_left3A_1685 = arith.shli %get3A_1675, %shift_left3A_1684 : vector<16xi32>
    %lt3A_1686 = arith.cmpi slt, %shift_left3A_1685, %broadcast_in_dim3A_33 : vector<16xi32>
    %get3A_1687 = arith.constant 1136 : index
    %get3A_1688 = tpu.vector_load %arg6[%get3A_1687] {strides = array<i32>} : memref<2048xi32, #tpu.memory_space<vmem>>, vector<16xi32>,
    %get3A_1689 = vector.shape_cast %get3A_1688 : vector<16xi32> to vector<16xi32>
    %select_n3A_1690 = arith.select %lt3A_1686, %get3A_1689, %select_n3A_1682 : vector<16xi1>, vector<16xi32>
    %swap3A_1691 = arith.constant 1136 : index
    %swap3A_1692 = tpu.vector_load %arg7[%swap3A_1691] {strides = array<i32>} : memref<2048xi32, #tpu.memory_space<vmem>>, vector<16xi32>,
    %swap3A_1693 = vector.shape_cast %swap3A_1692 : vector<16xi32> to vector<16xi32>
    %swap3A_1694 = vector.shape_cast %select_n3A_1690 : vector<16xi32> to vector<16xi32>
    tpu.vector_store %arg7[%swap3A_1691], %swap3A_1694 {strides = array<i32>} : memref<2048xi32, #tpu.memory_space<vmem>>, vector<16xi32>,
    %get3A_1695 = arith.constant 1152 : index
    %get3A_1696 = tpu.vector_load %arg5[%get3A_1695] {strides = array<i32>} : memref<2048xi32, #tpu.memory_space<vmem>>, vector<16xi32>,
    %get3A_1697 = vector.shape_cast %get3A_1696 : vector<16xi32> to vector<16xi32>
    %and3A_1698 = arith.andi %get3A_1697, %broadcast_in_dim3A_35 : vector<16xi32>
    %lt3A_1699 = arith.cmpi slt, %get3A_1697, %broadcast_in_dim3A_33 : vector<16xi32>
    %lt3A_1700 = arith.constant 50256 : i32
    %lt3A_1701 = vector.broadcast %lt3A_1700 : i32 to vector<16xi32>
    %lt3A_1702 = arith.cmpi slt, %and3A_1698, %lt3A_1701 : vector<16xi32>
    %and3A_1703 = arith.andi %lt3A_1699, %lt3A_1702 : vector<16xi1>
    %select_n3A_1704 = arith.select %and3A_1703, %broadcast_in_dim3A_37, %and3A_1698 : vector<16xi1>, vector<16xi32>
    %shift_left3A_1705 = arith.constant 1 : i32
    %shift_left3A_1706 = vector.broadcast %shift_left3A_1705 : i32 to vector<16xi32>
    %shift_left3A_1707 = arith.shli %get3A_1697, %shift_left3A_1706 : vector<16xi32>
    %lt3A_1708 = arith.cmpi slt, %shift_left3A_1707, %broadcast_in_dim3A_33 : vector<16xi32>
    %get3A_1709 = arith.constant 1152 : index
    %get3A_1710 = tpu.vector_load %arg6[%get3A_1709] {strides = array<i32>} : memref<2048xi32, #tpu.memory_space<vmem>>, vector<16xi32>,
    %get3A_1711 = vector.shape_cast %get3A_1710 : vector<16xi32> to vector<16xi32>
    %select_n3A_1712 = arith.select %lt3A_1708, %get3A_1711, %select_n3A_1704 : vector<16xi1>, vector<16xi32>
    %swap3A_1713 = arith.constant 1152 : index
    %swap3A_1714 = tpu.vector_load %arg7[%swap3A_1713] {strides = array<i32>} : memref<2048xi32, #tpu.memory_space<vmem>>, vector<16xi32>,
    %swap3A_1715 = vector.shape_cast %swap3A_1714 : vector<16xi32> to vector<16xi32>
    %swap3A_1716 = vector.shape_cast %select_n3A_1712 : vector<16xi32> to vector<16xi32>
    tpu.vector_store %arg7[%swap3A_1713], %swap3A_1716 {strides = array<i32>} : memref<2048xi32, #tpu.memory_space<vmem>>, vector<16xi32>,
    %get3A_1717 = arith.constant 1168 : index
    %get3A_1718 = tpu.vector_load %arg5[%get3A_1717] {strides = array<i32>} : memref<2048xi32, #tpu.memory_space<vmem>>, vector<16xi32>,
    %get3A_1719 = vector.shape_cast %get3A_1718 : vector<16xi32> to vector<16xi32>
    %and3A_1720 = arith.andi %get3A_1719, %broadcast_in_dim3A_35 : vector<16xi32>
    %lt3A_1721 = arith.cmpi slt, %get3A_1719, %broadcast_in_dim3A_33 : vector<16xi32>
    %lt3A_1722 = arith.constant 50256 : i32
    %lt3A_1723 = vector.broadcast %lt3A_1722 : i32 to vector<16xi32>
    %lt3A_1724 = arith.cmpi slt, %and3A_1720, %lt3A_1723 : vector<16xi32>
    %and3A_1725 = arith.andi %lt3A_1721, %lt3A_1724 : vector<16xi1>
    %select_n3A_1726 = arith.select %and3A_1725, %broadcast_in_dim3A_37, %and3A_1720 : vector<16xi1>, vector<16xi32>
    %shift_left3A_1727 = arith.constant 1 : i32
    %shift_left3A_1728 = vector.broadcast %shift_left3A_1727 : i32 to vector<16xi32>
    %shift_left3A_1729 = arith.shli %get3A_1719, %shift_left3A_1728 : vector<16xi32>
    %lt3A_1730 = arith.cmpi slt, %shift_left3A_1729, %broadcast_in_dim3A_33 : vector<16xi32>
    %get3A_1731 = arith.constant 1168 : index
    %get3A_1732 = tpu.vector_load %arg6[%get3A_1731] {strides = array<i32>} : memref<2048xi32, #tpu.memory_space<vmem>>, vector<16xi32>,
    %get3A_1733 = vector.shape_cast %get3A_1732 : vector<16xi32> to vector<16xi32>
    %select_n3A_1734 = arith.select %lt3A_1730, %get3A_1733, %select_n3A_1726 : vector<16xi1>, vector<16xi32>
    %swap3A_1735 = arith.constant 1168 : index
    %swap3A_1736 = tpu.vector_load %arg7[%swap3A_1735] {strides = array<i32>} : memref<2048xi32, #tpu.memory_space<vmem>>, vector<16xi32>,
    %swap3A_1737 = vector.shape_cast %swap3A_1736 : vector<16xi32> to vector<16xi32>
    %swap3A_1738 = vector.shape_cast %select_n3A_1734 : vector<16xi32> to vector<16xi32>
    tpu.vector_store %arg7[%swap3A_1735], %swap3A_1738 {strides = array<i32>} : memref<2048xi32, #tpu.memory_space<vmem>>, vector<16xi32>,
    %get3A_1739 = arith.constant 1184 : index
    %get3A_1740 = tpu.vector_load %arg5[%get3A_1739] {strides = array<i32>} : memref<2048xi32, #tpu.memory_space<vmem>>, vector<16xi32>,
    %get3A_1741 = vector.shape_cast %get3A_1740 : vector<16xi32> to vector<16xi32>
    %and3A_1742 = arith.andi %get3A_1741, %broadcast_in_dim3A_35 : vector<16xi32>
    %lt3A_1743 = arith.cmpi slt, %get3A_1741, %broadcast_in_dim3A_33 : vector<16xi32>
    %lt3A_1744 = arith.constant 50256 : i32
    %lt3A_1745 = vector.broadcast %lt3A_1744 : i32 to vector<16xi32>
    %lt3A_1746 = arith.cmpi slt, %and3A_1742, %lt3A_1745 : vector<16xi32>
    %and3A_1747 = arith.andi %lt3A_1743, %lt3A_1746 : vector<16xi1>
    %select_n3A_1748 = arith.select %and3A_1747, %broadcast_in_dim3A_37, %and3A_1742 : vector<16xi1>, vector<16xi32>
    %shift_left3A_1749 = arith.constant 1 : i32
    %shift_left3A_1750 = vector.broadcast %shift_left3A_1749 : i32 to vector<16xi32>
    %shift_left3A_1751 = arith.shli %get3A_1741, %shift_left3A_1750 : vector<16xi32>
    %lt3A_1752 = arith.cmpi slt, %shift_left3A_1751, %broadcast_in_dim3A_33 : vector<16xi32>
    %get3A_1753 = arith.constant 1184 : index
    %get3A_1754 = tpu.vector_load %arg6[%get3A_1753] {strides = array<i32>} : memref<2048xi32, #tpu.memory_space<vmem>>, vector<16xi32>,
    %get3A_1755 = vector.shape_cast %get3A_1754 : vector<16xi32> to vector<16xi32>
    %select_n3A_1756 = arith.select %lt3A_1752, %get3A_1755, %select_n3A_1748 : vector<16xi1>, vector<16xi32>
    %swap3A_1757 = arith.constant 1184 : index
    %swap3A_1758 = tpu.vector_load %arg7[%swap3A_1757] {strides = array<i32>} : memref<2048xi32, #tpu.memory_space<vmem>>, vector<16xi32>,
    %swap3A_1759 = vector.shape_cast %swap3A_1758 : vector<16xi32> to vector<16xi32>
    %swap3A_1760 = vector.shape_cast %select_n3A_1756 : vector<16xi32> to vector<16xi32>
    tpu.vector_store %arg7[%swap3A_1757], %swap3A_1760 {strides = array<i32>} : memref<2048xi32, #tpu.memory_space<vmem>>, vector<16xi32>,
    %get3A_1761 = arith.constant 1200 : index
    %get3A_1762 = tpu.vector_load %arg5[%get3A_1761] {strides = array<i32>} : memref<2048xi32, #tpu.memory_space<vmem>>, vector<16xi32>,
    %get3A_1763 = vector.shape_cast %get3A_1762 : vector<16xi32> to vector<16xi32>
    %and3A_1764 = arith.andi %get3A_1763, %broadcast_in_dim3A_35 : vector<16xi32>
    %lt3A_1765 = arith.cmpi slt, %get3A_1763, %broadcast_in_dim3A_33 : vector<16xi32>
    %lt3A_1766 = arith.constant 50256 : i32
    %lt3A_1767 = vector.broadcast %lt3A_1766 : i32 to vector<16xi32>
    %lt3A_1768 = arith.cmpi slt, %and3A_1764, %lt3A_1767 : vector<16xi32>
    %and3A_1769 = arith.andi %lt3A_1765, %lt3A_1768 : vector<16xi1>
    %select_n3A_1770 = arith.select %and3A_1769, %broadcast_in_dim3A_37, %and3A_1764 : vector<16xi1>, vector<16xi32>
    %shift_left3A_1771 = arith.constant 1 : i32
    %shift_left3A_1772 = vector.broadcast %shift_left3A_1771 : i32 to vector<16xi32>
    %shift_left3A_1773 = arith.shli %get3A_1763, %shift_left3A_1772 : vector<16xi32>
    %lt3A_1774 = arith.cmpi slt, %shift_left3A_1773, %broadcast_in_dim3A_33 : vector<16xi32>
    %get3A_1775 = arith.constant 1200 : index
    %get3A_1776 = tpu.vector_load %arg6[%get3A_1775] {strides = array<i32>} : memref<2048xi32, #tpu.memory_space<vmem>>, vector<16xi32>,
    %get3A_1777 = vector.shape_cast %get3A_1776 : vector<16xi32> to vector<16xi32>
    %select_n3A_1778 = arith.select %lt3A_1774, %get3A_1777, %select_n3A_1770 : vector<16xi1>, vector<16xi32>
    %swap3A_1779 = arith.constant 1200 : index
    %swap3A_1780 = tpu.vector_load %arg7[%swap3A_1779] {strides = array<i32>} : memref<2048xi32, #tpu.memory_space<vmem>>, vector<16xi32>,
    %swap3A_1781 = vector.shape_cast %swap3A_1780 : vector<16xi32> to vector<16xi32>
    %swap3A_1782 = vector.shape_cast %select_n3A_1778 : vector<16xi32> to vector<16xi32>
    tpu.vector_store %arg7[%swap3A_1779], %swap3A_1782 {strides = array<i32>} : memref<2048xi32, #tpu.memory_space<vmem>>, vector<16xi32>,
    %get3A_1783 = arith.constant 1216 : index
    %get3A_1784 = tpu.vector_load %arg5[%get3A_1783] {strides = array<i32>} : memref<2048xi32, #tpu.memory_space<vmem>>, vector<16xi32>,
    %get3A_1785 = vector.shape_cast %get3A_1784 : vector<16xi32> to vector<16xi32>
    %and3A_1786 = arith.andi %get3A_1785, %broadcast_in_dim3A_35 : vector<16xi32>
    %lt3A_1787 = arith.cmpi slt, %get3A_1785, %broadcast_in_dim3A_33 : vector<16xi32>
    %lt3A_1788 = arith.constant 50256 : i32
    %lt3A_1789 = vector.broadcast %lt3A_1788 : i32 to vector<16xi32>
    %lt3A_1790 = arith.cmpi slt, %and3A_1786, %lt3A_1789 : vector<16xi32>
    %and3A_1791 = arith.andi %lt3A_1787, %lt3A_1790 : vector<16xi1>
    %select_n3A_1792 = arith.select %and3A_1791, %broadcast_in_dim3A_37, %and3A_1786 : vector<16xi1>, vector<16xi32>
    %shift_left3A_1793 = arith.constant 1 : i32
    %shift_left3A_1794 = vector.broadcast %shift_left3A_1793 : i32 to vector<16xi32>
    %shift_left3A_1795 = arith.shli %get3A_1785, %shift_left3A_1794 : vector<16xi32>
    %lt3A_1796 = arith.cmpi slt, %shift_left3A_1795, %broadcast_in_dim3A_33 : vector<16xi32>
    %get3A_1797 = arith.constant 1216 : index
    %get3A_1798 = tpu.vector_load %arg6[%get3A_1797] {strides = array<i32>} : memref<2048xi32, #tpu.memory_space<vmem>>, vector<16xi32>,
    %get3A_1799 = vector.shape_cast %get3A_1798 : vector<16xi32> to vector<16xi32>
    %select_n3A_1800 = arith.select %lt3A_1796, %get3A_1799, %select_n3A_1792 : vector<16xi1>, vector<16xi32>
    %swap3A_1801 = arith.constant 1216 : index
    %swap3A_1802 = tpu.vector_load %arg7[%swap3A_1801] {strides = array<i32>} : memref<2048xi32, #tpu.memory_space<vmem>>, vector<16xi32>,
    %swap3A_1803 = vector.shape_cast %swap3A_1802 : vector<16xi32> to vector<16xi32>
    %swap3A_1804 = vector.shape_cast %select_n3A_1800 : vector<16xi32> to vector<16xi32>
    tpu.vector_store %arg7[%swap3A_1801], %swap3A_1804 {strides = array<i32>} : memref<2048xi32, #tpu.memory_space<vmem>>, vector<16xi32>,
    %get3A_1805 = arith.constant 1232 : index
    %get3A_1806 = tpu.vector_load %arg5[%get3A_1805] {strides = array<i32>} : memref<2048xi32, #tpu.memory_space<vmem>>, vector<16xi32>,
    %get3A_1807 = vector.shape_cast %get3A_1806 : vector<16xi32> to vector<16xi32>
    %and3A_1808 = arith.andi %get3A_1807, %broadcast_in_dim3A_35 : vector<16xi32>
    %lt3A_1809 = arith.cmpi slt, %get3A_1807, %broadcast_in_dim3A_33 : vector<16xi32>
    %lt3A_1810 = arith.constant 50256 : i32
    %lt3A_1811 = vector.broadcast %lt3A_1810 : i32 to vector<16xi32>
    %lt3A_1812 = arith.cmpi slt, %and3A_1808, %lt3A_1811 : vector<16xi32>
    %and3A_1813 = arith.andi %lt3A_1809, %lt3A_1812 : vector<16xi1>
    %select_n3A_1814 = arith.select %and3A_1813, %broadcast_in_dim3A_37, %and3A_1808 : vector<16xi1>, vector<16xi32>
    %shift_left3A_1815 = arith.constant 1 : i32
    %shift_left3A_1816 = vector.broadcast %shift_left3A_1815 : i32 to vector<16xi32>
    %shift_left3A_1817 = arith.shli %get3A_1807, %shift_left3A_1816 : vector<16xi32>
    %lt3A_1818 = arith.cmpi slt, %shift_left3A_1817, %broadcast_in_dim3A_33 : vector<16xi32>
    %get3A_1819 = arith.constant 1232 : index
    %get3A_1820 = tpu.vector_load %arg6[%get3A_1819] {strides = array<i32>} : memref<2048xi32, #tpu.memory_space<vmem>>, vector<16xi32>,
    %get3A_1821 = vector.shape_cast %get3A_1820 : vector<16xi32> to vector<16xi32>
    %select_n3A_1822 = arith.select %lt3A_1818, %get3A_1821, %select_n3A_1814 : vector<16xi1>, vector<16xi32>
    %swap3A_1823 = arith.constant 1232 : index
    %swap3A_1824 = tpu.vector_load %arg7[%swap3A_1823] {strides = array<i32>} : memref<2048xi32, #tpu.memory_space<vmem>>, vector<16xi32>,
    %swap3A_1825 = vector.shape_cast %swap3A_1824 : vector<16xi32> to vector<16xi32>
    %swap3A_1826 = vector.shape_cast %select_n3A_1822 : vector<16xi32> to vector<16xi32>
    tpu.vector_store %arg7[%swap3A_1823], %swap3A_1826 {strides = array<i32>} : memref<2048xi32, #tpu.memory_space<vmem>>, vector<16xi32>,
    %get3A_1827 = arith.constant 1248 : index
    %get3A_1828 = tpu.vector_load %arg5[%get3A_1827] {strides = array<i32>} : memref<2048xi32, #tpu.memory_space<vmem>>, vector<16xi32>,
    %get3A_1829 = vector.shape_cast %get3A_1828 : vector<16xi32> to vector<16xi32>
    %and3A_1830 = arith.andi %get3A_1829, %broadcast_in_dim3A_35 : vector<16xi32>
    %lt3A_1831 = arith.cmpi slt, %get3A_1829, %broadcast_in_dim3A_33 : vector<16xi32>
    %lt3A_1832 = arith.constant 50256 : i32
    %lt3A_1833 = vector.broadcast %lt3A_1832 : i32 to vector<16xi32>
    %lt3A_1834 = arith.cmpi slt, %and3A_1830, %lt3A_1833 : vector<16xi32>
    %and3A_1835 = arith.andi %lt3A_1831, %lt3A_1834 : vector<16xi1>
    %select_n3A_1836 = arith.select %and3A_1835, %broadcast_in_dim3A_37, %and3A_1830 : vector<16xi1>, vector<16xi32>
    %shift_left3A_1837 = arith.constant 1 : i32
    %shift_left3A_1838 = vector.broadcast %shift_left3A_1837 : i32 to vector<16xi32>
    %shift_left3A_1839 = arith.shli %get3A_1829, %shift_left3A_1838 : vector<16xi32>
    %lt3A_1840 = arith.cmpi slt, %shift_left3A_1839, %broadcast_in_dim3A_33 : vector<16xi32>
    %get3A_1841 = arith.constant 1248 : index
    %get3A_1842 = tpu.vector_load %arg6[%get3A_1841] {strides = array<i32>} : memref<2048xi32, #tpu.memory_space<vmem>>, vector<16xi32>,
    %get3A_1843 = vector.shape_cast %get3A_1842 : vector<16xi32> to vector<16xi32>
    %select_n3A_1844 = arith.select %lt3A_1840, %get3A_1843, %select_n3A_1836 : vector<16xi1>, vector<16xi32>
    %swap3A_1845 = arith.constant 1248 : index
    %swap3A_1846 = tpu.vector_load %arg7[%swap3A_1845] {strides = array<i32>} : memref<2048xi32, #tpu.memory_space<vmem>>, vector<16xi32>,
    %swap3A_1847 = vector.shape_cast %swap3A_1846 : vector<16xi32> to vector<16xi32>
    %swap3A_1848 = vector.shape_cast %select_n3A_1844 : vector<16xi32> to vector<16xi32>
    tpu.vector_store %arg7[%swap3A_1845], %swap3A_1848 {strides = array<i32>} : memref<2048xi32, #tpu.memory_space<vmem>>, vector<16xi32>,
    %get3A_1849 = arith.constant 1264 : index
    %get3A_1850 = tpu.vector_load %arg5[%get3A_1849] {strides = array<i32>} : memref<2048xi32, #tpu.memory_space<vmem>>, vector<16xi32>,
    %get3A_1851 = vector.shape_cast %get3A_1850 : vector<16xi32> to vector<16xi32>
    %and3A_1852 = arith.andi %get3A_1851, %broadcast_in_dim3A_35 : vector<16xi32>
    %lt3A_1853 = arith.cmpi slt, %get3A_1851, %broadcast_in_dim3A_33 : vector<16xi32>
    %lt3A_1854 = arith.constant 50256 : i32
    %lt3A_1855 = vector.broadcast %lt3A_1854 : i32 to vector<16xi32>
    %lt3A_1856 = arith.cmpi slt, %and3A_1852, %lt3A_1855 : vector<16xi32>
    %and3A_1857 = arith.andi %lt3A_1853, %lt3A_1856 : vector<16xi1>
    %select_n3A_1858 = arith.select %and3A_1857, %broadcast_in_dim3A_37, %and3A_1852 : vector<16xi1>, vector<16xi32>
    %shift_left3A_1859 = arith.constant 1 : i32
    %shift_left3A_1860 = vector.broadcast %shift_left3A_1859 : i32 to vector<16xi32>
    %shift_left3A_1861 = arith.shli %get3A_1851, %shift_left3A_1860 : vector<16xi32>
    %lt3A_1862 = arith.cmpi slt, %shift_left3A_1861, %broadcast_in_dim3A_33 : vector<16xi32>
    %get3A_1863 = arith.constant 1264 : index
    %get3A_1864 = tpu.vector_load %arg6[%get3A_1863] {strides = array<i32>} : memref<2048xi32, #tpu.memory_space<vmem>>, vector<16xi32>,
    %get3A_1865 = vector.shape_cast %get3A_1864 : vector<16xi32> to vector<16xi32>
    %select_n3A_1866 = arith.select %lt3A_1862, %get3A_1865, %select_n3A_1858 : vector<16xi1>, vector<16xi32>
    %swap3A_1867 = arith.constant 1264 : index
    %swap3A_1868 = tpu.vector_load %arg7[%swap3A_1867] {strides = array<i32>} : memref<2048xi32, #tpu.memory_space<vmem>>, vector<16xi32>,
    %swap3A_1869 = vector.shape_cast %swap3A_1868 : vector<16xi32> to vector<16xi32>
    %swap3A_1870 = vector.shape_cast %select_n3A_1866 : vector<16xi32> to vector<16xi32>
    tpu.vector_store %arg7[%swap3A_1867], %swap3A_1870 {strides = array<i32>} : memref<2048xi32, #tpu.memory_space<vmem>>, vector<16xi32>,
    %get3A_1871 = arith.constant 1280 : index
    %get3A_1872 = tpu.vector_load %arg5[%get3A_1871] {strides = array<i32>} : memref<2048xi32, #tpu.memory_space<vmem>>, vector<16xi32>,
    %get3A_1873 = vector.shape_cast %get3A_1872 : vector<16xi32> to vector<16xi32>
    %and3A_1874 = arith.andi %get3A_1873, %broadcast_in_dim3A_35 : vector<16xi32>
    %lt3A_1875 = arith.cmpi slt, %get3A_1873, %broadcast_in_dim3A_33 : vector<16xi32>
    %lt3A_1876 = arith.constant 50256 : i32
    %lt3A_1877 = vector.broadcast %lt3A_1876 : i32 to vector<16xi32>
    %lt3A_1878 = arith.cmpi slt, %and3A_1874, %lt3A_1877 : vector<16xi32>
    %and3A_1879 = arith.andi %lt3A_1875, %lt3A_1878 : vector<16xi1>
    %select_n3A_1880 = arith.select %and3A_1879, %broadcast_in_dim3A_37, %and3A_1874 : vector<16xi1>, vector<16xi32>
    %shift_left3A_1881 = arith.constant 1 : i32
    %shift_left3A_1882 = vector.broadcast %shift_left3A_1881 : i32 to vector<16xi32>
    %shift_left3A_1883 = arith.shli %get3A_1873, %shift_left3A_1882 : vector<16xi32>
    %lt3A_1884 = arith.cmpi slt, %shift_left3A_1883, %broadcast_in_dim3A_33 : vector<16xi32>
    %get3A_1885 = arith.constant 1280 : index
    %get3A_1886 = tpu.vector_load %arg6[%get3A_1885] {strides = array<i32>} : memref<2048xi32, #tpu.memory_space<vmem>>, vector<16xi32>,
    %get3A_1887 = vector.shape_cast %get3A_1886 : vector<16xi32> to vector<16xi32>
    %select_n3A_1888 = arith.select %lt3A_1884, %get3A_1887, %select_n3A_1880 : vector<16xi1>, vector<16xi32>
    %swap3A_1889 = arith.constant 1280 : index
    %swap3A_1890 = tpu.vector_load %arg7[%swap3A_1889] {strides = array<i32>} : memref<2048xi32, #tpu.memory_space<vmem>>, vector<16xi32>,
    %swap3A_1891 = vector.shape_cast %swap3A_1890 : vector<16xi32> to vector<16xi32>
    %swap3A_1892 = vector.shape_cast %select_n3A_1888 : vector<16xi32> to vector<16xi32>
    tpu.vector_store %arg7[%swap3A_1889], %swap3A_1892 {strides = array<i32>} : memref<2048xi32, #tpu.memory_space<vmem>>, vector<16xi32>,
    %get3A_1893 = arith.constant 1296 : index
    %get3A_1894 = tpu.vector_load %arg5[%get3A_1893] {strides = array<i32>} : memref<2048xi32, #tpu.memory_space<vmem>>, vector<16xi32>,
    %get3A_1895 = vector.shape_cast %get3A_1894 : vector<16xi32> to vector<16xi32>
    %and3A_1896 = arith.andi %get3A_1895, %broadcast_in_dim3A_35 : vector<16xi32>
    %lt3A_1897 = arith.cmpi slt, %get3A_1895, %broadcast_in_dim3A_33 : vector<16xi32>
    %lt3A_1898 = arith.constant 50256 : i32
    %lt3A_1899 = vector.broadcast %lt3A_1898 : i32 to vector<16xi32>
    %lt3A_1900 = arith.cmpi slt, %and3A_1896, %lt3A_1899 : vector<16xi32>
    %and3A_1901 = arith.andi %lt3A_1897, %lt3A_1900 : vector<16xi1>
    %select_n3A_1902 = arith.select %and3A_1901, %broadcast_in_dim3A_37, %and3A_1896 : vector<16xi1>, vector<16xi32>
    %shift_left3A_1903 = arith.constant 1 : i32
    %shift_left3A_1904 = vector.broadcast %shift_left3A_1903 : i32 to vector<16xi32>
    %shift_left3A_1905 = arith.shli %get3A_1895, %shift_left3A_1904 : vector<16xi32>
    %lt3A_1906 = arith.cmpi slt, %shift_left3A_1905, %broadcast_in_dim3A_33 : vector<16xi32>
    %get3A_1907 = arith.constant 1296 : index
    %get3A_1908 = tpu.vector_load %arg6[%get3A_1907] {strides = array<i32>} : memref<2048xi32, #tpu.memory_space<vmem>>, vector<16xi32>,
    %get3A_1909 = vector.shape_cast %get3A_1908 : vector<16xi32> to vector<16xi32>
    %select_n3A_1910 = arith.select %lt3A_1906, %get3A_1909, %select_n3A_1902 : vector<16xi1>, vector<16xi32>
    %swap3A_1911 = arith.constant 1296 : index
    %swap3A_1912 = tpu.vector_load %arg7[%swap3A_1911] {strides = array<i32>} : memref<2048xi32, #tpu.memory_space<vmem>>, vector<16xi32>,
    %swap3A_1913 = vector.shape_cast %swap3A_1912 : vector<16xi32> to vector<16xi32>
    %swap3A_1914 = vector.shape_cast %select_n3A_1910 : vector<16xi32> to vector<16xi32>
    tpu.vector_store %arg7[%swap3A_1911], %swap3A_1914 {strides = array<i32>} : memref<2048xi32, #tpu.memory_space<vmem>>, vector<16xi32>,
    %get3A_1915 = arith.constant 1312 : index
    %get3A_1916 = tpu.vector_load %arg5[%get3A_1915] {strides = array<i32>} : memref<2048xi32, #tpu.memory_space<vmem>>, vector<16xi32>,
    %get3A_1917 = vector.shape_cast %get3A_1916 : vector<16xi32> to vector<16xi32>
    %and3A_1918 = arith.andi %get3A_1917, %broadcast_in_dim3A_35 : vector<16xi32>
    %lt3A_1919 = arith.cmpi slt, %get3A_1917, %broadcast_in_dim3A_33 : vector<16xi32>
    %lt3A_1920 = arith.constant 50256 : i32
    %lt3A_1921 = vector.broadcast %lt3A_1920 : i32 to vector<16xi32>
    %lt3A_1922 = arith.cmpi slt, %and3A_1918, %lt3A_1921 : vector<16xi32>
    %and3A_1923 = arith.andi %lt3A_1919, %lt3A_1922 : vector<16xi1>
    %select_n3A_1924 = arith.select %and3A_1923, %broadcast_in_dim3A_37, %and3A_1918 : vector<16xi1>, vector<16xi32>
    %shift_left3A_1925 = arith.constant 1 : i32
    %shift_left3A_1926 = vector.broadcast %shift_left3A_1925 : i32 to vector<16xi32>
    %shift_left3A_1927 = arith.shli %get3A_1917, %shift_left3A_1926 : vector<16xi32>
    %lt3A_1928 = arith.cmpi slt, %shift_left3A_1927, %broadcast_in_dim3A_33 : vector<16xi32>
    %get3A_1929 = arith.constant 1312 : index
    %get3A_1930 = tpu.vector_load %arg6[%get3A_1929] {strides = array<i32>} : memref<2048xi32, #tpu.memory_space<vmem>>, vector<16xi32>,
    %get3A_1931 = vector.shape_cast %get3A_1930 : vector<16xi32> to vector<16xi32>
    %select_n3A_1932 = arith.select %lt3A_1928, %get3A_1931, %select_n3A_1924 : vector<16xi1>, vector<16xi32>
    %swap3A_1933 = arith.constant 1312 : index
    %swap3A_1934 = tpu.vector_load %arg7[%swap3A_1933] {strides = array<i32>} : memref<2048xi32, #tpu.memory_space<vmem>>, vector<16xi32>,
    %swap3A_1935 = vector.shape_cast %swap3A_1934 : vector<16xi32> to vector<16xi32>
    %swap3A_1936 = vector.shape_cast %select_n3A_1932 : vector<16xi32> to vector<16xi32>
    tpu.vector_store %arg7[%swap3A_1933], %swap3A_1936 {strides = array<i32>} : memref<2048xi32, #tpu.memory_space<vmem>>, vector<16xi32>,
    %get3A_1937 = arith.constant 1328 : index
    %get3A_1938 = tpu.vector_load %arg5[%get3A_1937] {strides = array<i32>} : memref<2048xi32, #tpu.memory_space<vmem>>, vector<16xi32>,
    %get3A_1939 = vector.shape_cast %get3A_1938 : vector<16xi32> to vector<16xi32>
    %and3A_1940 = arith.andi %get3A_1939, %broadcast_in_dim3A_35 : vector<16xi32>
    %lt3A_1941 = arith.cmpi slt, %get3A_1939, %broadcast_in_dim3A_33 : vector<16xi32>
    %lt3A_1942 = arith.constant 50256 : i32
    %lt3A_1943 = vector.broadcast %lt3A_1942 : i32 to vector<16xi32>
    %lt3A_1944 = arith.cmpi slt, %and3A_1940, %lt3A_1943 : vector<16xi32>
    %and3A_1945 = arith.andi %lt3A_1941, %lt3A_1944 : vector<16xi1>
    %select_n3A_1946 = arith.select %and3A_1945, %broadcast_in_dim3A_37, %and3A_1940 : vector<16xi1>, vector<16xi32>
    %shift_left3A_1947 = arith.constant 1 : i32
    %shift_left3A_1948 = vector.broadcast %shift_left3A_1947 : i32 to vector<16xi32>
    %shift_left3A_1949 = arith.shli %get3A_1939, %shift_left3A_1948 : vector<16xi32>
    %lt3A_1950 = arith.cmpi slt, %shift_left3A_1949, %broadcast_in_dim3A_33 : vector<16xi32>
    %get3A_1951 = arith.constant 1328 : index
    %get3A_1952 = tpu.vector_load %arg6[%get3A_1951] {strides = array<i32>} : memref<2048xi32, #tpu.memory_space<vmem>>, vector<16xi32>,
    %get3A_1953 = vector.shape_cast %get3A_1952 : vector<16xi32> to vector<16xi32>
    %select_n3A_1954 = arith.select %lt3A_1950, %get3A_1953, %select_n3A_1946 : vector<16xi1>, vector<16xi32>
    %swap3A_1955 = arith.constant 1328 : index
    %swap3A_1956 = tpu.vector_load %arg7[%swap3A_1955] {strides = array<i32>} : memref<2048xi32, #tpu.memory_space<vmem>>, vector<16xi32>,
    %swap3A_1957 = vector.shape_cast %swap3A_1956 : vector<16xi32> to vector<16xi32>
    %swap3A_1958 = vector.shape_cast %select_n3A_1954 : vector<16xi32> to vector<16xi32>
    tpu.vector_store %arg7[%swap3A_1955], %swap3A_1958 {strides = array<i32>} : memref<2048xi32, #tpu.memory_space<vmem>>, vector<16xi32>,
    %get3A_1959 = arith.constant 1344 : index
    %get3A_1960 = tpu.vector_load %arg5[%get3A_1959] {strides = array<i32>} : memref<2048xi32, #tpu.memory_space<vmem>>, vector<16xi32>,
    %get3A_1961 = vector.shape_cast %get3A_1960 : vector<16xi32> to vector<16xi32>
    %and3A_1962 = arith.andi %get3A_1961, %broadcast_in_dim3A_35 : vector<16xi32>
    %lt3A_1963 = arith.cmpi slt, %get3A_1961, %broadcast_in_dim3A_33 : vector<16xi32>
    %lt3A_1964 = arith.constant 50256 : i32
    %lt3A_1965 = vector.broadcast %lt3A_1964 : i32 to vector<16xi32>
    %lt3A_1966 = arith.cmpi slt, %and3A_1962, %lt3A_1965 : vector<16xi32>
    %and3A_1967 = arith.andi %lt3A_1963, %lt3A_1966 : vector<16xi1>
    %select_n3A_1968 = arith.select %and3A_1967, %broadcast_in_dim3A_37, %and3A_1962 : vector<16xi1>, vector<16xi32>
    %shift_left3A_1969 = arith.constant 1 : i32
    %shift_left3A_1970 = vector.broadcast %shift_left3A_1969 : i32 to vector<16xi32>
    %shift_left3A_1971 = arith.shli %get3A_1961, %shift_left3A_1970 : vector<16xi32>
    %lt3A_1972 = arith.cmpi slt, %shift_left3A_1971, %broadcast_in_dim3A_33 : vector<16xi32>
    %get3A_1973 = arith.constant 1344 : index
    %get3A_1974 = tpu.vector_load %arg6[%get3A_1973] {strides = array<i32>} : memref<2048xi32, #tpu.memory_space<vmem>>, vector<16xi32>,
    %get3A_1975 = vector.shape_cast %get3A_1974 : vector<16xi32> to vector<16xi32>
    %select_n3A_1976 = arith.select %lt3A_1972, %get3A_1975, %select_n3A_1968 : vector<16xi1>, vector<16xi32>
    %swap3A_1977 = arith.constant 1344 : index
    %swap3A_1978 = tpu.vector_load %arg7[%swap3A_1977] {strides = array<i32>} : memref<2048xi32, #tpu.memory_space<vmem>>, vector<16xi32>,
    %swap3A_1979 = vector.shape_cast %swap3A_1978 : vector<16xi32> to vector<16xi32>
    %swap3A_1980 = vector.shape_cast %select_n3A_1976 : vector<16xi32> to vector<16xi32>
    tpu.vector_store %arg7[%swap3A_1977], %swap3A_1980 {strides = array<i32>} : memref<2048xi32, #tpu.memory_space<vmem>>, vector<16xi32>,
    %get3A_1981 = arith.constant 1360 : index
    %get3A_1982 = tpu.vector_load %arg5[%get3A_1981] {strides = array<i32>} : memref<2048xi32, #tpu.memory_space<vmem>>, vector<16xi32>,
    %get3A_1983 = vector.shape_cast %get3A_1982 : vector<16xi32> to vector<16xi32>
    %and3A_1984 = arith.andi %get3A_1983, %broadcast_in_dim3A_35 : vector<16xi32>
    %lt3A_1985 = arith.cmpi slt, %get3A_1983, %broadcast_in_dim3A_33 : vector<16xi32>
    %lt3A_1986 = arith.constant 50256 : i32
    %lt3A_1987 = vector.broadcast %lt3A_1986 : i32 to vector<16xi32>
    %lt3A_1988 = arith.cmpi slt, %and3A_1984, %lt3A_1987 : vector<16xi32>
    %and3A_1989 = arith.andi %lt3A_1985, %lt3A_1988 : vector<16xi1>
    %select_n3A_1990 = arith.select %and3A_1989, %broadcast_in_dim3A_37, %and3A_1984 : vector<16xi1>, vector<16xi32>
    %shift_left3A_1991 = arith.constant 1 : i32
    %shift_left3A_1992 = vector.broadcast %shift_left3A_1991 : i32 to vector<16xi32>
    %shift_left3A_1993 = arith.shli %get3A_1983, %shift_left3A_1992 : vector<16xi32>
    %lt3A_1994 = arith.cmpi slt, %shift_left3A_1993, %broadcast_in_dim3A_33 : vector<16xi32>
    %get3A_1995 = arith.constant 1360 : index
    %get3A_1996 = tpu.vector_load %arg6[%get3A_1995] {strides = array<i32>} : memref<2048xi32, #tpu.memory_space<vmem>>, vector<16xi32>,
    %get3A_1997 = vector.shape_cast %get3A_1996 : vector<16xi32> to vector<16xi32>
    %select_n3A_1998 = arith.select %lt3A_1994, %get3A_1997, %select_n3A_1990 : vector<16xi1>, vector<16xi32>
    %swap3A_1999 = arith.constant 1360 : index
    %swap3A_2000 = tpu.vector_load %arg7[%swap3A_1999] {strides = array<i32>} : memref<2048xi32, #tpu.memory_space<vmem>>, vector<16xi32>,
    %swap3A_2001 = vector.shape_cast %swap3A_2000 : vector<16xi32> to vector<16xi32>
    %swap3A_2002 = vector.shape_cast %select_n3A_1998 : vector<16xi32> to vector<16xi32>
    tpu.vector_store %arg7[%swap3A_1999], %swap3A_2002 {strides = array<i32>} : memref<2048xi32, #tpu.memory_space<vmem>>, vector<16xi32>,
    %get3A_2003 = arith.constant 1376 : index
    %get3A_2004 = tpu.vector_load %arg5[%get3A_2003] {strides = array<i32>} : memref<2048xi32, #tpu.memory_space<vmem>>, vector<16xi32>,
    %get3A_2005 = vector.shape_cast %get3A_2004 : vector<16xi32> to vector<16xi32>
    %and3A_2006 = arith.andi %get3A_2005, %broadcast_in_dim3A_35 : vector<16xi32>
    %lt3A_2007 = arith.cmpi slt, %get3A_2005, %broadcast_in_dim3A_33 : vector<16xi32>
    %lt3A_2008 = arith.constant 50256 : i32
    %lt3A_2009 = vector.broadcast %lt3A_2008 : i32 to vector<16xi32>
    %lt3A_2010 = arith.cmpi slt, %and3A_2006, %lt3A_2009 : vector<16xi32>
    %and3A_2011 = arith.andi %lt3A_2007, %lt3A_2010 : vector<16xi1>
    %select_n3A_2012 = arith.select %and3A_2011, %broadcast_in_dim3A_37, %and3A_2006 : vector<16xi1>, vector<16xi32>
    %shift_left3A_2013 = arith.constant 1 : i32
    %shift_left3A_2014 = vector.broadcast %shift_left3A_2013 : i32 to vector<16xi32>
    %shift_left3A_2015 = arith.shli %get3A_2005, %shift_left3A_2014 : vector<16xi32>
    %lt3A_2016 = arith.cmpi slt, %shift_left3A_2015, %broadcast_in_dim3A_33 : vector<16xi32>
    %get3A_2017 = arith.constant 1376 : index
    %get3A_2018 = tpu.vector_load %arg6[%get3A_2017] {strides = array<i32>} : memref<2048xi32, #tpu.memory_space<vmem>>, vector<16xi32>,
    %get3A_2019 = vector.shape_cast %get3A_2018 : vector<16xi32> to vector<16xi32>
    %select_n3A_2020 = arith.select %lt3A_2016, %get3A_2019, %select_n3A_2012 : vector<16xi1>, vector<16xi32>
    %swap3A_2021 = arith.constant 1376 : index
    %swap3A_2022 = tpu.vector_load %arg7[%swap3A_2021] {strides = array<i32>} : memref<2048xi32, #tpu.memory_space<vmem>>, vector<16xi32>,
    %swap3A_2023 = vector.shape_cast %swap3A_2022 : vector<16xi32> to vector<16xi32>
    %swap3A_2024 = vector.shape_cast %select_n3A_2020 : vector<16xi32> to vector<16xi32>
    tpu.vector_store %arg7[%swap3A_2021], %swap3A_2024 {strides = array<i32>} : memref<2048xi32, #tpu.memory_space<vmem>>, vector<16xi32>,
    %get3A_2025 = arith.constant 1392 : index
    %get3A_2026 = tpu.vector_load %arg5[%get3A_2025] {strides = array<i32>} : memref<2048xi32, #tpu.memory_space<vmem>>, vector<16xi32>,
    %get3A_2027 = vector.shape_cast %get3A_2026 : vector<16xi32> to vector<16xi32>
    %and3A_2028 = arith.andi %get3A_2027, %broadcast_in_dim3A_35 : vector<16xi32>
    %lt3A_2029 = arith.cmpi slt, %get3A_2027, %broadcast_in_dim3A_33 : vector<16xi32>
    %lt3A_2030 = arith.constant 50256 : i32
    %lt3A_2031 = vector.broadcast %lt3A_2030 : i32 to vector<16xi32>
    %lt3A_2032 = arith.cmpi slt, %and3A_2028, %lt3A_2031 : vector<16xi32>
    %and3A_2033 = arith.andi %lt3A_2029, %lt3A_2032 : vector<16xi1>
    %select_n3A_2034 = arith.select %and3A_2033, %broadcast_in_dim3A_37, %and3A_2028 : vector<16xi1>, vector<16xi32>
    %shift_left3A_2035 = arith.constant 1 : i32
    %shift_left3A_2036 = vector.broadcast %shift_left3A_2035 : i32 to vector<16xi32>
    %shift_left3A_2037 = arith.shli %get3A_2027, %shift_left3A_2036 : vector<16xi32>
    %lt3A_2038 = arith.cmpi slt, %shift_left3A_2037, %broadcast_in_dim3A_33 : vector<16xi32>
    %get3A_2039 = arith.constant 1392 : index
    %get3A_2040 = tpu.vector_load %arg6[%get3A_2039] {strides = array<i32>} : memref<2048xi32, #tpu.memory_space<vmem>>, vector<16xi32>,
    %get3A_2041 = vector.shape_cast %get3A_2040 : vector<16xi32> to vector<16xi32>
    %select_n3A_2042 = arith.select %lt3A_2038, %get3A_2041, %select_n3A_2034 : vector<16xi1>, vector<16xi32>
    %swap3A_2043 = arith.constant 1392 : index
    %swap3A_2044 = tpu.vector_load %arg7[%swap3A_2043] {strides = array<i32>} : memref<2048xi32, #tpu.memory_space<vmem>>, vector<16xi32>,
    %swap3A_2045 = vector.shape_cast %swap3A_2044 : vector<16xi32> to vector<16xi32>
    %swap3A_2046 = vector.shape_cast %select_n3A_2042 : vector<16xi32> to vector<16xi32>
    tpu.vector_store %arg7[%swap3A_2043], %swap3A_2046 {strides = array<i32>} : memref<2048xi32, #tpu.memory_space<vmem>>, vector<16xi32>,
    %get3A_2047 = arith.constant 1408 : index
    %get3A_2048 = tpu.vector_load %arg5[%get3A_2047] {strides = array<i32>} : memref<2048xi32, #tpu.memory_space<vmem>>, vector<16xi32>,
    %get3A_2049 = vector.shape_cast %get3A_2048 : vector<16xi32> to vector<16xi32>
    %and3A_2050 = arith.andi %get3A_2049, %broadcast_in_dim3A_35 : vector<16xi32>
    %lt3A_2051 = arith.cmpi slt, %get3A_2049, %broadcast_in_dim3A_33 : vector<16xi32>
    %lt3A_2052 = arith.constant 50256 : i32
    %lt3A_2053 = vector.broadcast %lt3A_2052 : i32 to vector<16xi32>
    %lt3A_2054 = arith.cmpi slt, %and3A_2050, %lt3A_2053 : vector<16xi32>
    %and3A_2055 = arith.andi %lt3A_2051, %lt3A_2054 : vector<16xi1>
    %select_n3A_2056 = arith.select %and3A_2055, %broadcast_in_dim3A_37, %and3A_2050 : vector<16xi1>, vector<16xi32>
    %shift_left3A_2057 = arith.constant 1 : i32
    %shift_left3A_2058 = vector.broadcast %shift_left3A_2057 : i32 to vector<16xi32>
    %shift_left3A_2059 = arith.shli %get3A_2049, %shift_left3A_2058 : vector<16xi32>
    %lt3A_2060 = arith.cmpi slt, %shift_left3A_2059, %broadcast_in_dim3A_33 : vector<16xi32>
    %get3A_2061 = arith.constant 1408 : index
    %get3A_2062 = tpu.vector_load %arg6[%get3A_2061] {strides = array<i32>} : memref<2048xi32, #tpu.memory_space<vmem>>, vector<16xi32>,
    %get3A_2063 = vector.shape_cast %get3A_2062 : vector<16xi32> to vector<16xi32>
    %select_n3A_2064 = arith.select %lt3A_2060, %get3A_2063, %select_n3A_2056 : vector<16xi1>, vector<16xi32>
    %swap3A_2065 = arith.constant 1408 : index
    %swap3A_2066 = tpu.vector_load %arg7[%swap3A_2065] {strides = array<i32>} : memref<2048xi32, #tpu.memory_space<vmem>>, vector<16xi32>,
    %swap3A_2067 = vector.shape_cast %swap3A_2066 : vector<16xi32> to vector<16xi32>
    %swap3A_2068 = vector.shape_cast %select_n3A_2064 : vector<16xi32> to vector<16xi32>
    tpu.vector_store %arg7[%swap3A_2065], %swap3A_2068 {strides = array<i32>} : memref<2048xi32, #tpu.memory_space<vmem>>, vector<16xi32>,
    %get3A_2069 = arith.constant 1424 : index
    %get3A_2070 = tpu.vector_load %arg5[%get3A_2069] {strides = array<i32>} : memref<2048xi32, #tpu.memory_space<vmem>>, vector<16xi32>,
    %get3A_2071 = vector.shape_cast %get3A_2070 : vector<16xi32> to vector<16xi32>
    %and3A_2072 = arith.andi %get3A_2071, %broadcast_in_dim3A_35 : vector<16xi32>
    %lt3A_2073 = arith.cmpi slt, %get3A_2071, %broadcast_in_dim3A_33 : vector<16xi32>
    %lt3A_2074 = arith.constant 50256 : i32
    %lt3A_2075 = vector.broadcast %lt3A_2074 : i32 to vector<16xi32>
    %lt3A_2076 = arith.cmpi slt, %and3A_2072, %lt3A_2075 : vector<16xi32>
    %and3A_2077 = arith.andi %lt3A_2073, %lt3A_2076 : vector<16xi1>
    %select_n3A_2078 = arith.select %and3A_2077, %broadcast_in_dim3A_37, %and3A_2072 : vector<16xi1>, vector<16xi32>
    %shift_left3A_2079 = arith.constant 1 : i32
    %shift_left3A_2080 = vector.broadcast %shift_left3A_2079 : i32 to vector<16xi32>
    %shift_left3A_2081 = arith.shli %get3A_2071, %shift_left3A_2080 : vector<16xi32>
    %lt3A_2082 = arith.cmpi slt, %shift_left3A_2081, %broadcast_in_dim3A_33 : vector<16xi32>
    %get3A_2083 = arith.constant 1424 : index
    %get3A_2084 = tpu.vector_load %arg6[%get3A_2083] {strides = array<i32>} : memref<2048xi32, #tpu.memory_space<vmem>>, vector<16xi32>,
    %get3A_2085 = vector.shape_cast %get3A_2084 : vector<16xi32> to vector<16xi32>
    %select_n3A_2086 = arith.select %lt3A_2082, %get3A_2085, %select_n3A_2078 : vector<16xi1>, vector<16xi32>
    %swap3A_2087 = arith.constant 1424 : index
    %swap3A_2088 = tpu.vector_load %arg7[%swap3A_2087] {strides = array<i32>} : memref<2048xi32, #tpu.memory_space<vmem>>, vector<16xi32>,
    %swap3A_2089 = vector.shape_cast %swap3A_2088 : vector<16xi32> to vector<16xi32>
    %swap3A_2090 = vector.shape_cast %select_n3A_2086 : vector<16xi32> to vector<16xi32>
    tpu.vector_store %arg7[%swap3A_2087], %swap3A_2090 {strides = array<i32>} : memref<2048xi32, #tpu.memory_space<vmem>>, vector<16xi32>,
    %get3A_2091 = arith.constant 1440 : index
    %get3A_2092 = tpu.vector_load %arg5[%get3A_2091] {strides = array<i32>} : memref<2048xi32, #tpu.memory_space<vmem>>, vector<16xi32>,
    %get3A_2093 = vector.shape_cast %get3A_2092 : vector<16xi32> to vector<16xi32>
    %and3A_2094 = arith.andi %get3A_2093, %broadcast_in_dim3A_35 : vector<16xi32>
    %lt3A_2095 = arith.cmpi slt, %get3A_2093, %broadcast_in_dim3A_33 : vector<16xi32>
    %lt3A_2096 = arith.constant 50256 : i32
    %lt3A_2097 = vector.broadcast %lt3A_2096 : i32 to vector<16xi32>
    %lt3A_2098 = arith.cmpi slt, %and3A_2094, %lt3A_2097 : vector<16xi32>
    %and3A_2099 = arith.andi %lt3A_2095, %lt3A_2098 : vector<16xi1>
    %select_n3A_2100 = arith.select %and3A_2099, %broadcast_in_dim3A_37, %and3A_2094 : vector<16xi1>, vector<16xi32>
    %shift_left3A_2101 = arith.constant 1 : i32
    %shift_left3A_2102 = vector.broadcast %shift_left3A_2101 : i32 to vector<16xi32>
    %shift_left3A_2103 = arith.shli %get3A_2093, %shift_left3A_2102 : vector<16xi32>
    %lt3A_2104 = arith.cmpi slt, %shift_left3A_2103, %broadcast_in_dim3A_33 : vector<16xi32>
    %get3A_2105 = arith.constant 1440 : index
    %get3A_2106 = tpu.vector_load %arg6[%get3A_2105] {strides = array<i32>} : memref<2048xi32, #tpu.memory_space<vmem>>, vector<16xi32>,
    %get3A_2107 = vector.shape_cast %get3A_2106 : vector<16xi32> to vector<16xi32>
    %select_n3A_2108 = arith.select %lt3A_2104, %get3A_2107, %select_n3A_2100 : vector<16xi1>, vector<16xi32>
    %swap3A_2109 = arith.constant 1440 : index
    %swap3A_2110 = tpu.vector_load %arg7[%swap3A_2109] {strides = array<i32>} : memref<2048xi32, #tpu.memory_space<vmem>>, vector<16xi32>,
    %swap3A_2111 = vector.shape_cast %swap3A_2110 : vector<16xi32> to vector<16xi32>
    %swap3A_2112 = vector.shape_cast %select_n3A_2108 : vector<16xi32> to vector<16xi32>
    tpu.vector_store %arg7[%swap3A_2109], %swap3A_2112 {strides = array<i32>} : memref<2048xi32, #tpu.memory_space<vmem>>, vector<16xi32>,
    %get3A_2113 = arith.constant 1456 : index
    %get3A_2114 = tpu.vector_load %arg5[%get3A_2113] {strides = array<i32>} : memref<2048xi32, #tpu.memory_space<vmem>>, vector<16xi32>,
    %get3A_2115 = vector.shape_cast %get3A_2114 : vector<16xi32> to vector<16xi32>
    %and3A_2116 = arith.andi %get3A_2115, %broadcast_in_dim3A_35 : vector<16xi32>
    %lt3A_2117 = arith.cmpi slt, %get3A_2115, %broadcast_in_dim3A_33 : vector<16xi32>
    %lt3A_2118 = arith.constant 50256 : i32
    %lt3A_2119 = vector.broadcast %lt3A_2118 : i32 to vector<16xi32>
    %lt3A_2120 = arith.cmpi slt, %and3A_2116, %lt3A_2119 : vector<16xi32>
    %and3A_2121 = arith.andi %lt3A_2117, %lt3A_2120 : vector<16xi1>
    %select_n3A_2122 = arith.select %and3A_2121, %broadcast_in_dim3A_37, %and3A_2116 : vector<16xi1>, vector<16xi32>
    %shift_left3A_2123 = arith.constant 1 : i32
    %shift_left3A_2124 = vector.broadcast %shift_left3A_2123 : i32 to vector<16xi32>
    %shift_left3A_2125 = arith.shli %get3A_2115, %shift_left3A_2124 : vector<16xi32>
    %lt3A_2126 = arith.cmpi slt, %shift_left3A_2125, %broadcast_in_dim3A_33 : vector<16xi32>
    %get3A_2127 = arith.constant 1456 : index
    %get3A_2128 = tpu.vector_load %arg6[%get3A_2127] {strides = array<i32>} : memref<2048xi32, #tpu.memory_space<vmem>>, vector<16xi32>,
    %get3A_2129 = vector.shape_cast %get3A_2128 : vector<16xi32> to vector<16xi32>
    %select_n3A_2130 = arith.select %lt3A_2126, %get3A_2129, %select_n3A_2122 : vector<16xi1>, vector<16xi32>
    %swap3A_2131 = arith.constant 1456 : index
    %swap3A_2132 = tpu.vector_load %arg7[%swap3A_2131] {strides = array<i32>} : memref<2048xi32, #tpu.memory_space<vmem>>, vector<16xi32>,
    %swap3A_2133 = vector.shape_cast %swap3A_2132 : vector<16xi32> to vector<16xi32>
    %swap3A_2134 = vector.shape_cast %select_n3A_2130 : vector<16xi32> to vector<16xi32>
    tpu.vector_store %arg7[%swap3A_2131], %swap3A_2134 {strides = array<i32>} : memref<2048xi32, #tpu.memory_space<vmem>>, vector<16xi32>,
    %get3A_2135 = arith.constant 1472 : index
    %get3A_2136 = tpu.vector_load %arg5[%get3A_2135] {strides = array<i32>} : memref<2048xi32, #tpu.memory_space<vmem>>, vector<16xi32>,
    %get3A_2137 = vector.shape_cast %get3A_2136 : vector<16xi32> to vector<16xi32>
    %and3A_2138 = arith.andi %get3A_2137, %broadcast_in_dim3A_35 : vector<16xi32>
    %lt3A_2139 = arith.cmpi slt, %get3A_2137, %broadcast_in_dim3A_33 : vector<16xi32>
    %lt3A_2140 = arith.constant 50256 : i32
    %lt3A_2141 = vector.broadcast %lt3A_2140 : i32 to vector<16xi32>
    %lt3A_2142 = arith.cmpi slt, %and3A_2138, %lt3A_2141 : vector<16xi32>
    %and3A_2143 = arith.andi %lt3A_2139, %lt3A_2142 : vector<16xi1>
    %select_n3A_2144 = arith.select %and3A_2143, %broadcast_in_dim3A_37, %and3A_2138 : vector<16xi1>, vector<16xi32>
    %shift_left3A_2145 = arith.constant 1 : i32
    %shift_left3A_2146 = vector.broadcast %shift_left3A_2145 : i32 to vector<16xi32>
    %shift_left3A_2147 = arith.shli %get3A_2137, %shift_left3A_2146 : vector<16xi32>
    %lt3A_2148 = arith.cmpi slt, %shift_left3A_2147, %broadcast_in_dim3A_33 : vector<16xi32>
    %get3A_2149 = arith.constant 1472 : index
    %get3A_2150 = tpu.vector_load %arg6[%get3A_2149] {strides = array<i32>} : memref<2048xi32, #tpu.memory_space<vmem>>, vector<16xi32>,
    %get3A_2151 = vector.shape_cast %get3A_2150 : vector<16xi32> to vector<16xi32>
    %select_n3A_2152 = arith.select %lt3A_2148, %get3A_2151, %select_n3A_2144 : vector<16xi1>, vector<16xi32>
    %swap3A_2153 = arith.constant 1472 : index
    %swap3A_2154 = tpu.vector_load %arg7[%swap3A_2153] {strides = array<i32>} : memref<2048xi32, #tpu.memory_space<vmem>>, vector<16xi32>,
    %swap3A_2155 = vector.shape_cast %swap3A_2154 : vector<16xi32> to vector<16xi32>
    %swap3A_2156 = vector.shape_cast %select_n3A_2152 : vector<16xi32> to vector<16xi32>
    tpu.vector_store %arg7[%swap3A_2153], %swap3A_2156 {strides = array<i32>} : memref<2048xi32, #tpu.memory_space<vmem>>, vector<16xi32>,
    %get3A_2157 = arith.constant 1488 : index
    %get3A_2158 = tpu.vector_load %arg5[%get3A_2157] {strides = array<i32>} : memref<2048xi32, #tpu.memory_space<vmem>>, vector<16xi32>,
    %get3A_2159 = vector.shape_cast %get3A_2158 : vector<16xi32> to vector<16xi32>
    %and3A_2160 = arith.andi %get3A_2159, %broadcast_in_dim3A_35 : vector<16xi32>
    %lt3A_2161 = arith.cmpi slt, %get3A_2159, %broadcast_in_dim3A_33 : vector<16xi32>
    %lt3A_2162 = arith.constant 50256 : i32
    %lt3A_2163 = vector.broadcast %lt3A_2162 : i32 to vector<16xi32>
    %lt3A_2164 = arith.cmpi slt, %and3A_2160, %lt3A_2163 : vector<16xi32>
    %and3A_2165 = arith.andi %lt3A_2161, %lt3A_2164 : vector<16xi1>
    %select_n3A_2166 = arith.select %and3A_2165, %broadcast_in_dim3A_37, %and3A_2160 : vector<16xi1>, vector<16xi32>
    %shift_left3A_2167 = arith.constant 1 : i32
    %shift_left3A_2168 = vector.broadcast %shift_left3A_2167 : i32 to vector<16xi32>
    %shift_left3A_2169 = arith.shli %get3A_2159, %shift_left3A_2168 : vector<16xi32>
    %lt3A_2170 = arith.cmpi slt, %shift_left3A_2169, %broadcast_in_dim3A_33 : vector<16xi32>
    %get3A_2171 = arith.constant 1488 : index
    %get3A_2172 = tpu.vector_load %arg6[%get3A_2171] {strides = array<i32>} : memref<2048xi32, #tpu.memory_space<vmem>>, vector<16xi32>,
    %get3A_2173 = vector.shape_cast %get3A_2172 : vector<16xi32> to vector<16xi32>
    %select_n3A_2174 = arith.select %lt3A_2170, %get3A_2173, %select_n3A_2166 : vector<16xi1>, vector<16xi32>
    %swap3A_2175 = arith.constant 1488 : index
    %swap3A_2176 = tpu.vector_load %arg7[%swap3A_2175] {strides = array<i32>} : memref<2048xi32, #tpu.memory_space<vmem>>, vector<16xi32>,
    %swap3A_2177 = vector.shape_cast %swap3A_2176 : vector<16xi32> to vector<16xi32>
    %swap3A_2178 = vector.shape_cast %select_n3A_2174 : vector<16xi32> to vector<16xi32>
    tpu.vector_store %arg7[%swap3A_2175], %swap3A_2178 {strides = array<i32>} : memref<2048xi32, #tpu.memory_space<vmem>>, vector<16xi32>,
    %get3A_2179 = arith.constant 1504 : index
    %get3A_2180 = tpu.vector_load %arg5[%get3A_2179] {strides = array<i32>} : memref<2048xi32, #tpu.memory_space<vmem>>, vector<16xi32>,
    %get3A_2181 = vector.shape_cast %get3A_2180 : vector<16xi32> to vector<16xi32>
    %and3A_2182 = arith.andi %get3A_2181, %broadcast_in_dim3A_35 : vector<16xi32>
    %lt3A_2183 = arith.cmpi slt, %get3A_2181, %broadcast_in_dim3A_33 : vector<16xi32>
    %lt3A_2184 = arith.constant 50256 : i32
    %lt3A_2185 = vector.broadcast %lt3A_2184 : i32 to vector<16xi32>
    %lt3A_2186 = arith.cmpi slt, %and3A_2182, %lt3A_2185 : vector<16xi32>
    %and3A_2187 = arith.andi %lt3A_2183, %lt3A_2186 : vector<16xi1>
    %select_n3A_2188 = arith.select %and3A_2187, %broadcast_in_dim3A_37, %and3A_2182 : vector<16xi1>, vector<16xi32>
    %shift_left3A_2189 = arith.constant 1 : i32
    %shift_left3A_2190 = vector.broadcast %shift_left3A_2189 : i32 to vector<16xi32>
    %shift_left3A_2191 = arith.shli %get3A_2181, %shift_left3A_2190 : vector<16xi32>
    %lt3A_2192 = arith.cmpi slt, %shift_left3A_2191, %broadcast_in_dim3A_33 : vector<16xi32>
    %get3A_2193 = arith.constant 1504 : index
    %get3A_2194 = tpu.vector_load %arg6[%get3A_2193] {strides = array<i32>} : memref<2048xi32, #tpu.memory_space<vmem>>, vector<16xi32>,
    %get3A_2195 = vector.shape_cast %get3A_2194 : vector<16xi32> to vector<16xi32>
    %select_n3A_2196 = arith.select %lt3A_2192, %get3A_2195, %select_n3A_2188 : vector<16xi1>, vector<16xi32>
    %swap3A_2197 = arith.constant 1504 : index
    %swap3A_2198 = tpu.vector_load %arg7[%swap3A_2197] {strides = array<i32>} : memref<2048xi32, #tpu.memory_space<vmem>>, vector<16xi32>,
    %swap3A_2199 = vector.shape_cast %swap3A_2198 : vector<16xi32> to vector<16xi32>
    %swap3A_2200 = vector.shape_cast %select_n3A_2196 : vector<16xi32> to vector<16xi32>
    tpu.vector_store %arg7[%swap3A_2197], %swap3A_2200 {strides = array<i32>} : memref<2048xi32, #tpu.memory_space<vmem>>, vector<16xi32>,
    %get3A_2201 = arith.constant 1520 : index
    %get3A_2202 = tpu.vector_load %arg5[%get3A_2201] {strides = array<i32>} : memref<2048xi32, #tpu.memory_space<vmem>>, vector<16xi32>,
    %get3A_2203 = vector.shape_cast %get3A_2202 : vector<16xi32> to vector<16xi32>
    %and3A_2204 = arith.andi %get3A_2203, %broadcast_in_dim3A_35 : vector<16xi32>
    %lt3A_2205 = arith.cmpi slt, %get3A_2203, %broadcast_in_dim3A_33 : vector<16xi32>
    %lt3A_2206 = arith.constant 50256 : i32
    %lt3A_2207 = vector.broadcast %lt3A_2206 : i32 to vector<16xi32>
    %lt3A_2208 = arith.cmpi slt, %and3A_2204, %lt3A_2207 : vector<16xi32>
    %and3A_2209 = arith.andi %lt3A_2205, %lt3A_2208 : vector<16xi1>
    %select_n3A_2210 = arith.select %and3A_2209, %broadcast_in_dim3A_37, %and3A_2204 : vector<16xi1>, vector<16xi32>
    %shift_left3A_2211 = arith.constant 1 : i32
    %shift_left3A_2212 = vector.broadcast %shift_left3A_2211 : i32 to vector<16xi32>
    %shift_left3A_2213 = arith.shli %get3A_2203, %shift_left3A_2212 : vector<16xi32>
    %lt3A_2214 = arith.cmpi slt, %shift_left3A_2213, %broadcast_in_dim3A_33 : vector<16xi32>
    %get3A_2215 = arith.constant 1520 : index
    %get3A_2216 = tpu.vector_load %arg6[%get3A_2215] {strides = array<i32>} : memref<2048xi32, #tpu.memory_space<vmem>>, vector<16xi32>,
    %get3A_2217 = vector.shape_cast %get3A_2216 : vector<16xi32> to vector<16xi32>
    %select_n3A_2218 = arith.select %lt3A_2214, %get3A_2217, %select_n3A_2210 : vector<16xi1>, vector<16xi32>
    %swap3A_2219 = arith.constant 1520 : index
    %swap3A_2220 = tpu.vector_load %arg7[%swap3A_2219] {strides = array<i32>} : memref<2048xi32, #tpu.memory_space<vmem>>, vector<16xi32>,
    %swap3A_2221 = vector.shape_cast %swap3A_2220 : vector<16xi32> to vector<16xi32>
    %swap3A_2222 = vector.shape_cast %select_n3A_2218 : vector<16xi32> to vector<16xi32>
    tpu.vector_store %arg7[%swap3A_2219], %swap3A_2222 {strides = array<i32>} : memref<2048xi32, #tpu.memory_space<vmem>>, vector<16xi32>,
    %get3A_2223 = arith.constant 1536 : index
    %get3A_2224 = tpu.vector_load %arg5[%get3A_2223] {strides = array<i32>} : memref<2048xi32, #tpu.memory_space<vmem>>, vector<16xi32>,
    %get3A_2225 = vector.shape_cast %get3A_2224 : vector<16xi32> to vector<16xi32>
    %and3A_2226 = arith.andi %get3A_2225, %broadcast_in_dim3A_35 : vector<16xi32>
    %lt3A_2227 = arith.cmpi slt, %get3A_2225, %broadcast_in_dim3A_33 : vector<16xi32>
    %lt3A_2228 = arith.constant 50256 : i32
    %lt3A_2229 = vector.broadcast %lt3A_2228 : i32 to vector<16xi32>
    %lt3A_2230 = arith.cmpi slt, %and3A_2226, %lt3A_2229 : vector<16xi32>
    %and3A_2231 = arith.andi %lt3A_2227, %lt3A_2230 : vector<16xi1>
    %select_n3A_2232 = arith.select %and3A_2231, %broadcast_in_dim3A_37, %and3A_2226 : vector<16xi1>, vector<16xi32>
    %shift_left3A_2233 = arith.constant 1 : i32
    %shift_left3A_2234 = vector.broadcast %shift_left3A_2233 : i32 to vector<16xi32>
    %shift_left3A_2235 = arith.shli %get3A_2225, %shift_left3A_2234 : vector<16xi32>
    %lt3A_2236 = arith.cmpi slt, %shift_left3A_2235, %broadcast_in_dim3A_33 : vector<16xi32>
    %get3A_2237 = arith.constant 1536 : index
    %get3A_2238 = tpu.vector_load %arg6[%get3A_2237] {strides = array<i32>} : memref<2048xi32, #tpu.memory_space<vmem>>, vector<16xi32>,
    %get3A_2239 = vector.shape_cast %get3A_2238 : vector<16xi32> to vector<16xi32>
    %select_n3A_2240 = arith.select %lt3A_2236, %get3A_2239, %select_n3A_2232 : vector<16xi1>, vector<16xi32>
    %swap3A_2241 = arith.constant 1536 : index
    %swap3A_2242 = tpu.vector_load %arg7[%swap3A_2241] {strides = array<i32>} : memref<2048xi32, #tpu.memory_space<vmem>>, vector<16xi32>,
    %swap3A_2243 = vector.shape_cast %swap3A_2242 : vector<16xi32> to vector<16xi32>
    %swap3A_2244 = vector.shape_cast %select_n3A_2240 : vector<16xi32> to vector<16xi32>
    tpu.vector_store %arg7[%swap3A_2241], %swap3A_2244 {strides = array<i32>} : memref<2048xi32, #tpu.memory_space<vmem>>, vector<16xi32>,
    %get3A_2245 = arith.constant 1552 : index
    %get3A_2246 = tpu.vector_load %arg5[%get3A_2245] {strides = array<i32>} : memref<2048xi32, #tpu.memory_space<vmem>>, vector<16xi32>,
    %get3A_2247 = vector.shape_cast %get3A_2246 : vector<16xi32> to vector<16xi32>
    %and3A_2248 = arith.andi %get3A_2247, %broadcast_in_dim3A_35 : vector<16xi32>
    %lt3A_2249 = arith.cmpi slt, %get3A_2247, %broadcast_in_dim3A_33 : vector<16xi32>
    %lt3A_2250 = arith.constant 50256 : i32
    %lt3A_2251 = vector.broadcast %lt3A_2250 : i32 to vector<16xi32>
    %lt3A_2252 = arith.cmpi slt, %and3A_2248, %lt3A_2251 : vector<16xi32>
    %and3A_2253 = arith.andi %lt3A_2249, %lt3A_2252 : vector<16xi1>
    %select_n3A_2254 = arith.select %and3A_2253, %broadcast_in_dim3A_37, %and3A_2248 : vector<16xi1>, vector<16xi32>
    %shift_left3A_2255 = arith.constant 1 : i32
    %shift_left3A_2256 = vector.broadcast %shift_left3A_2255 : i32 to vector<16xi32>
    %shift_left3A_2257 = arith.shli %get3A_2247, %shift_left3A_2256 : vector<16xi32>
    %lt3A_2258 = arith.cmpi slt, %shift_left3A_2257, %broadcast_in_dim3A_33 : vector<16xi32>
    %get3A_2259 = arith.constant 1552 : index
    %get3A_2260 = tpu.vector_load %arg6[%get3A_2259] {strides = array<i32>} : memref<2048xi32, #tpu.memory_space<vmem>>, vector<16xi32>,
    %get3A_2261 = vector.shape_cast %get3A_2260 : vector<16xi32> to vector<16xi32>
    %select_n3A_2262 = arith.select %lt3A_2258, %get3A_2261, %select_n3A_2254 : vector<16xi1>, vector<16xi32>
    %swap3A_2263 = arith.constant 1552 : index
    %swap3A_2264 = tpu.vector_load %arg7[%swap3A_2263] {strides = array<i32>} : memref<2048xi32, #tpu.memory_space<vmem>>, vector<16xi32>,
    %swap3A_2265 = vector.shape_cast %swap3A_2264 : vector<16xi32> to vector<16xi32>
    %swap3A_2266 = vector.shape_cast %select_n3A_2262 : vector<16xi32> to vector<16xi32>
    tpu.vector_store %arg7[%swap3A_2263], %swap3A_2266 {strides = array<i32>} : memref<2048xi32, #tpu.memory_space<vmem>>, vector<16xi32>,
    %get3A_2267 = arith.constant 1568 : index
    %get3A_2268 = tpu.vector_load %arg5[%get3A_2267] {strides = array<i32>} : memref<2048xi32, #tpu.memory_space<vmem>>, vector<16xi32>,
    %get3A_2269 = vector.shape_cast %get3A_2268 : vector<16xi32> to vector<16xi32>
    %and3A_2270 = arith.andi %get3A_2269, %broadcast_in_dim3A_35 : vector<16xi32>
    %lt3A_2271 = arith.cmpi slt, %get3A_2269, %broadcast_in_dim3A_33 : vector<16xi32>
    %lt3A_2272 = arith.constant 50256 : i32
    %lt3A_2273 = vector.broadcast %lt3A_2272 : i32 to vector<16xi32>
    %lt3A_2274 = arith.cmpi slt, %and3A_2270, %lt3A_2273 : vector<16xi32>
    %and3A_2275 = arith.andi %lt3A_2271, %lt3A_2274 : vector<16xi1>
    %select_n3A_2276 = arith.select %and3A_2275, %broadcast_in_dim3A_37, %and3A_2270 : vector<16xi1>, vector<16xi32>
    %shift_left3A_2277 = arith.constant 1 : i32
    %shift_left3A_2278 = vector.broadcast %shift_left3A_2277 : i32 to vector<16xi32>
    %shift_left3A_2279 = arith.shli %get3A_2269, %shift_left3A_2278 : vector<16xi32>
    %lt3A_2280 = arith.cmpi slt, %shift_left3A_2279, %broadcast_in_dim3A_33 : vector<16xi32>
    %get3A_2281 = arith.constant 1568 : index
    %get3A_2282 = tpu.vector_load %arg6[%get3A_2281] {strides = array<i32>} : memref<2048xi32, #tpu.memory_space<vmem>>, vector<16xi32>,
    %get3A_2283 = vector.shape_cast %get3A_2282 : vector<16xi32> to vector<16xi32>
    %select_n3A_2284 = arith.select %lt3A_2280, %get3A_2283, %select_n3A_2276 : vector<16xi1>, vector<16xi32>
    %swap3A_2285 = arith.constant 1568 : index
    %swap3A_2286 = tpu.vector_load %arg7[%swap3A_2285] {strides = array<i32>} : memref<2048xi32, #tpu.memory_space<vmem>>, vector<16xi32>,
    %swap3A_2287 = vector.shape_cast %swap3A_2286 : vector<16xi32> to vector<16xi32>
    %swap3A_2288 = vector.shape_cast %select_n3A_2284 : vector<16xi32> to vector<16xi32>
    tpu.vector_store %arg7[%swap3A_2285], %swap3A_2288 {strides = array<i32>} : memref<2048xi32, #tpu.memory_space<vmem>>, vector<16xi32>,
    %get3A_2289 = arith.constant 1584 : index
    %get3A_2290 = tpu.vector_load %arg5[%get3A_2289] {strides = array<i32>} : memref<2048xi32, #tpu.memory_space<vmem>>, vector<16xi32>,
    %get3A_2291 = vector.shape_cast %get3A_2290 : vector<16xi32> to vector<16xi32>
    %and3A_2292 = arith.andi %get3A_2291, %broadcast_in_dim3A_35 : vector<16xi32>
    %lt3A_2293 = arith.cmpi slt, %get3A_2291, %broadcast_in_dim3A_33 : vector<16xi32>
    %lt3A_2294 = arith.constant 50256 : i32
    %lt3A_2295 = vector.broadcast %lt3A_2294 : i32 to vector<16xi32>
    %lt3A_2296 = arith.cmpi slt, %and3A_2292, %lt3A_2295 : vector<16xi32>
    %and3A_2297 = arith.andi %lt3A_2293, %lt3A_2296 : vector<16xi1>
    %select_n3A_2298 = arith.select %and3A_2297, %broadcast_in_dim3A_37, %and3A_2292 : vector<16xi1>, vector<16xi32>
    %shift_left3A_2299 = arith.constant 1 : i32
    %shift_left3A_2300 = vector.broadcast %shift_left3A_2299 : i32 to vector<16xi32>
    %shift_left3A_2301 = arith.shli %get3A_2291, %shift_left3A_2300 : vector<16xi32>
    %lt3A_2302 = arith.cmpi slt, %shift_left3A_2301, %broadcast_in_dim3A_33 : vector<16xi32>
    %get3A_2303 = arith.constant 1584 : index
    %get3A_2304 = tpu.vector_load %arg6[%get3A_2303] {strides = array<i32>} : memref<2048xi32, #tpu.memory_space<vmem>>, vector<16xi32>,
    %get3A_2305 = vector.shape_cast %get3A_2304 : vector<16xi32> to vector<16xi32>
    %select_n3A_2306 = arith.select %lt3A_2302, %get3A_2305, %select_n3A_2298 : vector<16xi1>, vector<16xi32>
    %swap3A_2307 = arith.constant 1584 : index
    %swap3A_2308 = tpu.vector_load %arg7[%swap3A_2307] {strides = array<i32>} : memref<2048xi32, #tpu.memory_space<vmem>>, vector<16xi32>,
    %swap3A_2309 = vector.shape_cast %swap3A_2308 : vector<16xi32> to vector<16xi32>
    %swap3A_2310 = vector.shape_cast %select_n3A_2306 : vector<16xi32> to vector<16xi32>
    tpu.vector_store %arg7[%swap3A_2307], %swap3A_2310 {strides = array<i32>} : memref<2048xi32, #tpu.memory_space<vmem>>, vector<16xi32>,
    %get3A_2311 = arith.constant 1600 : index
    %get3A_2312 = tpu.vector_load %arg5[%get3A_2311] {strides = array<i32>} : memref<2048xi32, #tpu.memory_space<vmem>>, vector<16xi32>,
    %get3A_2313 = vector.shape_cast %get3A_2312 : vector<16xi32> to vector<16xi32>
    %and3A_2314 = arith.andi %get3A_2313, %broadcast_in_dim3A_35 : vector<16xi32>
    %lt3A_2315 = arith.cmpi slt, %get3A_2313, %broadcast_in_dim3A_33 : vector<16xi32>
    %lt3A_2316 = arith.constant 50256 : i32
    %lt3A_2317 = vector.broadcast %lt3A_2316 : i32 to vector<16xi32>
    %lt3A_2318 = arith.cmpi slt, %and3A_2314, %lt3A_2317 : vector<16xi32>
    %and3A_2319 = arith.andi %lt3A_2315, %lt3A_2318 : vector<16xi1>
    %select_n3A_2320 = arith.select %and3A_2319, %broadcast_in_dim3A_37, %and3A_2314 : vector<16xi1>, vector<16xi32>
    %shift_left3A_2321 = arith.constant 1 : i32
    %shift_left3A_2322 = vector.broadcast %shift_left3A_2321 : i32 to vector<16xi32>
    %shift_left3A_2323 = arith.shli %get3A_2313, %shift_left3A_2322 : vector<16xi32>
    %lt3A_2324 = arith.cmpi slt, %shift_left3A_2323, %broadcast_in_dim3A_33 : vector<16xi32>
    %get3A_2325 = arith.constant 1600 : index
    %get3A_2326 = tpu.vector_load %arg6[%get3A_2325] {strides = array<i32>} : memref<2048xi32, #tpu.memory_space<vmem>>, vector<16xi32>,
    %get3A_2327 = vector.shape_cast %get3A_2326 : vector<16xi32> to vector<16xi32>
    %select_n3A_2328 = arith.select %lt3A_2324, %get3A_2327, %select_n3A_2320 : vector<16xi1>, vector<16xi32>
    %swap3A_2329 = arith.constant 1600 : index
    %swap3A_2330 = tpu.vector_load %arg7[%swap3A_2329] {strides = array<i32>} : memref<2048xi32, #tpu.memory_space<vmem>>, vector<16xi32>,
    %swap3A_2331 = vector.shape_cast %swap3A_2330 : vector<16xi32> to vector<16xi32>
    %swap3A_2332 = vector.shape_cast %select_n3A_2328 : vector<16xi32> to vector<16xi32>
    tpu.vector_store %arg7[%swap3A_2329], %swap3A_2332 {strides = array<i32>} : memref<2048xi32, #tpu.memory_space<vmem>>, vector<16xi32>,
    %get3A_2333 = arith.constant 1616 : index
    %get3A_2334 = tpu.vector_load %arg5[%get3A_2333] {strides = array<i32>} : memref<2048xi32, #tpu.memory_space<vmem>>, vector<16xi32>,
    %get3A_2335 = vector.shape_cast %get3A_2334 : vector<16xi32> to vector<16xi32>
    %and3A_2336 = arith.andi %get3A_2335, %broadcast_in_dim3A_35 : vector<16xi32>
    %lt3A_2337 = arith.cmpi slt, %get3A_2335, %broadcast_in_dim3A_33 : vector<16xi32>
    %lt3A_2338 = arith.constant 50256 : i32
    %lt3A_2339 = vector.broadcast %lt3A_2338 : i32 to vector<16xi32>
    %lt3A_2340 = arith.cmpi slt, %and3A_2336, %lt3A_2339 : vector<16xi32>
    %and3A_2341 = arith.andi %lt3A_2337, %lt3A_2340 : vector<16xi1>
    %select_n3A_2342 = arith.select %and3A_2341, %broadcast_in_dim3A_37, %and3A_2336 : vector<16xi1>, vector<16xi32>
    %shift_left3A_2343 = arith.constant 1 : i32
    %shift_left3A_2344 = vector.broadcast %shift_left3A_2343 : i32 to vector<16xi32>
    %shift_left3A_2345 = arith.shli %get3A_2335, %shift_left3A_2344 : vector<16xi32>
    %lt3A_2346 = arith.cmpi slt, %shift_left3A_2345, %broadcast_in_dim3A_33 : vector<16xi32>
    %get3A_2347 = arith.constant 1616 : index
    %get3A_2348 = tpu.vector_load %arg6[%get3A_2347] {strides = array<i32>} : memref<2048xi32, #tpu.memory_space<vmem>>, vector<16xi32>,
    %get3A_2349 = vector.shape_cast %get3A_2348 : vector<16xi32> to vector<16xi32>
    %select_n3A_2350 = arith.select %lt3A_2346, %get3A_2349, %select_n3A_2342 : vector<16xi1>, vector<16xi32>
    %swap3A_2351 = arith.constant 1616 : index
    %swap3A_2352 = tpu.vector_load %arg7[%swap3A_2351] {strides = array<i32>} : memref<2048xi32, #tpu.memory_space<vmem>>, vector<16xi32>,
    %swap3A_2353 = vector.shape_cast %swap3A_2352 : vector<16xi32> to vector<16xi32>
    %swap3A_2354 = vector.shape_cast %select_n3A_2350 : vector<16xi32> to vector<16xi32>
    tpu.vector_store %arg7[%swap3A_2351], %swap3A_2354 {strides = array<i32>} : memref<2048xi32, #tpu.memory_space<vmem>>, vector<16xi32>,
    %get3A_2355 = arith.constant 1632 : index
    %get3A_2356 = tpu.vector_load %arg5[%get3A_2355] {strides = array<i32>} : memref<2048xi32, #tpu.memory_space<vmem>>, vector<16xi32>,
    %get3A_2357 = vector.shape_cast %get3A_2356 : vector<16xi32> to vector<16xi32>
    %and3A_2358 = arith.andi %get3A_2357, %broadcast_in_dim3A_35 : vector<16xi32>
    %lt3A_2359 = arith.cmpi slt, %get3A_2357, %broadcast_in_dim3A_33 : vector<16xi32>
    %lt3A_2360 = arith.constant 50256 : i32
    %lt3A_2361 = vector.broadcast %lt3A_2360 : i32 to vector<16xi32>
    %lt3A_2362 = arith.cmpi slt, %and3A_2358, %lt3A_2361 : vector<16xi32>
    %and3A_2363 = arith.andi %lt3A_2359, %lt3A_2362 : vector<16xi1>
    %select_n3A_2364 = arith.select %and3A_2363, %broadcast_in_dim3A_37, %and3A_2358 : vector<16xi1>, vector<16xi32>
    %shift_left3A_2365 = arith.constant 1 : i32
    %shift_left3A_2366 = vector.broadcast %shift_left3A_2365 : i32 to vector<16xi32>
    %shift_left3A_2367 = arith.shli %get3A_2357, %shift_left3A_2366 : vector<16xi32>
    %lt3A_2368 = arith.cmpi slt, %shift_left3A_2367, %broadcast_in_dim3A_33 : vector<16xi32>
    %get3A_2369 = arith.constant 1632 : index
    %get3A_2370 = tpu.vector_load %arg6[%get3A_2369] {strides = array<i32>} : memref<2048xi32, #tpu.memory_space<vmem>>, vector<16xi32>,
    %get3A_2371 = vector.shape_cast %get3A_2370 : vector<16xi32> to vector<16xi32>
    %select_n3A_2372 = arith.select %lt3A_2368, %get3A_2371, %select_n3A_2364 : vector<16xi1>, vector<16xi32>
    %swap3A_2373 = arith.constant 1632 : index
    %swap3A_2374 = tpu.vector_load %arg7[%swap3A_2373] {strides = array<i32>} : memref<2048xi32, #tpu.memory_space<vmem>>, vector<16xi32>,
    %swap3A_2375 = vector.shape_cast %swap3A_2374 : vector<16xi32> to vector<16xi32>
    %swap3A_2376 = vector.shape_cast %select_n3A_2372 : vector<16xi32> to vector<16xi32>
    tpu.vector_store %arg7[%swap3A_2373], %swap3A_2376 {strides = array<i32>} : memref<2048xi32, #tpu.memory_space<vmem>>, vector<16xi32>,
    %get3A_2377 = arith.constant 1648 : index
    %get3A_2378 = tpu.vector_load %arg5[%get3A_2377] {strides = array<i32>} : memref<2048xi32, #tpu.memory_space<vmem>>, vector<16xi32>,
    %get3A_2379 = vector.shape_cast %get3A_2378 : vector<16xi32> to vector<16xi32>
    %and3A_2380 = arith.andi %get3A_2379, %broadcast_in_dim3A_35 : vector<16xi32>
    %lt3A_2381 = arith.cmpi slt, %get3A_2379, %broadcast_in_dim3A_33 : vector<16xi32>
    %lt3A_2382 = arith.constant 50256 : i32
    %lt3A_2383 = vector.broadcast %lt3A_2382 : i32 to vector<16xi32>
    %lt3A_2384 = arith.cmpi slt, %and3A_2380, %lt3A_2383 : vector<16xi32>
    %and3A_2385 = arith.andi %lt3A_2381, %lt3A_2384 : vector<16xi1>
    %select_n3A_2386 = arith.select %and3A_2385, %broadcast_in_dim3A_37, %and3A_2380 : vector<16xi1>, vector<16xi32>
    %shift_left3A_2387 = arith.constant 1 : i32
    %shift_left3A_2388 = vector.broadcast %shift_left3A_2387 : i32 to vector<16xi32>
    %shift_left3A_2389 = arith.shli %get3A_2379, %shift_left3A_2388 : vector<16xi32>
    %lt3A_2390 = arith.cmpi slt, %shift_left3A_2389, %broadcast_in_dim3A_33 : vector<16xi32>
    %get3A_2391 = arith.constant 1648 : index
    %get3A_2392 = tpu.vector_load %arg6[%get3A_2391] {strides = array<i32>} : memref<2048xi32, #tpu.memory_space<vmem>>, vector<16xi32>,
    %get3A_2393 = vector.shape_cast %get3A_2392 : vector<16xi32> to vector<16xi32>
    %select_n3A_2394 = arith.select %lt3A_2390, %get3A_2393, %select_n3A_2386 : vector<16xi1>, vector<16xi32>
    %swap3A_2395 = arith.constant 1648 : index
    %swap3A_2396 = tpu.vector_load %arg7[%swap3A_2395] {strides = array<i32>} : memref<2048xi32, #tpu.memory_space<vmem>>, vector<16xi32>,
    %swap3A_2397 = vector.shape_cast %swap3A_2396 : vector<16xi32> to vector<16xi32>
    %swap3A_2398 = vector.shape_cast %select_n3A_2394 : vector<16xi32> to vector<16xi32>
    tpu.vector_store %arg7[%swap3A_2395], %swap3A_2398 {strides = array<i32>} : memref<2048xi32, #tpu.memory_space<vmem>>, vector<16xi32>,
    %get3A_2399 = arith.constant 1664 : index
    %get3A_2400 = tpu.vector_load %arg5[%get3A_2399] {strides = array<i32>} : memref<2048xi32, #tpu.memory_space<vmem>>, vector<16xi32>,
    %get3A_2401 = vector.shape_cast %get3A_2400 : vector<16xi32> to vector<16xi32>
    %and3A_2402 = arith.andi %get3A_2401, %broadcast_in_dim3A_35 : vector<16xi32>
    %lt3A_2403 = arith.cmpi slt, %get3A_2401, %broadcast_in_dim3A_33 : vector<16xi32>
    %lt3A_2404 = arith.constant 50256 : i32
    %lt3A_2405 = vector.broadcast %lt3A_2404 : i32 to vector<16xi32>
    %lt3A_2406 = arith.cmpi slt, %and3A_2402, %lt3A_2405 : vector<16xi32>
    %and3A_2407 = arith.andi %lt3A_2403, %lt3A_2406 : vector<16xi1>
    %select_n3A_2408 = arith.select %and3A_2407, %broadcast_in_dim3A_37, %and3A_2402 : vector<16xi1>, vector<16xi32>
    %shift_left3A_2409 = arith.constant 1 : i32
    %shift_left3A_2410 = vector.broadcast %shift_left3A_2409 : i32 to vector<16xi32>
    %shift_left3A_2411 = arith.shli %get3A_2401, %shift_left3A_2410 : vector<16xi32>
    %lt3A_2412 = arith.cmpi slt, %shift_left3A_2411, %broadcast_in_dim3A_33 : vector<16xi32>
    %get3A_2413 = arith.constant 1664 : index
    %get3A_2414 = tpu.vector_load %arg6[%get3A_2413] {strides = array<i32>} : memref<2048xi32, #tpu.memory_space<vmem>>, vector<16xi32>,
    %get3A_2415 = vector.shape_cast %get3A_2414 : vector<16xi32> to vector<16xi32>
    %select_n3A_2416 = arith.select %lt3A_2412, %get3A_2415, %select_n3A_2408 : vector<16xi1>, vector<16xi32>
    %swap3A_2417 = arith.constant 1664 : index
    %swap3A_2418 = tpu.vector_load %arg7[%swap3A_2417] {strides = array<i32>} : memref<2048xi32, #tpu.memory_space<vmem>>, vector<16xi32>,
    %swap3A_2419 = vector.shape_cast %swap3A_2418 : vector<16xi32> to vector<16xi32>
    %swap3A_2420 = vector.shape_cast %select_n3A_2416 : vector<16xi32> to vector<16xi32>
    tpu.vector_store %arg7[%swap3A_2417], %swap3A_2420 {strides = array<i32>} : memref<2048xi32, #tpu.memory_space<vmem>>, vector<16xi32>,
    %get3A_2421 = arith.constant 1680 : index
    %get3A_2422 = tpu.vector_load %arg5[%get3A_2421] {strides = array<i32>} : memref<2048xi32, #tpu.memory_space<vmem>>, vector<16xi32>,
    %get3A_2423 = vector.shape_cast %get3A_2422 : vector<16xi32> to vector<16xi32>
    %and3A_2424 = arith.andi %get3A_2423, %broadcast_in_dim3A_35 : vector<16xi32>
    %lt3A_2425 = arith.cmpi slt, %get3A_2423, %broadcast_in_dim3A_33 : vector<16xi32>
    %lt3A_2426 = arith.constant 50256 : i32
    %lt3A_2427 = vector.broadcast %lt3A_2426 : i32 to vector<16xi32>
    %lt3A_2428 = arith.cmpi slt, %and3A_2424, %lt3A_2427 : vector<16xi32>
    %and3A_2429 = arith.andi %lt3A_2425, %lt3A_2428 : vector<16xi1>
    %select_n3A_2430 = arith.select %and3A_2429, %broadcast_in_dim3A_37, %and3A_2424 : vector<16xi1>, vector<16xi32>
    %shift_left3A_2431 = arith.constant 1 : i32
    %shift_left3A_2432 = vector.broadcast %shift_left3A_2431 : i32 to vector<16xi32>
    %shift_left3A_2433 = arith.shli %get3A_2423, %shift_left3A_2432 : vector<16xi32>
    %lt3A_2434 = arith.cmpi slt, %shift_left3A_2433, %broadcast_in_dim3A_33 : vector<16xi32>
    %get3A_2435 = arith.constant 1680 : index
    %get3A_2436 = tpu.vector_load %arg6[%get3A_2435] {strides = array<i32>} : memref<2048xi32, #tpu.memory_space<vmem>>, vector<16xi32>,
    %get3A_2437 = vector.shape_cast %get3A_2436 : vector<16xi32> to vector<16xi32>
    %select_n3A_2438 = arith.select %lt3A_2434, %get3A_2437, %select_n3A_2430 : vector<16xi1>, vector<16xi32>
    %swap3A_2439 = arith.constant 1680 : index
    %swap3A_2440 = tpu.vector_load %arg7[%swap3A_2439] {strides = array<i32>} : memref<2048xi32, #tpu.memory_space<vmem>>, vector<16xi32>,
    %swap3A_2441 = vector.shape_cast %swap3A_2440 : vector<16xi32> to vector<16xi32>
    %swap3A_2442 = vector.shape_cast %select_n3A_2438 : vector<16xi32> to vector<16xi32>
    tpu.vector_store %arg7[%swap3A_2439], %swap3A_2442 {strides = array<i32>} : memref<2048xi32, #tpu.memory_space<vmem>>, vector<16xi32>,
    %get3A_2443 = arith.constant 1696 : index
    %get3A_2444 = tpu.vector_load %arg5[%get3A_2443] {strides = array<i32>} : memref<2048xi32, #tpu.memory_space<vmem>>, vector<16xi32>,
    %get3A_2445 = vector.shape_cast %get3A_2444 : vector<16xi32> to vector<16xi32>
    %and3A_2446 = arith.andi %get3A_2445, %broadcast_in_dim3A_35 : vector<16xi32>
    %lt3A_2447 = arith.cmpi slt, %get3A_2445, %broadcast_in_dim3A_33 : vector<16xi32>
    %lt3A_2448 = arith.constant 50256 : i32
    %lt3A_2449 = vector.broadcast %lt3A_2448 : i32 to vector<16xi32>
    %lt3A_2450 = arith.cmpi slt, %and3A_2446, %lt3A_2449 : vector<16xi32>
    %and3A_2451 = arith.andi %lt3A_2447, %lt3A_2450 : vector<16xi1>
    %select_n3A_2452 = arith.select %and3A_2451, %broadcast_in_dim3A_37, %and3A_2446 : vector<16xi1>, vector<16xi32>
    %shift_left3A_2453 = arith.constant 1 : i32
    %shift_left3A_2454 = vector.broadcast %shift_left3A_2453 : i32 to vector<16xi32>
    %shift_left3A_2455 = arith.shli %get3A_2445, %shift_left3A_2454 : vector<16xi32>
    %lt3A_2456 = arith.cmpi slt, %shift_left3A_2455, %broadcast_in_dim3A_33 : vector<16xi32>
    %get3A_2457 = arith.constant 1696 : index
    %get3A_2458 = tpu.vector_load %arg6[%get3A_2457] {strides = array<i32>} : memref<2048xi32, #tpu.memory_space<vmem>>, vector<16xi32>,
    %get3A_2459 = vector.shape_cast %get3A_2458 : vector<16xi32> to vector<16xi32>
    %select_n3A_2460 = arith.select %lt3A_2456, %get3A_2459, %select_n3A_2452 : vector<16xi1>, vector<16xi32>
    %swap3A_2461 = arith.constant 1696 : index
    %swap3A_2462 = tpu.vector_load %arg7[%swap3A_2461] {strides = array<i32>} : memref<2048xi32, #tpu.memory_space<vmem>>, vector<16xi32>,
    %swap3A_2463 = vector.shape_cast %swap3A_2462 : vector<16xi32> to vector<16xi32>
    %swap3A_2464 = vector.shape_cast %select_n3A_2460 : vector<16xi32> to vector<16xi32>
    tpu.vector_store %arg7[%swap3A_2461], %swap3A_2464 {strides = array<i32>} : memref<2048xi32, #tpu.memory_space<vmem>>, vector<16xi32>,
    %get3A_2465 = arith.constant 1712 : index
    %get3A_2466 = tpu.vector_load %arg5[%get3A_2465] {strides = array<i32>} : memref<2048xi32, #tpu.memory_space<vmem>>, vector<16xi32>,
    %get3A_2467 = vector.shape_cast %get3A_2466 : vector<16xi32> to vector<16xi32>
    %and3A_2468 = arith.andi %get3A_2467, %broadcast_in_dim3A_35 : vector<16xi32>
    %lt3A_2469 = arith.cmpi slt, %get3A_2467, %broadcast_in_dim3A_33 : vector<16xi32>
    %lt3A_2470 = arith.constant 50256 : i32
    %lt3A_2471 = vector.broadcast %lt3A_2470 : i32 to vector<16xi32>
    %lt3A_2472 = arith.cmpi slt, %and3A_2468, %lt3A_2471 : vector<16xi32>
    %and3A_2473 = arith.andi %lt3A_2469, %lt3A_2472 : vector<16xi1>
    %select_n3A_2474 = arith.select %and3A_2473, %broadcast_in_dim3A_37, %and3A_2468 : vector<16xi1>, vector<16xi32>
    %shift_left3A_2475 = arith.constant 1 : i32
    %shift_left3A_2476 = vector.broadcast %shift_left3A_2475 : i32 to vector<16xi32>
    %shift_left3A_2477 = arith.shli %get3A_2467, %shift_left3A_2476 : vector<16xi32>
    %lt3A_2478 = arith.cmpi slt, %shift_left3A_2477, %broadcast_in_dim3A_33 : vector<16xi32>
    %get3A_2479 = arith.constant 1712 : index
    %get3A_2480 = tpu.vector_load %arg6[%get3A_2479] {strides = array<i32>} : memref<2048xi32, #tpu.memory_space<vmem>>, vector<16xi32>,
    %get3A_2481 = vector.shape_cast %get3A_2480 : vector<16xi32> to vector<16xi32>
    %select_n3A_2482 = arith.select %lt3A_2478, %get3A_2481, %select_n3A_2474 : vector<16xi1>, vector<16xi32>
    %swap3A_2483 = arith.constant 1712 : index
    %swap3A_2484 = tpu.vector_load %arg7[%swap3A_2483] {strides = array<i32>} : memref<2048xi32, #tpu.memory_space<vmem>>, vector<16xi32>,
    %swap3A_2485 = vector.shape_cast %swap3A_2484 : vector<16xi32> to vector<16xi32>
    %swap3A_2486 = vector.shape_cast %select_n3A_2482 : vector<16xi32> to vector<16xi32>
    tpu.vector_store %arg7[%swap3A_2483], %swap3A_2486 {strides = array<i32>} : memref<2048xi32, #tpu.memory_space<vmem>>, vector<16xi32>,
    %get3A_2487 = arith.constant 1728 : index
    %get3A_2488 = tpu.vector_load %arg5[%get3A_2487] {strides = array<i32>} : memref<2048xi32, #tpu.memory_space<vmem>>, vector<16xi32>,
    %get3A_2489 = vector.shape_cast %get3A_2488 : vector<16xi32> to vector<16xi32>
    %and3A_2490 = arith.andi %get3A_2489, %broadcast_in_dim3A_35 : vector<16xi32>
    %lt3A_2491 = arith.cmpi slt, %get3A_2489, %broadcast_in_dim3A_33 : vector<16xi32>
    %lt3A_2492 = arith.constant 50256 : i32
    %lt3A_2493 = vector.broadcast %lt3A_2492 : i32 to vector<16xi32>
    %lt3A_2494 = arith.cmpi slt, %and3A_2490, %lt3A_2493 : vector<16xi32>
    %and3A_2495 = arith.andi %lt3A_2491, %lt3A_2494 : vector<16xi1>
    %select_n3A_2496 = arith.select %and3A_2495, %broadcast_in_dim3A_37, %and3A_2490 : vector<16xi1>, vector<16xi32>
    %shift_left3A_2497 = arith.constant 1 : i32
    %shift_left3A_2498 = vector.broadcast %shift_left3A_2497 : i32 to vector<16xi32>
    %shift_left3A_2499 = arith.shli %get3A_2489, %shift_left3A_2498 : vector<16xi32>
    %lt3A_2500 = arith.cmpi slt, %shift_left3A_2499, %broadcast_in_dim3A_33 : vector<16xi32>
    %get3A_2501 = arith.constant 1728 : index
    %get3A_2502 = tpu.vector_load %arg6[%get3A_2501] {strides = array<i32>} : memref<2048xi32, #tpu.memory_space<vmem>>, vector<16xi32>,
    %get3A_2503 = vector.shape_cast %get3A_2502 : vector<16xi32> to vector<16xi32>
    %select_n3A_2504 = arith.select %lt3A_2500, %get3A_2503, %select_n3A_2496 : vector<16xi1>, vector<16xi32>
    %swap3A_2505 = arith.constant 1728 : index
    %swap3A_2506 = tpu.vector_load %arg7[%swap3A_2505] {strides = array<i32>} : memref<2048xi32, #tpu.memory_space<vmem>>, vector<16xi32>,
    %swap3A_2507 = vector.shape_cast %swap3A_2506 : vector<16xi32> to vector<16xi32>
    %swap3A_2508 = vector.shape_cast %select_n3A_2504 : vector<16xi32> to vector<16xi32>
    tpu.vector_store %arg7[%swap3A_2505], %swap3A_2508 {strides = array<i32>} : memref<2048xi32, #tpu.memory_space<vmem>>, vector<16xi32>,
    %get3A_2509 = arith.constant 1744 : index
    %get3A_2510 = tpu.vector_load %arg5[%get3A_2509] {strides = array<i32>} : memref<2048xi32, #tpu.memory_space<vmem>>, vector<16xi32>,
    %get3A_2511 = vector.shape_cast %get3A_2510 : vector<16xi32> to vector<16xi32>
    %and3A_2512 = arith.andi %get3A_2511, %broadcast_in_dim3A_35 : vector<16xi32>
    %lt3A_2513 = arith.cmpi slt, %get3A_2511, %broadcast_in_dim3A_33 : vector<16xi32>
    %lt3A_2514 = arith.constant 50256 : i32
    %lt3A_2515 = vector.broadcast %lt3A_2514 : i32 to vector<16xi32>
    %lt3A_2516 = arith.cmpi slt, %and3A_2512, %lt3A_2515 : vector<16xi32>
    %and3A_2517 = arith.andi %lt3A_2513, %lt3A_2516 : vector<16xi1>
    %select_n3A_2518 = arith.select %and3A_2517, %broadcast_in_dim3A_37, %and3A_2512 : vector<16xi1>, vector<16xi32>
    %shift_left3A_2519 = arith.constant 1 : i32
    %shift_left3A_2520 = vector.broadcast %shift_left3A_2519 : i32 to vector<16xi32>
    %shift_left3A_2521 = arith.shli %get3A_2511, %shift_left3A_2520 : vector<16xi32>
    %lt3A_2522 = arith.cmpi slt, %shift_left3A_2521, %broadcast_in_dim3A_33 : vector<16xi32>
    %get3A_2523 = arith.constant 1744 : index
    %get3A_2524 = tpu.vector_load %arg6[%get3A_2523] {strides = array<i32>} : memref<2048xi32, #tpu.memory_space<vmem>>, vector<16xi32>,
    %get3A_2525 = vector.shape_cast %get3A_2524 : vector<16xi32> to vector<16xi32>
    %select_n3A_2526 = arith.select %lt3A_2522, %get3A_2525, %select_n3A_2518 : vector<16xi1>, vector<16xi32>
    %swap3A_2527 = arith.constant 1744 : index
    %swap3A_2528 = tpu.vector_load %arg7[%swap3A_2527] {strides = array<i32>} : memref<2048xi32, #tpu.memory_space<vmem>>, vector<16xi32>,
    %swap3A_2529 = vector.shape_cast %swap3A_2528 : vector<16xi32> to vector<16xi32>
    %swap3A_2530 = vector.shape_cast %select_n3A_2526 : vector<16xi32> to vector<16xi32>
    tpu.vector_store %arg7[%swap3A_2527], %swap3A_2530 {strides = array<i32>} : memref<2048xi32, #tpu.memory_space<vmem>>, vector<16xi32>,
    %get3A_2531 = arith.constant 1760 : index
    %get3A_2532 = tpu.vector_load %arg5[%get3A_2531] {strides = array<i32>} : memref<2048xi32, #tpu.memory_space<vmem>>, vector<16xi32>,
    %get3A_2533 = vector.shape_cast %get3A_2532 : vector<16xi32> to vector<16xi32>
    %and3A_2534 = arith.andi %get3A_2533, %broadcast_in_dim3A_35 : vector<16xi32>
    %lt3A_2535 = arith.cmpi slt, %get3A_2533, %broadcast_in_dim3A_33 : vector<16xi32>
    %lt3A_2536 = arith.constant 50256 : i32
    %lt3A_2537 = vector.broadcast %lt3A_2536 : i32 to vector<16xi32>
    %lt3A_2538 = arith.cmpi slt, %and3A_2534, %lt3A_2537 : vector<16xi32>
    %and3A_2539 = arith.andi %lt3A_2535, %lt3A_2538 : vector<16xi1>
    %select_n3A_2540 = arith.select %and3A_2539, %broadcast_in_dim3A_37, %and3A_2534 : vector<16xi1>, vector<16xi32>
    %shift_left3A_2541 = arith.constant 1 : i32
    %shift_left3A_2542 = vector.broadcast %shift_left3A_2541 : i32 to vector<16xi32>
    %shift_left3A_2543 = arith.shli %get3A_2533, %shift_left3A_2542 : vector<16xi32>
    %lt3A_2544 = arith.cmpi slt, %shift_left3A_2543, %broadcast_in_dim3A_33 : vector<16xi32>
    %get3A_2545 = arith.constant 1760 : index
    %get3A_2546 = tpu.vector_load %arg6[%get3A_2545] {strides = array<i32>} : memref<2048xi32, #tpu.memory_space<vmem>>, vector<16xi32>,
    %get3A_2547 = vector.shape_cast %get3A_2546 : vector<16xi32> to vector<16xi32>
    %select_n3A_2548 = arith.select %lt3A_2544, %get3A_2547, %select_n3A_2540 : vector<16xi1>, vector<16xi32>
    %swap3A_2549 = arith.constant 1760 : index
    %swap3A_2550 = tpu.vector_load %arg7[%swap3A_2549] {strides = array<i32>} : memref<2048xi32, #tpu.memory_space<vmem>>, vector<16xi32>,
    %swap3A_2551 = vector.shape_cast %swap3A_2550 : vector<16xi32> to vector<16xi32>
    %swap3A_2552 = vector.shape_cast %select_n3A_2548 : vector<16xi32> to vector<16xi32>
    tpu.vector_store %arg7[%swap3A_2549], %swap3A_2552 {strides = array<i32>} : memref<2048xi32, #tpu.memory_space<vmem>>, vector<16xi32>,
    %get3A_2553 = arith.constant 1776 : index
    %get3A_2554 = tpu.vector_load %arg5[%get3A_2553] {strides = array<i32>} : memref<2048xi32, #tpu.memory_space<vmem>>, vector<16xi32>,
    %get3A_2555 = vector.shape_cast %get3A_2554 : vector<16xi32> to vector<16xi32>
    %and3A_2556 = arith.andi %get3A_2555, %broadcast_in_dim3A_35 : vector<16xi32>
    %lt3A_2557 = arith.cmpi slt, %get3A_2555, %broadcast_in_dim3A_33 : vector<16xi32>
    %lt3A_2558 = arith.constant 50256 : i32
    %lt3A_2559 = vector.broadcast %lt3A_2558 : i32 to vector<16xi32>
    %lt3A_2560 = arith.cmpi slt, %and3A_2556, %lt3A_2559 : vector<16xi32>
    %and3A_2561 = arith.andi %lt3A_2557, %lt3A_2560 : vector<16xi1>
    %select_n3A_2562 = arith.select %and3A_2561, %broadcast_in_dim3A_37, %and3A_2556 : vector<16xi1>, vector<16xi32>
    %shift_left3A_2563 = arith.constant 1 : i32
    %shift_left3A_2564 = vector.broadcast %shift_left3A_2563 : i32 to vector<16xi32>
    %shift_left3A_2565 = arith.shli %get3A_2555, %shift_left3A_2564 : vector<16xi32>
    %lt3A_2566 = arith.cmpi slt, %shift_left3A_2565, %broadcast_in_dim3A_33 : vector<16xi32>
    %get3A_2567 = arith.constant 1776 : index
    %get3A_2568 = tpu.vector_load %arg6[%get3A_2567] {strides = array<i32>} : memref<2048xi32, #tpu.memory_space<vmem>>, vector<16xi32>,
    %get3A_2569 = vector.shape_cast %get3A_2568 : vector<16xi32> to vector<16xi32>
    %select_n3A_2570 = arith.select %lt3A_2566, %get3A_2569, %select_n3A_2562 : vector<16xi1>, vector<16xi32>
    %swap3A_2571 = arith.constant 1776 : index
    %swap3A_2572 = tpu.vector_load %arg7[%swap3A_2571] {strides = array<i32>} : memref<2048xi32, #tpu.memory_space<vmem>>, vector<16xi32>,
    %swap3A_2573 = vector.shape_cast %swap3A_2572 : vector<16xi32> to vector<16xi32>
    %swap3A_2574 = vector.shape_cast %select_n3A_2570 : vector<16xi32> to vector<16xi32>
    tpu.vector_store %arg7[%swap3A_2571], %swap3A_2574 {strides = array<i32>} : memref<2048xi32, #tpu.memory_space<vmem>>, vector<16xi32>,
    %get3A_2575 = arith.constant 1792 : index
    %get3A_2576 = tpu.vector_load %arg5[%get3A_2575] {strides = array<i32>} : memref<2048xi32, #tpu.memory_space<vmem>>, vector<16xi32>,
    %get3A_2577 = vector.shape_cast %get3A_2576 : vector<16xi32> to vector<16xi32>
    %and3A_2578 = arith.andi %get3A_2577, %broadcast_in_dim3A_35 : vector<16xi32>
    %lt3A_2579 = arith.cmpi slt, %get3A_2577, %broadcast_in_dim3A_33 : vector<16xi32>
    %lt3A_2580 = arith.constant 50256 : i32
    %lt3A_2581 = vector.broadcast %lt3A_2580 : i32 to vector<16xi32>
    %lt3A_2582 = arith.cmpi slt, %and3A_2578, %lt3A_2581 : vector<16xi32>
    %and3A_2583 = arith.andi %lt3A_2579, %lt3A_2582 : vector<16xi1>
    %select_n3A_2584 = arith.select %and3A_2583, %broadcast_in_dim3A_37, %and3A_2578 : vector<16xi1>, vector<16xi32>
    %shift_left3A_2585 = arith.constant 1 : i32
    %shift_left3A_2586 = vector.broadcast %shift_left3A_2585 : i32 to vector<16xi32>
    %shift_left3A_2587 = arith.shli %get3A_2577, %shift_left3A_2586 : vector<16xi32>
    %lt3A_2588 = arith.cmpi slt, %shift_left3A_2587, %broadcast_in_dim3A_33 : vector<16xi32>
    %get3A_2589 = arith.constant 1792 : index
    %get3A_2590 = tpu.vector_load %arg6[%get3A_2589] {strides = array<i32>} : memref<2048xi32, #tpu.memory_space<vmem>>, vector<16xi32>,
    %get3A_2591 = vector.shape_cast %get3A_2590 : vector<16xi32> to vector<16xi32>
    %select_n3A_2592 = arith.select %lt3A_2588, %get3A_2591, %select_n3A_2584 : vector<16xi1>, vector<16xi32>
    %swap3A_2593 = arith.constant 1792 : index
    %swap3A_2594 = tpu.vector_load %arg7[%swap3A_2593] {strides = array<i32>} : memref<2048xi32, #tpu.memory_space<vmem>>, vector<16xi32>,
    %swap3A_2595 = vector.shape_cast %swap3A_2594 : vector<16xi32> to vector<16xi32>
    %swap3A_2596 = vector.shape_cast %select_n3A_2592 : vector<16xi32> to vector<16xi32>
    tpu.vector_store %arg7[%swap3A_2593], %swap3A_2596 {strides = array<i32>} : memref<2048xi32, #tpu.memory_space<vmem>>, vector<16xi32>,
    %get3A_2597 = arith.constant 1808 : index
    %get3A_2598 = tpu.vector_load %arg5[%get3A_2597] {strides = array<i32>} : memref<2048xi32, #tpu.memory_space<vmem>>, vector<16xi32>,
    %get3A_2599 = vector.shape_cast %get3A_2598 : vector<16xi32> to vector<16xi32>
    %and3A_2600 = arith.andi %get3A_2599, %broadcast_in_dim3A_35 : vector<16xi32>
    %lt3A_2601 = arith.cmpi slt, %get3A_2599, %broadcast_in_dim3A_33 : vector<16xi32>
    %lt3A_2602 = arith.constant 50256 : i32
    %lt3A_2603 = vector.broadcast %lt3A_2602 : i32 to vector<16xi32>
    %lt3A_2604 = arith.cmpi slt, %and3A_2600, %lt3A_2603 : vector<16xi32>
    %and3A_2605 = arith.andi %lt3A_2601, %lt3A_2604 : vector<16xi1>
    %select_n3A_2606 = arith.select %and3A_2605, %broadcast_in_dim3A_37, %and3A_2600 : vector<16xi1>, vector<16xi32>
    %shift_left3A_2607 = arith.constant 1 : i32
    %shift_left3A_2608 = vector.broadcast %shift_left3A_2607 : i32 to vector<16xi32>
    %shift_left3A_2609 = arith.shli %get3A_2599, %shift_left3A_2608 : vector<16xi32>
    %lt3A_2610 = arith.cmpi slt, %shift_left3A_2609, %broadcast_in_dim3A_33 : vector<16xi32>
    %get3A_2611 = arith.constant 1808 : index
    %get3A_2612 = tpu.vector_load %arg6[%get3A_2611] {strides = array<i32>} : memref<2048xi32, #tpu.memory_space<vmem>>, vector<16xi32>,
    %get3A_2613 = vector.shape_cast %get3A_2612 : vector<16xi32> to vector<16xi32>
    %select_n3A_2614 = arith.select %lt3A_2610, %get3A_2613, %select_n3A_2606 : vector<16xi1>, vector<16xi32>
    %swap3A_2615 = arith.constant 1808 : index
    %swap3A_2616 = tpu.vector_load %arg7[%swap3A_2615] {strides = array<i32>} : memref<2048xi32, #tpu.memory_space<vmem>>, vector<16xi32>,
    %swap3A_2617 = vector.shape_cast %swap3A_2616 : vector<16xi32> to vector<16xi32>
    %swap3A_2618 = vector.shape_cast %select_n3A_2614 : vector<16xi32> to vector<16xi32>
    tpu.vector_store %arg7[%swap3A_2615], %swap3A_2618 {strides = array<i32>} : memref<2048xi32, #tpu.memory_space<vmem>>, vector<16xi32>,
    %get3A_2619 = arith.constant 1824 : index
    %get3A_2620 = tpu.vector_load %arg5[%get3A_2619] {strides = array<i32>} : memref<2048xi32, #tpu.memory_space<vmem>>, vector<16xi32>,
    %get3A_2621 = vector.shape_cast %get3A_2620 : vector<16xi32> to vector<16xi32>
    %and3A_2622 = arith.andi %get3A_2621, %broadcast_in_dim3A_35 : vector<16xi32>
    %lt3A_2623 = arith.cmpi slt, %get3A_2621, %broadcast_in_dim3A_33 : vector<16xi32>
    %lt3A_2624 = arith.constant 50256 : i32
    %lt3A_2625 = vector.broadcast %lt3A_2624 : i32 to vector<16xi32>
    %lt3A_2626 = arith.cmpi slt, %and3A_2622, %lt3A_2625 : vector<16xi32>
    %and3A_2627 = arith.andi %lt3A_2623, %lt3A_2626 : vector<16xi1>
    %select_n3A_2628 = arith.select %and3A_2627, %broadcast_in_dim3A_37, %and3A_2622 : vector<16xi1>, vector<16xi32>
    %shift_left3A_2629 = arith.constant 1 : i32
    %shift_left3A_2630 = vector.broadcast %shift_left3A_2629 : i32 to vector<16xi32>
    %shift_left3A_2631 = arith.shli %get3A_2621, %shift_left3A_2630 : vector<16xi32>
    %lt3A_2632 = arith.cmpi slt, %shift_left3A_2631, %broadcast_in_dim3A_33 : vector<16xi32>
    %get3A_2633 = arith.constant 1824 : index
    %get3A_2634 = tpu.vector_load %arg6[%get3A_2633] {strides = array<i32>} : memref<2048xi32, #tpu.memory_space<vmem>>, vector<16xi32>,
    %get3A_2635 = vector.shape_cast %get3A_2634 : vector<16xi32> to vector<16xi32>
    %select_n3A_2636 = arith.select %lt3A_2632, %get3A_2635, %select_n3A_2628 : vector<16xi1>, vector<16xi32>
    %swap3A_2637 = arith.constant 1824 : index
    %swap3A_2638 = tpu.vector_load %arg7[%swap3A_2637] {strides = array<i32>} : memref<2048xi32, #tpu.memory_space<vmem>>, vector<16xi32>,
    %swap3A_2639 = vector.shape_cast %swap3A_2638 : vector<16xi32> to vector<16xi32>
    %swap3A_2640 = vector.shape_cast %select_n3A_2636 : vector<16xi32> to vector<16xi32>
    tpu.vector_store %arg7[%swap3A_2637], %swap3A_2640 {strides = array<i32>} : memref<2048xi32, #tpu.memory_space<vmem>>, vector<16xi32>,
    %get3A_2641 = arith.constant 1840 : index
    %get3A_2642 = tpu.vector_load %arg5[%get3A_2641] {strides = array<i32>} : memref<2048xi32, #tpu.memory_space<vmem>>, vector<16xi32>,
    %get3A_2643 = vector.shape_cast %get3A_2642 : vector<16xi32> to vector<16xi32>
    %and3A_2644 = arith.andi %get3A_2643, %broadcast_in_dim3A_35 : vector<16xi32>
    %lt3A_2645 = arith.cmpi slt, %get3A_2643, %broadcast_in_dim3A_33 : vector<16xi32>
    %lt3A_2646 = arith.constant 50256 : i32
    %lt3A_2647 = vector.broadcast %lt3A_2646 : i32 to vector<16xi32>
    %lt3A_2648 = arith.cmpi slt, %and3A_2644, %lt3A_2647 : vector<16xi32>
    %and3A_2649 = arith.andi %lt3A_2645, %lt3A_2648 : vector<16xi1>
    %select_n3A_2650 = arith.select %and3A_2649, %broadcast_in_dim3A_37, %and3A_2644 : vector<16xi1>, vector<16xi32>
    %shift_left3A_2651 = arith.constant 1 : i32
    %shift_left3A_2652 = vector.broadcast %shift_left3A_2651 : i32 to vector<16xi32>
    %shift_left3A_2653 = arith.shli %get3A_2643, %shift_left3A_2652 : vector<16xi32>
    %lt3A_2654 = arith.cmpi slt, %shift_left3A_2653, %broadcast_in_dim3A_33 : vector<16xi32>
    %get3A_2655 = arith.constant 1840 : index
    %get3A_2656 = tpu.vector_load %arg6[%get3A_2655] {strides = array<i32>} : memref<2048xi32, #tpu.memory_space<vmem>>, vector<16xi32>,
    %get3A_2657 = vector.shape_cast %get3A_2656 : vector<16xi32> to vector<16xi32>
    %select_n3A_2658 = arith.select %lt3A_2654, %get3A_2657, %select_n3A_2650 : vector<16xi1>, vector<16xi32>
    %swap3A_2659 = arith.constant 1840 : index
    %swap3A_2660 = tpu.vector_load %arg7[%swap3A_2659] {strides = array<i32>} : memref<2048xi32, #tpu.memory_space<vmem>>, vector<16xi32>,
    %swap3A_2661 = vector.shape_cast %swap3A_2660 : vector<16xi32> to vector<16xi32>
    %swap3A_2662 = vector.shape_cast %select_n3A_2658 : vector<16xi32> to vector<16xi32>
    tpu.vector_store %arg7[%swap3A_2659], %swap3A_2662 {strides = array<i32>} : memref<2048xi32, #tpu.memory_space<vmem>>, vector<16xi32>,
    %get3A_2663 = arith.constant 1856 : index
    %get3A_2664 = tpu.vector_load %arg5[%get3A_2663] {strides = array<i32>} : memref<2048xi32, #tpu.memory_space<vmem>>, vector<16xi32>,
    %get3A_2665 = vector.shape_cast %get3A_2664 : vector<16xi32> to vector<16xi32>
    %and3A_2666 = arith.andi %get3A_2665, %broadcast_in_dim3A_35 : vector<16xi32>
    %lt3A_2667 = arith.cmpi slt, %get3A_2665, %broadcast_in_dim3A_33 : vector<16xi32>
    %lt3A_2668 = arith.constant 50256 : i32
    %lt3A_2669 = vector.broadcast %lt3A_2668 : i32 to vector<16xi32>
    %lt3A_2670 = arith.cmpi slt, %and3A_2666, %lt3A_2669 : vector<16xi32>
    %and3A_2671 = arith.andi %lt3A_2667, %lt3A_2670 : vector<16xi1>
    %select_n3A_2672 = arith.select %and3A_2671, %broadcast_in_dim3A_37, %and3A_2666 : vector<16xi1>, vector<16xi32>
    %shift_left3A_2673 = arith.constant 1 : i32
    %shift_left3A_2674 = vector.broadcast %shift_left3A_2673 : i32 to vector<16xi32>
    %shift_left3A_2675 = arith.shli %get3A_2665, %shift_left3A_2674 : vector<16xi32>
    %lt3A_2676 = arith.cmpi slt, %shift_left3A_2675, %broadcast_in_dim3A_33 : vector<16xi32>
    %get3A_2677 = arith.constant 1856 : index
    %get3A_2678 = tpu.vector_load %arg6[%get3A_2677] {strides = array<i32>} : memref<2048xi32, #tpu.memory_space<vmem>>, vector<16xi32>,
    %get3A_2679 = vector.shape_cast %get3A_2678 : vector<16xi32> to vector<16xi32>
    %select_n3A_2680 = arith.select %lt3A_2676, %get3A_2679, %select_n3A_2672 : vector<16xi1>, vector<16xi32>
    %swap3A_2681 = arith.constant 1856 : index
    %swap3A_2682 = tpu.vector_load %arg7[%swap3A_2681] {strides = array<i32>} : memref<2048xi32, #tpu.memory_space<vmem>>, vector<16xi32>,
    %swap3A_2683 = vector.shape_cast %swap3A_2682 : vector<16xi32> to vector<16xi32>
    %swap3A_2684 = vector.shape_cast %select_n3A_2680 : vector<16xi32> to vector<16xi32>
    tpu.vector_store %arg7[%swap3A_2681], %swap3A_2684 {strides = array<i32>} : memref<2048xi32, #tpu.memory_space<vmem>>, vector<16xi32>,
    %get3A_2685 = arith.constant 1872 : index
    %get3A_2686 = tpu.vector_load %arg5[%get3A_2685] {strides = array<i32>} : memref<2048xi32, #tpu.memory_space<vmem>>, vector<16xi32>,
    %get3A_2687 = vector.shape_cast %get3A_2686 : vector<16xi32> to vector<16xi32>
    %and3A_2688 = arith.andi %get3A_2687, %broadcast_in_dim3A_35 : vector<16xi32>
    %lt3A_2689 = arith.cmpi slt, %get3A_2687, %broadcast_in_dim3A_33 : vector<16xi32>
    %lt3A_2690 = arith.constant 50256 : i32
    %lt3A_2691 = vector.broadcast %lt3A_2690 : i32 to vector<16xi32>
    %lt3A_2692 = arith.cmpi slt, %and3A_2688, %lt3A_2691 : vector<16xi32>
    %and3A_2693 = arith.andi %lt3A_2689, %lt3A_2692 : vector<16xi1>
    %select_n3A_2694 = arith.select %and3A_2693, %broadcast_in_dim3A_37, %and3A_2688 : vector<16xi1>, vector<16xi32>
    %shift_left3A_2695 = arith.constant 1 : i32
    %shift_left3A_2696 = vector.broadcast %shift_left3A_2695 : i32 to vector<16xi32>
    %shift_left3A_2697 = arith.shli %get3A_2687, %shift_left3A_2696 : vector<16xi32>
    %lt3A_2698 = arith.cmpi slt, %shift_left3A_2697, %broadcast_in_dim3A_33 : vector<16xi32>
    %get3A_2699 = arith.constant 1872 : index
    %get3A_2700 = tpu.vector_load %arg6[%get3A_2699] {strides = array<i32>} : memref<2048xi32, #tpu.memory_space<vmem>>, vector<16xi32>,
    %get3A_2701 = vector.shape_cast %get3A_2700 : vector<16xi32> to vector<16xi32>
    %select_n3A_2702 = arith.select %lt3A_2698, %get3A_2701, %select_n3A_2694 : vector<16xi1>, vector<16xi32>
    %swap3A_2703 = arith.constant 1872 : index
    %swap3A_2704 = tpu.vector_load %arg7[%swap3A_2703] {strides = array<i32>} : memref<2048xi32, #tpu.memory_space<vmem>>, vector<16xi32>,
    %swap3A_2705 = vector.shape_cast %swap3A_2704 : vector<16xi32> to vector<16xi32>
    %swap3A_2706 = vector.shape_cast %select_n3A_2702 : vector<16xi32> to vector<16xi32>
    tpu.vector_store %arg7[%swap3A_2703], %swap3A_2706 {strides = array<i32>} : memref<2048xi32, #tpu.memory_space<vmem>>, vector<16xi32>,
    %get3A_2707 = arith.constant 1888 : index
    %get3A_2708 = tpu.vector_load %arg5[%get3A_2707] {strides = array<i32>} : memref<2048xi32, #tpu.memory_space<vmem>>, vector<16xi32>,
    %get3A_2709 = vector.shape_cast %get3A_2708 : vector<16xi32> to vector<16xi32>
    %and3A_2710 = arith.andi %get3A_2709, %broadcast_in_dim3A_35 : vector<16xi32>
    %lt3A_2711 = arith.cmpi slt, %get3A_2709, %broadcast_in_dim3A_33 : vector<16xi32>
    %lt3A_2712 = arith.constant 50256 : i32
    %lt3A_2713 = vector.broadcast %lt3A_2712 : i32 to vector<16xi32>
    %lt3A_2714 = arith.cmpi slt, %and3A_2710, %lt3A_2713 : vector<16xi32>
    %and3A_2715 = arith.andi %lt3A_2711, %lt3A_2714 : vector<16xi1>
    %select_n3A_2716 = arith.select %and3A_2715, %broadcast_in_dim3A_37, %and3A_2710 : vector<16xi1>, vector<16xi32>
    %shift_left3A_2717 = arith.constant 1 : i32
    %shift_left3A_2718 = vector.broadcast %shift_left3A_2717 : i32 to vector<16xi32>
    %shift_left3A_2719 = arith.shli %get3A_2709, %shift_left3A_2718 : vector<16xi32>
    %lt3A_2720 = arith.cmpi slt, %shift_left3A_2719, %broadcast_in_dim3A_33 : vector<16xi32>
    %get3A_2721 = arith.constant 1888 : index
    %get3A_2722 = tpu.vector_load %arg6[%get3A_2721] {strides = array<i32>} : memref<2048xi32, #tpu.memory_space<vmem>>, vector<16xi32>,
    %get3A_2723 = vector.shape_cast %get3A_2722 : vector<16xi32> to vector<16xi32>
    %select_n3A_2724 = arith.select %lt3A_2720, %get3A_2723, %select_n3A_2716 : vector<16xi1>, vector<16xi32>
    %swap3A_2725 = arith.constant 1888 : index
    %swap3A_2726 = tpu.vector_load %arg7[%swap3A_2725] {strides = array<i32>} : memref<2048xi32, #tpu.memory_space<vmem>>, vector<16xi32>,
    %swap3A_2727 = vector.shape_cast %swap3A_2726 : vector<16xi32> to vector<16xi32>
    %swap3A_2728 = vector.shape_cast %select_n3A_2724 : vector<16xi32> to vector<16xi32>
    tpu.vector_store %arg7[%swap3A_2725], %swap3A_2728 {strides = array<i32>} : memref<2048xi32, #tpu.memory_space<vmem>>, vector<16xi32>,
    %get3A_2729 = arith.constant 1904 : index
    %get3A_2730 = tpu.vector_load %arg5[%get3A_2729] {strides = array<i32>} : memref<2048xi32, #tpu.memory_space<vmem>>, vector<16xi32>,
    %get3A_2731 = vector.shape_cast %get3A_2730 : vector<16xi32> to vector<16xi32>
    %and3A_2732 = arith.andi %get3A_2731, %broadcast_in_dim3A_35 : vector<16xi32>
    %lt3A_2733 = arith.cmpi slt, %get3A_2731, %broadcast_in_dim3A_33 : vector<16xi32>
    %lt3A_2734 = arith.constant 50256 : i32
    %lt3A_2735 = vector.broadcast %lt3A_2734 : i32 to vector<16xi32>
    %lt3A_2736 = arith.cmpi slt, %and3A_2732, %lt3A_2735 : vector<16xi32>
    %and3A_2737 = arith.andi %lt3A_2733, %lt3A_2736 : vector<16xi1>
    %select_n3A_2738 = arith.select %and3A_2737, %broadcast_in_dim3A_37, %and3A_2732 : vector<16xi1>, vector<16xi32>
    %shift_left3A_2739 = arith.constant 1 : i32
    %shift_left3A_2740 = vector.broadcast %shift_left3A_2739 : i32 to vector<16xi32>
    %shift_left3A_2741 = arith.shli %get3A_2731, %shift_left3A_2740 : vector<16xi32>
    %lt3A_2742 = arith.cmpi slt, %shift_left3A_2741, %broadcast_in_dim3A_33 : vector<16xi32>
    %get3A_2743 = arith.constant 1904 : index
    %get3A_2744 = tpu.vector_load %arg6[%get3A_2743] {strides = array<i32>} : memref<2048xi32, #tpu.memory_space<vmem>>, vector<16xi32>,
    %get3A_2745 = vector.shape_cast %get3A_2744 : vector<16xi32> to vector<16xi32>
    %select_n3A_2746 = arith.select %lt3A_2742, %get3A_2745, %select_n3A_2738 : vector<16xi1>, vector<16xi32>
    %swap3A_2747 = arith.constant 1904 : index
    %swap3A_2748 = tpu.vector_load %arg7[%swap3A_2747] {strides = array<i32>} : memref<2048xi32, #tpu.memory_space<vmem>>, vector<16xi32>,
    %swap3A_2749 = vector.shape_cast %swap3A_2748 : vector<16xi32> to vector<16xi32>
    %swap3A_2750 = vector.shape_cast %select_n3A_2746 : vector<16xi32> to vector<16xi32>
    tpu.vector_store %arg7[%swap3A_2747], %swap3A_2750 {strides = array<i32>} : memref<2048xi32, #tpu.memory_space<vmem>>, vector<16xi32>,
    %get3A_2751 = arith.constant 1920 : index
    %get3A_2752 = tpu.vector_load %arg5[%get3A_2751] {strides = array<i32>} : memref<2048xi32, #tpu.memory_space<vmem>>, vector<16xi32>,
    %get3A_2753 = vector.shape_cast %get3A_2752 : vector<16xi32> to vector<16xi32>
    %and3A_2754 = arith.andi %get3A_2753, %broadcast_in_dim3A_35 : vector<16xi32>
    %lt3A_2755 = arith.cmpi slt, %get3A_2753, %broadcast_in_dim3A_33 : vector<16xi32>
    %lt3A_2756 = arith.constant 50256 : i32
    %lt3A_2757 = vector.broadcast %lt3A_2756 : i32 to vector<16xi32>
    %lt3A_2758 = arith.cmpi slt, %and3A_2754, %lt3A_2757 : vector<16xi32>
    %and3A_2759 = arith.andi %lt3A_2755, %lt3A_2758 : vector<16xi1>
    %select_n3A_2760 = arith.select %and3A_2759, %broadcast_in_dim3A_37, %and3A_2754 : vector<16xi1>, vector<16xi32>
    %shift_left3A_2761 = arith.constant 1 : i32
    %shift_left3A_2762 = vector.broadcast %shift_left3A_2761 : i32 to vector<16xi32>
    %shift_left3A_2763 = arith.shli %get3A_2753, %shift_left3A_2762 : vector<16xi32>
    %lt3A_2764 = arith.cmpi slt, %shift_left3A_2763, %broadcast_in_dim3A_33 : vector<16xi32>
    %get3A_2765 = arith.constant 1920 : index
    %get3A_2766 = tpu.vector_load %arg6[%get3A_2765] {strides = array<i32>} : memref<2048xi32, #tpu.memory_space<vmem>>, vector<16xi32>,
    %get3A_2767 = vector.shape_cast %get3A_2766 : vector<16xi32> to vector<16xi32>
    %select_n3A_2768 = arith.select %lt3A_2764, %get3A_2767, %select_n3A_2760 : vector<16xi1>, vector<16xi32>
    %swap3A_2769 = arith.constant 1920 : index
    %swap3A_2770 = tpu.vector_load %arg7[%swap3A_2769] {strides = array<i32>} : memref<2048xi32, #tpu.memory_space<vmem>>, vector<16xi32>,
    %swap3A_2771 = vector.shape_cast %swap3A_2770 : vector<16xi32> to vector<16xi32>
    %swap3A_2772 = vector.shape_cast %select_n3A_2768 : vector<16xi32> to vector<16xi32>
    tpu.vector_store %arg7[%swap3A_2769], %swap3A_2772 {strides = array<i32>} : memref<2048xi32, #tpu.memory_space<vmem>>, vector<16xi32>,
    %get3A_2773 = arith.constant 1936 : index
    %get3A_2774 = tpu.vector_load %arg5[%get3A_2773] {strides = array<i32>} : memref<2048xi32, #tpu.memory_space<vmem>>, vector<16xi32>,
    %get3A_2775 = vector.shape_cast %get3A_2774 : vector<16xi32> to vector<16xi32>
    %and3A_2776 = arith.andi %get3A_2775, %broadcast_in_dim3A_35 : vector<16xi32>
    %lt3A_2777 = arith.cmpi slt, %get3A_2775, %broadcast_in_dim3A_33 : vector<16xi32>
    %lt3A_2778 = arith.constant 50256 : i32
    %lt3A_2779 = vector.broadcast %lt3A_2778 : i32 to vector<16xi32>
    %lt3A_2780 = arith.cmpi slt, %and3A_2776, %lt3A_2779 : vector<16xi32>
    %and3A_2781 = arith.andi %lt3A_2777, %lt3A_2780 : vector<16xi1>
    %select_n3A_2782 = arith.select %and3A_2781, %broadcast_in_dim3A_37, %and3A_2776 : vector<16xi1>, vector<16xi32>
    %shift_left3A_2783 = arith.constant 1 : i32
    %shift_left3A_2784 = vector.broadcast %shift_left3A_2783 : i32 to vector<16xi32>
    %shift_left3A_2785 = arith.shli %get3A_2775, %shift_left3A_2784 : vector<16xi32>
    %lt3A_2786 = arith.cmpi slt, %shift_left3A_2785, %broadcast_in_dim3A_33 : vector<16xi32>
    %get3A_2787 = arith.constant 1936 : index
    %get3A_2788 = tpu.vector_load %arg6[%get3A_2787] {strides = array<i32>} : memref<2048xi32, #tpu.memory_space<vmem>>, vector<16xi32>,
    %get3A_2789 = vector.shape_cast %get3A_2788 : vector<16xi32> to vector<16xi32>
    %select_n3A_2790 = arith.select %lt3A_2786, %get3A_2789, %select_n3A_2782 : vector<16xi1>, vector<16xi32>
    %swap3A_2791 = arith.constant 1936 : index
    %swap3A_2792 = tpu.vector_load %arg7[%swap3A_2791] {strides = array<i32>} : memref<2048xi32, #tpu.memory_space<vmem>>, vector<16xi32>,
    %swap3A_2793 = vector.shape_cast %swap3A_2792 : vector<16xi32> to vector<16xi32>
    %swap3A_2794 = vector.shape_cast %select_n3A_2790 : vector<16xi32> to vector<16xi32>
    tpu.vector_store %arg7[%swap3A_2791], %swap3A_2794 {strides = array<i32>} : memref<2048xi32, #tpu.memory_space<vmem>>, vector<16xi32>,
    %get3A_2795 = arith.constant 1952 : index
    %get3A_2796 = tpu.vector_load %arg5[%get3A_2795] {strides = array<i32>} : memref<2048xi32, #tpu.memory_space<vmem>>, vector<16xi32>,
    %get3A_2797 = vector.shape_cast %get3A_2796 : vector<16xi32> to vector<16xi32>
    %and3A_2798 = arith.andi %get3A_2797, %broadcast_in_dim3A_35 : vector<16xi32>
    %lt3A_2799 = arith.cmpi slt, %get3A_2797, %broadcast_in_dim3A_33 : vector<16xi32>
    %lt3A_2800 = arith.constant 50256 : i32
    %lt3A_2801 = vector.broadcast %lt3A_2800 : i32 to vector<16xi32>
    %lt3A_2802 = arith.cmpi slt, %and3A_2798, %lt3A_2801 : vector<16xi32>
    %and3A_2803 = arith.andi %lt3A_2799, %lt3A_2802 : vector<16xi1>
    %select_n3A_2804 = arith.select %and3A_2803, %broadcast_in_dim3A_37, %and3A_2798 : vector<16xi1>, vector<16xi32>
    %shift_left3A_2805 = arith.constant 1 : i32
    %shift_left3A_2806 = vector.broadcast %shift_left3A_2805 : i32 to vector<16xi32>
    %shift_left3A_2807 = arith.shli %get3A_2797, %shift_left3A_2806 : vector<16xi32>
    %lt3A_2808 = arith.cmpi slt, %shift_left3A_2807, %broadcast_in_dim3A_33 : vector<16xi32>
    %get3A_2809 = arith.constant 1952 : index
    %get3A_2810 = tpu.vector_load %arg6[%get3A_2809] {strides = array<i32>} : memref<2048xi32, #tpu.memory_space<vmem>>, vector<16xi32>,
    %get3A_2811 = vector.shape_cast %get3A_2810 : vector<16xi32> to vector<16xi32>
    %select_n3A_2812 = arith.select %lt3A_2808, %get3A_2811, %select_n3A_2804 : vector<16xi1>, vector<16xi32>
    %swap3A_2813 = arith.constant 1952 : index
    %swap3A_2814 = tpu.vector_load %arg7[%swap3A_2813] {strides = array<i32>} : memref<2048xi32, #tpu.memory_space<vmem>>, vector<16xi32>,
    %swap3A_2815 = vector.shape_cast %swap3A_2814 : vector<16xi32> to vector<16xi32>
    %swap3A_2816 = vector.shape_cast %select_n3A_2812 : vector<16xi32> to vector<16xi32>
    tpu.vector_store %arg7[%swap3A_2813], %swap3A_2816 {strides = array<i32>} : memref<2048xi32, #tpu.memory_space<vmem>>, vector<16xi32>,
    %get3A_2817 = arith.constant 1968 : index
    %get3A_2818 = tpu.vector_load %arg5[%get3A_2817] {strides = array<i32>} : memref<2048xi32, #tpu.memory_space<vmem>>, vector<16xi32>,
    %get3A_2819 = vector.shape_cast %get3A_2818 : vector<16xi32> to vector<16xi32>
    %and3A_2820 = arith.andi %get3A_2819, %broadcast_in_dim3A_35 : vector<16xi32>
    %lt3A_2821 = arith.cmpi slt, %get3A_2819, %broadcast_in_dim3A_33 : vector<16xi32>
    %lt3A_2822 = arith.constant 50256 : i32
    %lt3A_2823 = vector.broadcast %lt3A_2822 : i32 to vector<16xi32>
    %lt3A_2824 = arith.cmpi slt, %and3A_2820, %lt3A_2823 : vector<16xi32>
    %and3A_2825 = arith.andi %lt3A_2821, %lt3A_2824 : vector<16xi1>
    %select_n3A_2826 = arith.select %and3A_2825, %broadcast_in_dim3A_37, %and3A_2820 : vector<16xi1>, vector<16xi32>
    %shift_left3A_2827 = arith.constant 1 : i32
    %shift_left3A_2828 = vector.broadcast %shift_left3A_2827 : i32 to vector<16xi32>
    %shift_left3A_2829 = arith.shli %get3A_2819, %shift_left3A_2828 : vector<16xi32>
    %lt3A_2830 = arith.cmpi slt, %shift_left3A_2829, %broadcast_in_dim3A_33 : vector<16xi32>
    %get3A_2831 = arith.constant 1968 : index
    %get3A_2832 = tpu.vector_load %arg6[%get3A_2831] {strides = array<i32>} : memref<2048xi32, #tpu.memory_space<vmem>>, vector<16xi32>,
    %get3A_2833 = vector.shape_cast %get3A_2832 : vector<16xi32> to vector<16xi32>
    %select_n3A_2834 = arith.select %lt3A_2830, %get3A_2833, %select_n3A_2826 : vector<16xi1>, vector<16xi32>
    %swap3A_2835 = arith.constant 1968 : index
    %swap3A_2836 = tpu.vector_load %arg7[%swap3A_2835] {strides = array<i32>} : memref<2048xi32, #tpu.memory_space<vmem>>, vector<16xi32>,
    %swap3A_2837 = vector.shape_cast %swap3A_2836 : vector<16xi32> to vector<16xi32>
    %swap3A_2838 = vector.shape_cast %select_n3A_2834 : vector<16xi32> to vector<16xi32>
    tpu.vector_store %arg7[%swap3A_2835], %swap3A_2838 {strides = array<i32>} : memref<2048xi32, #tpu.memory_space<vmem>>, vector<16xi32>,
    %get3A_2839 = arith.constant 1984 : index
    %get3A_2840 = tpu.vector_load %arg5[%get3A_2839] {strides = array<i32>} : memref<2048xi32, #tpu.memory_space<vmem>>, vector<16xi32>,
    %get3A_2841 = vector.shape_cast %get3A_2840 : vector<16xi32> to vector<16xi32>
    %and3A_2842 = arith.andi %get3A_2841, %broadcast_in_dim3A_35 : vector<16xi32>
    %lt3A_2843 = arith.cmpi slt, %get3A_2841, %broadcast_in_dim3A_33 : vector<16xi32>
    %lt3A_2844 = arith.constant 50256 : i32
    %lt3A_2845 = vector.broadcast %lt3A_2844 : i32 to vector<16xi32>
    %lt3A_2846 = arith.cmpi slt, %and3A_2842, %lt3A_2845 : vector<16xi32>
    %and3A_2847 = arith.andi %lt3A_2843, %lt3A_2846 : vector<16xi1>
    %select_n3A_2848 = arith.select %and3A_2847, %broadcast_in_dim3A_37, %and3A_2842 : vector<16xi1>, vector<16xi32>
    %shift_left3A_2849 = arith.constant 1 : i32
    %shift_left3A_2850 = vector.broadcast %shift_left3A_2849 : i32 to vector<16xi32>
    %shift_left3A_2851 = arith.shli %get3A_2841, %shift_left3A_2850 : vector<16xi32>
    %lt3A_2852 = arith.cmpi slt, %shift_left3A_2851, %broadcast_in_dim3A_33 : vector<16xi32>
    %get3A_2853 = arith.constant 1984 : index
    %get3A_2854 = tpu.vector_load %arg6[%get3A_2853] {strides = array<i32>} : memref<2048xi32, #tpu.memory_space<vmem>>, vector<16xi32>,
    %get3A_2855 = vector.shape_cast %get3A_2854 : vector<16xi32> to vector<16xi32>
    %select_n3A_2856 = arith.select %lt3A_2852, %get3A_2855, %select_n3A_2848 : vector<16xi1>, vector<16xi32>
    %swap3A_2857 = arith.constant 1984 : index
    %swap3A_2858 = tpu.vector_load %arg7[%swap3A_2857] {strides = array<i32>} : memref<2048xi32, #tpu.memory_space<vmem>>, vector<16xi32>,
    %swap3A_2859 = vector.shape_cast %swap3A_2858 : vector<16xi32> to vector<16xi32>
    %swap3A_2860 = vector.shape_cast %select_n3A_2856 : vector<16xi32> to vector<16xi32>
    tpu.vector_store %arg7[%swap3A_2857], %swap3A_2860 {strides = array<i32>} : memref<2048xi32, #tpu.memory_space<vmem>>, vector<16xi32>,
    %get3A_2861 = arith.constant 2000 : index
    %get3A_2862 = tpu.vector_load %arg5[%get3A_2861] {strides = array<i32>} : memref<2048xi32, #tpu.memory_space<vmem>>, vector<16xi32>,
    %get3A_2863 = vector.shape_cast %get3A_2862 : vector<16xi32> to vector<16xi32>
    %and3A_2864 = arith.andi %get3A_2863, %broadcast_in_dim3A_35 : vector<16xi32>
    %lt3A_2865 = arith.cmpi slt, %get3A_2863, %broadcast_in_dim3A_33 : vector<16xi32>
    %lt3A_2866 = arith.constant 50256 : i32
    %lt3A_2867 = vector.broadcast %lt3A_2866 : i32 to vector<16xi32>
    %lt3A_2868 = arith.cmpi slt, %and3A_2864, %lt3A_2867 : vector<16xi32>
    %and3A_2869 = arith.andi %lt3A_2865, %lt3A_2868 : vector<16xi1>
    %select_n3A_2870 = arith.select %and3A_2869, %broadcast_in_dim3A_37, %and3A_2864 : vector<16xi1>, vector<16xi32>
    %shift_left3A_2871 = arith.constant 1 : i32
    %shift_left3A_2872 = vector.broadcast %shift_left3A_2871 : i32 to vector<16xi32>
    %shift_left3A_2873 = arith.shli %get3A_2863, %shift_left3A_2872 : vector<16xi32>
    %lt3A_2874 = arith.cmpi slt, %shift_left3A_2873, %broadcast_in_dim3A_33 : vector<16xi32>
    %get3A_2875 = arith.constant 2000 : index
    %get3A_2876 = tpu.vector_load %arg6[%get3A_2875] {strides = array<i32>} : memref<2048xi32, #tpu.memory_space<vmem>>, vector<16xi32>,
    %get3A_2877 = vector.shape_cast %get3A_2876 : vector<16xi32> to vector<16xi32>
    %select_n3A_2878 = arith.select %lt3A_2874, %get3A_2877, %select_n3A_2870 : vector<16xi1>, vector<16xi32>
    %swap3A_2879 = arith.constant 2000 : index
    %swap3A_2880 = tpu.vector_load %arg7[%swap3A_2879] {strides = array<i32>} : memref<2048xi32, #tpu.memory_space<vmem>>, vector<16xi32>,
    %swap3A_2881 = vector.shape_cast %swap3A_2880 : vector<16xi32> to vector<16xi32>
    %swap3A_2882 = vector.shape_cast %select_n3A_2878 : vector<16xi32> to vector<16xi32>
    tpu.vector_store %arg7[%swap3A_2879], %swap3A_2882 {strides = array<i32>} : memref<2048xi32, #tpu.memory_space<vmem>>, vector<16xi32>,
    %get3A_2883 = arith.constant 2016 : index
    %get3A_2884 = tpu.vector_load %arg5[%get3A_2883] {strides = array<i32>} : memref<2048xi32, #tpu.memory_space<vmem>>, vector<16xi32>,
    %get3A_2885 = vector.shape_cast %get3A_2884 : vector<16xi32> to vector<16xi32>
    %and3A_2886 = arith.andi %get3A_2885, %broadcast_in_dim3A_35 : vector<16xi32>
    %lt3A_2887 = arith.cmpi slt, %get3A_2885, %broadcast_in_dim3A_33 : vector<16xi32>
    %lt3A_2888 = arith.constant 50256 : i32
    %lt3A_2889 = vector.broadcast %lt3A_2888 : i32 to vector<16xi32>
    %lt3A_2890 = arith.cmpi slt, %and3A_2886, %lt3A_2889 : vector<16xi32>
    %and3A_2891 = arith.andi %lt3A_2887, %lt3A_2890 : vector<16xi1>
    %select_n3A_2892 = arith.select %and3A_2891, %broadcast_in_dim3A_37, %and3A_2886 : vector<16xi1>, vector<16xi32>
    %shift_left3A_2893 = arith.constant 1 : i32
    %shift_left3A_2894 = vector.broadcast %shift_left3A_2893 : i32 to vector<16xi32>
    %shift_left3A_2895 = arith.shli %get3A_2885, %shift_left3A_2894 : vector<16xi32>
    %lt3A_2896 = arith.cmpi slt, %shift_left3A_2895, %broadcast_in_dim3A_33 : vector<16xi32>
    %get3A_2897 = arith.constant 2016 : index
    %get3A_2898 = tpu.vector_load %arg6[%get3A_2897] {strides = array<i32>} : memref<2048xi32, #tpu.memory_space<vmem>>, vector<16xi32>,
    %get3A_2899 = vector.shape_cast %get3A_2898 : vector<16xi32> to vector<16xi32>
    %select_n3A_2900 = arith.select %lt3A_2896, %get3A_2899, %select_n3A_2892 : vector<16xi1>, vector<16xi32>
    %swap3A_2901 = arith.constant 2016 : index
    %swap3A_2902 = tpu.vector_load %arg7[%swap3A_2901] {strides = array<i32>} : memref<2048xi32, #tpu.memory_space<vmem>>, vector<16xi32>,
    %swap3A_2903 = vector.shape_cast %swap3A_2902 : vector<16xi32> to vector<16xi32>
    %swap3A_2904 = vector.shape_cast %select_n3A_2900 : vector<16xi32> to vector<16xi32>
    tpu.vector_store %arg7[%swap3A_2901], %swap3A_2904 {strides = array<i32>} : memref<2048xi32, #tpu.memory_space<vmem>>, vector<16xi32>,
    %get3A_2905 = arith.constant 2032 : index
    %get3A_2906 = tpu.vector_load %arg5[%get3A_2905] {strides = array<i32>} : memref<2048xi32, #tpu.memory_space<vmem>>, vector<16xi32>,
    %get3A_2907 = vector.shape_cast %get3A_2906 : vector<16xi32> to vector<16xi32>
    %and3A_2908 = arith.andi %get3A_2907, %broadcast_in_dim3A_35 : vector<16xi32>
    %lt3A_2909 = arith.cmpi slt, %get3A_2907, %broadcast_in_dim3A_33 : vector<16xi32>
    %lt3A_2910 = arith.constant 50256 : i32
    %lt3A_2911 = vector.broadcast %lt3A_2910 : i32 to vector<16xi32>
    %lt3A_2912 = arith.cmpi slt, %and3A_2908, %lt3A_2911 : vector<16xi32>
    %and3A_2913 = arith.andi %lt3A_2909, %lt3A_2912 : vector<16xi1>
    %select_n3A_2914 = arith.select %and3A_2913, %broadcast_in_dim3A_37, %and3A_2908 : vector<16xi1>, vector<16xi32>
    %shift_left3A_2915 = arith.constant 1 : i32
    %shift_left3A_2916 = vector.broadcast %shift_left3A_2915 : i32 to vector<16xi32>
    %shift_left3A_2917 = arith.shli %get3A_2907, %shift_left3A_2916 : vector<16xi32>
    %lt3A_2918 = arith.cmpi slt, %shift_left3A_2917, %broadcast_in_dim3A_33 : vector<16xi32>
    %get3A_2919 = arith.constant 2032 : index
    %get3A_2920 = tpu.vector_load %arg6[%get3A_2919] {strides = array<i32>} : memref<2048xi32, #tpu.memory_space<vmem>>, vector<16xi32>,
    %get3A_2921 = vector.shape_cast %get3A_2920 : vector<16xi32> to vector<16xi32>
    %select_n3A_2922 = arith.select %lt3A_2918, %get3A_2921, %select_n3A_2914 : vector<16xi1>, vector<16xi32>
    %swap3A_2923 = arith.constant 2032 : index
    %swap3A_2924 = tpu.vector_load %arg7[%swap3A_2923] {strides = array<i32>} : memref<2048xi32, #tpu.memory_space<vmem>>, vector<16xi32>,
    %swap3A_2925 = vector.shape_cast %swap3A_2924 : vector<16xi32> to vector<16xi32>
    %swap3A_2926 = vector.shape_cast %select_n3A_2922 : vector<16xi32> to vector<16xi32>
    tpu.vector_store %arg7[%swap3A_2923], %swap3A_2926 {strides = array<i32>} : memref<2048xi32, #tpu.memory_space<vmem>>, vector<16xi32>,
    %add3A_2927 = arith.constant 1024 : i32
    %add3A_2928 = arith.addi %mul3A_32, %add3A_2927 : i32
    %dma_start3A_2929 = arith.constant 1024 : i32
    %dma_start3A_2930 = tpu.memref_slice %arg7[%dma_start3A_2929] : memref<2048xi32, #tpu.memory_space<vmem>> -> memref<1024xi32, #tpu.memory_space<vmem>>
    %dma_start3A_2931 = tpu.memref_slice %arg4[%select_n3A, %add3A_2928] : memref<4x8192xi32, #tpu.memory_space<hbm>> -> memref<1x1024xi32, #tpu.memory_space<hbm>>
    %dma_start3A_2932 = tpu.memref_squeeze %dma_start3A_2931 : memref<1x1024xi32, #tpu.memory_space<hbm>> -> memref<1024xi32, #tpu.memory_space<hbm>>
    %dma_start3A_2933 = tpu.memref_slice %arg4[%select_n3A, %add3A_2928] : memref<4x8192xi32, #tpu.memory_space<hbm>> -> memref<1x1024xi32, #tpu.memory_space<hbm>>
    %dma_start3A_2934 = tpu.memref_squeeze %dma_start3A_2933 : memref<1x1024xi32, #tpu.memory_space<hbm>> -> memref<1024xi32, #tpu.memory_space<hbm>>
    %dma_start3A_2935 = arith.constant 1024 : i32
    %dma_start3A_2936 = tpu.memref_slice %arg7[%dma_start3A_2935] : memref<2048xi32, #tpu.memory_space<vmem>> -> memref<1024xi32, #tpu.memory_space<vmem>>
    tpu.enqueue_dma source(%dma_start3A_2936 : memref<1024xi32, #tpu.memory_space<vmem>>) target(%dma_start3A_2934 : memref<1024xi32, #tpu.memory_space<hbm>>) target_semaphore(%arg10 : memref<!tpu.dma_semaphore, #tpu.memory_space<semaphore_mem>>)
    %dma_wait3A_2937 = arith.constant 0 : i32
    %dma_wait3A_2938 = tpu.memref_slice %arg7[%dma_wait3A_2937] : memref<2048xi32, #tpu.memory_space<vmem>> -> memref<1024xi32, #tpu.memory_space<vmem>>
    %dma_wait3A_2939 = tpu.memref_slice %arg4[%select_n3A, %add3A_1494] : memref<4x8192xi32, #tpu.memory_space<hbm>> -> memref<1x1024xi32, #tpu.memory_space<hbm>>
    %dma_wait3A_2940 = tpu.memref_squeeze %dma_wait3A_2939 : memref<1x1024xi32, #tpu.memory_space<hbm>> -> memref<1024xi32, #tpu.memory_space<hbm>>
    %dma_wait3A_2941 = tpu.memref_slice %arg4[%select_n3A, %add3A_1494] : memref<4x8192xi32, #tpu.memory_space<hbm>> -> memref<1x1024xi32, #tpu.memory_space<hbm>>
    %dma_wait3A_2942 = tpu.memref_squeeze %dma_wait3A_2941 : memref<1x1024xi32, #tpu.memory_space<hbm>> -> memref<1024xi32, #tpu.memory_space<hbm>>
    %dma_wait3A_2943 = arith.constant 0 : i32
    %dma_wait3A_2944 = tpu.memref_slice %arg7[%dma_wait3A_2943] : memref<2048xi32, #tpu.memory_space<vmem>> -> memref<1024xi32, #tpu.memory_space<vmem>>
    tpu.wait_dma2 semaphore(%arg10 : memref<!tpu.dma_semaphore, #tpu.memory_space<semaphore_mem>>) src(%dma_wait3A_2944 : memref<1024xi32, #tpu.memory_space<vmem>>) dst(%dma_wait3A_2942 : memref<1024xi32, #tpu.memory_space<hbm>>)
    %dma_wait3A_2945 = arith.constant 1024 : i32
    %dma_wait3A_2946 = tpu.memref_slice %arg7[%dma_wait3A_2945] : memref<2048xi32, #tpu.memory_space<vmem>> -> memref<1024xi32, #tpu.memory_space<vmem>>
    %dma_wait3A_2947 = tpu.memref_slice %arg4[%select_n3A, %add3A_2928] : memref<4x8192xi32, #tpu.memory_space<hbm>> -> memref<1x1024xi32, #tpu.memory_space<hbm>>
    %dma_wait3A_2948 = tpu.memref_squeeze %dma_wait3A_2947 : memref<1x1024xi32, #tpu.memory_space<hbm>> -> memref<1024xi32, #tpu.memory_space<hbm>>
    %dma_wait3A_2949 = tpu.memref_slice %arg4[%select_n3A, %add3A_2928] : memref<4x8192xi32, #tpu.memory_space<hbm>> -> memref<1x1024xi32, #tpu.memory_space<hbm>>
    %dma_wait3A_2950 = tpu.memref_squeeze %dma_wait3A_2949 : memref<1x1024xi32, #tpu.memory_space<hbm>> -> memref<1024xi32, #tpu.memory_space<hbm>>
    %dma_wait3A_2951 = arith.constant 1024 : i32
    %dma_wait3A_2952 = tpu.memref_slice %arg7[%dma_wait3A_2951] : memref<2048xi32, #tpu.memory_space<vmem>> -> memref<1024xi32, #tpu.memory_space<vmem>>
    tpu.wait_dma2 semaphore(%arg10 : memref<!tpu.dma_semaphore, #tpu.memory_space<semaphore_mem>>) src(%dma_wait3A_2952 : memref<1024xi32, #tpu.memory_space<vmem>>) dst(%dma_wait3A_2950 : memref<1024xi32, #tpu.memory_space<hbm>>)
    return
  }
}

</mosaic_0001>

<sc_bundles>
// kernel: kernel.3.cloned.1.call-start
scs
__scs_entry_jumppad:
0x0: {  	(pc) =	sbr.rel $0x88, $3  }
0x1: {  	(tag) =	ssettag $0x0;
	lr =	simm.s32 $0x1  }
0x2: {  	[smem:$0x3F9C] =	sst lr;
	_ =	strace $0xD0000000  }
0x3: {  	_ = 	snop  }
0x4: {  	_ = 	snop  }
0x5: {  	_ = 	snop  }
0x6: {  	_ = 	snop  }
0x7: {  	_ = 	snop  }
__scs_overlays_trampoline_lowered:
0x8: {  	[smem:$0x3FAB] =	sst s0  }
0x9: {  	[smem:$0x3FAC] =	sst s1  }
0xa: {  	[smem:$0x3FAD] =	sst s2  }
0xb: {  	[smem:$0x3FAE] =	sst s3  }
0xc: {  	[smem:$0x3FAF] =	sst s4  }
0xd: {  	[smem:$0x3FB0] =	sst s5  }
0xe: {  	[smem:$0x3FB1] =	sst s6  }
0xf: {  	[smem:$0x3FB2] =	sst s7  }
0x10: {  	[smem:$0x3FB3] =	sst s8  }
0x11: {  	[smem:$0x3FB4] =	sst s9;
	s0 =	simm.s32 @!p0 $0x0  }
0x12: {  	s1 =	sld [smem:$0x3F9A];
	s0 =	simm.s32 @p0 $0x1  }
0x13: {  	[smem:$0x3FB5] =	sst s0;
	s0 =	simm.s32 @!p1 $0x0  }
0x14: {  	s2 =	sld [smem:$0x3F99];
	s0 =	simm.s32 @p1 $0x1  }
0x15: {  	[smem:$0x3FB6] =	sst s0;
	s0 =	simm.s32 @!p2 $0x0  }
0x16: {  	s3 =	sld [smem:$0x3FDB];
	s0 =	simm.s32 @p2 $0x1  }
0x17: {  	s4 =	simm.s32 $0x1BF5;
	[smem:$0x3FB8] =	sst s0  }
0x18: {  	s0 =	sld [smem:$0x3F9B];
	_ =	swait.ge [sflag:s4], $0x0  }
0x19: {  	s7 =	sld [smem:$0x3F9C]  }
0x1a: {  	s8 =	sadd.s32 $0xFFFFE003, lr  }
0x1b: {  	s9 =	sadd.s32 $0xFFFFFEF7, lr;
	s5 =	simm.s32 $0xFFFFFFFF;
	p2 =	slt.u32 s8, $0xFFFFF086  }
0x1c: {  	p1 =	slt.u32 s9, $0xF7A;
	s5 =	simm.s32 @!p2 $0x0  }
0x1d: {  	s5 =	simm.s32 @p1 $0x1;
	p0 =	seq.s32 s7, s2  }
0x1e: {  	s7 =	smul.u32 @!p0 $0xF7A, s2;
	p2 =	seq.s32 @!p0 s5, $0x0  }
0x1f: {  	s9 =	smul.u32 $0xF7A, s1;
	s8 =	simm.s32 @!p0 $0x1BF5;
	p2 =	por !p2, p0  }
0x20: {  	[sflag:s8] =	ssyncset.s32 @!p0 $0xFFFFF086;
	s6 =	sadd.s32 @!p0 s3, s7;
	s7 =	simm.s32 @!p0 $0x108  }
0x21: {  	s3 =	sadd.s32 s3, s9;
	s6 =	sadd.s32 @!p0 $0x88, s6;
	s7 =	simm.s32 @p2 $0x1082  }
0x22: {  	[simem:s7], [sflag:s8] =	dma.local @!p0 [hbm:s6], $0xF7A  }
0x23: {  	s9 =	sor.u32 $0xD0000000, s2;
	s6 =	simm.s32 $0x108;
	_ =	swait.ge @!p0 [sflag:s8], $0x0  }
0x24: {  	s3 =	sadd.s32 $0x88, s3;
	s6 =	simm.s32 @!p1 $0x1082;
	[sflag:s4] =	ssyncset.s32 $0xFFFFF086  }
0x25: {  	[simem:s6], [sflag:s4] =	dma.local [hbm:s3], $0xF7A  }
0x26: {  	[smem:$0x3F9C] =	sst s1;
	(tag) =	ssettag s2;
	_ =	strace s9  }
0x27: {  	s1 =	sld [smem:$0x3FAC]  }
0x28: {  	s2 =	sld [smem:$0x3FAD]  }
0x29: {  	s4 =	sld [smem:$0x3FAF]  }
0x2a: {  	p0 =	seq.s32 s5, $0x0;
	s5 =	sld [smem:$0x3FB0]  }
0x2b: {  	s6 =	sld [smem:$0x3FB1]  }
0x2c: {  	s7 =	sld [smem:$0x3FB2]  }
0x2d: {  	s3 =	simm.s32 $0x108;
	s8 =	sld [smem:$0x3FB3]  }
0x2e: {  	s3 =	simm.s32 @!p0 $0x1082;
	s9 =	sld [smem:$0x3FB4]  }
0x2f: {  	lr =	sadd.s32 s0, s3;
	s0 =	sld [smem:$0x3FAB]  }
0x30: {  	s3 =	sld [smem:$0x3FAE]  }
0x31: {  	[smem:$0x3FB7] =	sst s10  }
0x32: {  	s10 =	sld [smem:$0x3FB5];
	_ =	sdelay $0x3  }
0x33: {  	p0 =	seq.s32 s10, $0x1;
	s10 =	sld [smem:$0x3FB7];
	_ =	sdelay $0x3  }
0x34: {  	[smem:$0x3FB7] =	sst s10  }
0x35: {  	s10 =	sld [smem:$0x3FB6];
	_ =	sdelay $0x3  }
0x36: {  	p1 =	seq.s32 s10, $0x1;
	s10 =	sld [smem:$0x3FB7];
	_ =	sdelay $0x3  }
0x37: {  	[smem:$0x3FB7] =	sst s10  }
0x38: {  	s10 =	sld [smem:$0x3FB8]  }
0x39: {  	_ = 	snop;
	(pc) =	sbr.ind lr, $3  }
0x3a: {  	_ = 	snop  }
0x3b: {  	_ = 	snop  }
0x3c: {  	p2 =	seq.s32 s10, $0x1;
	s10 =	sld [smem:$0x3FB7]  }
0x3d: {  	_ =	shalt  }
0x3e: {  	_ =	shalt  }
0x3f: {  	_ =	shalt  }
0x40: {  	_ =	shalt  }
0x41: {  	_ =	shalt  }
0x42: {  	_ =	shalt  }
0x43: {  	_ =	shalt  }
0x44: {  	_ =	shalt  }
0x45: {  	_ =	shalt  }
0x46: {  	_ =	shalt  }
0x47: {  	_ =	shalt  }
0x48: {  	_ =	shalt  }
0x49: {  	_ =	shalt  }
0x4a: {  	_ =	shalt  }
0x4b: {  	_ =	shalt  }
0x4c: {  	_ =	shalt  }
0x4d: {  	_ =	shalt  }
0x4e: {  	_ =	shalt  }
0x4f: {  	_ =	shalt  }
0x50: {  	_ =	shalt  }
0x51: {  	_ =	shalt  }
0x52: {  	_ =	shalt  }
0x53: {  	_ =	shalt  }
0x54: {  	_ =	shalt  }
0x55: {  	_ =	shalt  }
0x56: {  	_ =	shalt  }
0x57: {  	_ =	shalt  }
0x58: {  	_ =	shalt  }
0x59: {  	_ =	shalt  }
0x5a: {  	_ =	shalt  }
0x5b: {  	_ =	shalt  }
0x5c: {  	_ =	shalt  }
0x5d: {  	_ =	shalt  }
0x5e: {  	_ =	shalt  }
0x5f: {  	_ =	shalt  }
0x60: {  	_ =	shalt  }
0x61: {  	_ =	shalt  }
0x62: {  	_ =	shalt  }
0x63: {  	_ =	shalt  }
0x64: {  	_ =	shalt  }
0x65: {  	_ =	shalt  }
0x66: {  	_ =	shalt  }
0x67: {  	_ =	shalt  }
0x68: {  	_ =	shalt  }
0x69: {  	_ =	shalt  }
0x6a: {  	_ =	shalt  }
0x6b: {  	_ =	shalt  }
0x6c: {  	_ =	shalt  }
0x6d: {  	_ =	shalt  }
0x6e: {  	_ =	shalt  }
0x6f: {  	_ =	shalt  }
0x70: {  	_ =	shalt  }
0x71: {  	_ =	shalt  }
0x72: {  	_ =	shalt  }
0x73: {  	_ =	shalt  }
0x74: {  	_ =	shalt  }
0x75: {  	_ =	shalt  }
0x76: {  	_ =	shalt  }
0x77: {  	_ =	shalt  }
0x78: {  	_ =	shalt  }
0x79: {  	_ =	shalt  }
0x7a: {  	_ =	shalt  }
0x7b: {  	_ =	shalt  }
0x7c: {  	_ =	shalt  }
0x7d: {  	_ =	shalt  }
0x7e: {  	_ =	shalt  }
0x7f: {  	_ =	shalt  }
0x80: {  	_ =	shalt  }
0x81: {  	_ =	shalt  }
0x82: {  	_ =	shalt  }
0x83: {  	_ =	shalt  }
0x84: {  	_ =	shalt  }
0x85: {  	_ =	shalt  }
0x86: {  	_ =	shalt  }
0x87: {  	_ =	shalt  }
.Lfunc_end0:
.L_simem_size_0:
called_computation_lowered:
.L_overlay_start_0:
0x88: {  	s0 =	sld [smem:$0x3FD9]  }
0x89: {  	s1 =	sld [smem:$0x3FFE];
	_ =	sdelay $0x3  }
0x8a: {  	s0 =	sadd.s32 s1, s0  }
0x8b: {  	[smem:$0x3FC3] =	sst s0  }
0x8c: {  	_ = 	snop  }
0x8d: {  	s0 =	sld [smem:$0x3FD0];
	_ =	sdelay $0x2  }
0x8e: {  	s2 =	simm.s32 $0xA;
	s3 =	simm.s32 $0x10;
	s14 =	sld [smem:$0x3FC6]  }
0x8f: {  	[smem:s3], [sflag:s2] =	dma.local [hbm:s0], $0x1  }
0x90: {  	_ =	swait.eq [sflag:s2], $0x1  }
0x91: {  	[sflag:s2] =	ssyncset.done $0x0  }
0x92: {  	s15 =	sld [smem:$0x10];
	[sflag:s2] =	ssyncadd.s32 $0xFFFFFFFF  }
0x93: {  	s16 =	sld [smem:$0x11];
	(tm) =	ssettm $0x1  }
0x94: {  	s17 =	sld [smem:$0x3FFB];
	_ =	sdelay $0x3  }
0x95: {  	_ =	strace s17  }
0x96: {  	s3 =	sld [smem:$0x3FFC];
	_ =	sdelay $0x3  }
0x97: {  	_ =	strace s3  }
0x98: {  	s3 =	sld [smem:$0x3FFD];
	_ =	sdelay $0x3  }
0x99: {  	_ =	strace s3  }
0x9a: {  	_ =	strace $0x8FFFFFFF  }
0x9b: {  	s18 =	sld [smem:$0x3FDB];
	_ =	sdelay $0x1  }
0x9c: {  	s4 =	simm.s32 $_scs_section_size  }
0x9d: {  	s5 =	simm.s32 $_size__tile_overlayer_lowered;
	s6 =	simm.s32 $_tile_overlayer_lowered  }
0x9e: {  	s21 =	simm.s32 $0x1BFF;
	s20 =	sshll.u32 s6, $0x1;
	s3 =	sadd.s32 s4, s18  }
0x9f: {  	s7 =	simm.s32 $0x0;
	s19 =	sshll.u32 s5, $0x1;
	s5 =	sadd.s32 s20, s3  }
0xa0: {  	[timem:s7], [sflag:s21] =	dma.local [hbm:s5], s19  }
0xa1: {  	_ =	swait.ge [sflag:s21], s19  }
0xa2: {  	s4 =	ssub.s32 $0x0, s19;
	[sflag:s21] =	ssyncset.done $0x0  }
0xa3: {  	[sflag:s21] =	ssyncadd.s32 s4;
	_ =	sdelay $0x1  }
0xa4: {  	s22 =	simm.s32 $0x1B8B  }
0xa5: {  	_ =	swait.ge [sflag:s22], $0x1  }
0xa6: {  	[sflag:s22] =	ssyncset.done $0x0  }
0xa7: {  	s23 =	simm.s32 $0x1B8E;
	[sflag:s22] =	ssyncadd.s32 $0xFFFFFFFF  }
0xa8: {  	s24 =	simm.s32 $execute0_lowered;
	[smem:$0x3FD2] =	sst s23  }
0xa9: {  	s4 =	sshll.u32 s24, $0x1;
	_ =	strace $0x80000046;
	[dreg:$0x1] =	wrdreg $0xFFFFFFFF  }
0xaa: {  	s25 =	simm.s32 $_size_execute0_lowered;
	s3 =	sadd.s32 s3, s4;
	[dreg:$0x0] =	wrdreg $0x0  }
0xab: {  	s4 =	sshll.u32 s25, $0x1;
	[dreg:$0x2] =	wrdreg s3  }
0xac: {  	[dreg:$0x3] =	wrdreg s4  }
0xad: {  	[dreg:$0x4] =	wrdreg $0xC0  }
0xae: {  	_ =	task [dreg:s7], $0x5FFFF  }
0xaf: {  	[dreg:$0x1] =	wrdreg $0xFFFFFFFF  }
0xb0: {  	[dreg:$0x0] =	wrdreg $0x60  }
0xb1: {  	[dreg:$0x2] =	wrdreg s16  }
0xb2: {  	[dreg:$0x3] =	wrdreg s14  }
0xb3: {  	[dreg:$0x4] =	wrdreg s15  }
0xb4: {  	[dreg:$0x5] =	wrdreg $0x9  }
0xb5: {  	_ =	task.clear_ibuf [dreg:s7], $0x6FFFF;
	_ =	strace $0x90000046  }
0xb6: {  	s26 =	simm.s32 $0x9;
	_ =	strace $0x80000048  }
0xb7: {  	_ =	swait.ge [sflag:s26], $0x1  }
0xb8: {  	[sflag:s26] =	ssyncadd.s32 $0xFFFFFFFF  }
0xb9: {  	_ =	strace $0x90000048  }
0xba: {  	_ =	sfence  }
0xbb: {  	s28 =	sld [smem:$0x0];
	_ =	sdelay $0x1  }
0xbc: {  	s29 =	srdreg.scid  }
0xbd: {  	s30 =	sshll.u32 s29, $0xD;
	s31 =	sshrl.u32 s29, $0x2  }
0xbe: {  	s1 =	sand.u32 $0x1, s29;
	s2 =	sand.u32 $0x4000, s30;
	s0 =	sadd.s32 s31, s28  }
0xbf: {  	s1 =	sor.u32 s2, s1;
	s0 =	sshll.u32 s0, $0x11  }
0xc0: {  	s0 =	sor.u32 s0, s1  }
0xc1: {  	s0 =	sadd.s32 $0x8F2B, s0  }
0xc2: {  	[sflag:s0] =	ssyncadd.remote.s32 $0x1  }
0xc3: {  	_ =	sfence.sel $0xFFFF  }
0xc4: {  	[dreg:$0x0] =	wrdreg $0xFFFFFFFF;
	(pc) =	sbr.abs _section_cstart, $3  }
0xc5: {  	[dreg:$0x1] =	wrdreg $0xFFFFFFFF  }
0xc6: {  	_ =	task.clear_ibuf [dreg:s7], $0x2FFFF;
	_ =	strace $0x9FFFFFFF  }
0xc7: {  	(tm) =	ssettm $0x7FFFFFFF  }
tec
execute0_lowered:
.L_overlay_start_1:
0x0: {  	(tag) =	ssettag $0x1  }
0x1: {  	s7 =	rddreg [dreg:$0x0]  }
0x2: {  	s8 =	rddreg [dreg:$0x1];
	s1 =	stileid.u32  }
0x3: {  	s2 =	rddreg [dreg:$0x2];
	s3 =	sshll.u32 s1, $0xA;
	s4 =	sshll.u32 s1, $0x2  }
0x4: {  	s0 =	rddreg [dreg:$0x3];
	s5 =	simm.s32 $0x0;
	s3 =	sor.u32 s4, s3  }
0x5: {  	s19 =	simm.s32 $0x80;
	[smem:$0x7FF] =	sst s5;
	s6 =	sand.u32 $0xC30, s3  }
0x6: {  	s20 =	simm.s32 $0x200;
	_ =	strace $0x80000047;
	s9 =	sadd.s32 s7, s6  }
0x7: {  	[tilespmem:s5], [sflag:$0x1] =	stream.strided.gather [hbm4b:s9+s19], $0x400, s20, s19, $0x38;
	[tilespmem:$0x1800] =	vst v63  }
0x8: {  	s10 =	simm.s32 $0x800;
	s21 =	sadd.s32 s8, s6;
	s22 =	sor.u32 $0x200, s6  }
0x9: {  	[tilespmem:s10], [sflag:$0x1] =	stream.strided.gather [hbm4b:s21+s19], $0x400, s20, s19, $0x38;
	[tilespmem:$0x1800] =	vst v63  }
0xa: {  	s23 =	simm.s32 $0x400;
	s7 =	sadd.s32 s7, s22  }
0xb: {  	[tilespmem:s23], [sflag:$0x2] =	stream.strided.gather [hbm4b:s7+s19], $0x400, s20, s19, $0x38;
	[tilespmem:$0x1800] =	vst v63  }
0xc: {  	s25 =	simm.s32 $0xC00;
	s26 =	simm.s32 $0x1;
	s24 =	sadd.s32 s8, s22  }
0xd: {  	[tilespmem:s25], [sflag:$0x2] =	stream.strided.gather [hbm4b:s24+s19], $0x400, s20, s19, $0x38;
	[tilespmem:$0x1800] =	vst v63  }
0xe: {  	_ =	swait.ge [sflag:s26], $0x400  }
0xf: {  	[sflag:s26] =	ssyncset.done $0x0  }
0x10: {  	[sflag:s26] =	ssyncadd.s32 $0xFFFFFC00  }
0x11: {  	_ =	swait.ge [sflag:s26], $0x400  }
0x12: {  	[sflag:s26] =	ssyncset.done $0x0  }
0x13: {  	[sflag:s26] =	ssyncadd.s32 $0xFFFFFC00  }
0x14: {  	v0 =	vld [tilespmem:$0x0]  }
0x15: {  	v1 =	vld [tilespmem:$0x10]  }
0x16: {  	v4 =	vld [tilespmem:$0x20]  }
0x17: {  	v6 =	vld [tilespmem:$0x30]  }
0x18: {  	v8 =	vld [tilespmem:$0x40]  }
0x19: {  	v10 =	vld [tilespmem:$0x50]  }
0x1a: {  	v47 =	vld [tilespmem:$0x60]  }
0x1b: {  	v11 =	vld [tilespmem:$0x70]  }
0x1c: {  	v13 =	vld [tilespmem:$0x80]  }
0x1d: {  	v54 =	vld [tilespmem:$0x90]  }
0x1e: {  	v58 =	vld [tilespmem:$0xA0];
	v3 =	vand.u32 $0xFFFF, v0  }
0x1f: {  	v16 =	vld [tilespmem:$0xB0];
	vm0 =	vlt.s32 v0, $0x0;
	v0 =	vand.u32 $0x40000000, v0;
	v5 =	vand.u32 $0xFFFF, v1  }
0x20: {  	v63 =	vld [tilespmem:$0xC0];
	vm9 =	vlt.s32 v1, $0x0;
	v39 =	vand.u32 $0xFFFF, v4;
	v1 =	vand.u32 $0x40000000, v1  }
0x21: {  	v17 =	vld [tilespmem:$0xD0];
	vm11 =	vlt.s32 v4, $0x0;
	v42 =	vand.u32 $0x40000000, v4;
	v43 =	vand.u32 $0xFFFF, v6  }
0x22: {  	v19 =	vld [tilespmem:$0xE0];
	vm15 =	vlt.s32 v6, $0x0;
	v45 =	vand.u32 $0x40000000, v6;
	v46 =	vand.u32 $0xFFFF, v8  }
0x23: {  	v20 =	vld [tilespmem:$0x100];
	vm7 =	vlt.s32 v8, $0x0;
	v49 =	vand.u32 $0xFFFF, v10;
	v8 =	vand.u32 $0x40000000, v8  }
0x24: {  	v12 =	vand.u32 $0xFFFF, v47;
	v6 =	vand.u32 $0x40000000, v47;
	v53 =	vand.u32 $0xFFFF, v11  }
0x25: {  	v56 =	vand.u32 $0xFFFF, v13;
	v57 =	vand.u32 $0x40000000, v11;
	v59 =	vand.u32 $0x40000000, v13  }
0x26: {  	v60 =	vand.u32 $0xFFFF, v54;
	v62 =	vand.u32 $0xFFFF, v58;
	v22 =	vand.u32 $0xFFFF, v16  }
0x27: {  	v24 =	vand.u32 $0x40000000, v16;
	v25 =	vand.u32 $0xFFFF, v63;
	v27 =	vand.u32 $0xFFFF, v17  }
0x28: {  	v30 =	vand.u32 $0xFFFF, v19;
	v34 =	vand.u32 $0xFFFF, v20;
	v38 =	vand.u32 $0x40000000, v20  }
0x29: {  	v2 =	vld [tilespmem:$0x800];
	vm1 =	vlt.u32 v3, $0xC450;
	vm8 =	veq.s32 v0, $0x0;
	vm2 =	vlt.u32 v5, $0xC450  }
0x2a: {  	v7 =	vld [tilespmem:$0x810];
	vm12 =	vlt.u32 v39, $0xC450;
	vm13 =	veq.s32 v1, $0x0;
	vm14 =	veq.s32 v42, $0x0  }
0x2b: {  	v40 =	vld [tilespmem:$0x820];
	vm3 =	vlt.u32 v43, $0xC450;
	vm6 =	veq.s32 v45, $0x0;
	vm0 =	vmand vm0, vm1  }
0x2c: {  	v9 =	vld [tilespmem:$0x830];
	vm10 =	vmand vm9, vm2;
	vm1 =	vmand vm11, vm12;
	vm5 =	vmand vm15, vm3  }
0x2d: {  	vm11 =	vlt.u32 v49, $0xC450;
	vm12 =	veq.s32 v8, $0x0;
	vm15 =	vlt.u32 v12, $0xC450  }
0x2e: {  	v3 =	vsel vm0, $0xC451, v3;
	v5 =	vsel vm10, $0xC451, v5;
	v41 =	vsel vm1, $0xC451, v39  }
0x2f: {  	v35 =	vld [tilespmem:$0x120];
	v44 =	vsel vm5, $0xC451, v43;
	vm10 =	vlt.s32 v10, $0x0;
	v10 =	vand.u32 $0x40000000, v10  }
0x30: {  	v0 =	vsel vm8, v3, v2;
	v2 =	vsel vm13, v5, v7;
	v1 =	vsel vm14, v41, v40  }
0x31: {  	vm8 =	vlt.u32 v46, $0xC450;
	v3 =	vsel vm6, v44, v9;
	vm1 =	vmand vm10, vm11  }
0x32: {  	vm13 =	veq.s32 v10, $0x0;
	vm14 =	vlt.s32 v47, $0x0;
	vm6 =	veq.s32 v6, $0x0  }
0x33: {  	v50 =	vld [tilespmem:$0x850];
	vm10 =	vlt.s32 v13, $0x0;
	vm11 =	vlt.u32 v56, $0xC450;
	v10 =	vand.u32 $0x40000000, v54  }
0x34: {  	v13 =	vand.u32 $0x40000000, v63;
	v41 =	vand.u32 $0xFFFF, v35;
	vm9 =	vmand vm7, vm8  }
0x35: {  	v7 =	vsel vm1, $0xC451, v49;
	vm5 =	vmand vm14, vm15;
	vm7 =	vlt.s32 v11, $0x0  }
0x36: {  	vm8 =	vlt.u32 v53, $0xC450;
	vm1 =	vmand vm10, vm11;
	vm14 =	vlt.s32 v54, $0x0  }
0x37: {  	v48 =	vld [tilespmem:$0x840];
	vm15 =	vlt.u32 v60, $0xC450;
	v11 =	vand.u32 $0x40000000, v58;
	vm10 =	vlt.s32 v16, $0x0  }
0x38: {  	v51 =	vld [tilespmem:$0x860];
	vm11 =	vlt.u32 v22, $0xC450;
	v5 =	vsel vm9, $0xC451, v46;
	v4 =	vsel vm13, v7, v50  }
0x39: {  	v14 =	vld [tilespmem:$0x880];
	v52 =	vsel vm5, $0xC451, v12;
	vm9 =	vmand vm7, vm8;
	v7 =	vsel vm1, $0xC451, v56  }
0x3a: {  	vm13 =	veq.s32 v59, $0x0;
	vm5 =	vmand vm14, vm15;
	vm7 =	vlt.s32 v58, $0x0  }
0x3b: {  	vm8 =	vlt.u32 v62, $0xC450;
	vm1 =	vmand vm10, vm11;
	vm14 =	vlt.s32 v63, $0x0  }
0x3c: {  	v55 =	vld [tilespmem:$0x870];
	vm15 =	vlt.u32 v25, $0xC450;
	vm10 =	vlt.s32 v19, $0x0;
	vm11 =	vlt.u32 v30, $0xC450  }
0x3d: {  	v28 =	vld [tilespmem:$0xF0];
	v19 =	vand.u32 $0x40000000, v19;
	v5 =	vsel vm12, v5, v48;
	v6 =	vsel vm6, v52, v51  }
0x3e: {  	v15 =	vld [tilespmem:$0x890];
	v9 =	vsel vm9, $0xC451, v53;
	vm12 =	veq.s32 v57, $0x0;
	v7 =	vsel vm13, v7, v14  }
0x3f: {  	v23 =	vld [tilespmem:$0x8B0];
	v61 =	vsel vm5, $0xC451, v60;
	vm6 =	veq.s32 v10, $0x0;
	vm9 =	vmand vm7, vm8  }
0x40: {  	v14 =	vsel vm1, $0xC451, v22;
	vm13 =	veq.s32 v24, $0x0;
	vm5 =	vmand vm14, vm15  }
0x41: {  	v21 =	vld [tilespmem:$0x8A0];
	vm7 =	vlt.s32 v17, $0x0;
	vm8 =	vlt.u32 v27, $0xC450;
	v17 =	vand.u32 $0x40000000, v17  }
0x42: {  	v39 =	vld [tilespmem:$0x130];
	vm1 =	vmand vm10, vm11;
	vm14 =	vlt.s32 v28, $0x0;
	v8 =	vsel vm12, v9, v55  }
0x43: {  	v18 =	vld [tilespmem:$0x8C0];
	v9 =	vsel vm6, v61, v15;
	v12 =	vsel vm9, $0xC451, v62;
	vm12 =	veq.s32 v11, $0x0  }
0x44: {  	v31 =	vld [tilespmem:$0x8E0];
	v10 =	vsel vm13, v14, v23;
	v26 =	vsel vm5, $0xC451, v25;
	vm6 =	veq.s32 v13, $0x0  }
0x45: {  	vm9 =	vmand vm7, vm8;
	v16 =	vsel vm1, $0xC451, v30;
	vm13 =	veq.s32 v19, $0x0  }
0x46: {  	v44 =	vld [tilespmem:$0x150];
	v15 =	vand.u32 $0x40000000, v28;
	vm7 =	vlt.s32 v20, $0x0;
	vm8 =	vlt.u32 v34, $0xC450  }
0x47: {  	v29 =	vld [tilespmem:$0x8D0];
	v19 =	vand.u32 $0x40000000, v35;
	v43 =	vand.u32 $0xFFFF, v39;
	v20 =	vand.u32 $0x40000000, v39  }
0x48: {  	v36 =	vld [tilespmem:$0x900];
	v11 =	vsel vm12, v12, v21;
	v12 =	vsel vm6, v26, v18;
	v14 =	vsel vm9, $0xC451, v27  }
0x49: {  	v63 =	vld [tilespmem:$0x1C0];
	vm12 =	veq.s32 v17, $0x0;
	v21 =	vand.u32 $0xFFFF, v28;
	v13 =	vsel vm13, v16, v31  }
0x4a: {  	v22 =	vld [tilespmem:$0x110];
	vm6 =	veq.s32 v15, $0x0;
	vm9 =	vmand vm7, vm8;
	vm7 =	vlt.s32 v39, $0x0  }
0x4b: {  	vm8 =	vlt.u32 v43, $0xC450;
	v49 =	vand.u32 $0xFFFF, v44;
	vm15 =	vlt.u32 v21, $0xC450  }
0x4c: {  	v32 =	vld [tilespmem:$0x8F0];
	v14 =	vsel vm12, v14, v29;
	v18 =	vsel vm9, $0xC451, v34;
	vm12 =	veq.s32 v38, $0x0  }
0x4d: {  	v52 =	vld [tilespmem:$0x180];
	vm9 =	vmand vm7, vm8;
	vm5 =	vmand vm14, vm15;
	vm14 =	vlt.s32 v35, $0x0  }
0x4e: {  	vm15 =	vlt.u32 v41, $0xC450;
	v17 =	vsel vm12, v18, v36;
	vm12 =	veq.s32 v20, $0x0  }
0x4f: {  	v25 =	vld [tilespmem:$0x140];
	v39 =	vand.u32 $0xFFFF, v63;
	v33 =	vsel vm5, $0xC451, v21;
	v37 =	vand.u32 $0xFFFF, v22  }
0x50: {  	v45 =	vld [tilespmem:$0x930];
	vm10 =	vlt.s32 v22, $0x0;
	v40 =	vand.u32 $0x40000000, v22;
	vm5 =	vmand vm14, vm15  }
0x51: {  	v24 =	vld [tilespmem:$0x920];
	v21 =	vsel vm9, $0xC451, v43;
	vm14 =	vlt.s32 v44, $0x0;
	vm15 =	vlt.u32 v49, $0xC450  }
0x52: {  	v22 =	vand.u32 $0x40000000, v44;
	v30 =	vand.u32 $0xFFFF, v52;
	v15 =	vsel vm6, v33, v32  }
0x53: {  	v26 =	vld [tilespmem:$0x160];
	vm11 =	vlt.u32 v37, $0xC450;
	vm13 =	veq.s32 v40, $0x0;
	v42 =	vsel vm5, $0xC451, v41  }
0x54: {  	v28 =	vld [tilespmem:$0x170];
	vm6 =	veq.s32 v19, $0x0;
	v46 =	vand.u32 $0xFFFF, v25;
	v48 =	vand.u32 $0x40000000, v25  }
0x55: {  	v31 =	vld [tilespmem:$0x1A0];
	v20 =	vsel vm12, v21, v45;
	vm5 =	vmand vm14, vm15;
	vm14 =	vlt.s32 v52, $0x0  }
0x56: {  	v59 =	vld [tilespmem:$0x1B0];
	vm15 =	vlt.u32 v30, $0xC450;
	vm1 =	vmand vm10, vm11;
	v18 =	vsel vm6, v42, v24  }
0x57: {  	v27 =	vld [tilespmem:$0x950];
	vm10 =	vlt.s32 v25, $0x0;
	vm11 =	vlt.u32 v46, $0xC450;
	v50 =	vsel vm5, $0xC451, v49  }
0x58: {  	v51 =	vand.u32 $0xFFFF, v26;
	vm6 =	veq.s32 v22, $0x0;
	vm7 =	vlt.s32 v26, $0x0  }
0x59: {  	v29 =	vld [tilespmem:$0x190];
	v54 =	vand.u32 $0xFFFF, v28;
	v26 =	vand.u32 $0x40000000, v26;
	vm5 =	vmand vm14, vm15  }
0x5a: {  	v34 =	vld [tilespmem:$0x1D0];
	v24 =	vand.u32 $0x40000000, v52;
	v61 =	vand.u32 $0xFFFF, v31;
	v36 =	vand.u32 $0x40000000, v31  }
0x5b: {  	v23 =	vld [tilespmem:$0x910];
	vm14 =	vlt.s32 v59, $0x0;
	v16 =	vsel vm1, $0xC451, v37;
	vm1 =	vmand vm10, vm11  }
0x5c: {  	vm8 =	vlt.u32 v51, $0xC450;
	v21 =	vsel vm6, v50, v27;
	vm10 =	vlt.s32 v28, $0x0  }
0x5d: {  	v56 =	vld [tilespmem:$0x980];
	vm11 =	vlt.u32 v54, $0xC450;
	vm12 =	veq.s32 v26, $0x0;
	v28 =	vand.u32 $0x40000000, v28  }
0x5e: {  	v57 =	vsel vm5, $0xC451, v30;
	v58 =	vand.u32 $0xFFFF, v29;
	vm6 =	veq.s32 v24, $0x0  }
0x5f: {  	v47 =	vld [tilespmem:$0x940];
	v62 =	vand.u32 $0x40000000, v29;
	v37 =	vand.u32 $0xFFFF, v59;
	v42 =	vand.u32 $0xFFFF, v34  }
0x60: {  	v44 =	vand.u32 $0x40000000, v34;
	v16 =	vsel vm13, v16, v23;
	v23 =	vsel vm1, $0xC451, v46  }
0x61: {  	vm13 =	veq.s32 v48, $0x0;
	vm9 =	vmand vm7, vm8;
	vm1 =	vmand vm10, vm11  }
0x62: {  	v53 =	vld [tilespmem:$0x960];
	vm7 =	vlt.s32 v29, $0x0;
	vm8 =	vlt.u32 v58, $0xC450;
	v24 =	vsel vm6, v57, v56  }
0x63: {  	v35 =	vld [tilespmem:$0x1F0];
	vm10 =	vlt.s32 v31, $0x0;
	vm11 =	vlt.u32 v61, $0xC450;
	vm15 =	vlt.u32 v37, $0xC450  }
0x64: {  	v55 =	vld [tilespmem:$0x970];
	v29 =	vand.u32 $0x40000000, v63;
	v19 =	vsel vm13, v23, v47;
	v23 =	vsel vm9, $0xC451, v51  }
0x65: {  	v25 =	vsel vm1, $0xC451, v54;
	vm13 =	veq.s32 v28, $0x0;
	vm9 =	vmand vm7, vm8  }
0x66: {  	v60 =	vld [tilespmem:$0x990];
	vm1 =	vmand vm10, vm11;
	vm5 =	vmand vm14, vm15;
	v28 =	vand.u32 $0x40000000, v59  }
0x67: {  	v40 =	vld [tilespmem:$0x1E0];
	vm7 =	vlt.s32 v63, $0x0;
	vm8 =	vlt.u32 v39, $0xC450;
	vm10 =	vlt.s32 v34, $0x0  }
0x68: {  	v32 =	vld [tilespmem:$0x9A0];
	vm11 =	vlt.u32 v42, $0xC450;
	v47 =	vand.u32 $0xFFFF, v35;
	v23 =	vsel vm12, v23, v53  }
0x69: {  	v33 =	vld [tilespmem:$0x9B0];
	v22 =	vsel vm13, v25, v55;
	v27 =	vsel vm9, $0xC451, v58;
	vm12 =	veq.s32 v62, $0x0  }
0x6a: {  	v43 =	vld [tilespmem:$0x9D0];
	v25 =	vsel vm1, $0xC451, v61;
	vm13 =	veq.s32 v36, $0x0;
	v38 =	vsel vm5, $0xC451, v37  }
0x6b: {  	v41 =	vld [tilespmem:$0x9C0];
	vm6 =	veq.s32 v28, $0x0;
	vm9 =	vmand vm7, vm8;
	vm1 =	vmand vm10, vm11  }
0x6c: {  	v49 =	vld [tilespmem:$0x9F0];
	v45 =	vand.u32 $0xFFFF, v40;
	vm14 =	vlt.s32 v40, $0x0;
	v31 =	vand.u32 $0x40000000, v40  }
0x6d: {  	v48 =	vld [tilespmem:$0x210];
	vm7 =	vlt.s32 v35, $0x0;
	vm8 =	vlt.u32 v47, $0xC450;
	v35 =	vand.u32 $0x40000000, v35  }
0x6e: {  	v59 =	vld [tilespmem:$0x250];
	v26 =	vsel vm12, v27, v60;
	v25 =	vsel vm13, v25, v32;
	v27 =	vsel vm6, v38, v33  }
0x6f: {  	v36 =	vld [tilespmem:$0x9E0];
	v30 =	vsel vm9, $0xC451, v39;
	vm12 =	veq.s32 v29, $0x0;
	v32 =	vsel vm1, $0xC451, v42  }
0x70: {  	v37 =	vld [tilespmem:$0x200];
	vm13 =	veq.s32 v44, $0x0;
	vm15 =	vlt.u32 v45, $0xC450;
	vm6 =	veq.s32 v31, $0x0  }
0x71: {  	vm9 =	vmand vm7, vm8;
	v29 =	vsel vm12, v30, v41;
	v28 =	vsel vm13, v32, v43  }
0x72: {  	v40 =	vld [tilespmem:$0x230];
	vm5 =	vmand vm14, vm15;
	v32 =	vsel vm9, $0xC451, v47;
	vm12 =	veq.s32 v35, $0x0  }
0x73: {  	v55 =	vld [tilespmem:$0x240];
	v46 =	vsel vm5, $0xC451, v45;
	v39 =	vand.u32 $0xFFFF, v48;
	vm14 =	vlt.s32 v48, $0x0  }
0x74: {  	v38 =	vld [tilespmem:$0x220];
	v32 =	vsel vm12, v32, v49;
	v33 =	vand.u32 $0x40000000, v48;
	vm15 =	vlt.u32 v39, $0xC450  }
0x75: {  	v63 =	vand.u32 $0xFFFF, v59;
	v30 =	vsel vm6, v46, v36;
	v50 =	vand.u32 $0xFFFF, v37  }
0x76: {  	v44 =	vld [tilespmem:$0x280];
	vm10 =	vlt.s32 v37, $0x0;
	v37 =	vand.u32 $0x40000000, v37;
	vm5 =	vmand vm14, vm15  }
0x77: {  	[tilespmem:$0x1160] =	vst v23;
	v23 =	vld [tilespmem:$0x350];
	vm6 =	veq.s32 v33, $0x0;
	v57 =	vand.u32 $0xFFFF, v40;
	v60 =	vand.u32 $0x40000000, v40  }
0x78: {  	v52 =	vld [tilespmem:$0xA10];
	v61 =	vand.u32 $0xFFFF, v55;
	vm14 =	vlt.s32 v55, $0x0;
	vm11 =	vlt.u32 v50, $0xC450  }
0x79: {  	v43 =	vld [tilespmem:$0x260];
	vm13 =	veq.s32 v37, $0x0;
	v53 =	vsel vm5, $0xC451, v39;
	v54 =	vand.u32 $0xFFFF, v38  }
0x7a: {  	v47 =	vld [tilespmem:$0x300];
	vm7 =	vlt.s32 v38, $0x0;
	v58 =	vand.u32 $0x40000000, v38;
	vm15 =	vlt.u32 v61, $0xC450  }
0x7b: {  	[tilespmem:$0x1120] =	vst v18;
	v37 =	vand.u32 $0x40000000, v55;
	v38 =	vand.u32 $0x40000000, v59;
	v55 =	vand.u32 $0xFFFF, v44  }
0x7c: {  	[tilespmem:$0x11C0] =	vst v29;
	v29 =	vand.u32 $0xFFFF, v23;
	v18 =	vand.u32 $0x40000000, v23;
	vm1 =	vmand vm10, vm11  }
0x7d: {  	v48 =	vld [tilespmem:$0x270];
	vm8 =	vlt.u32 v54, $0xC450;
	v33 =	vsel vm6, v53, v52;
	vm10 =	vlt.s32 v40, $0x0  }
0x7e: {  	[tilespmem:$0x1130] =	vst v20;
	v20 =	vld [tilespmem:$0x3D0];
	vm11 =	vlt.u32 v57, $0xC450;
	vm12 =	veq.s32 v58, $0x0;
	vm5 =	vmand vm14, vm15  }
0x7f: {  	[tilespmem:$0x1090] =	vst v9;
	v51 =	vld [tilespmem:$0xA00];
	vm6 =	veq.s32 v37, $0x0;
	v52 =	vand.u32 $0x40000000, v43;
	v9 =	vand.u32 $0x40000000, v47  }
0x80: {  	v34 =	vsel vm1, $0xC451, v50;
	vm9 =	vmand vm7, vm8;
	vm1 =	vmand vm10, vm11  }
0x81: {  	v56 =	vld [tilespmem:$0xA20];
	v62 =	vsel vm5, $0xC451, v61;
	vm7 =	vlt.s32 v59, $0x0;
	vm8 =	vlt.u32 v63, $0xC450  }
0x82: {  	v41 =	vld [tilespmem:$0xA30];
	v50 =	vand.u32 $0xFFFF, v43;
	vm10 =	vlt.s32 v43, $0x0;
	v53 =	vand.u32 $0xFFFF, v48  }
0x83: {  	v42 =	vld [tilespmem:$0xA40];
	vm14 =	vlt.s32 v48, $0x0;
	v40 =	vand.u32 $0x40000000, v48;
	[tilespmem:$0x1210] =	vst v33;
	v33 =	vand.u32 $0x40000000, v20  }
0x84: {  	[tilespmem:$0x11B0] =	vst v27;
	v27 =	vld [tilespmem:$0x360];
	v31 =	vsel vm13, v34, v51;
	v36 =	vsel vm9, $0xC451, v54;
	v34 =	vsel vm1, $0xC451, v57  }
0x85: {  	v46 =	vld [tilespmem:$0x290];
	vm13 =	veq.s32 v60, $0x0;
	vm9 =	vmand vm7, vm8;
	vm11 =	vlt.u32 v50, $0xC450  }
0x86: {  	v49 =	vld [tilespmem:$0xA50];
	vm15 =	vlt.u32 v53, $0xC450;
	vm7 =	vlt.s32 v44, $0x0;
	vm8 =	vlt.u32 v55, $0xC450  }
0x87: {  	v45 =	vld [tilespmem:$0xA70];
	v60 =	vand.u32 $0x40000000, v44;
	v35 =	vsel vm12, v36, v56;
	v34 =	vsel vm13, v34, v41  }
0x88: {  	v61 =	vld [tilespmem:$0x2B0];
	v36 =	vsel vm6, v62, v42;
	v39 =	vsel vm9, $0xC451, v63;
	vm12 =	veq.s32 v38, $0x0  }
0x89: {  	v51 =	vld [tilespmem:$0xA60];
	vm1 =	vmand vm10, vm11;
	vm13 =	veq.s32 v52, $0x0;
	vm5 =	vmand vm14, vm15  }
0x8a: {  	v57 =	vld [tilespmem:$0xA80];
	vm6 =	veq.s32 v40, $0x0;
	vm9 =	vmand vm7, vm8;
	v58 =	vand.u32 $0xFFFF, v46  }
0x8b: {  	v44 =	vld [tilespmem:$0x2F0];
	vm10 =	vlt.s32 v46, $0x0;
	v41 =	vsel vm1, $0xC451, v50;
	v38 =	vsel vm12, v39, v49  }
0x8c: {  	v56 =	vld [tilespmem:$0x2A0];
	v54 =	vsel vm5, $0xC451, v53;
	vm11 =	vlt.u32 v58, $0xC450;
	v62 =	vsel vm9, $0xC451, v55  }
0x8d: {  	v59 =	vld [tilespmem:$0xA90];
	vm12 =	veq.s32 v60, $0x0;
	v49 =	vand.u32 $0x40000000, v46;
	vm1 =	vmand vm10, vm11  }
0x8e: {  	v39 =	vsel vm6, v54, v45;
	v48 =	vsel vm1, $0xC451, v58;
	v54 =	vand.u32 $0xFFFF, v61  }
0x8f: {  	v55 =	vld [tilespmem:$0x2D0];
	vm7 =	vlt.s32 v61, $0x0;
	v37 =	vsel vm13, v41, v51;
	vm13 =	veq.s32 v49, $0x0  }
0x90: {  	[tilespmem:$0x1020] =	vst v1;
	v60 =	vld [tilespmem:$0x2E0];
	v1 =	vsel vm12, v62, v57;
	vm8 =	vlt.u32 v54, $0xC450;
	v49 =	vand.u32 $0xFFFF, v44  }
0x91: {  	v41 =	vand.u32 $0xFFFF, v27;
	v50 =	vand.u32 $0xFFFF, v56;
	vm14 =	vlt.s32 v56, $0x0  }
0x92: {  	[tilespmem:$0x1000] =	vst v0;
	v63 =	vld [tilespmem:$0xAA0];
	v0 =	vsel vm13, v48, v59;
	v53 =	vand.u32 $0x40000000, v56;
	vm9 =	vmand vm7, vm8  }
0x93: {  	[tilespmem:$0x1050] =	vst v4;
	v51 =	vld [tilespmem:$0x2C0];
	v59 =	vand.u32 $0x40000000, v61;
	vm15 =	vlt.u32 v50, $0xC450;
	vm6 =	veq.s32 v53, $0x0  }
0x94: {  	[tilespmem:$0x1040] =	vst v5;
	v4 =	vsel vm9, $0xC451, v54;
	vm12 =	veq.s32 v59, $0x0;
	v5 =	vand.u32 $0x40000000, v55  }
0x95: {  	v46 =	vand.u32 $0xFFFF, v60;
	vm7 =	vlt.s32 v60, $0x0;
	vm5 =	vmand vm14, vm15  }
0x96: {  	[tilespmem:$0x1010] =	vst v2;
	v56 =	vld [tilespmem:$0xAB0];
	v54 =	vand.u32 $0x40000000, v44;
	vm8 =	vlt.u32 v46, $0xC450;
	v52 =	vsel vm5, $0xC451, v50  }
0x97: {  	[tilespmem:$0x11F0] =	vst v32;
	v32 =	vld [tilespmem:$0x370];
	vm14 =	vlt.s32 v55, $0x0;
	vm9 =	vmand vm7, vm8;
	v2 =	vsel vm6, v52, v63  }
0x98: {  	[tilespmem:$0x1030] =	vst v3;
	v48 =	vld [tilespmem:$0xAE0];
	v57 =	vand.u32 $0xFFFF, v51;
	vm10 =	vlt.s32 v51, $0x0;
	v62 =	vand.u32 $0x40000000, v51  }
0x99: {  	[tilespmem:$0x1060] =	vst v6;
	v59 =	vld [tilespmem:$0x330];
	v63 =	vand.u32 $0xFFFF, v55;
	vm6 =	veq.s32 v5, $0x0;
	v51 =	vand.u32 $0x40000000, v60  }
0x9a: {  	[tilespmem:$0x1070] =	vst v8;
	v42 =	vld [tilespmem:$0x380];
	v8 =	vsel vm9, $0xC451, v46;
	v55 =	vand.u32 $0xFFFF, v47;
	vm11 =	vlt.u32 v57, $0xC450  }
0x9b: {  	[tilespmem:$0x1080] =	vst v7;
	vm13 =	veq.s32 v62, $0x0;
	vm15 =	vlt.u32 v63, $0xC450;
	v4 =	vsel vm12, v4, v56  }
0x9c: {  	[tilespmem:$0x10B0] =	vst v10;
	v58 =	vld [tilespmem:$0xAC0];
	vm12 =	veq.s32 v51, $0x0;
	vm1 =	vmand vm10, vm11;
	vm5 =	vmand vm14, vm15  }
0x9d: {  	[tilespmem:$0x10A0] =	vst v11;
	v61 =	vld [tilespmem:$0xAD0];
	vm10 =	vlt.s32 v44, $0x0;
	vm11 =	vlt.u32 v49, $0xC450;
	vm14 =	vlt.s32 v47, $0x0  }
0x9e: {  	[tilespmem:$0x1170] =	vst v22;
	vm15 =	vlt.u32 v55, $0xC450;
	v8 =	vsel vm12, v8, v48;
	v22 =	vand.u32 $0xFFFF, v59  }
0x9f: {  	[tilespmem:$0x10E0] =	vst v13;
	v53 =	vld [tilespmem:$0xB00];
	v13 =	vand.u32 $0x40000000, v59;
	v44 =	vand.u32 $0xFFFF, v32;
	v47 =	vand.u32 $0xFFFF, v42  }
0xa0: {  	[tilespmem:$0x10C0] =	vst v12;
	v50 =	vld [tilespmem:$0xAF0];
	v6 =	vsel vm1, $0xC451, v57;
	v45 =	vsel vm5, $0xC451, v63;
	vm1 =	vmand vm10, vm11  }
0xa1: {  	[tilespmem:$0x10D0] =	vst v14;
	v52 =	vld [tilespmem:$0x310];
	vm5 =	vmand vm14, vm15;
	vm14 =	vlt.s32 v59, $0x0;
	vm15 =	vlt.u32 v22, $0xC450  }
0xa2: {  	[tilespmem:$0x1100] =	vst v17;
	v3 =	vsel vm13, v6, v58;
	v5 =	vsel vm6, v45, v61;
	v6 =	vsel vm1, $0xC451, v49  }
0xa3: {  	[tilespmem:$0x10F0] =	vst v15;
	v56 =	vld [tilespmem:$0x320];
	vm13 =	veq.s32 v54, $0x0;
	v57 =	vsel vm5, $0xC451, v55;
	vm6 =	veq.s32 v9, $0x0  }
0xa4: {  	[tilespmem:$0x1150] =	vst v21;
	vm5 =	vmand vm14, vm15;
	vm14 =	vlt.s32 v27, $0x0;
	vm15 =	vlt.u32 v41, $0xC450  }
0xa5: {  	[tilespmem:$0x1110] =	vst v16;
	v49 =	vand.u32 $0x40000000, v32;
	v54 =	vand.u32 $0x40000000, v42;
	v6 =	vsel vm13, v6, v50  }
0xa6: {  	[tilespmem:$0x1180] =	vst v24;
	v58 =	vand.u32 $0xFFFF, v52;
	vm7 =	vlt.s32 v52, $0x0;
	v7 =	vsel vm6, v57, v53  }
0xa7: {  	[tilespmem:$0x11A0] =	vst v25;
	v63 =	vld [tilespmem:$0x340];
	v12 =	vand.u32 $0x40000000, v52;
	v25 =	vsel vm5, $0xC451, v22;
	vm6 =	veq.s32 v13, $0x0  }
0xa8: {  	[tilespmem:$0x1140] =	vst v19;
	vm5 =	vmand vm14, vm15;
	vm8 =	vlt.u32 v58, $0xC450;
	v61 =	vand.u32 $0xFFFF, v56  }
0xa9: {  	[tilespmem:$0x1190] =	vst v26;
	v60 =	vld [tilespmem:$0xB10];
	vm10 =	vlt.s32 v56, $0x0;
	vm12 =	veq.s32 v12, $0x0;
	v15 =	vand.u32 $0x40000000, v56  }
0xaa: {  	v21 =	vld [tilespmem:$0xB30];
	[tilespmem:$0x11D0] =	vst v28;
	v43 =	vsel vm5, $0xC451, v41;
	vm9 =	vmand vm7, vm8;
	vm11 =	vlt.u32 v61, $0xC450  }
0xab: {  	[tilespmem:$0x11E0] =	vst v30;
	v45 =	vld [tilespmem:$0x390];
	vm13 =	veq.s32 v15, $0x0;
	v15 =	vand.u32 $0x40000000, v27;
	v10 =	vsel vm9, $0xC451, v58  }
0xac: {  	[tilespmem:$0x1200] =	vst v31;
	v62 =	vld [tilespmem:$0xB20];
	vm1 =	vmand vm10, vm11;
	v26 =	vand.u32 $0xFFFF, v63;
	vm7 =	vlt.s32 v63, $0x0  }
0xad: {  	[tilespmem:$0x1220] =	vst v35;
	v16 =	vand.u32 $0x40000000, v63;
	vm10 =	vlt.s32 v23, $0x0;
	vm11 =	vlt.u32 v29, $0xC450  }
0xae: {  	[tilespmem:$0x1230] =	vst v34;
	v11 =	vsel vm1, $0xC451, v61;
	v9 =	vsel vm12, v10, v60;
	vm8 =	vlt.u32 v26, $0xC450  }
0xaf: {  	[tilespmem:$0x1240] =	vst v36;
	v50 =	vld [tilespmem:$0x3A0];
	vm12 =	veq.s32 v16, $0x0;
	vm1 =	vmand vm10, vm11;
	vm10 =	vlt.s32 v42, $0x0  }
0xb0: {  	[tilespmem:$0x1250] =	vst v38;
	vm11 =	vlt.u32 v47, $0xC450;
	v55 =	vand.u32 $0xFFFF, v45;
	vm14 =	vlt.s32 v45, $0x0  }
0xb1: {  	v30 =	vld [tilespmem:$0xB50];
	[tilespmem:$0x1270] =	vst v39;
	v58 =	vand.u32 $0x40000000, v45;
	v24 =	vsel vm13, v11, v62;
	v11 =	vsel vm6, v25, v21  }
0xb2: {  	v28 =	vld [tilespmem:$0xB40];
	[tilespmem:$0x1260] =	vst v37;
	vm9 =	vmand vm7, vm8;
	v12 =	vsel vm1, $0xC451, v29;
	vm13 =	veq.s32 v18, $0x0  }
0xb3: {  	[tilespmem:$0x1280] =	vst v1;
	v56 =	vld [tilespmem:$0x3B0];
	vm6 =	veq.s32 v15, $0x0;
	vm7 =	vlt.s32 v32, $0x0;
	vm8 =	vlt.u32 v44, $0xC450  }
0xb4: {  	v40 =	vld [tilespmem:$0xB60];
	[tilespmem:$0x1290] =	vst v0;
	vm1 =	vmand vm10, vm11;
	vm15 =	vlt.u32 v55, $0xC450;
	v59 =	vand.u32 $0xFFFF, v50  }
0xb5: {  	[tilespmem:$0x12A0] =	vst v2;
	v48 =	vld [tilespmem:$0xB80];
	v19 =	vand.u32 $0x40000000, v50;
	v29 =	vand.u32 $0xFFFF, v20;
	v14 =	vsel vm9, $0xC451, v26  }
0xb6: {  	[tilespmem:$0x12B0] =	vst v4;
	v12 =	vsel vm13, v12, v30;
	vm9 =	vmand vm7, vm8;
	v53 =	vsel vm1, $0xC451, v47  }
0xb7: {  	v46 =	vld [tilespmem:$0xB70];
	[tilespmem:$0x12E0] =	vst v8;
	vm13 =	veq.s32 v54, $0x0;
	vm5 =	vmand vm14, vm15;
	vm7 =	vlt.s32 v50, $0x0  }
0xb8: {  	v52 =	vld [tilespmem:$0xB90];
	[tilespmem:$0x12C0] =	vst v3;
	vm8 =	vlt.u32 v59, $0xC450;
	v62 =	vand.u32 $0xFFFF, v56;
	vm10 =	vlt.s32 v56, $0x0  }
0xb9: {  	[tilespmem:$0x12D0] =	vst v5;
	v23 =	vand.u32 $0x40000000, v56;
	v13 =	vsel vm12, v14, v28;
	v14 =	vsel vm6, v43, v40  }
0xba: {  	[tilespmem:$0x12F0] =	vst v6;
	v60 =	vld [tilespmem:$0x3C0];
	v51 =	vsel vm9, $0xC451, v44;
	vm12 =	veq.s32 v49, $0x0;
	v2 =	vsel vm13, v53, v48  }
0xbb: {  	[tilespmem:$0x1300] =	vst v7;
	v61 =	vld [tilespmem:$0xBA0];
	v57 =	vsel vm5, $0xC451, v55;
	vm6 =	veq.s32 v58, $0x0;
	vm9 =	vmand vm7, vm8  }
0xbc: {  	v63 =	vld [tilespmem:$0xBB0];
	[tilespmem:$0x1310] =	vst v9;
	vm11 =	vlt.u32 v62, $0xC450;
	vm13 =	veq.s32 v23, $0x0;
	vm7 =	vlt.u32 v29, $0xC450  }
0xbd: {  	v25 =	vld [tilespmem:$0x3E0];
	[tilespmem:$0x1320] =	vst v24;
	v0 =	vsel vm12, v51, v46;
	v1 =	vsel vm6, v57, v52;
	v5 =	vsel vm9, $0xC451, v59  }
0xbe: {  	[tilespmem:$0x1330] =	vst v11;
	v26 =	vld [tilespmem:$0xBD0];
	vm12 =	veq.s32 v19, $0x0;
	vm1 =	vmand vm10, vm11;
	vm6 =	vlt.s32 v20, $0x0  }
0xbf: {  	v30 =	vld [tilespmem:$0x3F0];
	[tilespmem:$0x1350] =	vst v12;
	vm11 =	veq.s32 v33, $0x0;
	v3 =	vsel vm1, $0xC451, v62;
	v24 =	vand.u32 $0xFFFF, v60  }
0xc0: {  	[tilespmem:$0x1340] =	vst v13;
	vm14 =	vlt.s32 v60, $0x0;
	v4 =	vsel vm12, v5, v61;
	v28 =	vand.u32 $0x40000000, v60  }
0xc1: {  	[tilespmem:$0x1360] =	vst v14;
	vm8 =	vmand vm6, vm7;
	vm15 =	vlt.u32 v24, $0xC450;
	v3 =	vsel vm13, v3, v63  }
0xc2: {  	v22 =	vld [tilespmem:$0xBC0];
	[tilespmem:$0x1380] =	vst v2;
	vm5 =	veq.s32 v28, $0x0;
	v32 =	vand.u32 $0xFFFF, v25;
	vm9 =	vlt.s32 v25, $0x0  }
0xc3: {  	v34 =	vld [tilespmem:$0xBE0];
	[tilespmem:$0x1370] =	vst v0;
	v35 =	vsel vm8, $0xC451, v29;
	v39 =	vand.u32 $0x40000000, v25;
	vm4 =	vmand vm14, vm15  }
0xc4: {  	v36 =	vld [tilespmem:$0xBF0];
	[tilespmem:$0x1390] =	vst v1;
	vm10 =	vlt.u32 v32, $0xC450;
	v1 =	vsel vm11, v35, v26;
	v38 =	vand.u32 $0xFFFF, v30  }
0xc5: {  	[tilespmem:$0x13A0] =	vst v4;
	vm12 =	vlt.s32 v30, $0x0;
	vm14 =	veq.s32 v39, $0x0;
	v40 =	vand.u32 $0x40000000, v30  }
0xc6: {  	[tilespmem:$0x13B0] =	vst v3;
	v27 =	vsel vm4, $0xC451, v24;
	vm1 =	vmand vm9, vm10;
	vm13 =	vlt.u32 v38, $0xC450  }
0xc7: {  	[tilespmem:$0x13D0] =	vst v1;
	v31 =	vsel vm5, v27, v22;
	v37 =	vsel vm1, $0xC451, v32;
	vm0 =	vmand vm12, vm13  }
0xc8: {  	vm15 =	veq.s32 v40, $0x0;
	[tilespmem:$0x13C0] =	vst v31;
	v41 =	vsel vm14, v37, v34;
	v42 =	vsel vm0, $0xC451, v38  }
0xc9: {  	[tilespmem:$0x13E0] =	vst v41;
	v0 =	vsel vm15, v42, v36  }
0xca: {  	s28 =	simm.s32 $0x1000;
	s29 =	simm.s32 $0x2;
	s6 =	sadd.s32 s2, s6;
	[tilespmem:$0x13F0] =	vst v0  }
0xcb: {  	[hbm4b:s6+s19] =	stream.strided.scatter [tilespmem:s28], [sflag:$0x3], $0x400, s20, s19, $0x38;
	[tilespmem:$0x1800] =	vst v63  }
0xcc: {  	_ =	swait.ge [sflag:s29], $0x400  }
0xcd: {  	[sflag:s29] =	ssyncset.done $0x0  }
0xce: {  	[sflag:s29] =	ssyncadd.s32 $0xFFFFFC00  }
0xcf: {  	_ =	swait.ge [sflag:s29], $0x400  }
0xd0: {  	[sflag:s29] =	ssyncset.done $0x0  }
0xd1: {  	[sflag:s29] =	ssyncadd.s32 $0xFFFFFC00  }
0xd2: {  	v43 =	vld [tilespmem:$0x400]  }
0xd3: {  	v44 =	vld [tilespmem:$0x410]  }
0xd4: {  	v47 =	vld [tilespmem:$0x420]  }
0xd5: {  	v49 =	vld [tilespmem:$0x430]  }
0xd6: {  	v53 =	vld [tilespmem:$0x440]  }
0xd7: {  	v58 =	vld [tilespmem:$0x450]  }
0xd8: {  	v62 =	vld [tilespmem:$0x460]  }
0xd9: {  	v18 =	vld [tilespmem:$0x470]  }
0xda: {  	v21 =	vld [tilespmem:$0x480];
	v46 =	vand.u32 $0xFFFF, v43  }
0xdb: {  	v24 =	vld [tilespmem:$0x490];
	vm4 =	vlt.s32 v43, $0x0;
	v0 =	vand.u32 $0x40000000, v43;
	v48 =	vand.u32 $0xFFFF, v44  }
0xdc: {  	v29 =	vld [tilespmem:$0x4A0];
	vm7 =	vlt.s32 v44, $0x0;
	v51 =	vand.u32 $0xFFFF, v47;
	v1 =	vand.u32 $0x40000000, v44  }
0xdd: {  	v33 =	vld [tilespmem:$0x4B0];
	vm10 =	vlt.s32 v47, $0x0;
	v56 =	vand.u32 $0x40000000, v47;
	v57 =	vand.u32 $0xFFFF, v49  }
0xde: {  	v36 =	vld [tilespmem:$0x4C0];
	vm14 =	vlt.s32 v49, $0x0;
	v60 =	vand.u32 $0x40000000, v49;
	v61 =	vand.u32 $0xFFFF, v53  }
0xdf: {  	v16 =	vand.u32 $0xFFFF, v58;
	v8 =	vand.u32 $0x40000000, v53;
	v10 =	vand.u32 $0x40000000, v58  }
0xe0: {  	v20 =	vand.u32 $0xFFFF, v62;
	v6 =	vand.u32 $0x40000000, v62;
	v23 =	vand.u32 $0xFFFF, v18  }
0xe1: {  	v26 =	vand.u32 $0xFFFF, v21;
	v28 =	vand.u32 $0x40000000, v18;
	v31 =	vand.u32 $0x40000000, v21  }
0xe2: {  	v32 =	vand.u32 $0xFFFF, v24;
	v35 =	vand.u32 $0xFFFF, v29;
	v38 =	vand.u32 $0xFFFF, v33  }
0xe3: {  	v11 =	vand.u32 $0x40000000, v29;
	v42 =	vand.u32 $0x40000000, v33;
	v43 =	vand.u32 $0xFFFF, v36  }
0xe4: {  	v13 =	vand.u32 $0x40000000, v36;
	vm5 =	vlt.u32 v46, $0xC450;
	vm6 =	veq.s32 v0, $0x0  }
0xe5: {  	vm8 =	vlt.u32 v48, $0xC450;
	vm11 =	vlt.u32 v51, $0xC450;
	vm12 =	veq.s32 v1, $0x0  }
0xe6: {  	vm13 =	veq.s32 v56, $0x0;
	vm15 =	vlt.u32 v57, $0xC450;
	vm0 =	vmand vm4, vm5  }
0xe7: {  	v45 =	vld [tilespmem:$0xC00];
	vm9 =	vmand vm7, vm8;
	vm1 =	vmand vm10, vm11;
	vm5 =	vmand vm14, vm15  }
0xe8: {  	v50 =	vld [tilespmem:$0xC10];
	vm7 =	vlt.s32 v53, $0x0;
	vm8 =	vlt.u32 v61, $0xC450;
	vm10 =	vlt.s32 v58, $0x0  }
0xe9: {  	v40 =	vld [tilespmem:$0x4D0];
	vm11 =	vlt.u32 v16, $0xC450;
	vm14 =	vlt.s32 v62, $0x0;
	vm15 =	vlt.u32 v20, $0xC450  }
0xea: {  	v52 =	vld [tilespmem:$0xC20];
	v3 =	vsel vm0, $0xC451, v46;
	v5 =	vsel vm9, $0xC451, v48;
	v55 =	vsel vm1, $0xC451, v51  }
0xeb: {  	v59 =	vsel vm5, $0xC451, v57;
	vm9 =	vmand vm7, vm8;
	vm1 =	vmand vm10, vm11  }
0xec: {  	vm5 =	vmand vm14, vm15;
	vm7 =	vlt.s32 v18, $0x0;
	vm8 =	vlt.u32 v23, $0xC450  }
0xed: {  	vm10 =	vlt.s32 v21, $0x0;
	vm11 =	vlt.u32 v26, $0xC450;
	vm14 =	vlt.s32 v24, $0x0  }
0xee: {  	v54 =	vld [tilespmem:$0xC30];
	vm15 =	vlt.u32 v32, $0xC450;
	v46 =	vand.u32 $0xFFFF, v40;
	v0 =	vsel vm6, v3, v45  }
0xef: {  	v63 =	vld [tilespmem:$0xC40];
	v2 =	vsel vm12, v5, v50;
	v1 =	vsel vm13, v55, v52;
	vm6 =	veq.s32 v60, $0x0  }
0xf0: {  	v17 =	vld [tilespmem:$0xC50];
	v5 =	vsel vm9, $0xC451, v61;
	vm12 =	veq.s32 v8, $0x0;
	v7 =	vsel vm1, $0xC451, v16  }
0xf1: {  	vm13 =	veq.s32 v10, $0x0;
	v22 =	vsel vm5, $0xC451, v20;
	vm9 =	vmand vm7, vm8  }
0xf2: {  	vm1 =	vmand vm10, vm11;
	vm5 =	vmand vm14, vm15;
	v10 =	vand.u32 $0x40000000, v24  }
0xf3: {  	v19 =	vld [tilespmem:$0xC60];
	vm7 =	vlt.s32 v29, $0x0;
	vm8 =	vlt.u32 v35, $0xC450;
	vm10 =	vlt.s32 v33, $0x0  }
0xf4: {  	v44 =	vld [tilespmem:$0x4E0];
	vm11 =	vlt.u32 v38, $0xC450;
	vm14 =	vlt.s32 v36, $0x0;
	vm15 =	vlt.u32 v43, $0xC450  }
0xf5: {  	v47 =	vld [tilespmem:$0x4F0];
	v3 =	vsel vm6, v59, v54;
	v5 =	vsel vm12, v5, v63;
	v4 =	vsel vm13, v7, v17  }
0xf6: {  	v25 =	vld [tilespmem:$0xC70];
	vm6 =	veq.s32 v6, $0x0;
	v9 =	vsel vm9, $0xC451, v23;
	vm12 =	veq.s32 v28, $0x0  }
0xf7: {  	v27 =	vld [tilespmem:$0xC80];
	v7 =	vsel vm1, $0xC451, v26;
	vm13 =	veq.s32 v31, $0x0;
	v34 =	vsel vm5, $0xC451, v32  }
0xf8: {  	vm9 =	vmand vm7, vm8;
	vm1 =	vmand vm10, vm11;
	vm5 =	vmand vm14, vm15  }
0xf9: {  	v30 =	vld [tilespmem:$0xC90];
	vm7 =	vlt.s32 v40, $0x0;
	vm8 =	vlt.u32 v46, $0xC450;
	v49 =	vand.u32 $0xFFFF, v44  }
0xfa: {  	v37 =	vld [tilespmem:$0xCA0];
	v17 =	vand.u32 $0x40000000, v40;
	vm10 =	vlt.s32 v44, $0x0;
	v53 =	vand.u32 $0xFFFF, v47  }
0xfb: {  	v39 =	vld [tilespmem:$0xCB0];
	vm14 =	vlt.s32 v47, $0x0;
	v15 =	vand.u32 $0x40000000, v47;
	v6 =	vsel vm6, v22, v19  }
0xfc: {  	v8 =	vsel vm12, v9, v25;
	v7 =	vsel vm13, v7, v27;
	vm6 =	veq.s32 v10, $0x0  }
0xfd: {  	v41 =	vld [tilespmem:$0xCC0];
	v12 =	vsel vm9, $0xC451, v35;
	vm12 =	veq.s32 v11, $0x0;
	v14 =	vsel vm1, $0xC451, v38  }
0xfe: {  	v62 =	vld [tilespmem:$0x530];
	vm13 =	veq.s32 v42, $0x0;
	v45 =	vsel vm5, $0xC451, v43;
	vm9 =	vmand vm7, vm8  }
0xff: {  	v48 =	vld [tilespmem:$0xCD0];
	vm11 =	vlt.u32 v49, $0xC450;
	v19 =	vand.u32 $0x40000000, v44;
	vm15 =	vlt.u32 v53, $0xC450  }
0x100: {  	v51 =	vld [tilespmem:$0x500];
	v9 =	vsel vm6, v34, v30;
	v11 =	vsel vm12, v12, v37;
	v10 =	vsel vm13, v14, v39  }
0x101: {  	v57 =	vld [tilespmem:$0x520];
	vm6 =	veq.s32 v13, $0x0;
	v14 =	vsel vm9, $0xC451, v46;
	vm12 =	veq.s32 v17, $0x0  }
0x102: {  	v50 =	vld [tilespmem:$0xCE0];
	vm1 =	vmand vm10, vm11;
	vm13 =	veq.s32 v19, $0x0;
	vm5 =	vmand vm14, vm15  }
0x103: {  	v52 =	vld [tilespmem:$0xCF0];
	v32 =	vand.u32 $0xFFFF, v62;
	v20 =	vand.u32 $0x40000000, v62;
	v12 =	vsel vm6, v45, v41  }
0x104: {  	v33 =	vld [tilespmem:$0x550];
	v16 =	vsel vm1, $0xC451, v49;
	v14 =	vsel vm12, v14, v48;
	v55 =	vsel vm5, $0xC451, v53  }
0x105: {  	v54 =	vld [tilespmem:$0x510];
	v56 =	vand.u32 $0xFFFF, v51;
	vm6 =	veq.s32 v15, $0x0;
	vm7 =	vlt.s32 v51, $0x0  }
0x106: {  	v61 =	vand.u32 $0x40000000, v51;
	v29 =	vand.u32 $0xFFFF, v57;
	vm14 =	vlt.s32 v57, $0x0  }
0x107: {  	v19 =	vand.u32 $0x40000000, v57;
	v13 =	vsel vm13, v16, v50;
	vm8 =	vlt.u32 v56, $0xC450  }
0x108: {  	v15 =	vsel vm6, v55, v52;
	vm12 =	veq.s32 v61, $0x0;
	vm15 =	vlt.u32 v29, $0xC450  }
0x109: {  	v58 =	vld [tilespmem:$0xD00];
	vm6 =	veq.s32 v19, $0x0;
	v40 =	vand.u32 $0xFFFF, v33;
	v22 =	vand.u32 $0x40000000, v33  }
0x10a: {  	v44 =	vld [tilespmem:$0x580];
	vm9 =	vmand vm7, vm8;
	v59 =	vand.u32 $0xFFFF, v54;
	vm10 =	vlt.s32 v54, $0x0  }
0x10b: {  	v63 =	vld [tilespmem:$0xD20];
	v28 =	vand.u32 $0x40000000, v54;
	vm5 =	vmand vm14, vm15;
	vm7 =	vlt.s32 v62, $0x0  }
0x10c: {  	v30 =	vld [tilespmem:$0x540];
	vm8 =	vlt.u32 v32, $0xC450;
	vm14 =	vlt.s32 v33, $0x0;
	vm15 =	vlt.u32 v40, $0xC450  }
0x10d: {  	vm11 =	vlt.u32 v59, $0xC450;
	v18 =	vsel vm9, $0xC451, v56;
	vm13 =	veq.s32 v28, $0x0  }
0x10e: {  	v37 =	vld [tilespmem:$0x560];
	v31 =	vsel vm5, $0xC451, v29;
	vm9 =	vmand vm7, vm8;
	vm5 =	vmand vm14, vm15  }
0x10f: {  	v38 =	vld [tilespmem:$0xD50];
	v50 =	vand.u32 $0xFFFF, v44;
	vm14 =	vlt.s32 v44, $0x0;
	v24 =	vand.u32 $0x40000000, v44  }
0x110: {  	v34 =	vld [tilespmem:$0xD30];
	vm1 =	vmand vm10, vm11;
	v17 =	vsel vm12, v18, v58;
	v18 =	vsel vm6, v31, v63  }
0x111: {  	v41 =	vld [tilespmem:$0x570];
	v35 =	vand.u32 $0xFFFF, v30;
	vm10 =	vlt.s32 v30, $0x0;
	v21 =	vsel vm9, $0xC451, v32  }
0x112: {  	v48 =	vld [tilespmem:$0x590];
	vm12 =	veq.s32 v20, $0x0;
	v39 =	vand.u32 $0x40000000, v30;
	v42 =	vsel vm5, $0xC451, v40  }
0x113: {  	v51 =	vld [tilespmem:$0x5A0];
	v43 =	vand.u32 $0xFFFF, v37;
	vm6 =	veq.s32 v22, $0x0;
	vm7 =	vlt.s32 v37, $0x0  }
0x114: {  	v60 =	vld [tilespmem:$0xD10];
	v26 =	vand.u32 $0x40000000, v37;
	vm15 =	vlt.u32 v50, $0xC450;
	v16 =	vsel vm1, $0xC451, v59  }
0x115: {  	vm11 =	vlt.u32 v35, $0xC450;
	v20 =	vsel vm12, v21, v34;
	vm8 =	vlt.u32 v43, $0xC450  }
0x116: {  	v21 =	vsel vm6, v42, v38;
	v46 =	vand.u32 $0xFFFF, v41;
	vm12 =	veq.s32 v26, $0x0  }
0x117: {  	v36 =	vld [tilespmem:$0xD40];
	v28 =	vand.u32 $0x40000000, v41;
	vm5 =	vmand vm14, vm15;
	v53 =	vand.u32 $0xFFFF, v48  }
0x118: {  	v49 =	vld [tilespmem:$0xD80];
	vm6 =	veq.s32 v24, $0x0;
	v56 =	vand.u32 $0xFFFF, v51;
	v58 =	vand.u32 $0x40000000, v48  }
0x119: {  	v54 =	vld [tilespmem:$0x5B0];
	v61 =	vand.u32 $0x40000000, v51;
	v16 =	vsel vm13, v16, v60;
	vm1 =	vmand vm10, vm11  }
0x11a: {  	vm13 =	veq.s32 v39, $0x0;
	vm9 =	vmand vm7, vm8;
	vm10 =	vlt.s32 v41, $0x0  }
0x11b: {  	v47 =	vld [tilespmem:$0xD70];
	vm11 =	vlt.u32 v46, $0xC450;
	v52 =	vsel vm5, $0xC451, v50;
	vm7 =	vlt.s32 v48, $0x0  }
0x11c: {  	v45 =	vld [tilespmem:$0xD60];
	vm8 =	vlt.u32 v53, $0xC450;
	v23 =	vsel vm1, $0xC451, v35;
	vm1 =	vmand vm10, vm11  }
0x11d: {  	v24 =	vsel vm6, v52, v49;
	vm10 =	vlt.s32 v51, $0x0;
	vm11 =	vlt.u32 v56, $0xC450  }
0x11e: {  	v57 =	vld [tilespmem:$0xDA0];
	v62 =	vand.u32 $0xFFFF, v54;
	vm14 =	vlt.s32 v54, $0x0;
	v19 =	vsel vm13, v23, v36  }
0x11f: {  	v63 =	vld [tilespmem:$0x5D0];
	v23 =	vsel vm9, $0xC451, v43;
	v25 =	vsel vm1, $0xC451, v46;
	vm13 =	veq.s32 v28, $0x0  }
0x120: {  	v55 =	vld [tilespmem:$0xD90];
	vm9 =	vmand vm7, vm8;
	vm1 =	vmand vm10, vm11;
	vm15 =	vlt.u32 v62, $0xC450  }
0x121: {  	v59 =	vld [tilespmem:$0x5C0];
	v28 =	vand.u32 $0x40000000, v54;
	v23 =	vsel vm12, v23, v45;
	v22 =	vsel vm13, v25, v47  }
0x122: {  	v42 =	vld [tilespmem:$0x5E0];
	v27 =	vsel vm9, $0xC451, v53;
	vm12 =	veq.s32 v58, $0x0;
	v25 =	vsel vm1, $0xC451, v56  }
0x123: {  	vm13 =	veq.s32 v61, $0x0;
	vm5 =	vmand vm14, vm15;
	vm6 =	veq.s32 v28, $0x0  }
0x124: {  	v60 =	vld [tilespmem:$0xDB0];
	v44 =	vand.u32 $0xFFFF, v63;
	vm10 =	vlt.s32 v63, $0x0;
	v48 =	vand.u32 $0x40000000, v63  }
0x125: {  	v50 =	vld [tilespmem:$0x600];
	v26 =	vsel vm12, v27, v55;
	v25 =	vsel vm13, v25, v57;
	v40 =	vsel vm5, $0xC451, v62  }
0x126: {  	v41 =	vand.u32 $0xFFFF, v59;
	vm7 =	vlt.s32 v59, $0x0;
	v29 =	vand.u32 $0x40000000, v59  }
0x127: {  	vm11 =	vlt.u32 v44, $0xC450;
	v49 =	vand.u32 $0xFFFF, v42;
	vm13 =	veq.s32 v48, $0x0  }
0x128: {  	v46 =	vld [tilespmem:$0x5F0];
	vm14 =	vlt.s32 v42, $0x0;
	v31 =	vand.u32 $0x40000000, v42;
	vm8 =	vlt.u32 v41, $0xC450  }
0x129: {  	v43 =	vld [tilespmem:$0xDC0];
	v27 =	vsel vm6, v40, v60;
	vm12 =	veq.s32 v29, $0x0;
	vm1 =	vmand vm10, vm11  }
0x12a: {  	v45 =	vld [tilespmem:$0xDD0];
	vm15 =	vlt.u32 v49, $0xC450;
	vm6 =	veq.s32 v31, $0x0;
	v55 =	vand.u32 $0xFFFF, v50  }
0x12b: {  	v47 =	vld [tilespmem:$0xDE0];
	vm10 =	vlt.s32 v50, $0x0;
	v37 =	vand.u32 $0x40000000, v50;
	vm9 =	vmand vm7, vm8  }
0x12c: {  	v53 =	vld [tilespmem:$0x610];
	v32 =	vsel vm1, $0xC451, v44;
	vm5 =	vmand vm14, vm15;
	vm11 =	vlt.u32 v55, $0xC450  }
0x12d: {  	v63 =	vld [tilespmem:$0x640];
	v30 =	vsel vm9, $0xC451, v41;
	v51 =	vsel vm5, $0xC451, v49;
	v52 =	vand.u32 $0xFFFF, v46  }
0x12e: {  	v56 =	vld [tilespmem:$0xE00];
	vm7 =	vlt.s32 v46, $0x0;
	v35 =	vand.u32 $0x40000000, v46;
	vm1 =	vmand vm10, vm11  }
0x12f: {  	v57 =	vld [tilespmem:$0x620];
	v29 =	vsel vm12, v30, v43;
	v28 =	vsel vm13, v32, v45;
	vm8 =	vlt.u32 v52, $0xC450  }
0x130: {  	v48 =	vld [tilespmem:$0x650];
	v30 =	vsel vm6, v51, v47;
	vm12 =	veq.s32 v35, $0x0;
	v34 =	vsel vm1, $0xC451, v55  }
0x131: {  	v59 =	vand.u32 $0xFFFF, v53;
	vm13 =	veq.s32 v37, $0x0;
	vm14 =	vlt.s32 v53, $0x0  }
0x132: {  	v60 =	vld [tilespmem:$0x630];
	v33 =	vand.u32 $0x40000000, v53;
	v50 =	vand.u32 $0xFFFF, v63;
	v37 =	vand.u32 $0x40000000, v63  }
0x133: {  	v54 =	vld [tilespmem:$0xDF0];
	vm9 =	vmand vm7, vm8;
	vm15 =	vlt.u32 v59, $0xC450;
	v31 =	vsel vm13, v34, v56  }
0x134: {  	v62 =	vand.u32 $0xFFFF, v57;
	vm6 =	veq.s32 v33, $0x0;
	vm7 =	vlt.s32 v57, $0x0  }
0x135: {  	[tilespmem:$0x1580] =	vst v24;
	v24 =	vld [tilespmem:$0x780];
	v38 =	vand.u32 $0x40000000, v57;
	v53 =	vand.u32 $0xFFFF, v48;
	v41 =	vand.u32 $0x40000000, v48  }
0x136: {  	v58 =	vld [tilespmem:$0xE10];
	v32 =	vsel vm9, $0xC451, v52;
	vm5 =	vmand vm14, vm15;
	vm8 =	vlt.u32 v62, $0xC450  }
0x137: {  	v49 =	vld [tilespmem:$0xE40];
	v46 =	vand.u32 $0xFFFF, v60;
	vm10 =	vlt.s32 v60, $0x0;
	v40 =	vand.u32 $0x40000000, v60  }
0x138: {  	v45 =	vld [tilespmem:$0xE20];
	vm14 =	vlt.s32 v63, $0x0;
	vm15 =	vlt.u32 v50, $0xC450;
	v32 =	vsel vm12, v32, v54  }
0x139: {  	v47 =	vld [tilespmem:$0xE30];
	v61 =	vsel vm5, $0xC451, v59;
	vm9 =	vmand vm7, vm8;
	vm11 =	vlt.u32 v46, $0xC450  }
0x13a: {  	v51 =	vld [tilespmem:$0x660];
	vm12 =	veq.s32 v38, $0x0;
	vm13 =	veq.s32 v40, $0x0;
	vm5 =	vmand vm14, vm15  }
0x13b: {  	v55 =	vld [tilespmem:$0xE50];
	vm7 =	vlt.s32 v48, $0x0;
	vm8 =	vlt.u32 v53, $0xC450;
	v33 =	vsel vm6, v61, v58  }
0x13c: {  	[tilespmem:$0x15D0] =	vst v28;
	v28 =	vld [tilespmem:$0x790];
	v36 =	vsel vm9, $0xC451, v62;
	vm1 =	vmand vm10, vm11;
	v52 =	vsel vm5, $0xC451, v50  }
0x13d: {  	v63 =	vld [tilespmem:$0x690];
	vm6 =	veq.s32 v37, $0x0;
	vm9 =	vmand vm7, vm8;
	[tilespmem:$0x15F0] =	vst v32;
	v32 =	vand.u32 $0xFFFF, v24  }
0x13e: {  	v34 =	vsel vm1, $0xC451, v46;
	v36 =	vsel vm12, v36, v45;
	v35 =	vsel vm6, v52, v49  }
0x13f: {  	v54 =	vld [tilespmem:$0x670];
	v56 =	vand.u32 $0xFFFF, v51;
	vm10 =	vlt.s32 v51, $0x0;
	v39 =	vsel vm9, $0xC451, v53  }
0x140: {  	v57 =	vld [tilespmem:$0xE60];
	vm12 =	veq.s32 v41, $0x0;
	v61 =	vand.u32 $0x40000000, v51;
	v34 =	vsel vm13, v34, v47  }
0x141: {  	v58 =	vld [tilespmem:$0x680];
	vm11 =	vlt.u32 v56, $0xC450;
	vm13 =	veq.s32 v61, $0x0;
	v38 =	vsel vm12, v39, v55  }
0x142: {  	v59 =	vld [tilespmem:$0xE70];
	[tilespmem:$0x1620] =	vst v36;
	v36 =	vand.u32 $0xFFFF, v28;
	vm1 =	vmand vm10, vm11;
	v52 =	vand.u32 $0xFFFF, v63  }
0x143: {  	v50 =	vld [tilespmem:$0x6A0];
	vm10 =	vlt.s32 v63, $0x0;
	[tilespmem:$0x1630] =	vst v34;
	v34 =	vand.u32 $0x40000000, v24;
	v60 =	vsel vm1, $0xC451, v56  }
0x144: {  	v53 =	vld [tilespmem:$0xE90];
	v62 =	vand.u32 $0xFFFF, v54;
	vm14 =	vlt.s32 v54, $0x0;
	v40 =	vand.u32 $0x40000000, v54  }
0x145: {  	v41 =	vld [tilespmem:$0x720];
	vm11 =	vlt.u32 v52, $0xC450;
	vm15 =	vlt.u32 v62, $0xC450;
	v37 =	vsel vm13, v60, v57  }
0x146: {  	v55 =	vld [tilespmem:$0x6B0];
	v49 =	vand.u32 $0xFFFF, v58;
	vm6 =	veq.s32 v40, $0x0;
	vm7 =	vlt.s32 v58, $0x0  }
0x147: {  	v61 =	vld [tilespmem:$0x6C0];
	v54 =	vand.u32 $0x40000000, v58;
	vm1 =	vmand vm10, vm11;
	v58 =	vand.u32 $0x40000000, v63  }
0x148: {  	v46 =	vld [tilespmem:$0x6D0];
	v63 =	vand.u32 $0x40000000, v50;
	vm5 =	vmand vm14, vm15;
	vm8 =	vlt.u32 v49, $0xC450  }
0x149: {  	vm12 =	veq.s32 v54, $0x0;
	v57 =	vsel vm1, $0xC451, v52;
	vm13 =	veq.s32 v58, $0x0  }
0x14a: {  	[tilespmem:$0x1490] =	vst v9;
	vm14 =	vlt.s32 v50, $0x0;
	v9 =	vand.u32 $0x40000000, v41;
	v48 =	vsel vm5, $0xC451, v62  }
0x14b: {  	[tilespmem:$0x1400] =	vst v0;
	v51 =	vld [tilespmem:$0xE80];
	vm9 =	vmand vm7, vm8;
	v0 =	vsel vm13, v57, v53;
	v45 =	vand.u32 $0xFFFF, v55  }
0x14c: {  	[tilespmem:$0x1430] =	vst v3;
	vm7 =	vlt.s32 v55, $0x0;
	vm11 =	vlt.s32 v61, $0x0;
	v3 =	vand.u32 $0x40000000, v61  }
0x14d: {  	v53 =	vand.u32 $0xFFFF, v46;
	v57 =	vand.u32 $0x40000000, v46;
	v39 =	vsel vm6, v48, v59  }
0x14e: {  	v44 =	vld [tilespmem:$0x730];
	v56 =	vsel vm9, $0xC451, v49;
	v59 =	vand.u32 $0xFFFF, v50;
	vm6 =	veq.s32 v63, $0x0  }
0x14f: {  	[tilespmem:$0x1410] =	vst v2;
	v47 =	vld [tilespmem:$0xEB0];
	vm8 =	vlt.u32 v45, $0xC450;
	v48 =	vand.u32 $0x40000000, v55;
	v50 =	vand.u32 $0xFFFF, v61  }
0x150: {  	[tilespmem:$0x1420] =	vst v1;
	v54 =	vld [tilespmem:$0x6F0];
	vm13 =	veq.s32 v3, $0x0;
	vm15 =	vlt.u32 v59, $0xC450;
	v1 =	vsel vm12, v56, v51  }
0x151: {  	[tilespmem:$0x1440] =	vst v5;
	v60 =	vld [tilespmem:$0xEA0];
	vm9 =	vmand vm7, vm8;
	vm10 =	veq.s32 v48, $0x0;
	vm12 =	vlt.u32 v50, $0xC450  }
0x152: {  	[tilespmem:$0x1450] =	vst v4;
	v52 =	vld [tilespmem:$0xED0];
	vm5 =	vmand vm14, vm15;
	v5 =	vsel vm9, $0xC451, v45;
	vm1 =	vmand vm11, vm12  }
0x153: {  	[tilespmem:$0x1460] =	vst v6;
	v49 =	vld [tilespmem:$0xEC0];
	vm14 =	vlt.s32 v46, $0x0;
	vm15 =	vlt.u32 v53, $0xC450;
	v62 =	vsel vm5, $0xC451, v59  }
0x154: {  	[tilespmem:$0x1500] =	vst v17;
	v63 =	vld [tilespmem:$0x710];
	v55 =	vsel vm1, $0xC451, v50;
	v4 =	vsel vm10, v5, v47;
	vm5 =	vmand vm14, vm15  }
0x155: {  	[tilespmem:$0x1660] =	vst v37;
	v37 =	vld [tilespmem:$0x7B0];
	v61 =	vand.u32 $0xFFFF, v54;
	vm10 =	vlt.s32 v54, $0x0;
	v17 =	vand.u32 $0x40000000, v54  }
0x156: {  	[tilespmem:$0x1470] =	vst v8;
	v51 =	vld [tilespmem:$0x6E0];
	v47 =	vand.u32 $0xFFFF, v41;
	v50 =	vand.u32 $0xFFFF, v44;
	v2 =	vsel vm6, v62, v60  }
0x157: {  	[tilespmem:$0x1480] =	vst v7;
	v56 =	vsel vm5, $0xC451, v53;
	vm6 =	veq.s32 v57, $0x0;
	vm11 =	vlt.u32 v61, $0xC450  }
0x158: {  	[tilespmem:$0x14A0] =	vst v11;
	v48 =	vld [tilespmem:$0x740];
	v53 =	vand.u32 $0x40000000, v44;
	v3 =	vsel vm13, v55, v49;
	v5 =	vsel vm6, v56, v52  }
0x159: {  	[tilespmem:$0x14B0] =	vst v10;
	v59 =	vld [tilespmem:$0x700];
	vm1 =	vmand vm10, vm11;
	vm13 =	veq.s32 v17, $0x0;
	v43 =	vand.u32 $0xFFFF, v63  }
0x15a: {  	[tilespmem:$0x14C0] =	vst v12;
	v12 =	vand.u32 $0x40000000, v63;
	vm11 =	vlt.s32 v41, $0x0;
	v41 =	vand.u32 $0x40000000, v28  }
0x15b: {  	[tilespmem:$0x16A0] =	vst v2;
	v2 =	vand.u32 $0x40000000, v37;
	v58 =	vand.u32 $0xFFFF, v51;
	vm7 =	vlt.s32 v51, $0x0  }
0x15c: {  	[tilespmem:$0x1510] =	vst v16;
	v62 =	vld [tilespmem:$0xEF0];
	v7 =	vand.u32 $0x40000000, v51;
	v16 =	vsel vm1, $0xC451, v61;
	vm10 =	veq.s32 v12, $0x0  }
0x15d: {  	[tilespmem:$0x14F0] =	vst v15;
	v54 =	vand.u32 $0xFFFF, v48;
	v15 =	vand.u32 $0x40000000, v48;
	vm8 =	vlt.u32 v58, $0xC450  }
0x15e: {  	[tilespmem:$0x1520] =	vst v18;
	v60 =	vld [tilespmem:$0xEE0];
	vm12 =	veq.s32 v7, $0x0;
	vm9 =	vmand vm7, vm8;
	v18 =	vand.u32 $0xFFFF, v59  }
0x15f: {  	[tilespmem:$0x14D0] =	vst v14;
	vm14 =	vlt.s32 v59, $0x0;
	v10 =	vand.u32 $0x40000000, v59;
	vm7 =	vlt.s32 v63, $0x0  }
0x160: {  	[tilespmem:$0x14E0] =	vst v13;
	v55 =	vld [tilespmem:$0x760];
	vm8 =	vlt.u32 v43, $0xC450;
	v8 =	vsel vm9, $0xC451, v58;
	vm15 =	vlt.u32 v18, $0xC450  }
0x161: {  	[tilespmem:$0x1530] =	vst v20;
	v45 =	vld [tilespmem:$0xF10];
	v7 =	vsel vm13, v16, v62;
	vm6 =	veq.s32 v10, $0x0;
	vm9 =	vmand vm7, vm8  }
0x162: {  	[tilespmem:$0x1550] =	vst v21;
	v51 =	vld [tilespmem:$0x750];
	vm13 =	veq.s32 v9, $0x0;
	vm7 =	vlt.s32 v48, $0x0;
	vm8 =	vlt.u32 v54, $0xC450  }
0x163: {  	[tilespmem:$0x1540] =	vst v19;
	v6 =	vsel vm12, v8, v60;
	vm5 =	vmand vm14, vm15;
	v11 =	vsel vm9, $0xC451, v43  }
0x164: {  	[tilespmem:$0x1560] =	vst v23;
	vm12 =	vlt.u32 v47, $0xC450;
	vm14 =	vlt.s32 v44, $0x0;
	vm15 =	vlt.u32 v50, $0xC450  }
0x165: {  	[tilespmem:$0x1570] =	vst v22;
	v40 =	vld [tilespmem:$0xF00];
	vm9 =	vmand vm7, vm8;
	v62 =	vand.u32 $0xFFFF, v55;
	v14 =	vand.u32 $0x40000000, v55  }
0x166: {  	[tilespmem:$0x1610] =	vst v33;
	v33 =	vld [tilespmem:$0x7A0];
	v42 =	vsel vm5, $0xC451, v18;
	vm1 =	vmand vm11, vm12;
	v10 =	vsel vm10, v11, v45  }
0x167: {  	[tilespmem:$0x1590] =	vst v26;
	v46 =	vld [tilespmem:$0xF20];
	vm5 =	vmand vm14, vm15;
	v57 =	vand.u32 $0xFFFF, v51;
	vm10 =	vlt.s32 v51, $0x0  }
0x168: {  	[tilespmem:$0x15A0] =	vst v25;
	v49 =	vld [tilespmem:$0xF30];
	v13 =	vsel vm9, $0xC451, v54;
	vm12 =	veq.s32 v15, $0x0;
	v61 =	vand.u32 $0x40000000, v51  }
0x169: {  	[tilespmem:$0x15B0] =	vst v27;
	v56 =	vld [tilespmem:$0xF40];
	vm14 =	vlt.s32 v55, $0x0;
	vm15 =	vlt.u32 v62, $0xC450;
	v45 =	vand.u32 $0xFFFF, v37  }
0x16a: {  	[tilespmem:$0x15C0] =	vst v29;
	v59 =	vld [tilespmem:$0x770];
	v8 =	vsel vm6, v42, v40;
	v12 =	vsel vm1, $0xC451, v47;
	v9 =	vsel vm5, $0xC451, v50  }
0x16b: {  	[tilespmem:$0x15E0] =	vst v30;
	vm6 =	veq.s32 v53, $0x0;
	vm11 =	vlt.u32 v57, $0xC450;
	vm5 =	vmand vm14, vm15  }
0x16c: {  	[tilespmem:$0x1600] =	vst v31;
	vm14 =	vlt.s32 v28, $0x0;
	vm15 =	vlt.u32 v36, $0xC450;
	v42 =	vand.u32 $0xFFFF, v33  }
0x16d: {  	[tilespmem:$0x1640] =	vst v35;
	v63 =	vld [tilespmem:$0xF60];
	v52 =	vsel vm13, v12, v46;
	v9 =	vsel vm6, v9, v49;
	vm1 =	vmand vm10, vm11  }
0x16e: {  	[tilespmem:$0x1650] =	vst v38;
	vm13 =	veq.s32 v61, $0x0;
	v12 =	vsel vm12, v13, v56;
	v26 =	vsel vm5, $0xC451, v62  }
0x16f: {  	[tilespmem:$0x1690] =	vst v0;
	v58 =	vld [tilespmem:$0xF50];
	v27 =	vand.u32 $0xFFFF, v59;
	vm6 =	veq.s32 v14, $0x0;
	vm7 =	vlt.s32 v59, $0x0  }
0x170: {  	[tilespmem:$0x1670] =	vst v39;
	v19 =	vand.u32 $0x40000000, v59;
	vm11 =	vlt.s32 v24, $0x0;
	vm12 =	vlt.u32 v32, $0xC450  }
0x171: {  	v29 =	vld [tilespmem:$0xF70];
	[tilespmem:$0x1680] =	vst v1;
	v46 =	vand.u32 $0x40000000, v33;
	v60 =	vsel vm1, $0xC451, v57;
	vm8 =	vlt.u32 v27, $0xC450  }
0x172: {  	[tilespmem:$0x16B0] =	vst v4;
	v44 =	vld [tilespmem:$0x7C0];
	v15 =	vsel vm6, v26, v63;
	vm10 =	veq.s32 v19, $0x0;
	vm1 =	vmand vm11, vm12  }
0x173: {  	v30 =	vld [tilespmem:$0xF80];
	[tilespmem:$0x16C0] =	vst v3;
	vm6 =	vmand vm14, vm15;
	vm11 =	vlt.s32 v37, $0x0;
	vm12 =	vlt.u32 v45, $0xC450  }
0x174: {  	v35 =	vld [tilespmem:$0xF90];
	[tilespmem:$0x16D0] =	vst v5;
	vm14 =	veq.s32 v2, $0x0;
	v25 =	vsel vm13, v60, v58;
	vm9 =	vmand vm7, vm8  }
0x175: {  	[tilespmem:$0x16F0] =	vst v7;
	v54 =	vld [tilespmem:$0x7F0];
	vm13 =	veq.s32 v34, $0x0;
	v38 =	vsel vm1, $0xC451, v32;
	v0 =	vsel vm6, $0xC451, v36  }
0x176: {  	v43 =	vld [tilespmem:$0xFB0];
	[tilespmem:$0x16E0] =	vst v6;
	vm7 =	veq.s32 v41, $0x0;
	vm8 =	vlt.s32 v33, $0x0;
	vm1 =	vmand vm11, vm12  }
0x177: {  	v47 =	vld [tilespmem:$0x7D0];
	[tilespmem:$0x1710] =	vst v10;
	v51 =	vand.u32 $0xFFFF, v44;
	vm15 =	vlt.s32 v44, $0x0;
	v5 =	vand.u32 $0x40000000, v44  }
0x178: {  	v50 =	vld [tilespmem:$0x7E0];
	[tilespmem:$0x1700] =	vst v8;
	v31 =	vsel vm9, $0xC451, v27;
	v39 =	vsel vm13, v38, v30;
	vm9 =	vlt.u32 v42, $0xC450  }
0x179: {  	[tilespmem:$0x1720] =	vst v52;
	v0 =	vsel vm7, v0, v35;
	vm13 =	veq.s32 v46, $0x0;
	v6 =	vsel vm1, $0xC451, v45  }
0x17a: {  	[tilespmem:$0x1730] =	vst v9;
	vm4 =	vlt.u32 v51, $0xC450;
	vm5 =	veq.s32 v5, $0x0;
	v61 =	vand.u32 $0xFFFF, v54  }
0x17b: {  	v48 =	vld [tilespmem:$0xFC0];
	[tilespmem:$0x1740] =	vst v12;
	vm12 =	vlt.s32 v54, $0x0;
	v62 =	vand.u32 $0x40000000, v54;
	v1 =	vsel vm10, v31, v29  }
0x17c: {  	v40 =	vld [tilespmem:$0xFA0];
	[tilespmem:$0x1760] =	vst v15;
	vm10 =	vmand vm8, vm9;
	v6 =	vsel vm14, v6, v43;
	vm0 =	vmand vm15, vm4  }
0x17d: {  	[tilespmem:$0x1750] =	vst v25;
	v53 =	vand.u32 $0xFFFF, v47;
	vm6 =	vlt.s32 v47, $0x0;
	v56 =	vand.u32 $0xFFFF, v50  }
0x17e: {  	v52 =	vld [tilespmem:$0xFD0];
	[tilespmem:$0x1780] =	vst v39;
	v57 =	vand.u32 $0x40000000, v47;
	vm8 =	vlt.s32 v50, $0x0;
	v2 =	vand.u32 $0x40000000, v50  }
0x17f: {  	v58 =	vld [tilespmem:$0xFE0];
	[tilespmem:$0x1790] =	vst v0;
	v49 =	vsel vm10, $0xC451, v42;
	v9 =	vsel vm0, $0xC451, v51;
	vm7 =	vlt.u32 v53, $0xC450  }
0x180: {  	v59 =	vld [tilespmem:$0xFF0];
	[tilespmem:$0x1770] =	vst v1;
	vm9 =	vlt.u32 v56, $0xC450;
	vm11 =	veq.s32 v57, $0x0;
	vm14 =	veq.s32 v2, $0x0  }
0x181: {  	[tilespmem:$0x17B0] =	vst v6;
	v4 =	vsel vm13, v49, v40;
	v55 =	vsel vm5, v9, v48;
	vm0 =	vmand vm6, vm7  }
0x182: {  	vm10 =	vmand vm8, vm9;
	vm13 =	vlt.u32 v61, $0xC450;
	v5 =	vsel vm0, $0xC451, v53;
	[tilespmem:$0x17A0] =	vst v4  }
0x183: {  	v60 =	vsel vm10, $0xC451, v56;
	[tilespmem:$0x17C0] =	vst v55;
	vm0 =	vmand vm12, vm13;
	v3 =	vsel vm11, v5, v52  }
0x184: {  	vm15 =	veq.s32 v62, $0x0;
	v2 =	vsel vm14, v60, v58;
	v63 =	vsel vm0, $0xC451, v61;
	[tilespmem:$0x17D0] =	vst v3  }
0x185: {  	[tilespmem:$0x17E0] =	vst v2;
	v0 =	vsel vm15, v63, v59  }
0x186: {  	s30 =	simm.s32 $0x1400;
	s31 =	simm.s32 $0x3;
	s2 =	sadd.s32 s2, s22;
	[tilespmem:$0x17F0] =	vst v0  }
0x187: {  	[hbm4b:s2+s19] =	stream.strided.scatter [tilespmem:s30], [sflag:$0x3], $0x400, s20, s19, $0x38;
	[tilespmem:$0x1800] =	vst v63  }
0x188: {  	_ =	swait.ge [sflag:s31], $0x400  }
0x189: {  	[sflag:s31] =	ssyncset.done $0x0  }
0x18a: {  	[sflag:s31] =	ssyncadd.s32 $0xFFFFFC00  }
0x18b: {  	_ =	swait.ge [sflag:s31], $0x400  }
0x18c: {  	[sflag:s31] =	ssyncset.done $0x0  }
0x18d: {  	[sflag:s31] =	ssyncadd.s32 $0xFFFFFC00  }
0x18e: {  	_ =	sfence.sel $0x180000  }
0x18f: {  	[bflag:$0x0] =	sbarrier.arrive $0xFFFF  }
0x190: {  	p0 =	sne.s32 s1, $0x0;
	_ =	strace $0x90000047  }
0x191: {  	s0 =	sadd.s32 @!p0 $0x100000, s0;
	[bflag:$0x2] =	sbarrier.arrive $0xFFFF  }
0x192: {  	[sflag:s0] =	ssyncadd.tile.s32 @!p0 $0x1;
	_ =	shalt  }
.Lfunc_end2:
_tile_overlayer_lowered:
.L_overlay_start_2:
0x193: {  	(tag) =	ssettag $0x2  }
0x194: {  	s0 =	rddreg [dreg:$0x0];
	s2 =	stileid.u32  }
0x195: {  	s1 =	rddreg [dreg:$0x1];
	p0 =	sne.s32 s2, $0x0  }
0x196: {  	s3 =	rddreg [dreg:$0x2];
	[bflag:$0x3] =	sbarrier.arrive $0xFFFF;
	s2 =	simm.s32 @!p0 $0x1C04  }
0x197: {  	[timem:s3], [sflag:s2] =	dma.local @!p0 [hbm:s0], s1  }
0x198: {  	s0 =	simm.s32 @!p0 $0x4  }
0x199: {  	_ =	swait.ge @!p0 [sflag:s0], s1  }
0x19a: {  	s1 =	ssub.s32 @!p0 $0x0, s1;
	[sflag:s0] =	ssyncset.done @!p0 $0x0  }
0x19b: {  	[sflag:s0] =	ssyncadd.s32 @!p0 s1  }
0x19c: {  	[bflag:$0x3] =	sbarrier.arrive $0xFFFF  }
0x19d: {  	_ =	shalt  }

</sc_bundles>
